<compile_context>
chip_gen: v7x
topology: tpu7x:2x2x1
jax: 0.10.2.dev20260603
libtpu: 0.0.44.dev20260713+nightly
codegen_flags: <defaults>
</compile_context>

<pallas_src>
import functools

import jax
import jax.numpy as jnp
from jax import lax
from jax.experimental import pallas as pl
from jax.experimental.pallas import tpu as pltpu
from jax.experimental.pallas import tpu_sc as plsc

E = 8
N = 8192
D = 1024

NC = 2
NS = 16
NW = NC * NS
CPW = N // NW
LANES = 16

T = 512
NUM_TILES = N // T
MAX_ITEMS = NUM_TILES + E

def _wid():
    return lax.axis_index("s") * NC + lax.axis_index("c")


@functools.cache
def _mesh():
    return plsc.VectorSubcoreMesh(core_axis_name="c", subcore_axis_name="s")


def _sc_params():
    return pltpu.CompilerParams(needs_layout_passes=False)


def _sc_count_body(assign_hbm, cnts_hbm, asg_v, cnt_v, lcnt_v):
    w = _wid()
    base = w * CPW
    pltpu.sync_copy(assign_hbm.at[pl.ds(base, CPW)], asg_v)
    lane = lax.iota(jnp.int32, LANES)
    ones = jnp.ones((LANES,), jnp.int32)
    for e in range(E):
        lcnt_v[e] = jnp.zeros((LANES,), jnp.int32)
    for j in range(CPW // LANES):
        vals = asg_v[pl.ds(j * LANES, LANES)]
        plsc.addupdate_scatter(lcnt_v, [vals, lane], ones)
    cnt = jnp.zeros((LANES,), jnp.int32)
    for e in range(E):
        cnt = cnt + jnp.where(lane == e, jnp.sum(lcnt_v[e]), 0)
    cnt_v[...] = cnt
    pltpu.sync_copy(cnt_v, cnts_hbm.at[w])


@functools.cache
def _sc_count():
    return pl.kernel(
        _sc_count_body,
        out_type=jax.ShapeDtypeStruct((NW, LANES), jnp.int32),
        mesh=_mesh(),
        scratch_types=[
            pltpu.VMEM((CPW,), jnp.int32),
            pltpu.VMEM((LANES,), jnp.int32),
            pltpu.VMEM((E, LANES), jnp.int32),
        ],
        compiler_params=_sc_params(),
    )


_NCHUNK = CPW // LANES


def _sc_dispatch_body(x_hbm, assign_hbm, cnts_hbm, xs_hbm, dest_hbm,
                      asg_v, cnt_v, dest_v, xbuf_v, lcnt_v,
                      ls0, ls1, ls2, ls3, ls4, ls5,
                      ss0, ss1, ss2, ss3, ss4, ss5):
    w = _wid()
    base = w * CPW
    lsem = (ls0, ls1, ls2, ls3, ls4, ls5)
    ssem = (ss0, ss1, ss2, ss3, ss4, ss5)

    h_ld = {}
    for j in range(3):
        h_ld[j] = pltpu.async_copy(
            x_hbm.at[pl.ds(base + j * LANES, LANES)], xbuf_v.at[j], lsem[j])

    pltpu.sync_copy(assign_hbm.at[pl.ds(base, CPW)], asg_v)
    pltpu.sync_copy(cnts_hbm, cnt_v)

    lane = lax.iota(jnp.int32, LANES)
    tot = jnp.zeros((LANES,), jnp.int32)
    pre = jnp.zeros((LANES,), jnp.int32)
    for wp in range(NW):
        row = cnt_v[wp]
        tot = tot + row
        pred = jnp.full((LANES,), wp, jnp.int32) < w
        pre = pre + jnp.where(pred, row, 0)
    off = plsc.cumsum(tot) - tot
    cur = off + pre

    ones = jnp.ones((LANES,), jnp.int32)
    for e in range(E):
        lcnt_v[e] = jnp.zeros((LANES,), jnp.int32)
    for j in range(_NCHUNK):
        vals = asg_v[pl.ds(j * LANES, LANES)]
        plsc.addupdate_scatter(lcnt_v, [vals, lane], ones)
    for e in range(E):
        row = lcnt_v[e]
        excl = plsc.cumsum(row) - row
        cur_e = jnp.sum(jnp.where(lane == e, cur, 0))
        lcnt_v[e] = excl + cur_e
    for j in range(_NCHUNK):
        vals = asg_v[pl.ds(j * LANES, LANES)]
        dest = plsc.load_gather(lcnt_v, [vals, lane])
        plsc.addupdate_scatter(lcnt_v, [vals, lane], ones)
        dest_v[j] = dest

    pltpu.sync_copy(dest_v, dest_hbm.at[w])

    h_sc = {}
    for j in range(_NCHUNK):
        bb = j % 6
        h_ld[j].wait()
        dv = dest_v[j]
        h_sc[j] = pltpu.async_copy(xbuf_v.at[bb], xs_hbm.at[dv], ssem[bb])
        if j + 3 < _NCHUNK:
            if j - 3 >= 0:
                h_sc[j - 3].wait()
            h_ld[j + 3] = pltpu.async_copy(
                x_hbm.at[pl.ds(base + (j + 3) * LANES, LANES)],
                xbuf_v.at[(j + 3) % 6], lsem[(j + 3) % 6])
    for j in range(_NCHUNK - 6, _NCHUNK):
        h_sc[j].wait()


@functools.cache
def _sc_dispatch():
    return pl.kernel(
        _sc_dispatch_body,
        out_type=(
            jax.ShapeDtypeStruct((N, D), jnp.float32),
            jax.ShapeDtypeStruct((NW, _NCHUNK, LANES), jnp.int32),
        ),
        mesh=_mesh(),
        scratch_types=[
            pltpu.VMEM((CPW,), jnp.int32),
            pltpu.VMEM((NW, LANES), jnp.int32),
            pltpu.VMEM((_NCHUNK, LANES), jnp.int32),
            pltpu.VMEM((6, LANES, D), jnp.float32),
            pltpu.VMEM((E, LANES), jnp.int32),
        ] + [pltpu.SemaphoreType.DMA] * 12,
        compiler_params=_sc_params(),
    )


def _sc_gather_body(ys_hbm, dest_hbm, out_hbm, dest_v, ybuf_v,
                    g0, g1, g2, g3, g4, g5, s0, s1, s2, s3, s4, s5):
    w = _wid()
    base = w * CPW
    gsem = (g0, g1, g2, g3, g4, g5)
    ssem = (s0, s1, s2, s3, s4, s5)
    pltpu.sync_copy(dest_hbm.at[w], dest_v)
    h_g, h_s = {}, {}
    for j in range(3):
        h_g[j] = pltpu.async_copy(
            ys_hbm.at[dest_v.at[j]], ybuf_v.at[j], gsem[j])
    for j in range(_NCHUNK):
        bb = j % 6
        h_g[j].wait()
        h_s[j] = pltpu.async_copy(
            ybuf_v.at[bb], out_hbm.at[pl.ds(base + j * LANES, LANES)],
            ssem[bb])
        if j + 3 < _NCHUNK:
            if j - 3 >= 0:
                h_s[j - 3].wait()
            h_g[j + 3] = pltpu.async_copy(
                ys_hbm.at[dest_v.at[j + 3]], ybuf_v.at[(j + 3) % 6],
                gsem[(j + 3) % 6])
    for j in range(_NCHUNK - 6, _NCHUNK):
        h_s[j].wait()


@functools.cache
def _sc_gather():
    return pl.kernel(
        _sc_gather_body,
        out_type=jax.ShapeDtypeStruct((N, D), jnp.float32),
        mesh=_mesh(),
        scratch_types=[
            pltpu.VMEM((_NCHUNK, LANES), jnp.int32),
            pltpu.VMEM((6, LANES, D), jnp.float32),
        ] + [pltpu.SemaphoreType.DMA] * 12,
        compiler_params=_sc_params(),
    )


def _gmm_body(it_tile, it_e, it_start, it_end, it_valid,
              x_ref, w_ref, b_ref, out_ref, wb_ref):
    i = pl.program_id(0)
    start = it_start[i]
    end = it_end[i]
    tile = it_tile[i]

    prev_e = it_e[jnp.maximum(i - 1, 0)]

    @pl.when((i == 0) | (it_e[i] != prev_e))
    def _():
        wb_ref[...] = w_ref[0].astype(jnp.bfloat16)

    full = (start <= tile * T) & (end >= (tile + 1) * T)

    @pl.when((it_valid[i] == 1) & full)
    def _():
        out_ref[...] = jnp.dot(x_ref[...].astype(jnp.bfloat16), wb_ref[...],
                               preferred_element_type=jnp.float32) + b_ref[0]

    @pl.when((it_valid[i] == 1) & jnp.logical_not(full))
    def _():
        rows = tile * T + lax.broadcasted_iota(jnp.int32, (T, 1), 0)
        m = (rows >= start) & (rows < end)
        y = jnp.dot(x_ref[...].astype(jnp.bfloat16), wb_ref[...],
                    preferred_element_type=jnp.float32) + b_ref[0]
        out_ref[...] = jnp.where(m, y, out_ref[...])


def _gmm(it_tile, it_e, it_start, it_end, it_valid, xs, W, b):
    grid_spec = pltpu.PrefetchScalarGridSpec(
        num_scalar_prefetch=5,
        grid=(MAX_ITEMS,),
        in_specs=[
            pl.BlockSpec((T, D), lambda i, tl, ex, st, en, va: (tl[i], 0)),
            pl.BlockSpec((1, D, D), lambda i, tl, ex, st, en, va: (ex[i], 0, 0)),
            pl.BlockSpec((1, 1, D), lambda i, tl, ex, st, en, va: (ex[i], 0, 0)),
        ],
        out_specs=pl.BlockSpec((T, D), lambda i, tl, ex, st, en, va: (tl[i], 0)),
        scratch_shapes=[pltpu.VMEM((D, D), jnp.bfloat16)],
    )
    return pl.pallas_call(
        _gmm_body,
        grid_spec=grid_spec,
        out_shape=jax.ShapeDtypeStruct((N, D), jnp.float32),
    )(it_tile, it_e, it_start, it_end, it_valid, xs, W,
      b.reshape(E, 1, D))


def kernel(x, W, b, assign):
    assign = assign.astype(jnp.int32)
    cnts = _sc_count()(assign)
    xs, dest = _sc_dispatch()(x, assign, cnts)

    totals = jnp.sum(cnts, axis=0)[:E]
    ends = jnp.cumsum(totals)
    starts = ends - totals
    first_tile = starts // T
    last_tile_ex = (ends + T - 1) // T
    ntiles = jnp.where(totals > 0, last_tile_ex - first_tile, 0)
    csum = jnp.cumsum(ntiles)
    total_items = csum[-1]
    i = jnp.arange(MAX_ITEMS, dtype=jnp.int32)
    ic = jnp.minimum(i, total_items - 1)
    e_of = jnp.sum((ic[:, None] >= csum[None, :]).astype(jnp.int32), axis=1)
    onehot = e_of[:, None] == jnp.arange(E, dtype=jnp.int32)[None, :]

    def pick(tbl):
        return jnp.sum(jnp.where(onehot, tbl[None, :], 0), axis=1).astype(jnp.int32)

    it_tile = pick(first_tile) + (ic - (pick(csum) - pick(ntiles)))
    it_e = e_of.astype(jnp.int32)
    it_start = pick(starts)
    it_end = pick(ends)
    it_valid = (i < total_items).astype(jnp.int32)

    ys = _gmm(it_tile, it_e, it_start, it_end, it_valid, xs, W, b)
    return _sc_gather()(ys, dest)

# --- scband reference (transcript-rebuilt; emitter-appended) ---
"""Pipeline reference for scband-one-of-per-sample-23819888624174 (READ-ONLY COPY).

The authoritative reference and input builder live on the scoring server;
editing this copy changes nothing except your own understanding.
"""

import jax, jax.numpy as jnp
import numpy as np

E = 8      # number of transforms / experts (OneOfPerSample picks exactly one per sample)
N = 8192   # batch*seq tokens (samples)
D = 1024   # d_model (feature dim of each sample)


def setup_inputs(seed: int = 0) -> dict:
    key = jax.random.key(seed)
    k1, k2, k3, k4 = jax.random.split(key, 4)
    x = jax.random.normal(k1, (N, D), dtype=jnp.float32)
    # Replaces the internal torch.distributions.Categorical sample([batch_size])
    # with a deterministic per-sample expert assignment (uniform probs since all p equal).
    assign = jax.random.randint(k2, (N,), 0, E)
    # Each 'transform' is modeled as a learned per-expert affine map (dense d->d),
    # a stand-in for an arbitrary nn.Module applied to the masked subset.
    W = jax.random.normal(k3, (E, D, D), dtype=jnp.float32) * 0.02
    b = jax.random.normal(k4, (E, D), dtype=jnp.float32) * 0.02
    return {"x": x, "W": W, "b": b, "assign": assign}


def reference(x, W, b, assign):
    # Faithful translation of OneOfPerSample.forward:
    #   transforms = Categorical.sample([batch]) -> here the precomputed `assign`
    #   for idx, transform in enumerate(self.transforms):
    #       to_apply = transforms == idx
    #       if to_apply.any(): batch[to_apply] = transform(batch[to_apply])
    # The masked gather -> transform -> masked scatter-overwrite is expressed as
    # compute + jnp.where select (math-identical for per-sample transforms).
    out = x
    for e in range(E):
        mask = (assign == e)
        y = x @ W[e] + b[e]           # transform applied to the selected subset
        out = jnp.where(mask[:, None], y, out)  # in-place scatter batch[mask] = output
    return out

if __name__ == "__main__":
    import jax
    _d = setup_inputs()
    print(jax.jit(kernel)(*tuple(_d.values())))

</pallas_src>

<mosaic_0001>
#map = affine_map<(d0, d1) -> (0, 0)>
#map1 = affine_map<(d0, d1) -> (0, 0, 0)>
module attributes {stable_mosaic.version = 14 : i64} {
  func.func @_sc_gather_body(%arg0: i32, %arg1: i32, %arg2: memref<8192x1024xf32, #tpu.memory_space<hbm>>, %arg3: memref<32x16x16xi32, #tpu.memory_space<hbm>>, %arg4: memref<8192x1024xf32, #tpu.memory_space<hbm>>, %arg5: memref<16x16xi32, #tpu.memory_space<vmem>>, %arg6: memref<6x16x1024xf32, #tpu.memory_space<vmem>>, %arg7: memref<!tpu.dma_semaphore, #tpu.memory_space<semaphore_mem>>, %arg8: memref<!tpu.dma_semaphore, #tpu.memory_space<semaphore_mem>>, %arg9: memref<!tpu.dma_semaphore, #tpu.memory_space<semaphore_mem>>, %arg10: memref<!tpu.dma_semaphore, #tpu.memory_space<semaphore_mem>>, %arg11: memref<!tpu.dma_semaphore, #tpu.memory_space<semaphore_mem>>, %arg12: memref<!tpu.dma_semaphore, #tpu.memory_space<semaphore_mem>>, %arg13: memref<!tpu.dma_semaphore, #tpu.memory_space<semaphore_mem>>, %arg14: memref<!tpu.dma_semaphore, #tpu.memory_space<semaphore_mem>>, %arg15: memref<!tpu.dma_semaphore, #tpu.memory_space<semaphore_mem>>, %arg16: memref<!tpu.dma_semaphore, #tpu.memory_space<semaphore_mem>>, %arg17: memref<!tpu.dma_semaphore, #tpu.memory_space<semaphore_mem>>, %arg18: memref<!tpu.dma_semaphore, #tpu.memory_space<semaphore_mem>>) attributes {dimension_semantics = [#tpu.dimension_semantics<core_parallel>, #tpu.dimension_semantics<subcore_parallel>], iteration_bounds = array<i64: 2, 16>, scalar_prefetch = 0 : i64, scratch_operands = 14 : i64, tpu.core_type = #tpu.core_type<sc_vector_subcore>, window_params = [{transform_indices = #map}, {transform_indices = #map1}, {transform_indices = #map}]} {
    %mul3A = arith.constant 2 : i32
    %mul3A_0 = arith.muli %arg1, %mul3A : i32
    %add3A = arith.addi %mul3A_0, %arg0 : i32
    %mul3A_1 = arith.constant 256 : i32
    %mul3A_2 = arith.muli %add3A, %mul3A_1 : i32
    "tpu.region"() ({
      %run_scoped3A = tpu.sem_alloc : memref<!tpu.dma_semaphore, #tpu.memory_space<semaphore_mem>>
      %dma_start3A_833 = arith.constant 0 : i32
      %dma_start3A_834 = arith.constant 0 : i32
      %dma_start3A_835 = tpu.memref_slice %arg3[%add3A, %dma_start3A_833, %dma_start3A_834] : memref<32x16x16xi32, #tpu.memory_space<hbm>> -> memref<1x16x16xi32, #tpu.memory_space<hbm>>
      %dma_start3A_836 = tpu.memref_squeeze %dma_start3A_835 : memref<1x16x16xi32, #tpu.memory_space<hbm>> -> memref<16x16xi32, #tpu.memory_space<hbm>>
      %dma_start3A_837 = arith.constant 0 : i32
      %dma_start3A_838 = arith.constant 0 : i32
      %dma_start3A_839 = tpu.memref_slice %arg3[%add3A, %dma_start3A_837, %dma_start3A_838] : memref<32x16x16xi32, #tpu.memory_space<hbm>> -> memref<1x16x16xi32, #tpu.memory_space<hbm>>
      %dma_start3A_840 = tpu.memref_squeeze %dma_start3A_839 : memref<1x16x16xi32, #tpu.memory_space<hbm>> -> memref<16x16xi32, #tpu.memory_space<hbm>>
      tpu.enqueue_dma source(%dma_start3A_840 : memref<16x16xi32, #tpu.memory_space<hbm>>) target(%arg5 : memref<16x16xi32, #tpu.memory_space<vmem>>) target_semaphore(%run_scoped3A : memref<!tpu.dma_semaphore, #tpu.memory_space<semaphore_mem>>)
      %dma_wait3A_841 = arith.constant 0 : i32
      %dma_wait3A_842 = arith.constant 0 : i32
      %dma_wait3A_843 = tpu.memref_slice %arg3[%add3A, %dma_wait3A_841, %dma_wait3A_842] : memref<32x16x16xi32, #tpu.memory_space<hbm>> -> memref<1x16x16xi32, #tpu.memory_space<hbm>>
      %dma_wait3A_844 = tpu.memref_squeeze %dma_wait3A_843 : memref<1x16x16xi32, #tpu.memory_space<hbm>> -> memref<16x16xi32, #tpu.memory_space<hbm>>
      %dma_wait3A_845 = arith.constant 0 : i32
      %dma_wait3A_846 = arith.constant 0 : i32
      %dma_wait3A_847 = tpu.memref_slice %arg3[%add3A, %dma_wait3A_845, %dma_wait3A_846] : memref<32x16x16xi32, #tpu.memory_space<hbm>> -> memref<1x16x16xi32, #tpu.memory_space<hbm>>
      %dma_wait3A_848 = tpu.memref_squeeze %dma_wait3A_847 : memref<1x16x16xi32, #tpu.memory_space<hbm>> -> memref<16x16xi32, #tpu.memory_space<hbm>>
      tpu.wait_dma2 semaphore(%run_scoped3A : memref<!tpu.dma_semaphore, #tpu.memory_space<semaphore_mem>>) src(%dma_wait3A_848 : memref<16x16xi32, #tpu.memory_space<hbm>>) dst(%arg5 : memref<16x16xi32, #tpu.memory_space<vmem>>)
      tpu.yield
    }) : () -> ()
    %dma_start3A = arith.constant 0 : i32
    %dma_start3A_3 = arith.constant 0 : i32
    %dma_start3A_4 = arith.constant 0 : i32
    %dma_start3A_5 = arith.constant 0 : i32
    %dma_start3A_6 = tpu.memref_slice %arg6[%dma_start3A_3, %dma_start3A_4, %dma_start3A_5] : memref<6x16x1024xf32, #tpu.memory_space<vmem>> -> memref<1x16x1024xf32, #tpu.memory_space<vmem>>
    %dma_start3A_7 = tpu.memref_squeeze %dma_start3A_6 : memref<1x16x1024xf32, #tpu.memory_space<vmem>> -> memref<16x1024xf32, #tpu.memory_space<vmem>>
    %dma_start3A_8 = arith.constant 0 : i32
    %dma_start3A_9 = tpu.memref_slice %arg5[%dma_start3A, %dma_start3A_8] : memref<16x16xi32, #tpu.memory_space<vmem>> -> memref<1x16xi32, #tpu.memory_space<vmem>>
    %dma_start3A_10 = tpu.memref_squeeze %dma_start3A_9 : memref<1x16xi32, #tpu.memory_space<vmem>> -> memref<16xi32, #tpu.memory_space<vmem>>
    %dma_start3A_11 = arith.constant 0 : i32
    %dma_start3A_12 = arith.constant 0 : i32
    %dma_start3A_13 = tpu.memref_slice %arg2[%dma_start3A_11, %dma_start3A_12] : memref<8192x1024xf32, #tpu.memory_space<hbm>> -> memref<8192x1024xf32, #tpu.memory_space<hbm>>
    tpu.enqueue_indirect_dma source(%dma_start3A_13 : memref<8192x1024xf32, #tpu.memory_space<hbm>>) target(%dma_start3A_7 : memref<16x1024xf32, #tpu.memory_space<vmem>>) offsets(%dma_start3A_10 : memref<16xi32, #tpu.memory_space<vmem>>) semaphore(%arg7 : memref<!tpu.dma_semaphore, #tpu.memory_space<semaphore_mem>>)
    %dma_start3A_14 = arith.constant 1 : i32
    %dma_start3A_15 = arith.constant 1 : i32
    %dma_start3A_16 = arith.constant 0 : i32
    %dma_start3A_17 = arith.constant 0 : i32
    %dma_start3A_18 = tpu.memref_slice %arg6[%dma_start3A_15, %dma_start3A_16, %dma_start3A_17] : memref<6x16x1024xf32, #tpu.memory_space<vmem>> -> memref<1x16x1024xf32, #tpu.memory_space<vmem>>
    %dma_start3A_19 = tpu.memref_squeeze %dma_start3A_18 : memref<1x16x1024xf32, #tpu.memory_space<vmem>> -> memref<16x1024xf32, #tpu.memory_space<vmem>>
    %dma_start3A_20 = arith.constant 0 : i32
    %dma_start3A_21 = tpu.memref_slice %arg5[%dma_start3A_14, %dma_start3A_20] : memref<16x16xi32, #tpu.memory_space<vmem>> -> memref<1x16xi32, #tpu.memory_space<vmem>>
    %dma_start3A_22 = tpu.memref_squeeze %dma_start3A_21 : memref<1x16xi32, #tpu.memory_space<vmem>> -> memref<16xi32, #tpu.memory_space<vmem>>
    %dma_start3A_23 = arith.constant 0 : i32
    %dma_start3A_24 = arith.constant 0 : i32
    %dma_start3A_25 = tpu.memref_slice %arg2[%dma_start3A_23, %dma_start3A_24] : memref<8192x1024xf32, #tpu.memory_space<hbm>> -> memref<8192x1024xf32, #tpu.memory_space<hbm>>
    tpu.enqueue_indirect_dma source(%dma_start3A_25 : memref<8192x1024xf32, #tpu.memory_space<hbm>>) target(%dma_start3A_19 : memref<16x1024xf32, #tpu.memory_space<vmem>>) offsets(%dma_start3A_22 : memref<16xi32, #tpu.memory_space<vmem>>) semaphore(%arg8 : memref<!tpu.dma_semaphore, #tpu.memory_space<semaphore_mem>>)
    %dma_start3A_26 = arith.constant 2 : i32
    %dma_start3A_27 = arith.constant 2 : i32
    %dma_start3A_28 = arith.constant 0 : i32
    %dma_start3A_29 = arith.constant 0 : i32
    %dma_start3A_30 = tpu.memref_slice %arg6[%dma_start3A_27, %dma_start3A_28, %dma_start3A_29] : memref<6x16x1024xf32, #tpu.memory_space<vmem>> -> memref<1x16x1024xf32, #tpu.memory_space<vmem>>
    %dma_start3A_31 = tpu.memref_squeeze %dma_start3A_30 : memref<1x16x1024xf32, #tpu.memory_space<vmem>> -> memref<16x1024xf32, #tpu.memory_space<vmem>>
    %dma_start3A_32 = arith.constant 0 : i32
    %dma_start3A_33 = tpu.memref_slice %arg5[%dma_start3A_26, %dma_start3A_32] : memref<16x16xi32, #tpu.memory_space<vmem>> -> memref<1x16xi32, #tpu.memory_space<vmem>>
    %dma_start3A_34 = tpu.memref_squeeze %dma_start3A_33 : memref<1x16xi32, #tpu.memory_space<vmem>> -> memref<16xi32, #tpu.memory_space<vmem>>
    %dma_start3A_35 = arith.constant 0 : i32
    %dma_start3A_36 = arith.constant 0 : i32
    %dma_start3A_37 = tpu.memref_slice %arg2[%dma_start3A_35, %dma_start3A_36] : memref<8192x1024xf32, #tpu.memory_space<hbm>> -> memref<8192x1024xf32, #tpu.memory_space<hbm>>
    tpu.enqueue_indirect_dma source(%dma_start3A_37 : memref<8192x1024xf32, #tpu.memory_space<hbm>>) target(%dma_start3A_31 : memref<16x1024xf32, #tpu.memory_space<vmem>>) offsets(%dma_start3A_34 : memref<16xi32, #tpu.memory_space<vmem>>) semaphore(%arg9 : memref<!tpu.dma_semaphore, #tpu.memory_space<semaphore_mem>>)
    %dma_wait3A = arith.constant 0 : i32
    %dma_wait3A_38 = arith.constant 0 : i32
    %dma_wait3A_39 = arith.constant 0 : i32
    %dma_wait3A_40 = arith.constant 0 : i32
    %dma_wait3A_41 = tpu.memref_slice %arg6[%dma_wait3A_38, %dma_wait3A_39, %dma_wait3A_40] : memref<6x16x1024xf32, #tpu.memory_space<vmem>> -> memref<1x16x1024xf32, #tpu.memory_space<vmem>>
    %dma_wait3A_42 = tpu.memref_squeeze %dma_wait3A_41 : memref<1x16x1024xf32, #tpu.memory_space<vmem>> -> memref<16x1024xf32, #tpu.memory_space<vmem>>
    %dma_wait3A_43 = arith.constant 0 : i32
    %dma_wait3A_44 = tpu.memref_slice %arg5[%dma_wait3A, %dma_wait3A_43] : memref<16x16xi32, #tpu.memory_space<vmem>> -> memref<1x16xi32, #tpu.memory_space<vmem>>
    %dma_wait3A_45 = tpu.memref_squeeze %dma_wait3A_44 : memref<1x16xi32, #tpu.memory_space<vmem>> -> memref<16xi32, #tpu.memory_space<vmem>>
    %dma_wait3A_46 = arith.constant 0 : i32
    %dma_wait3A_47 = arith.constant 0 : i32
    %dma_wait3A_48 = tpu.memref_slice %arg2[%dma_wait3A_46, %dma_wait3A_47] : memref<8192x1024xf32, #tpu.memory_space<hbm>> -> memref<8192x1024xf32, #tpu.memory_space<hbm>>
    tpu.wait_indirect_dma semaphore(%arg7 : memref<!tpu.dma_semaphore, #tpu.memory_space<semaphore_mem>>) src(%dma_wait3A_48 : memref<8192x1024xf32, #tpu.memory_space<hbm>>) dst(%dma_wait3A_42 : memref<16x1024xf32, #tpu.memory_space<vmem>>)
    %add3A_49 = arith.constant 0 : i32
    %add3A_50 = arith.addi %mul3A_2, %add3A_49 : i32
    %dma_start3A_51 = arith.constant 0 : i32
    %dma_start3A_52 = arith.constant 0 : i32
    %dma_start3A_53 = arith.constant 0 : i32
    %dma_start3A_54 = tpu.memref_slice %arg6[%dma_start3A_51, %dma_start3A_52, %dma_start3A_53] : memref<6x16x1024xf32, #tpu.memory_space<vmem>> -> memref<1x16x1024xf32, #tpu.memory_space<vmem>>
    %dma_start3A_55 = tpu.memref_squeeze %dma_start3A_54 : memref<1x16x1024xf32, #tpu.memory_space<vmem>> -> memref<16x1024xf32, #tpu.memory_space<vmem>>
    %dma_start3A_56 = arith.constant 0 : i32
    %dma_start3A_57 = tpu.memref_slice %arg4[%add3A_50, %dma_start3A_56] : memref<8192x1024xf32, #tpu.memory_space<hbm>> -> memref<16x1024xf32, #tpu.memory_space<hbm>>
    %dma_start3A_58 = arith.constant 0 : i32
    %dma_start3A_59 = tpu.memref_slice %arg4[%add3A_50, %dma_start3A_58] : memref<8192x1024xf32, #tpu.memory_space<hbm>> -> memref<16x1024xf32, #tpu.memory_space<hbm>>
    %dma_start3A_60 = arith.constant 0 : i32
    %dma_start3A_61 = arith.constant 0 : i32
    %dma_start3A_62 = tpu.memref_slice %arg6[%dma_start3A_51, %dma_start3A_60, %dma_start3A_61] : memref<6x16x1024xf32, #tpu.memory_space<vmem>> -> memref<1x16x1024xf32, #tpu.memory_space<vmem>>
    %dma_start3A_63 = tpu.memref_squeeze %dma_start3A_62 : memref<1x16x1024xf32, #tpu.memory_space<vmem>> -> memref<16x1024xf32, #tpu.memory_space<vmem>>
    tpu.enqueue_dma source(%dma_start3A_63 : memref<16x1024xf32, #tpu.memory_space<vmem>>) target(%dma_start3A_59 : memref<16x1024xf32, #tpu.memory_space<hbm>>) target_semaphore(%arg13 : memref<!tpu.dma_semaphore, #tpu.memory_space<semaphore_mem>>)
    %dma_start3A_64 = arith.constant 3 : i32
    %dma_start3A_65 = arith.constant 3 : i32
    %dma_start3A_66 = arith.constant 0 : i32
    %dma_start3A_67 = arith.constant 0 : i32
    %dma_start3A_68 = tpu.memref_slice %arg6[%dma_start3A_65, %dma_start3A_66, %dma_start3A_67] : memref<6x16x1024xf32, #tpu.memory_space<vmem>> -> memref<1x16x1024xf32, #tpu.memory_space<vmem>>
    %dma_start3A_69 = tpu.memref_squeeze %dma_start3A_68 : memref<1x16x1024xf32, #tpu.memory_space<vmem>> -> memref<16x1024xf32, #tpu.memory_space<vmem>>
    %dma_start3A_70 = arith.constant 0 : i32
    %dma_start3A_71 = tpu.memref_slice %arg5[%dma_start3A_64, %dma_start3A_70] : memref<16x16xi32, #tpu.memory_space<vmem>> -> memref<1x16xi32, #tpu.memory_space<vmem>>
    %dma_start3A_72 = tpu.memref_squeeze %dma_start3A_71 : memref<1x16xi32, #tpu.memory_space<vmem>> -> memref<16xi32, #tpu.memory_space<vmem>>
    %dma_start3A_73 = arith.constant 0 : i32
    %dma_start3A_74 = arith.constant 0 : i32
    %dma_start3A_75 = tpu.memref_slice %arg2[%dma_start3A_73, %dma_start3A_74] : memref<8192x1024xf32, #tpu.memory_space<hbm>> -> memref<8192x1024xf32, #tpu.memory_space<hbm>>
    tpu.enqueue_indirect_dma source(%dma_start3A_75 : memref<8192x1024xf32, #tpu.memory_space<hbm>>) target(%dma_start3A_69 : memref<16x1024xf32, #tpu.memory_space<vmem>>) offsets(%dma_start3A_72 : memref<16xi32, #tpu.memory_space<vmem>>) semaphore(%arg10 : memref<!tpu.dma_semaphore, #tpu.memory_space<semaphore_mem>>)
    %dma_wait3A_76 = arith.constant 1 : i32
    %dma_wait3A_77 = arith.constant 1 : i32
    %dma_wait3A_78 = arith.constant 0 : i32
    %dma_wait3A_79 = arith.constant 0 : i32
    %dma_wait3A_80 = tpu.memref_slice %arg6[%dma_wait3A_77, %dma_wait3A_78, %dma_wait3A_79] : memref<6x16x1024xf32, #tpu.memory_space<vmem>> -> memref<1x16x1024xf32, #tpu.memory_space<vmem>>
    %dma_wait3A_81 = tpu.memref_squeeze %dma_wait3A_80 : memref<1x16x1024xf32, #tpu.memory_space<vmem>> -> memref<16x1024xf32, #tpu.memory_space<vmem>>
    %dma_wait3A_82 = arith.constant 0 : i32
    %dma_wait3A_83 = tpu.memref_slice %arg5[%dma_wait3A_76, %dma_wait3A_82] : memref<16x16xi32, #tpu.memory_space<vmem>> -> memref<1x16xi32, #tpu.memory_space<vmem>>
    %dma_wait3A_84 = tpu.memref_squeeze %dma_wait3A_83 : memref<1x16xi32, #tpu.memory_space<vmem>> -> memref<16xi32, #tpu.memory_space<vmem>>
    %dma_wait3A_85 = arith.constant 0 : i32
    %dma_wait3A_86 = arith.constant 0 : i32
    %dma_wait3A_87 = tpu.memref_slice %arg2[%dma_wait3A_85, %dma_wait3A_86] : memref<8192x1024xf32, #tpu.memory_space<hbm>> -> memref<8192x1024xf32, #tpu.memory_space<hbm>>
    tpu.wait_indirect_dma semaphore(%arg8 : memref<!tpu.dma_semaphore, #tpu.memory_space<semaphore_mem>>) src(%dma_wait3A_87 : memref<8192x1024xf32, #tpu.memory_space<hbm>>) dst(%dma_wait3A_81 : memref<16x1024xf32, #tpu.memory_space<vmem>>)
    %add3A_88 = arith.constant 16 : i32
    %add3A_89 = arith.addi %mul3A_2, %add3A_88 : i32
    %dma_start3A_90 = arith.constant 1 : i32
    %dma_start3A_91 = arith.constant 0 : i32
    %dma_start3A_92 = arith.constant 0 : i32
    %dma_start3A_93 = tpu.memref_slice %arg6[%dma_start3A_90, %dma_start3A_91, %dma_start3A_92] : memref<6x16x1024xf32, #tpu.memory_space<vmem>> -> memref<1x16x1024xf32, #tpu.memory_space<vmem>>
    %dma_start3A_94 = tpu.memref_squeeze %dma_start3A_93 : memref<1x16x1024xf32, #tpu.memory_space<vmem>> -> memref<16x1024xf32, #tpu.memory_space<vmem>>
    %dma_start3A_95 = arith.constant 0 : i32
    %dma_start3A_96 = tpu.memref_slice %arg4[%add3A_89, %dma_start3A_95] : memref<8192x1024xf32, #tpu.memory_space<hbm>> -> memref<16x1024xf32, #tpu.memory_space<hbm>>
    %dma_start3A_97 = arith.constant 0 : i32
    %dma_start3A_98 = tpu.memref_slice %arg4[%add3A_89, %dma_start3A_97] : memref<8192x1024xf32, #tpu.memory_space<hbm>> -> memref<16x1024xf32, #tpu.memory_space<hbm>>
    %dma_start3A_99 = arith.constant 0 : i32
    %dma_start3A_100 = arith.constant 0 : i32
    %dma_start3A_101 = tpu.memref_slice %arg6[%dma_start3A_90, %dma_start3A_99, %dma_start3A_100] : memref<6x16x1024xf32, #tpu.memory_space<vmem>> -> memref<1x16x1024xf32, #tpu.memory_space<vmem>>
    %dma_start3A_102 = tpu.memref_squeeze %dma_start3A_101 : memref<1x16x1024xf32, #tpu.memory_space<vmem>> -> memref<16x1024xf32, #tpu.memory_space<vmem>>
    tpu.enqueue_dma source(%dma_start3A_102 : memref<16x1024xf32, #tpu.memory_space<vmem>>) target(%dma_start3A_98 : memref<16x1024xf32, #tpu.memory_space<hbm>>) target_semaphore(%arg14 : memref<!tpu.dma_semaphore, #tpu.memory_space<semaphore_mem>>)
    %dma_start3A_103 = arith.constant 4 : i32
    %dma_start3A_104 = arith.constant 4 : i32
    %dma_start3A_105 = arith.constant 0 : i32
    %dma_start3A_106 = arith.constant 0 : i32
    %dma_start3A_107 = tpu.memref_slice %arg6[%dma_start3A_104, %dma_start3A_105, %dma_start3A_106] : memref<6x16x1024xf32, #tpu.memory_space<vmem>> -> memref<1x16x1024xf32, #tpu.memory_space<vmem>>
    %dma_start3A_108 = tpu.memref_squeeze %dma_start3A_107 : memref<1x16x1024xf32, #tpu.memory_space<vmem>> -> memref<16x1024xf32, #tpu.memory_space<vmem>>
    %dma_start3A_109 = arith.constant 0 : i32
    %dma_start3A_110 = tpu.memref_slice %arg5[%dma_start3A_103, %dma_start3A_109] : memref<16x16xi32, #tpu.memory_space<vmem>> -> memref<1x16xi32, #tpu.memory_space<vmem>>
    %dma_start3A_111 = tpu.memref_squeeze %dma_start3A_110 : memref<1x16xi32, #tpu.memory_space<vmem>> -> memref<16xi32, #tpu.memory_space<vmem>>
    %dma_start3A_112 = arith.constant 0 : i32
    %dma_start3A_113 = arith.constant 0 : i32
    %dma_start3A_114 = tpu.memref_slice %arg2[%dma_start3A_112, %dma_start3A_113] : memref<8192x1024xf32, #tpu.memory_space<hbm>> -> memref<8192x1024xf32, #tpu.memory_space<hbm>>
    tpu.enqueue_indirect_dma source(%dma_start3A_114 : memref<8192x1024xf32, #tpu.memory_space<hbm>>) target(%dma_start3A_108 : memref<16x1024xf32, #tpu.memory_space<vmem>>) offsets(%dma_start3A_111 : memref<16xi32, #tpu.memory_space<vmem>>) semaphore(%arg11 : memref<!tpu.dma_semaphore, #tpu.memory_space<semaphore_mem>>)
    %dma_wait3A_115 = arith.constant 2 : i32
    %dma_wait3A_116 = arith.constant 2 : i32
    %dma_wait3A_117 = arith.constant 0 : i32
    %dma_wait3A_118 = arith.constant 0 : i32
    %dma_wait3A_119 = tpu.memref_slice %arg6[%dma_wait3A_116, %dma_wait3A_117, %dma_wait3A_118] : memref<6x16x1024xf32, #tpu.memory_space<vmem>> -> memref<1x16x1024xf32, #tpu.memory_space<vmem>>
    %dma_wait3A_120 = tpu.memref_squeeze %dma_wait3A_119 : memref<1x16x1024xf32, #tpu.memory_space<vmem>> -> memref<16x1024xf32, #tpu.memory_space<vmem>>
    %dma_wait3A_121 = arith.constant 0 : i32
    %dma_wait3A_122 = tpu.memref_slice %arg5[%dma_wait3A_115, %dma_wait3A_121] : memref<16x16xi32, #tpu.memory_space<vmem>> -> memref<1x16xi32, #tpu.memory_space<vmem>>
    %dma_wait3A_123 = tpu.memref_squeeze %dma_wait3A_122 : memref<1x16xi32, #tpu.memory_space<vmem>> -> memref<16xi32, #tpu.memory_space<vmem>>
    %dma_wait3A_124 = arith.constant 0 : i32
    %dma_wait3A_125 = arith.constant 0 : i32
    %dma_wait3A_126 = tpu.memref_slice %arg2[%dma_wait3A_124, %dma_wait3A_125] : memref<8192x1024xf32, #tpu.memory_space<hbm>> -> memref<8192x1024xf32, #tpu.memory_space<hbm>>
    tpu.wait_indirect_dma semaphore(%arg9 : memref<!tpu.dma_semaphore, #tpu.memory_space<semaphore_mem>>) src(%dma_wait3A_126 : memref<8192x1024xf32, #tpu.memory_space<hbm>>) dst(%dma_wait3A_120 : memref<16x1024xf32, #tpu.memory_space<vmem>>)
    %add3A_127 = arith.constant 32 : i32
    %add3A_128 = arith.addi %mul3A_2, %add3A_127 : i32
    %dma_start3A_129 = arith.constant 2 : i32
    %dma_start3A_130 = arith.constant 0 : i32
    %dma_start3A_131 = arith.constant 0 : i32
    %dma_start3A_132 = tpu.memref_slice %arg6[%dma_start3A_129, %dma_start3A_130, %dma_start3A_131] : memref<6x16x1024xf32, #tpu.memory_space<vmem>> -> memref<1x16x1024xf32, #tpu.memory_space<vmem>>
    %dma_start3A_133 = tpu.memref_squeeze %dma_start3A_132 : memref<1x16x1024xf32, #tpu.memory_space<vmem>> -> memref<16x1024xf32, #tpu.memory_space<vmem>>
    %dma_start3A_134 = arith.constant 0 : i32
    %dma_start3A_135 = tpu.memref_slice %arg4[%add3A_128, %dma_start3A_134] : memref<8192x1024xf32, #tpu.memory_space<hbm>> -> memref<16x1024xf32, #tpu.memory_space<hbm>>
    %dma_start3A_136 = arith.constant 0 : i32
    %dma_start3A_137 = tpu.memref_slice %arg4[%add3A_128, %dma_start3A_136] : memref<8192x1024xf32, #tpu.memory_space<hbm>> -> memref<16x1024xf32, #tpu.memory_space<hbm>>
    %dma_start3A_138 = arith.constant 0 : i32
    %dma_start3A_139 = arith.constant 0 : i32
    %dma_start3A_140 = tpu.memref_slice %arg6[%dma_start3A_129, %dma_start3A_138, %dma_start3A_139] : memref<6x16x1024xf32, #tpu.memory_space<vmem>> -> memref<1x16x1024xf32, #tpu.memory_space<vmem>>
    %dma_start3A_141 = tpu.memref_squeeze %dma_start3A_140 : memref<1x16x1024xf32, #tpu.memory_space<vmem>> -> memref<16x1024xf32, #tpu.memory_space<vmem>>
    tpu.enqueue_dma source(%dma_start3A_141 : memref<16x1024xf32, #tpu.memory_space<vmem>>) target(%dma_start3A_137 : memref<16x1024xf32, #tpu.memory_space<hbm>>) target_semaphore(%arg15 : memref<!tpu.dma_semaphore, #tpu.memory_space<semaphore_mem>>)
    %dma_start3A_142 = arith.constant 5 : i32
    %dma_start3A_143 = arith.constant 5 : i32
    %dma_start3A_144 = arith.constant 0 : i32
    %dma_start3A_145 = arith.constant 0 : i32
    %dma_start3A_146 = tpu.memref_slice %arg6[%dma_start3A_143, %dma_start3A_144, %dma_start3A_145] : memref<6x16x1024xf32, #tpu.memory_space<vmem>> -> memref<1x16x1024xf32, #tpu.memory_space<vmem>>
    %dma_start3A_147 = tpu.memref_squeeze %dma_start3A_146 : memref<1x16x1024xf32, #tpu.memory_space<vmem>> -> memref<16x1024xf32, #tpu.memory_space<vmem>>
    %dma_start3A_148 = arith.constant 0 : i32
    %dma_start3A_149 = tpu.memref_slice %arg5[%dma_start3A_142, %dma_start3A_148] : memref<16x16xi32, #tpu.memory_space<vmem>> -> memref<1x16xi32, #tpu.memory_space<vmem>>
    %dma_start3A_150 = tpu.memref_squeeze %dma_start3A_149 : memref<1x16xi32, #tpu.memory_space<vmem>> -> memref<16xi32, #tpu.memory_space<vmem>>
    %dma_start3A_151 = arith.constant 0 : i32
    %dma_start3A_152 = arith.constant 0 : i32
    %dma_start3A_153 = tpu.memref_slice %arg2[%dma_start3A_151, %dma_start3A_152] : memref<8192x1024xf32, #tpu.memory_space<hbm>> -> memref<8192x1024xf32, #tpu.memory_space<hbm>>
    tpu.enqueue_indirect_dma source(%dma_start3A_153 : memref<8192x1024xf32, #tpu.memory_space<hbm>>) target(%dma_start3A_147 : memref<16x1024xf32, #tpu.memory_space<vmem>>) offsets(%dma_start3A_150 : memref<16xi32, #tpu.memory_space<vmem>>) semaphore(%arg12 : memref<!tpu.dma_semaphore, #tpu.memory_space<semaphore_mem>>)
    %dma_wait3A_154 = arith.constant 3 : i32
    %dma_wait3A_155 = arith.constant 3 : i32
    %dma_wait3A_156 = arith.constant 0 : i32
    %dma_wait3A_157 = arith.constant 0 : i32
    %dma_wait3A_158 = tpu.memref_slice %arg6[%dma_wait3A_155, %dma_wait3A_156, %dma_wait3A_157] : memref<6x16x1024xf32, #tpu.memory_space<vmem>> -> memref<1x16x1024xf32, #tpu.memory_space<vmem>>
    %dma_wait3A_159 = tpu.memref_squeeze %dma_wait3A_158 : memref<1x16x1024xf32, #tpu.memory_space<vmem>> -> memref<16x1024xf32, #tpu.memory_space<vmem>>
    %dma_wait3A_160 = arith.constant 0 : i32
    %dma_wait3A_161 = tpu.memref_slice %arg5[%dma_wait3A_154, %dma_wait3A_160] : memref<16x16xi32, #tpu.memory_space<vmem>> -> memref<1x16xi32, #tpu.memory_space<vmem>>
    %dma_wait3A_162 = tpu.memref_squeeze %dma_wait3A_161 : memref<1x16xi32, #tpu.memory_space<vmem>> -> memref<16xi32, #tpu.memory_space<vmem>>
    %dma_wait3A_163 = arith.constant 0 : i32
    %dma_wait3A_164 = arith.constant 0 : i32
    %dma_wait3A_165 = tpu.memref_slice %arg2[%dma_wait3A_163, %dma_wait3A_164] : memref<8192x1024xf32, #tpu.memory_space<hbm>> -> memref<8192x1024xf32, #tpu.memory_space<hbm>>
    tpu.wait_indirect_dma semaphore(%arg10 : memref<!tpu.dma_semaphore, #tpu.memory_space<semaphore_mem>>) src(%dma_wait3A_165 : memref<8192x1024xf32, #tpu.memory_space<hbm>>) dst(%dma_wait3A_159 : memref<16x1024xf32, #tpu.memory_space<vmem>>)
    %add3A_166 = arith.constant 48 : i32
    %add3A_167 = arith.addi %mul3A_2, %add3A_166 : i32
    %dma_start3A_168 = arith.constant 3 : i32
    %dma_start3A_169 = arith.constant 0 : i32
    %dma_start3A_170 = arith.constant 0 : i32
    %dma_start3A_171 = tpu.memref_slice %arg6[%dma_start3A_168, %dma_start3A_169, %dma_start3A_170] : memref<6x16x1024xf32, #tpu.memory_space<vmem>> -> memref<1x16x1024xf32, #tpu.memory_space<vmem>>
    %dma_start3A_172 = tpu.memref_squeeze %dma_start3A_171 : memref<1x16x1024xf32, #tpu.memory_space<vmem>> -> memref<16x1024xf32, #tpu.memory_space<vmem>>
    %dma_start3A_173 = arith.constant 0 : i32
    %dma_start3A_174 = tpu.memref_slice %arg4[%add3A_167, %dma_start3A_173] : memref<8192x1024xf32, #tpu.memory_space<hbm>> -> memref<16x1024xf32, #tpu.memory_space<hbm>>
    %dma_start3A_175 = arith.constant 0 : i32
    %dma_start3A_176 = tpu.memref_slice %arg4[%add3A_167, %dma_start3A_175] : memref<8192x1024xf32, #tpu.memory_space<hbm>> -> memref<16x1024xf32, #tpu.memory_space<hbm>>
    %dma_start3A_177 = arith.constant 0 : i32
    %dma_start3A_178 = arith.constant 0 : i32
    %dma_start3A_179 = tpu.memref_slice %arg6[%dma_start3A_168, %dma_start3A_177, %dma_start3A_178] : memref<6x16x1024xf32, #tpu.memory_space<vmem>> -> memref<1x16x1024xf32, #tpu.memory_space<vmem>>
    %dma_start3A_180 = tpu.memref_squeeze %dma_start3A_179 : memref<1x16x1024xf32, #tpu.memory_space<vmem>> -> memref<16x1024xf32, #tpu.memory_space<vmem>>
    tpu.enqueue_dma source(%dma_start3A_180 : memref<16x1024xf32, #tpu.memory_space<vmem>>) target(%dma_start3A_176 : memref<16x1024xf32, #tpu.memory_space<hbm>>) target_semaphore(%arg16 : memref<!tpu.dma_semaphore, #tpu.memory_space<semaphore_mem>>)
    %dma_wait3A_181 = arith.constant 0 : i32
    %dma_wait3A_182 = arith.constant 0 : i32
    %dma_wait3A_183 = arith.constant 0 : i32
    %dma_wait3A_184 = tpu.memref_slice %arg6[%dma_wait3A_181, %dma_wait3A_182, %dma_wait3A_183] : memref<6x16x1024xf32, #tpu.memory_space<vmem>> -> memref<1x16x1024xf32, #tpu.memory_space<vmem>>
    %dma_wait3A_185 = tpu.memref_squeeze %dma_wait3A_184 : memref<1x16x1024xf32, #tpu.memory_space<vmem>> -> memref<16x1024xf32, #tpu.memory_space<vmem>>
    %dma_wait3A_186 = arith.constant 0 : i32
    %dma_wait3A_187 = tpu.memref_slice %arg4[%add3A_50, %dma_wait3A_186] : memref<8192x1024xf32, #tpu.memory_space<hbm>> -> memref<16x1024xf32, #tpu.memory_space<hbm>>
    %dma_wait3A_188 = arith.constant 0 : i32
    %dma_wait3A_189 = tpu.memref_slice %arg4[%add3A_50, %dma_wait3A_188] : memref<8192x1024xf32, #tpu.memory_space<hbm>> -> memref<16x1024xf32, #tpu.memory_space<hbm>>
    %dma_wait3A_190 = arith.constant 0 : i32
    %dma_wait3A_191 = arith.constant 0 : i32
    %dma_wait3A_192 = tpu.memref_slice %arg6[%dma_wait3A_181, %dma_wait3A_190, %dma_wait3A_191] : memref<6x16x1024xf32, #tpu.memory_space<vmem>> -> memref<1x16x1024xf32, #tpu.memory_space<vmem>>
    %dma_wait3A_193 = tpu.memref_squeeze %dma_wait3A_192 : memref<1x16x1024xf32, #tpu.memory_space<vmem>> -> memref<16x1024xf32, #tpu.memory_space<vmem>>
    tpu.wait_dma2 semaphore(%arg13 : memref<!tpu.dma_semaphore, #tpu.memory_space<semaphore_mem>>) src(%dma_wait3A_193 : memref<16x1024xf32, #tpu.memory_space<vmem>>) dst(%dma_wait3A_189 : memref<16x1024xf32, #tpu.memory_space<hbm>>)
    %dma_start3A_194 = arith.constant 6 : i32
    %dma_start3A_195 = arith.constant 0 : i32
    %dma_start3A_196 = arith.constant 0 : i32
    %dma_start3A_197 = arith.constant 0 : i32
    %dma_start3A_198 = tpu.memref_slice %arg6[%dma_start3A_195, %dma_start3A_196, %dma_start3A_197] : memref<6x16x1024xf32, #tpu.memory_space<vmem>> -> memref<1x16x1024xf32, #tpu.memory_space<vmem>>
    %dma_start3A_199 = tpu.memref_squeeze %dma_start3A_198 : memref<1x16x1024xf32, #tpu.memory_space<vmem>> -> memref<16x1024xf32, #tpu.memory_space<vmem>>
    %dma_start3A_200 = arith.constant 0 : i32
    %dma_start3A_201 = tpu.memref_slice %arg5[%dma_start3A_194, %dma_start3A_200] : memref<16x16xi32, #tpu.memory_space<vmem>> -> memref<1x16xi32, #tpu.memory_space<vmem>>
    %dma_start3A_202 = tpu.memref_squeeze %dma_start3A_201 : memref<1x16xi32, #tpu.memory_space<vmem>> -> memref<16xi32, #tpu.memory_space<vmem>>
    %dma_start3A_203 = arith.constant 0 : i32
    %dma_start3A_204 = arith.constant 0 : i32
    %dma_start3A_205 = tpu.memref_slice %arg2[%dma_start3A_203, %dma_start3A_204] : memref<8192x1024xf32, #tpu.memory_space<hbm>> -> memref<8192x1024xf32, #tpu.memory_space<hbm>>
    tpu.enqueue_indirect_dma source(%dma_start3A_205 : memref<8192x1024xf32, #tpu.memory_space<hbm>>) target(%dma_start3A_199 : memref<16x1024xf32, #tpu.memory_space<vmem>>) offsets(%dma_start3A_202 : memref<16xi32, #tpu.memory_space<vmem>>) semaphore(%arg7 : memref<!tpu.dma_semaphore, #tpu.memory_space<semaphore_mem>>)
    %dma_wait3A_206 = arith.constant 4 : i32
    %dma_wait3A_207 = arith.constant 4 : i32
    %dma_wait3A_208 = arith.constant 0 : i32
    %dma_wait3A_209 = arith.constant 0 : i32
    %dma_wait3A_210 = tpu.memref_slice %arg6[%dma_wait3A_207, %dma_wait3A_208, %dma_wait3A_209] : memref<6x16x1024xf32, #tpu.memory_space<vmem>> -> memref<1x16x1024xf32, #tpu.memory_space<vmem>>
    %dma_wait3A_211 = tpu.memref_squeeze %dma_wait3A_210 : memref<1x16x1024xf32, #tpu.memory_space<vmem>> -> memref<16x1024xf32, #tpu.memory_space<vmem>>
    %dma_wait3A_212 = arith.constant 0 : i32
    %dma_wait3A_213 = tpu.memref_slice %arg5[%dma_wait3A_206, %dma_wait3A_212] : memref<16x16xi32, #tpu.memory_space<vmem>> -> memref<1x16xi32, #tpu.memory_space<vmem>>
    %dma_wait3A_214 = tpu.memref_squeeze %dma_wait3A_213 : memref<1x16xi32, #tpu.memory_space<vmem>> -> memref<16xi32, #tpu.memory_space<vmem>>
    %dma_wait3A_215 = arith.constant 0 : i32
    %dma_wait3A_216 = arith.constant 0 : i32
    %dma_wait3A_217 = tpu.memref_slice %arg2[%dma_wait3A_215, %dma_wait3A_216] : memref<8192x1024xf32, #tpu.memory_space<hbm>> -> memref<8192x1024xf32, #tpu.memory_space<hbm>>
    tpu.wait_indirect_dma semaphore(%arg11 : memref<!tpu.dma_semaphore, #tpu.memory_space<semaphore_mem>>) src(%dma_wait3A_217 : memref<8192x1024xf32, #tpu.memory_space<hbm>>) dst(%dma_wait3A_211 : memref<16x1024xf32, #tpu.memory_space<vmem>>)
    %add3A_218 = arith.constant 64 : i32
    %add3A_219 = arith.addi %mul3A_2, %add3A_218 : i32
    %dma_start3A_220 = arith.constant 4 : i32
    %dma_start3A_221 = arith.constant 0 : i32
    %dma_start3A_222 = arith.constant 0 : i32
    %dma_start3A_223 = tpu.memref_slice %arg6[%dma_start3A_220, %dma_start3A_221, %dma_start3A_222] : memref<6x16x1024xf32, #tpu.memory_space<vmem>> -> memref<1x16x1024xf32, #tpu.memory_space<vmem>>
    %dma_start3A_224 = tpu.memref_squeeze %dma_start3A_223 : memref<1x16x1024xf32, #tpu.memory_space<vmem>> -> memref<16x1024xf32, #tpu.memory_space<vmem>>
    %dma_start3A_225 = arith.constant 0 : i32
    %dma_start3A_226 = tpu.memref_slice %arg4[%add3A_219, %dma_start3A_225] : memref<8192x1024xf32, #tpu.memory_space<hbm>> -> memref<16x1024xf32, #tpu.memory_space<hbm>>
    %dma_start3A_227 = arith.constant 0 : i32
    %dma_start3A_228 = tpu.memref_slice %arg4[%add3A_219, %dma_start3A_227] : memref<8192x1024xf32, #tpu.memory_space<hbm>> -> memref<16x1024xf32, #tpu.memory_space<hbm>>
    %dma_start3A_229 = arith.constant 0 : i32
    %dma_start3A_230 = arith.constant 0 : i32
    %dma_start3A_231 = tpu.memref_slice %arg6[%dma_start3A_220, %dma_start3A_229, %dma_start3A_230] : memref<6x16x1024xf32, #tpu.memory_space<vmem>> -> memref<1x16x1024xf32, #tpu.memory_space<vmem>>
    %dma_start3A_232 = tpu.memref_squeeze %dma_start3A_231 : memref<1x16x1024xf32, #tpu.memory_space<vmem>> -> memref<16x1024xf32, #tpu.memory_space<vmem>>
    tpu.enqueue_dma source(%dma_start3A_232 : memref<16x1024xf32, #tpu.memory_space<vmem>>) target(%dma_start3A_228 : memref<16x1024xf32, #tpu.memory_space<hbm>>) target_semaphore(%arg17 : memref<!tpu.dma_semaphore, #tpu.memory_space<semaphore_mem>>)
    %dma_wait3A_233 = arith.constant 1 : i32
    %dma_wait3A_234 = arith.constant 0 : i32
    %dma_wait3A_235 = arith.constant 0 : i32
    %dma_wait3A_236 = tpu.memref_slice %arg6[%dma_wait3A_233, %dma_wait3A_234, %dma_wait3A_235] : memref<6x16x1024xf32, #tpu.memory_space<vmem>> -> memref<1x16x1024xf32, #tpu.memory_space<vmem>>
    %dma_wait3A_237 = tpu.memref_squeeze %dma_wait3A_236 : memref<1x16x1024xf32, #tpu.memory_space<vmem>> -> memref<16x1024xf32, #tpu.memory_space<vmem>>
    %dma_wait3A_238 = arith.constant 0 : i32
    %dma_wait3A_239 = tpu.memref_slice %arg4[%add3A_89, %dma_wait3A_238] : memref<8192x1024xf32, #tpu.memory_space<hbm>> -> memref<16x1024xf32, #tpu.memory_space<hbm>>
    %dma_wait3A_240 = arith.constant 0 : i32
    %dma_wait3A_241 = tpu.memref_slice %arg4[%add3A_89, %dma_wait3A_240] : memref<8192x1024xf32, #tpu.memory_space<hbm>> -> memref<16x1024xf32, #tpu.memory_space<hbm>>
    %dma_wait3A_242 = arith.constant 0 : i32
    %dma_wait3A_243 = arith.constant 0 : i32
    %dma_wait3A_244 = tpu.memref_slice %arg6[%dma_wait3A_233, %dma_wait3A_242, %dma_wait3A_243] : memref<6x16x1024xf32, #tpu.memory_space<vmem>> -> memref<1x16x1024xf32, #tpu.memory_space<vmem>>
    %dma_wait3A_245 = tpu.memref_squeeze %dma_wait3A_244 : memref<1x16x1024xf32, #tpu.memory_space<vmem>> -> memref<16x1024xf32, #tpu.memory_space<vmem>>
    tpu.wait_dma2 semaphore(%arg14 : memref<!tpu.dma_semaphore, #tpu.memory_space<semaphore_mem>>) src(%dma_wait3A_245 : memref<16x1024xf32, #tpu.memory_space<vmem>>) dst(%dma_wait3A_241 : memref<16x1024xf32, #tpu.memory_space<hbm>>)
    %dma_start3A_246 = arith.constant 7 : i32
    %dma_start3A_247 = arith.constant 1 : i32
    %dma_start3A_248 = arith.constant 0 : i32
    %dma_start3A_249 = arith.constant 0 : i32
    %dma_start3A_250 = tpu.memref_slice %arg6[%dma_start3A_247, %dma_start3A_248, %dma_start3A_249] : memref<6x16x1024xf32, #tpu.memory_space<vmem>> -> memref<1x16x1024xf32, #tpu.memory_space<vmem>>
    %dma_start3A_251 = tpu.memref_squeeze %dma_start3A_250 : memref<1x16x1024xf32, #tpu.memory_space<vmem>> -> memref<16x1024xf32, #tpu.memory_space<vmem>>
    %dma_start3A_252 = arith.constant 0 : i32
    %dma_start3A_253 = tpu.memref_slice %arg5[%dma_start3A_246, %dma_start3A_252] : memref<16x16xi32, #tpu.memory_space<vmem>> -> memref<1x16xi32, #tpu.memory_space<vmem>>
    %dma_start3A_254 = tpu.memref_squeeze %dma_start3A_253 : memref<1x16xi32, #tpu.memory_space<vmem>> -> memref<16xi32, #tpu.memory_space<vmem>>
    %dma_start3A_255 = arith.constant 0 : i32
    %dma_start3A_256 = arith.constant 0 : i32
    %dma_start3A_257 = tpu.memref_slice %arg2[%dma_start3A_255, %dma_start3A_256] : memref<8192x1024xf32, #tpu.memory_space<hbm>> -> memref<8192x1024xf32, #tpu.memory_space<hbm>>
    tpu.enqueue_indirect_dma source(%dma_start3A_257 : memref<8192x1024xf32, #tpu.memory_space<hbm>>) target(%dma_start3A_251 : memref<16x1024xf32, #tpu.memory_space<vmem>>) offsets(%dma_start3A_254 : memref<16xi32, #tpu.memory_space<vmem>>) semaphore(%arg8 : memref<!tpu.dma_semaphore, #tpu.memory_space<semaphore_mem>>)
    %dma_wait3A_258 = arith.constant 5 : i32
    %dma_wait3A_259 = arith.constant 5 : i32
    %dma_wait3A_260 = arith.constant 0 : i32
    %dma_wait3A_261 = arith.constant 0 : i32
    %dma_wait3A_262 = tpu.memref_slice %arg6[%dma_wait3A_259, %dma_wait3A_260, %dma_wait3A_261] : memref<6x16x1024xf32, #tpu.memory_space<vmem>> -> memref<1x16x1024xf32, #tpu.memory_space<vmem>>
    %dma_wait3A_263 = tpu.memref_squeeze %dma_wait3A_262 : memref<1x16x1024xf32, #tpu.memory_space<vmem>> -> memref<16x1024xf32, #tpu.memory_space<vmem>>
    %dma_wait3A_264 = arith.constant 0 : i32
    %dma_wait3A_265 = tpu.memref_slice %arg5[%dma_wait3A_258, %dma_wait3A_264] : memref<16x16xi32, #tpu.memory_space<vmem>> -> memref<1x16xi32, #tpu.memory_space<vmem>>
    %dma_wait3A_266 = tpu.memref_squeeze %dma_wait3A_265 : memref<1x16xi32, #tpu.memory_space<vmem>> -> memref<16xi32, #tpu.memory_space<vmem>>
    %dma_wait3A_267 = arith.constant 0 : i32
    %dma_wait3A_268 = arith.constant 0 : i32
    %dma_wait3A_269 = tpu.memref_slice %arg2[%dma_wait3A_267, %dma_wait3A_268] : memref<8192x1024xf32, #tpu.memory_space<hbm>> -> memref<8192x1024xf32, #tpu.memory_space<hbm>>
    tpu.wait_indirect_dma semaphore(%arg12 : memref<!tpu.dma_semaphore, #tpu.memory_space<semaphore_mem>>) src(%dma_wait3A_269 : memref<8192x1024xf32, #tpu.memory_space<hbm>>) dst(%dma_wait3A_263 : memref<16x1024xf32, #tpu.memory_space<vmem>>)
    %add3A_270 = arith.constant 80 : i32
    %add3A_271 = arith.addi %mul3A_2, %add3A_270 : i32
    %dma_start3A_272 = arith.constant 5 : i32
    %dma_start3A_273 = arith.constant 0 : i32
    %dma_start3A_274 = arith.constant 0 : i32
    %dma_start3A_275 = tpu.memref_slice %arg6[%dma_start3A_272, %dma_start3A_273, %dma_start3A_274] : memref<6x16x1024xf32, #tpu.memory_space<vmem>> -> memref<1x16x1024xf32, #tpu.memory_space<vmem>>
    %dma_start3A_276 = tpu.memref_squeeze %dma_start3A_275 : memref<1x16x1024xf32, #tpu.memory_space<vmem>> -> memref<16x1024xf32, #tpu.memory_space<vmem>>
    %dma_start3A_277 = arith.constant 0 : i32
    %dma_start3A_278 = tpu.memref_slice %arg4[%add3A_271, %dma_start3A_277] : memref<8192x1024xf32, #tpu.memory_space<hbm>> -> memref<16x1024xf32, #tpu.memory_space<hbm>>
    %dma_start3A_279 = arith.constant 0 : i32
    %dma_start3A_280 = tpu.memref_slice %arg4[%add3A_271, %dma_start3A_279] : memref<8192x1024xf32, #tpu.memory_space<hbm>> -> memref<16x1024xf32, #tpu.memory_space<hbm>>
    %dma_start3A_281 = arith.constant 0 : i32
    %dma_start3A_282 = arith.constant 0 : i32
    %dma_start3A_283 = tpu.memref_slice %arg6[%dma_start3A_272, %dma_start3A_281, %dma_start3A_282] : memref<6x16x1024xf32, #tpu.memory_space<vmem>> -> memref<1x16x1024xf32, #tpu.memory_space<vmem>>
    %dma_start3A_284 = tpu.memref_squeeze %dma_start3A_283 : memref<1x16x1024xf32, #tpu.memory_space<vmem>> -> memref<16x1024xf32, #tpu.memory_space<vmem>>
    tpu.enqueue_dma source(%dma_start3A_284 : memref<16x1024xf32, #tpu.memory_space<vmem>>) target(%dma_start3A_280 : memref<16x1024xf32, #tpu.memory_space<hbm>>) target_semaphore(%arg18 : memref<!tpu.dma_semaphore, #tpu.memory_space<semaphore_mem>>)
    %dma_wait3A_285 = arith.constant 2 : i32
    %dma_wait3A_286 = arith.constant 0 : i32
    %dma_wait3A_287 = arith.constant 0 : i32
    %dma_wait3A_288 = tpu.memref_slice %arg6[%dma_wait3A_285, %dma_wait3A_286, %dma_wait3A_287] : memref<6x16x1024xf32, #tpu.memory_space<vmem>> -> memref<1x16x1024xf32, #tpu.memory_space<vmem>>
    %dma_wait3A_289 = tpu.memref_squeeze %dma_wait3A_288 : memref<1x16x1024xf32, #tpu.memory_space<vmem>> -> memref<16x1024xf32, #tpu.memory_space<vmem>>
    %dma_wait3A_290 = arith.constant 0 : i32
    %dma_wait3A_291 = tpu.memref_slice %arg4[%add3A_128, %dma_wait3A_290] : memref<8192x1024xf32, #tpu.memory_space<hbm>> -> memref<16x1024xf32, #tpu.memory_space<hbm>>
    %dma_wait3A_292 = arith.constant 0 : i32
    %dma_wait3A_293 = tpu.memref_slice %arg4[%add3A_128, %dma_wait3A_292] : memref<8192x1024xf32, #tpu.memory_space<hbm>> -> memref<16x1024xf32, #tpu.memory_space<hbm>>
    %dma_wait3A_294 = arith.constant 0 : i32
    %dma_wait3A_295 = arith.constant 0 : i32
    %dma_wait3A_296 = tpu.memref_slice %arg6[%dma_wait3A_285, %dma_wait3A_294, %dma_wait3A_295] : memref<6x16x1024xf32, #tpu.memory_space<vmem>> -> memref<1x16x1024xf32, #tpu.memory_space<vmem>>
    %dma_wait3A_297 = tpu.memref_squeeze %dma_wait3A_296 : memref<1x16x1024xf32, #tpu.memory_space<vmem>> -> memref<16x1024xf32, #tpu.memory_space<vmem>>
    tpu.wait_dma2 semaphore(%arg15 : memref<!tpu.dma_semaphore, #tpu.memory_space<semaphore_mem>>) src(%dma_wait3A_297 : memref<16x1024xf32, #tpu.memory_space<vmem>>) dst(%dma_wait3A_293 : memref<16x1024xf32, #tpu.memory_space<hbm>>)
    %dma_start3A_298 = arith.constant 8 : i32
    %dma_start3A_299 = arith.constant 2 : i32
    %dma_start3A_300 = arith.constant 0 : i32
    %dma_start3A_301 = arith.constant 0 : i32
    %dma_start3A_302 = tpu.memref_slice %arg6[%dma_start3A_299, %dma_start3A_300, %dma_start3A_301] : memref<6x16x1024xf32, #tpu.memory_space<vmem>> -> memref<1x16x1024xf32, #tpu.memory_space<vmem>>
    %dma_start3A_303 = tpu.memref_squeeze %dma_start3A_302 : memref<1x16x1024xf32, #tpu.memory_space<vmem>> -> memref<16x1024xf32, #tpu.memory_space<vmem>>
    %dma_start3A_304 = arith.constant 0 : i32
    %dma_start3A_305 = tpu.memref_slice %arg5[%dma_start3A_298, %dma_start3A_304] : memref<16x16xi32, #tpu.memory_space<vmem>> -> memref<1x16xi32, #tpu.memory_space<vmem>>
    %dma_start3A_306 = tpu.memref_squeeze %dma_start3A_305 : memref<1x16xi32, #tpu.memory_space<vmem>> -> memref<16xi32, #tpu.memory_space<vmem>>
    %dma_start3A_307 = arith.constant 0 : i32
    %dma_start3A_308 = arith.constant 0 : i32
    %dma_start3A_309 = tpu.memref_slice %arg2[%dma_start3A_307, %dma_start3A_308] : memref<8192x1024xf32, #tpu.memory_space<hbm>> -> memref<8192x1024xf32, #tpu.memory_space<hbm>>
    tpu.enqueue_indirect_dma source(%dma_start3A_309 : memref<8192x1024xf32, #tpu.memory_space<hbm>>) target(%dma_start3A_303 : memref<16x1024xf32, #tpu.memory_space<vmem>>) offsets(%dma_start3A_306 : memref<16xi32, #tpu.memory_space<vmem>>) semaphore(%arg9 : memref<!tpu.dma_semaphore, #tpu.memory_space<semaphore_mem>>)
    %dma_wait3A_310 = arith.constant 6 : i32
    %dma_wait3A_311 = arith.constant 0 : i32
    %dma_wait3A_312 = arith.constant 0 : i32
    %dma_wait3A_313 = arith.constant 0 : i32
    %dma_wait3A_314 = tpu.memref_slice %arg6[%dma_wait3A_311, %dma_wait3A_312, %dma_wait3A_313] : memref<6x16x1024xf32, #tpu.memory_space<vmem>> -> memref<1x16x1024xf32, #tpu.memory_space<vmem>>
    %dma_wait3A_315 = tpu.memref_squeeze %dma_wait3A_314 : memref<1x16x1024xf32, #tpu.memory_space<vmem>> -> memref<16x1024xf32, #tpu.memory_space<vmem>>
    %dma_wait3A_316 = arith.constant 0 : i32
    %dma_wait3A_317 = tpu.memref_slice %arg5[%dma_wait3A_310, %dma_wait3A_316] : memref<16x16xi32, #tpu.memory_space<vmem>> -> memref<1x16xi32, #tpu.memory_space<vmem>>
    %dma_wait3A_318 = tpu.memref_squeeze %dma_wait3A_317 : memref<1x16xi32, #tpu.memory_space<vmem>> -> memref<16xi32, #tpu.memory_space<vmem>>
    %dma_wait3A_319 = arith.constant 0 : i32
    %dma_wait3A_320 = arith.constant 0 : i32
    %dma_wait3A_321 = tpu.memref_slice %arg2[%dma_wait3A_319, %dma_wait3A_320] : memref<8192x1024xf32, #tpu.memory_space<hbm>> -> memref<8192x1024xf32, #tpu.memory_space<hbm>>
    tpu.wait_indirect_dma semaphore(%arg7 : memref<!tpu.dma_semaphore, #tpu.memory_space<semaphore_mem>>) src(%dma_wait3A_321 : memref<8192x1024xf32, #tpu.memory_space<hbm>>) dst(%dma_wait3A_315 : memref<16x1024xf32, #tpu.memory_space<vmem>>)
    %add3A_322 = arith.constant 96 : i32
    %add3A_323 = arith.addi %mul3A_2, %add3A_322 : i32
    %dma_start3A_324 = arith.constant 0 : i32
    %dma_start3A_325 = arith.constant 0 : i32
    %dma_start3A_326 = arith.constant 0 : i32
    %dma_start3A_327 = tpu.memref_slice %arg6[%dma_start3A_324, %dma_start3A_325, %dma_start3A_326] : memref<6x16x1024xf32, #tpu.memory_space<vmem>> -> memref<1x16x1024xf32, #tpu.memory_space<vmem>>
    %dma_start3A_328 = tpu.memref_squeeze %dma_start3A_327 : memref<1x16x1024xf32, #tpu.memory_space<vmem>> -> memref<16x1024xf32, #tpu.memory_space<vmem>>
    %dma_start3A_329 = arith.constant 0 : i32
    %dma_start3A_330 = tpu.memref_slice %arg4[%add3A_323, %dma_start3A_329] : memref<8192x1024xf32, #tpu.memory_space<hbm>> -> memref<16x1024xf32, #tpu.memory_space<hbm>>
    %dma_start3A_331 = arith.constant 0 : i32
    %dma_start3A_332 = tpu.memref_slice %arg4[%add3A_323, %dma_start3A_331] : memref<8192x1024xf32, #tpu.memory_space<hbm>> -> memref<16x1024xf32, #tpu.memory_space<hbm>>
    %dma_start3A_333 = arith.constant 0 : i32
    %dma_start3A_334 = arith.constant 0 : i32
    %dma_start3A_335 = tpu.memref_slice %arg6[%dma_start3A_324, %dma_start3A_333, %dma_start3A_334] : memref<6x16x1024xf32, #tpu.memory_space<vmem>> -> memref<1x16x1024xf32, #tpu.memory_space<vmem>>
    %dma_start3A_336 = tpu.memref_squeeze %dma_start3A_335 : memref<1x16x1024xf32, #tpu.memory_space<vmem>> -> memref<16x1024xf32, #tpu.memory_space<vmem>>
    tpu.enqueue_dma source(%dma_start3A_336 : memref<16x1024xf32, #tpu.memory_space<vmem>>) target(%dma_start3A_332 : memref<16x1024xf32, #tpu.memory_space<hbm>>) target_semaphore(%arg13 : memref<!tpu.dma_semaphore, #tpu.memory_space<semaphore_mem>>)
    %dma_wait3A_337 = arith.constant 3 : i32
    %dma_wait3A_338 = arith.constant 0 : i32
    %dma_wait3A_339 = arith.constant 0 : i32
    %dma_wait3A_340 = tpu.memref_slice %arg6[%dma_wait3A_337, %dma_wait3A_338, %dma_wait3A_339] : memref<6x16x1024xf32, #tpu.memory_space<vmem>> -> memref<1x16x1024xf32, #tpu.memory_space<vmem>>
    %dma_wait3A_341 = tpu.memref_squeeze %dma_wait3A_340 : memref<1x16x1024xf32, #tpu.memory_space<vmem>> -> memref<16x1024xf32, #tpu.memory_space<vmem>>
    %dma_wait3A_342 = arith.constant 0 : i32
    %dma_wait3A_343 = tpu.memref_slice %arg4[%add3A_167, %dma_wait3A_342] : memref<8192x1024xf32, #tpu.memory_space<hbm>> -> memref<16x1024xf32, #tpu.memory_space<hbm>>
    %dma_wait3A_344 = arith.constant 0 : i32
    %dma_wait3A_345 = tpu.memref_slice %arg4[%add3A_167, %dma_wait3A_344] : memref<8192x1024xf32, #tpu.memory_space<hbm>> -> memref<16x1024xf32, #tpu.memory_space<hbm>>
    %dma_wait3A_346 = arith.constant 0 : i32
    %dma_wait3A_347 = arith.constant 0 : i32
    %dma_wait3A_348 = tpu.memref_slice %arg6[%dma_wait3A_337, %dma_wait3A_346, %dma_wait3A_347] : memref<6x16x1024xf32, #tpu.memory_space<vmem>> -> memref<1x16x1024xf32, #tpu.memory_space<vmem>>
    %dma_wait3A_349 = tpu.memref_squeeze %dma_wait3A_348 : memref<1x16x1024xf32, #tpu.memory_space<vmem>> -> memref<16x1024xf32, #tpu.memory_space<vmem>>
    tpu.wait_dma2 semaphore(%arg16 : memref<!tpu.dma_semaphore, #tpu.memory_space<semaphore_mem>>) src(%dma_wait3A_349 : memref<16x1024xf32, #tpu.memory_space<vmem>>) dst(%dma_wait3A_345 : memref<16x1024xf32, #tpu.memory_space<hbm>>)
    %dma_start3A_350 = arith.constant 9 : i32
    %dma_start3A_351 = arith.constant 3 : i32
    %dma_start3A_352 = arith.constant 0 : i32
    %dma_start3A_353 = arith.constant 0 : i32
    %dma_start3A_354 = tpu.memref_slice %arg6[%dma_start3A_351, %dma_start3A_352, %dma_start3A_353] : memref<6x16x1024xf32, #tpu.memory_space<vmem>> -> memref<1x16x1024xf32, #tpu.memory_space<vmem>>
    %dma_start3A_355 = tpu.memref_squeeze %dma_start3A_354 : memref<1x16x1024xf32, #tpu.memory_space<vmem>> -> memref<16x1024xf32, #tpu.memory_space<vmem>>
    %dma_start3A_356 = arith.constant 0 : i32
    %dma_start3A_357 = tpu.memref_slice %arg5[%dma_start3A_350, %dma_start3A_356] : memref<16x16xi32, #tpu.memory_space<vmem>> -> memref<1x16xi32, #tpu.memory_space<vmem>>
    %dma_start3A_358 = tpu.memref_squeeze %dma_start3A_357 : memref<1x16xi32, #tpu.memory_space<vmem>> -> memref<16xi32, #tpu.memory_space<vmem>>
    %dma_start3A_359 = arith.constant 0 : i32
    %dma_start3A_360 = arith.constant 0 : i32
    %dma_start3A_361 = tpu.memref_slice %arg2[%dma_start3A_359, %dma_start3A_360] : memref<8192x1024xf32, #tpu.memory_space<hbm>> -> memref<8192x1024xf32, #tpu.memory_space<hbm>>
    tpu.enqueue_indirect_dma source(%dma_start3A_361 : memref<8192x1024xf32, #tpu.memory_space<hbm>>) target(%dma_start3A_355 : memref<16x1024xf32, #tpu.memory_space<vmem>>) offsets(%dma_start3A_358 : memref<16xi32, #tpu.memory_space<vmem>>) semaphore(%arg10 : memref<!tpu.dma_semaphore, #tpu.memory_space<semaphore_mem>>)
    %dma_wait3A_362 = arith.constant 7 : i32
    %dma_wait3A_363 = arith.constant 1 : i32
    %dma_wait3A_364 = arith.constant 0 : i32
    %dma_wait3A_365 = arith.constant 0 : i32
    %dma_wait3A_366 = tpu.memref_slice %arg6[%dma_wait3A_363, %dma_wait3A_364, %dma_wait3A_365] : memref<6x16x1024xf32, #tpu.memory_space<vmem>> -> memref<1x16x1024xf32, #tpu.memory_space<vmem>>
    %dma_wait3A_367 = tpu.memref_squeeze %dma_wait3A_366 : memref<1x16x1024xf32, #tpu.memory_space<vmem>> -> memref<16x1024xf32, #tpu.memory_space<vmem>>
    %dma_wait3A_368 = arith.constant 0 : i32
    %dma_wait3A_369 = tpu.memref_slice %arg5[%dma_wait3A_362, %dma_wait3A_368] : memref<16x16xi32, #tpu.memory_space<vmem>> -> memref<1x16xi32, #tpu.memory_space<vmem>>
    %dma_wait3A_370 = tpu.memref_squeeze %dma_wait3A_369 : memref<1x16xi32, #tpu.memory_space<vmem>> -> memref<16xi32, #tpu.memory_space<vmem>>
    %dma_wait3A_371 = arith.constant 0 : i32
    %dma_wait3A_372 = arith.constant 0 : i32
    %dma_wait3A_373 = tpu.memref_slice %arg2[%dma_wait3A_371, %dma_wait3A_372] : memref<8192x1024xf32, #tpu.memory_space<hbm>> -> memref<8192x1024xf32, #tpu.memory_space<hbm>>
    tpu.wait_indirect_dma semaphore(%arg8 : memref<!tpu.dma_semaphore, #tpu.memory_space<semaphore_mem>>) src(%dma_wait3A_373 : memref<8192x1024xf32, #tpu.memory_space<hbm>>) dst(%dma_wait3A_367 : memref<16x1024xf32, #tpu.memory_space<vmem>>)
    %add3A_374 = arith.constant 112 : i32
    %add3A_375 = arith.addi %mul3A_2, %add3A_374 : i32
    %dma_start3A_376 = arith.constant 1 : i32
    %dma_start3A_377 = arith.constant 0 : i32
    %dma_start3A_378 = arith.constant 0 : i32
    %dma_start3A_379 = tpu.memref_slice %arg6[%dma_start3A_376, %dma_start3A_377, %dma_start3A_378] : memref<6x16x1024xf32, #tpu.memory_space<vmem>> -> memref<1x16x1024xf32, #tpu.memory_space<vmem>>
    %dma_start3A_380 = tpu.memref_squeeze %dma_start3A_379 : memref<1x16x1024xf32, #tpu.memory_space<vmem>> -> memref<16x1024xf32, #tpu.memory_space<vmem>>
    %dma_start3A_381 = arith.constant 0 : i32
    %dma_start3A_382 = tpu.memref_slice %arg4[%add3A_375, %dma_start3A_381] : memref<8192x1024xf32, #tpu.memory_space<hbm>> -> memref<16x1024xf32, #tpu.memory_space<hbm>>
    %dma_start3A_383 = arith.constant 0 : i32
    %dma_start3A_384 = tpu.memref_slice %arg4[%add3A_375, %dma_start3A_383] : memref<8192x1024xf32, #tpu.memory_space<hbm>> -> memref<16x1024xf32, #tpu.memory_space<hbm>>
    %dma_start3A_385 = arith.constant 0 : i32
    %dma_start3A_386 = arith.constant 0 : i32
    %dma_start3A_387 = tpu.memref_slice %arg6[%dma_start3A_376, %dma_start3A_385, %dma_start3A_386] : memref<6x16x1024xf32, #tpu.memory_space<vmem>> -> memref<1x16x1024xf32, #tpu.memory_space<vmem>>
    %dma_start3A_388 = tpu.memref_squeeze %dma_start3A_387 : memref<1x16x1024xf32, #tpu.memory_space<vmem>> -> memref<16x1024xf32, #tpu.memory_space<vmem>>
    tpu.enqueue_dma source(%dma_start3A_388 : memref<16x1024xf32, #tpu.memory_space<vmem>>) target(%dma_start3A_384 : memref<16x1024xf32, #tpu.memory_space<hbm>>) target_semaphore(%arg14 : memref<!tpu.dma_semaphore, #tpu.memory_space<semaphore_mem>>)
    %dma_wait3A_389 = arith.constant 4 : i32
    %dma_wait3A_390 = arith.constant 0 : i32
    %dma_wait3A_391 = arith.constant 0 : i32
    %dma_wait3A_392 = tpu.memref_slice %arg6[%dma_wait3A_389, %dma_wait3A_390, %dma_wait3A_391] : memref<6x16x1024xf32, #tpu.memory_space<vmem>> -> memref<1x16x1024xf32, #tpu.memory_space<vmem>>
    %dma_wait3A_393 = tpu.memref_squeeze %dma_wait3A_392 : memref<1x16x1024xf32, #tpu.memory_space<vmem>> -> memref<16x1024xf32, #tpu.memory_space<vmem>>
    %dma_wait3A_394 = arith.constant 0 : i32
    %dma_wait3A_395 = tpu.memref_slice %arg4[%add3A_219, %dma_wait3A_394] : memref<8192x1024xf32, #tpu.memory_space<hbm>> -> memref<16x1024xf32, #tpu.memory_space<hbm>>
    %dma_wait3A_396 = arith.constant 0 : i32
    %dma_wait3A_397 = tpu.memref_slice %arg4[%add3A_219, %dma_wait3A_396] : memref<8192x1024xf32, #tpu.memory_space<hbm>> -> memref<16x1024xf32, #tpu.memory_space<hbm>>
    %dma_wait3A_398 = arith.constant 0 : i32
    %dma_wait3A_399 = arith.constant 0 : i32
    %dma_wait3A_400 = tpu.memref_slice %arg6[%dma_wait3A_389, %dma_wait3A_398, %dma_wait3A_399] : memref<6x16x1024xf32, #tpu.memory_space<vmem>> -> memref<1x16x1024xf32, #tpu.memory_space<vmem>>
    %dma_wait3A_401 = tpu.memref_squeeze %dma_wait3A_400 : memref<1x16x1024xf32, #tpu.memory_space<vmem>> -> memref<16x1024xf32, #tpu.memory_space<vmem>>
    tpu.wait_dma2 semaphore(%arg17 : memref<!tpu.dma_semaphore, #tpu.memory_space<semaphore_mem>>) src(%dma_wait3A_401 : memref<16x1024xf32, #tpu.memory_space<vmem>>) dst(%dma_wait3A_397 : memref<16x1024xf32, #tpu.memory_space<hbm>>)
    %dma_start3A_402 = arith.constant 10 : i32
    %dma_start3A_403 = arith.constant 4 : i32
    %dma_start3A_404 = arith.constant 0 : i32
    %dma_start3A_405 = arith.constant 0 : i32
    %dma_start3A_406 = tpu.memref_slice %arg6[%dma_start3A_403, %dma_start3A_404, %dma_start3A_405] : memref<6x16x1024xf32, #tpu.memory_space<vmem>> -> memref<1x16x1024xf32, #tpu.memory_space<vmem>>
    %dma_start3A_407 = tpu.memref_squeeze %dma_start3A_406 : memref<1x16x1024xf32, #tpu.memory_space<vmem>> -> memref<16x1024xf32, #tpu.memory_space<vmem>>
    %dma_start3A_408 = arith.constant 0 : i32
    %dma_start3A_409 = tpu.memref_slice %arg5[%dma_start3A_402, %dma_start3A_408] : memref<16x16xi32, #tpu.memory_space<vmem>> -> memref<1x16xi32, #tpu.memory_space<vmem>>
    %dma_start3A_410 = tpu.memref_squeeze %dma_start3A_409 : memref<1x16xi32, #tpu.memory_space<vmem>> -> memref<16xi32, #tpu.memory_space<vmem>>
    %dma_start3A_411 = arith.constant 0 : i32
    %dma_start3A_412 = arith.constant 0 : i32
    %dma_start3A_413 = tpu.memref_slice %arg2[%dma_start3A_411, %dma_start3A_412] : memref<8192x1024xf32, #tpu.memory_space<hbm>> -> memref<8192x1024xf32, #tpu.memory_space<hbm>>
    tpu.enqueue_indirect_dma source(%dma_start3A_413 : memref<8192x1024xf32, #tpu.memory_space<hbm>>) target(%dma_start3A_407 : memref<16x1024xf32, #tpu.memory_space<vmem>>) offsets(%dma_start3A_410 : memref<16xi32, #tpu.memory_space<vmem>>) semaphore(%arg11 : memref<!tpu.dma_semaphore, #tpu.memory_space<semaphore_mem>>)
    %dma_wait3A_414 = arith.constant 8 : i32
    %dma_wait3A_415 = arith.constant 2 : i32
    %dma_wait3A_416 = arith.constant 0 : i32
    %dma_wait3A_417 = arith.constant 0 : i32
    %dma_wait3A_418 = tpu.memref_slice %arg6[%dma_wait3A_415, %dma_wait3A_416, %dma_wait3A_417] : memref<6x16x1024xf32, #tpu.memory_space<vmem>> -> memref<1x16x1024xf32, #tpu.memory_space<vmem>>
    %dma_wait3A_419 = tpu.memref_squeeze %dma_wait3A_418 : memref<1x16x1024xf32, #tpu.memory_space<vmem>> -> memref<16x1024xf32, #tpu.memory_space<vmem>>
    %dma_wait3A_420 = arith.constant 0 : i32
    %dma_wait3A_421 = tpu.memref_slice %arg5[%dma_wait3A_414, %dma_wait3A_420] : memref<16x16xi32, #tpu.memory_space<vmem>> -> memref<1x16xi32, #tpu.memory_space<vmem>>
    %dma_wait3A_422 = tpu.memref_squeeze %dma_wait3A_421 : memref<1x16xi32, #tpu.memory_space<vmem>> -> memref<16xi32, #tpu.memory_space<vmem>>
    %dma_wait3A_423 = arith.constant 0 : i32
    %dma_wait3A_424 = arith.constant 0 : i32
    %dma_wait3A_425 = tpu.memref_slice %arg2[%dma_wait3A_423, %dma_wait3A_424] : memref<8192x1024xf32, #tpu.memory_space<hbm>> -> memref<8192x1024xf32, #tpu.memory_space<hbm>>
    tpu.wait_indirect_dma semaphore(%arg9 : memref<!tpu.dma_semaphore, #tpu.memory_space<semaphore_mem>>) src(%dma_wait3A_425 : memref<8192x1024xf32, #tpu.memory_space<hbm>>) dst(%dma_wait3A_419 : memref<16x1024xf32, #tpu.memory_space<vmem>>)
    %add3A_426 = arith.constant 128 : i32
    %add3A_427 = arith.addi %mul3A_2, %add3A_426 : i32
    %dma_start3A_428 = arith.constant 2 : i32
    %dma_start3A_429 = arith.constant 0 : i32
    %dma_start3A_430 = arith.constant 0 : i32
    %dma_start3A_431 = tpu.memref_slice %arg6[%dma_start3A_428, %dma_start3A_429, %dma_start3A_430] : memref<6x16x1024xf32, #tpu.memory_space<vmem>> -> memref<1x16x1024xf32, #tpu.memory_space<vmem>>
    %dma_start3A_432 = tpu.memref_squeeze %dma_start3A_431 : memref<1x16x1024xf32, #tpu.memory_space<vmem>> -> memref<16x1024xf32, #tpu.memory_space<vmem>>
    %dma_start3A_433 = arith.constant 0 : i32
    %dma_start3A_434 = tpu.memref_slice %arg4[%add3A_427, %dma_start3A_433] : memref<8192x1024xf32, #tpu.memory_space<hbm>> -> memref<16x1024xf32, #tpu.memory_space<hbm>>
    %dma_start3A_435 = arith.constant 0 : i32
    %dma_start3A_436 = tpu.memref_slice %arg4[%add3A_427, %dma_start3A_435] : memref<8192x1024xf32, #tpu.memory_space<hbm>> -> memref<16x1024xf32, #tpu.memory_space<hbm>>
    %dma_start3A_437 = arith.constant 0 : i32
    %dma_start3A_438 = arith.constant 0 : i32
    %dma_start3A_439 = tpu.memref_slice %arg6[%dma_start3A_428, %dma_start3A_437, %dma_start3A_438] : memref<6x16x1024xf32, #tpu.memory_space<vmem>> -> memref<1x16x1024xf32, #tpu.memory_space<vmem>>
    %dma_start3A_440 = tpu.memref_squeeze %dma_start3A_439 : memref<1x16x1024xf32, #tpu.memory_space<vmem>> -> memref<16x1024xf32, #tpu.memory_space<vmem>>
    tpu.enqueue_dma source(%dma_start3A_440 : memref<16x1024xf32, #tpu.memory_space<vmem>>) target(%dma_start3A_436 : memref<16x1024xf32, #tpu.memory_space<hbm>>) target_semaphore(%arg15 : memref<!tpu.dma_semaphore, #tpu.memory_space<semaphore_mem>>)
    %dma_wait3A_441 = arith.constant 5 : i32
    %dma_wait3A_442 = arith.constant 0 : i32
    %dma_wait3A_443 = arith.constant 0 : i32
    %dma_wait3A_444 = tpu.memref_slice %arg6[%dma_wait3A_441, %dma_wait3A_442, %dma_wait3A_443] : memref<6x16x1024xf32, #tpu.memory_space<vmem>> -> memref<1x16x1024xf32, #tpu.memory_space<vmem>>
    %dma_wait3A_445 = tpu.memref_squeeze %dma_wait3A_444 : memref<1x16x1024xf32, #tpu.memory_space<vmem>> -> memref<16x1024xf32, #tpu.memory_space<vmem>>
    %dma_wait3A_446 = arith.constant 0 : i32
    %dma_wait3A_447 = tpu.memref_slice %arg4[%add3A_271, %dma_wait3A_446] : memref<8192x1024xf32, #tpu.memory_space<hbm>> -> memref<16x1024xf32, #tpu.memory_space<hbm>>
    %dma_wait3A_448 = arith.constant 0 : i32
    %dma_wait3A_449 = tpu.memref_slice %arg4[%add3A_271, %dma_wait3A_448] : memref<8192x1024xf32, #tpu.memory_space<hbm>> -> memref<16x1024xf32, #tpu.memory_space<hbm>>
    %dma_wait3A_450 = arith.constant 0 : i32
    %dma_wait3A_451 = arith.constant 0 : i32
    %dma_wait3A_452 = tpu.memref_slice %arg6[%dma_wait3A_441, %dma_wait3A_450, %dma_wait3A_451] : memref<6x16x1024xf32, #tpu.memory_space<vmem>> -> memref<1x16x1024xf32, #tpu.memory_space<vmem>>
    %dma_wait3A_453 = tpu.memref_squeeze %dma_wait3A_452 : memref<1x16x1024xf32, #tpu.memory_space<vmem>> -> memref<16x1024xf32, #tpu.memory_space<vmem>>
    tpu.wait_dma2 semaphore(%arg18 : memref<!tpu.dma_semaphore, #tpu.memory_space<semaphore_mem>>) src(%dma_wait3A_453 : memref<16x1024xf32, #tpu.memory_space<vmem>>) dst(%dma_wait3A_449 : memref<16x1024xf32, #tpu.memory_space<hbm>>)
    %dma_start3A_454 = arith.constant 11 : i32
    %dma_start3A_455 = arith.constant 5 : i32
    %dma_start3A_456 = arith.constant 0 : i32
    %dma_start3A_457 = arith.constant 0 : i32
    %dma_start3A_458 = tpu.memref_slice %arg6[%dma_start3A_455, %dma_start3A_456, %dma_start3A_457] : memref<6x16x1024xf32, #tpu.memory_space<vmem>> -> memref<1x16x1024xf32, #tpu.memory_space<vmem>>
    %dma_start3A_459 = tpu.memref_squeeze %dma_start3A_458 : memref<1x16x1024xf32, #tpu.memory_space<vmem>> -> memref<16x1024xf32, #tpu.memory_space<vmem>>
    %dma_start3A_460 = arith.constant 0 : i32
    %dma_start3A_461 = tpu.memref_slice %arg5[%dma_start3A_454, %dma_start3A_460] : memref<16x16xi32, #tpu.memory_space<vmem>> -> memref<1x16xi32, #tpu.memory_space<vmem>>
    %dma_start3A_462 = tpu.memref_squeeze %dma_start3A_461 : memref<1x16xi32, #tpu.memory_space<vmem>> -> memref<16xi32, #tpu.memory_space<vmem>>
    %dma_start3A_463 = arith.constant 0 : i32
    %dma_start3A_464 = arith.constant 0 : i32
    %dma_start3A_465 = tpu.memref_slice %arg2[%dma_start3A_463, %dma_start3A_464] : memref<8192x1024xf32, #tpu.memory_space<hbm>> -> memref<8192x1024xf32, #tpu.memory_space<hbm>>
    tpu.enqueue_indirect_dma source(%dma_start3A_465 : memref<8192x1024xf32, #tpu.memory_space<hbm>>) target(%dma_start3A_459 : memref<16x1024xf32, #tpu.memory_space<vmem>>) offsets(%dma_start3A_462 : memref<16xi32, #tpu.memory_space<vmem>>) semaphore(%arg12 : memref<!tpu.dma_semaphore, #tpu.memory_space<semaphore_mem>>)
    %dma_wait3A_466 = arith.constant 9 : i32
    %dma_wait3A_467 = arith.constant 3 : i32
    %dma_wait3A_468 = arith.constant 0 : i32
    %dma_wait3A_469 = arith.constant 0 : i32
    %dma_wait3A_470 = tpu.memref_slice %arg6[%dma_wait3A_467, %dma_wait3A_468, %dma_wait3A_469] : memref<6x16x1024xf32, #tpu.memory_space<vmem>> -> memref<1x16x1024xf32, #tpu.memory_space<vmem>>
    %dma_wait3A_471 = tpu.memref_squeeze %dma_wait3A_470 : memref<1x16x1024xf32, #tpu.memory_space<vmem>> -> memref<16x1024xf32, #tpu.memory_space<vmem>>
    %dma_wait3A_472 = arith.constant 0 : i32
    %dma_wait3A_473 = tpu.memref_slice %arg5[%dma_wait3A_466, %dma_wait3A_472] : memref<16x16xi32, #tpu.memory_space<vmem>> -> memref<1x16xi32, #tpu.memory_space<vmem>>
    %dma_wait3A_474 = tpu.memref_squeeze %dma_wait3A_473 : memref<1x16xi32, #tpu.memory_space<vmem>> -> memref<16xi32, #tpu.memory_space<vmem>>
    %dma_wait3A_475 = arith.constant 0 : i32
    %dma_wait3A_476 = arith.constant 0 : i32
    %dma_wait3A_477 = tpu.memref_slice %arg2[%dma_wait3A_475, %dma_wait3A_476] : memref<8192x1024xf32, #tpu.memory_space<hbm>> -> memref<8192x1024xf32, #tpu.memory_space<hbm>>
    tpu.wait_indirect_dma semaphore(%arg10 : memref<!tpu.dma_semaphore, #tpu.memory_space<semaphore_mem>>) src(%dma_wait3A_477 : memref<8192x1024xf32, #tpu.memory_space<hbm>>) dst(%dma_wait3A_471 : memref<16x1024xf32, #tpu.memory_space<vmem>>)
    %add3A_478 = arith.constant 144 : i32
    %add3A_479 = arith.addi %mul3A_2, %add3A_478 : i32
    %dma_start3A_480 = arith.constant 3 : i32
    %dma_start3A_481 = arith.constant 0 : i32
    %dma_start3A_482 = arith.constant 0 : i32
    %dma_start3A_483 = tpu.memref_slice %arg6[%dma_start3A_480, %dma_start3A_481, %dma_start3A_482] : memref<6x16x1024xf32, #tpu.memory_space<vmem>> -> memref<1x16x1024xf32, #tpu.memory_space<vmem>>
    %dma_start3A_484 = tpu.memref_squeeze %dma_start3A_483 : memref<1x16x1024xf32, #tpu.memory_space<vmem>> -> memref<16x1024xf32, #tpu.memory_space<vmem>>
    %dma_start3A_485 = arith.constant 0 : i32
    %dma_start3A_486 = tpu.memref_slice %arg4[%add3A_479, %dma_start3A_485] : memref<8192x1024xf32, #tpu.memory_space<hbm>> -> memref<16x1024xf32, #tpu.memory_space<hbm>>
    %dma_start3A_487 = arith.constant 0 : i32
    %dma_start3A_488 = tpu.memref_slice %arg4[%add3A_479, %dma_start3A_487] : memref<8192x1024xf32, #tpu.memory_space<hbm>> -> memref<16x1024xf32, #tpu.memory_space<hbm>>
    %dma_start3A_489 = arith.constant 0 : i32
    %dma_start3A_490 = arith.constant 0 : i32
    %dma_start3A_491 = tpu.memref_slice %arg6[%dma_start3A_480, %dma_start3A_489, %dma_start3A_490] : memref<6x16x1024xf32, #tpu.memory_space<vmem>> -> memref<1x16x1024xf32, #tpu.memory_space<vmem>>
    %dma_start3A_492 = tpu.memref_squeeze %dma_start3A_491 : memref<1x16x1024xf32, #tpu.memory_space<vmem>> -> memref<16x1024xf32, #tpu.memory_space<vmem>>
    tpu.enqueue_dma source(%dma_start3A_492 : memref<16x1024xf32, #tpu.memory_space<vmem>>) target(%dma_start3A_488 : memref<16x1024xf32, #tpu.memory_space<hbm>>) target_semaphore(%arg16 : memref<!tpu.dma_semaphore, #tpu.memory_space<semaphore_mem>>)
    %dma_wait3A_493 = arith.constant 0 : i32
    %dma_wait3A_494 = arith.constant 0 : i32
    %dma_wait3A_495 = arith.constant 0 : i32
    %dma_wait3A_496 = tpu.memref_slice %arg6[%dma_wait3A_493, %dma_wait3A_494, %dma_wait3A_495] : memref<6x16x1024xf32, #tpu.memory_space<vmem>> -> memref<1x16x1024xf32, #tpu.memory_space<vmem>>
    %dma_wait3A_497 = tpu.memref_squeeze %dma_wait3A_496 : memref<1x16x1024xf32, #tpu.memory_space<vmem>> -> memref<16x1024xf32, #tpu.memory_space<vmem>>
    %dma_wait3A_498 = arith.constant 0 : i32
    %dma_wait3A_499 = tpu.memref_slice %arg4[%add3A_323, %dma_wait3A_498] : memref<8192x1024xf32, #tpu.memory_space<hbm>> -> memref<16x1024xf32, #tpu.memory_space<hbm>>
    %dma_wait3A_500 = arith.constant 0 : i32
    %dma_wait3A_501 = tpu.memref_slice %arg4[%add3A_323, %dma_wait3A_500] : memref<8192x1024xf32, #tpu.memory_space<hbm>> -> memref<16x1024xf32, #tpu.memory_space<hbm>>
    %dma_wait3A_502 = arith.constant 0 : i32
    %dma_wait3A_503 = arith.constant 0 : i32
    %dma_wait3A_504 = tpu.memref_slice %arg6[%dma_wait3A_493, %dma_wait3A_502, %dma_wait3A_503] : memref<6x16x1024xf32, #tpu.memory_space<vmem>> -> memref<1x16x1024xf32, #tpu.memory_space<vmem>>
    %dma_wait3A_505 = tpu.memref_squeeze %dma_wait3A_504 : memref<1x16x1024xf32, #tpu.memory_space<vmem>> -> memref<16x1024xf32, #tpu.memory_space<vmem>>
    tpu.wait_dma2 semaphore(%arg13 : memref<!tpu.dma_semaphore, #tpu.memory_space<semaphore_mem>>) src(%dma_wait3A_505 : memref<16x1024xf32, #tpu.memory_space<vmem>>) dst(%dma_wait3A_501 : memref<16x1024xf32, #tpu.memory_space<hbm>>)
    %dma_start3A_506 = arith.constant 12 : i32
    %dma_start3A_507 = arith.constant 0 : i32
    %dma_start3A_508 = arith.constant 0 : i32
    %dma_start3A_509 = arith.constant 0 : i32
    %dma_start3A_510 = tpu.memref_slice %arg6[%dma_start3A_507, %dma_start3A_508, %dma_start3A_509] : memref<6x16x1024xf32, #tpu.memory_space<vmem>> -> memref<1x16x1024xf32, #tpu.memory_space<vmem>>
    %dma_start3A_511 = tpu.memref_squeeze %dma_start3A_510 : memref<1x16x1024xf32, #tpu.memory_space<vmem>> -> memref<16x1024xf32, #tpu.memory_space<vmem>>
    %dma_start3A_512 = arith.constant 0 : i32
    %dma_start3A_513 = tpu.memref_slice %arg5[%dma_start3A_506, %dma_start3A_512] : memref<16x16xi32, #tpu.memory_space<vmem>> -> memref<1x16xi32, #tpu.memory_space<vmem>>
    %dma_start3A_514 = tpu.memref_squeeze %dma_start3A_513 : memref<1x16xi32, #tpu.memory_space<vmem>> -> memref<16xi32, #tpu.memory_space<vmem>>
    %dma_start3A_515 = arith.constant 0 : i32
    %dma_start3A_516 = arith.constant 0 : i32
    %dma_start3A_517 = tpu.memref_slice %arg2[%dma_start3A_515, %dma_start3A_516] : memref<8192x1024xf32, #tpu.memory_space<hbm>> -> memref<8192x1024xf32, #tpu.memory_space<hbm>>
    tpu.enqueue_indirect_dma source(%dma_start3A_517 : memref<8192x1024xf32, #tpu.memory_space<hbm>>) target(%dma_start3A_511 : memref<16x1024xf32, #tpu.memory_space<vmem>>) offsets(%dma_start3A_514 : memref<16xi32, #tpu.memory_space<vmem>>) semaphore(%arg7 : memref<!tpu.dma_semaphore, #tpu.memory_space<semaphore_mem>>)
    %dma_wait3A_518 = arith.constant 10 : i32
    %dma_wait3A_519 = arith.constant 4 : i32
    %dma_wait3A_520 = arith.constant 0 : i32
    %dma_wait3A_521 = arith.constant 0 : i32
    %dma_wait3A_522 = tpu.memref_slice %arg6[%dma_wait3A_519, %dma_wait3A_520, %dma_wait3A_521] : memref<6x16x1024xf32, #tpu.memory_space<vmem>> -> memref<1x16x1024xf32, #tpu.memory_space<vmem>>
    %dma_wait3A_523 = tpu.memref_squeeze %dma_wait3A_522 : memref<1x16x1024xf32, #tpu.memory_space<vmem>> -> memref<16x1024xf32, #tpu.memory_space<vmem>>
    %dma_wait3A_524 = arith.constant 0 : i32
    %dma_wait3A_525 = tpu.memref_slice %arg5[%dma_wait3A_518, %dma_wait3A_524] : memref<16x16xi32, #tpu.memory_space<vmem>> -> memref<1x16xi32, #tpu.memory_space<vmem>>
    %dma_wait3A_526 = tpu.memref_squeeze %dma_wait3A_525 : memref<1x16xi32, #tpu.memory_space<vmem>> -> memref<16xi32, #tpu.memory_space<vmem>>
    %dma_wait3A_527 = arith.constant 0 : i32
    %dma_wait3A_528 = arith.constant 0 : i32
    %dma_wait3A_529 = tpu.memref_slice %arg2[%dma_wait3A_527, %dma_wait3A_528] : memref<8192x1024xf32, #tpu.memory_space<hbm>> -> memref<8192x1024xf32, #tpu.memory_space<hbm>>
    tpu.wait_indirect_dma semaphore(%arg11 : memref<!tpu.dma_semaphore, #tpu.memory_space<semaphore_mem>>) src(%dma_wait3A_529 : memref<8192x1024xf32, #tpu.memory_space<hbm>>) dst(%dma_wait3A_523 : memref<16x1024xf32, #tpu.memory_space<vmem>>)
    %add3A_530 = arith.constant 160 : i32
    %add3A_531 = arith.addi %mul3A_2, %add3A_530 : i32
    %dma_start3A_532 = arith.constant 4 : i32
    %dma_start3A_533 = arith.constant 0 : i32
    %dma_start3A_534 = arith.constant 0 : i32
    %dma_start3A_535 = tpu.memref_slice %arg6[%dma_start3A_532, %dma_start3A_533, %dma_start3A_534] : memref<6x16x1024xf32, #tpu.memory_space<vmem>> -> memref<1x16x1024xf32, #tpu.memory_space<vmem>>
    %dma_start3A_536 = tpu.memref_squeeze %dma_start3A_535 : memref<1x16x1024xf32, #tpu.memory_space<vmem>> -> memref<16x1024xf32, #tpu.memory_space<vmem>>
    %dma_start3A_537 = arith.constant 0 : i32
    %dma_start3A_538 = tpu.memref_slice %arg4[%add3A_531, %dma_start3A_537] : memref<8192x1024xf32, #tpu.memory_space<hbm>> -> memref<16x1024xf32, #tpu.memory_space<hbm>>
    %dma_start3A_539 = arith.constant 0 : i32
    %dma_start3A_540 = tpu.memref_slice %arg4[%add3A_531, %dma_start3A_539] : memref<8192x1024xf32, #tpu.memory_space<hbm>> -> memref<16x1024xf32, #tpu.memory_space<hbm>>
    %dma_start3A_541 = arith.constant 0 : i32
    %dma_start3A_542 = arith.constant 0 : i32
    %dma_start3A_543 = tpu.memref_slice %arg6[%dma_start3A_532, %dma_start3A_541, %dma_start3A_542] : memref<6x16x1024xf32, #tpu.memory_space<vmem>> -> memref<1x16x1024xf32, #tpu.memory_space<vmem>>
    %dma_start3A_544 = tpu.memref_squeeze %dma_start3A_543 : memref<1x16x1024xf32, #tpu.memory_space<vmem>> -> memref<16x1024xf32, #tpu.memory_space<vmem>>
    tpu.enqueue_dma source(%dma_start3A_544 : memref<16x1024xf32, #tpu.memory_space<vmem>>) target(%dma_start3A_540 : memref<16x1024xf32, #tpu.memory_space<hbm>>) target_semaphore(%arg17 : memref<!tpu.dma_semaphore, #tpu.memory_space<semaphore_mem>>)
    %dma_wait3A_545 = arith.constant 1 : i32
    %dma_wait3A_546 = arith.constant 0 : i32
    %dma_wait3A_547 = arith.constant 0 : i32
    %dma_wait3A_548 = tpu.memref_slice %arg6[%dma_wait3A_545, %dma_wait3A_546, %dma_wait3A_547] : memref<6x16x1024xf32, #tpu.memory_space<vmem>> -> memref<1x16x1024xf32, #tpu.memory_space<vmem>>
    %dma_wait3A_549 = tpu.memref_squeeze %dma_wait3A_548 : memref<1x16x1024xf32, #tpu.memory_space<vmem>> -> memref<16x1024xf32, #tpu.memory_space<vmem>>
    %dma_wait3A_550 = arith.constant 0 : i32
    %dma_wait3A_551 = tpu.memref_slice %arg4[%add3A_375, %dma_wait3A_550] : memref<8192x1024xf32, #tpu.memory_space<hbm>> -> memref<16x1024xf32, #tpu.memory_space<hbm>>
    %dma_wait3A_552 = arith.constant 0 : i32
    %dma_wait3A_553 = tpu.memref_slice %arg4[%add3A_375, %dma_wait3A_552] : memref<8192x1024xf32, #tpu.memory_space<hbm>> -> memref<16x1024xf32, #tpu.memory_space<hbm>>
    %dma_wait3A_554 = arith.constant 0 : i32
    %dma_wait3A_555 = arith.constant 0 : i32
    %dma_wait3A_556 = tpu.memref_slice %arg6[%dma_wait3A_545, %dma_wait3A_554, %dma_wait3A_555] : memref<6x16x1024xf32, #tpu.memory_space<vmem>> -> memref<1x16x1024xf32, #tpu.memory_space<vmem>>
    %dma_wait3A_557 = tpu.memref_squeeze %dma_wait3A_556 : memref<1x16x1024xf32, #tpu.memory_space<vmem>> -> memref<16x1024xf32, #tpu.memory_space<vmem>>
    tpu.wait_dma2 semaphore(%arg14 : memref<!tpu.dma_semaphore, #tpu.memory_space<semaphore_mem>>) src(%dma_wait3A_557 : memref<16x1024xf32, #tpu.memory_space<vmem>>) dst(%dma_wait3A_553 : memref<16x1024xf32, #tpu.memory_space<hbm>>)
    %dma_start3A_558 = arith.constant 13 : i32
    %dma_start3A_559 = arith.constant 1 : i32
    %dma_start3A_560 = arith.constant 0 : i32
    %dma_start3A_561 = arith.constant 0 : i32
    %dma_start3A_562 = tpu.memref_slice %arg6[%dma_start3A_559, %dma_start3A_560, %dma_start3A_561] : memref<6x16x1024xf32, #tpu.memory_space<vmem>> -> memref<1x16x1024xf32, #tpu.memory_space<vmem>>
    %dma_start3A_563 = tpu.memref_squeeze %dma_start3A_562 : memref<1x16x1024xf32, #tpu.memory_space<vmem>> -> memref<16x1024xf32, #tpu.memory_space<vmem>>
    %dma_start3A_564 = arith.constant 0 : i32
    %dma_start3A_565 = tpu.memref_slice %arg5[%dma_start3A_558, %dma_start3A_564] : memref<16x16xi32, #tpu.memory_space<vmem>> -> memref<1x16xi32, #tpu.memory_space<vmem>>
    %dma_start3A_566 = tpu.memref_squeeze %dma_start3A_565 : memref<1x16xi32, #tpu.memory_space<vmem>> -> memref<16xi32, #tpu.memory_space<vmem>>
    %dma_start3A_567 = arith.constant 0 : i32
    %dma_start3A_568 = arith.constant 0 : i32
    %dma_start3A_569 = tpu.memref_slice %arg2[%dma_start3A_567, %dma_start3A_568] : memref<8192x1024xf32, #tpu.memory_space<hbm>> -> memref<8192x1024xf32, #tpu.memory_space<hbm>>
    tpu.enqueue_indirect_dma source(%dma_start3A_569 : memref<8192x1024xf32, #tpu.memory_space<hbm>>) target(%dma_start3A_563 : memref<16x1024xf32, #tpu.memory_space<vmem>>) offsets(%dma_start3A_566 : memref<16xi32, #tpu.memory_space<vmem>>) semaphore(%arg8 : memref<!tpu.dma_semaphore, #tpu.memory_space<semaphore_mem>>)
    %dma_wait3A_570 = arith.constant 11 : i32
    %dma_wait3A_571 = arith.constant 5 : i32
    %dma_wait3A_572 = arith.constant 0 : i32
    %dma_wait3A_573 = arith.constant 0 : i32
    %dma_wait3A_574 = tpu.memref_slice %arg6[%dma_wait3A_571, %dma_wait3A_572, %dma_wait3A_573] : memref<6x16x1024xf32, #tpu.memory_space<vmem>> -> memref<1x16x1024xf32, #tpu.memory_space<vmem>>
    %dma_wait3A_575 = tpu.memref_squeeze %dma_wait3A_574 : memref<1x16x1024xf32, #tpu.memory_space<vmem>> -> memref<16x1024xf32, #tpu.memory_space<vmem>>
    %dma_wait3A_576 = arith.constant 0 : i32
    %dma_wait3A_577 = tpu.memref_slice %arg5[%dma_wait3A_570, %dma_wait3A_576] : memref<16x16xi32, #tpu.memory_space<vmem>> -> memref<1x16xi32, #tpu.memory_space<vmem>>
    %dma_wait3A_578 = tpu.memref_squeeze %dma_wait3A_577 : memref<1x16xi32, #tpu.memory_space<vmem>> -> memref<16xi32, #tpu.memory_space<vmem>>
    %dma_wait3A_579 = arith.constant 0 : i32
    %dma_wait3A_580 = arith.constant 0 : i32
    %dma_wait3A_581 = tpu.memref_slice %arg2[%dma_wait3A_579, %dma_wait3A_580] : memref<8192x1024xf32, #tpu.memory_space<hbm>> -> memref<8192x1024xf32, #tpu.memory_space<hbm>>
    tpu.wait_indirect_dma semaphore(%arg12 : memref<!tpu.dma_semaphore, #tpu.memory_space<semaphore_mem>>) src(%dma_wait3A_581 : memref<8192x1024xf32, #tpu.memory_space<hbm>>) dst(%dma_wait3A_575 : memref<16x1024xf32, #tpu.memory_space<vmem>>)
    %add3A_582 = arith.constant 176 : i32
    %add3A_583 = arith.addi %mul3A_2, %add3A_582 : i32
    %dma_start3A_584 = arith.constant 5 : i32
    %dma_start3A_585 = arith.constant 0 : i32
    %dma_start3A_586 = arith.constant 0 : i32
    %dma_start3A_587 = tpu.memref_slice %arg6[%dma_start3A_584, %dma_start3A_585, %dma_start3A_586] : memref<6x16x1024xf32, #tpu.memory_space<vmem>> -> memref<1x16x1024xf32, #tpu.memory_space<vmem>>
    %dma_start3A_588 = tpu.memref_squeeze %dma_start3A_587 : memref<1x16x1024xf32, #tpu.memory_space<vmem>> -> memref<16x1024xf32, #tpu.memory_space<vmem>>
    %dma_start3A_589 = arith.constant 0 : i32
    %dma_start3A_590 = tpu.memref_slice %arg4[%add3A_583, %dma_start3A_589] : memref<8192x1024xf32, #tpu.memory_space<hbm>> -> memref<16x1024xf32, #tpu.memory_space<hbm>>
    %dma_start3A_591 = arith.constant 0 : i32
    %dma_start3A_592 = tpu.memref_slice %arg4[%add3A_583, %dma_start3A_591] : memref<8192x1024xf32, #tpu.memory_space<hbm>> -> memref<16x1024xf32, #tpu.memory_space<hbm>>
    %dma_start3A_593 = arith.constant 0 : i32
    %dma_start3A_594 = arith.constant 0 : i32
    %dma_start3A_595 = tpu.memref_slice %arg6[%dma_start3A_584, %dma_start3A_593, %dma_start3A_594] : memref<6x16x1024xf32, #tpu.memory_space<vmem>> -> memref<1x16x1024xf32, #tpu.memory_space<vmem>>
    %dma_start3A_596 = tpu.memref_squeeze %dma_start3A_595 : memref<1x16x1024xf32, #tpu.memory_space<vmem>> -> memref<16x1024xf32, #tpu.memory_space<vmem>>
    tpu.enqueue_dma source(%dma_start3A_596 : memref<16x1024xf32, #tpu.memory_space<vmem>>) target(%dma_start3A_592 : memref<16x1024xf32, #tpu.memory_space<hbm>>) target_semaphore(%arg18 : memref<!tpu.dma_semaphore, #tpu.memory_space<semaphore_mem>>)
    %dma_wait3A_597 = arith.constant 2 : i32
    %dma_wait3A_598 = arith.constant 0 : i32
    %dma_wait3A_599 = arith.constant 0 : i32
    %dma_wait3A_600 = tpu.memref_slice %arg6[%dma_wait3A_597, %dma_wait3A_598, %dma_wait3A_599] : memref<6x16x1024xf32, #tpu.memory_space<vmem>> -> memref<1x16x1024xf32, #tpu.memory_space<vmem>>
    %dma_wait3A_601 = tpu.memref_squeeze %dma_wait3A_600 : memref<1x16x1024xf32, #tpu.memory_space<vmem>> -> memref<16x1024xf32, #tpu.memory_space<vmem>>
    %dma_wait3A_602 = arith.constant 0 : i32
    %dma_wait3A_603 = tpu.memref_slice %arg4[%add3A_427, %dma_wait3A_602] : memref<8192x1024xf32, #tpu.memory_space<hbm>> -> memref<16x1024xf32, #tpu.memory_space<hbm>>
    %dma_wait3A_604 = arith.constant 0 : i32
    %dma_wait3A_605 = tpu.memref_slice %arg4[%add3A_427, %dma_wait3A_604] : memref<8192x1024xf32, #tpu.memory_space<hbm>> -> memref<16x1024xf32, #tpu.memory_space<hbm>>
    %dma_wait3A_606 = arith.constant 0 : i32
    %dma_wait3A_607 = arith.constant 0 : i32
    %dma_wait3A_608 = tpu.memref_slice %arg6[%dma_wait3A_597, %dma_wait3A_606, %dma_wait3A_607] : memref<6x16x1024xf32, #tpu.memory_space<vmem>> -> memref<1x16x1024xf32, #tpu.memory_space<vmem>>
    %dma_wait3A_609 = tpu.memref_squeeze %dma_wait3A_608 : memref<1x16x1024xf32, #tpu.memory_space<vmem>> -> memref<16x1024xf32, #tpu.memory_space<vmem>>
    tpu.wait_dma2 semaphore(%arg15 : memref<!tpu.dma_semaphore, #tpu.memory_space<semaphore_mem>>) src(%dma_wait3A_609 : memref<16x1024xf32, #tpu.memory_space<vmem>>) dst(%dma_wait3A_605 : memref<16x1024xf32, #tpu.memory_space<hbm>>)
    %dma_start3A_610 = arith.constant 14 : i32
    %dma_start3A_611 = arith.constant 2 : i32
    %dma_start3A_612 = arith.constant 0 : i32
    %dma_start3A_613 = arith.constant 0 : i32
    %dma_start3A_614 = tpu.memref_slice %arg6[%dma_start3A_611, %dma_start3A_612, %dma_start3A_613] : memref<6x16x1024xf32, #tpu.memory_space<vmem>> -> memref<1x16x1024xf32, #tpu.memory_space<vmem>>
    %dma_start3A_615 = tpu.memref_squeeze %dma_start3A_614 : memref<1x16x1024xf32, #tpu.memory_space<vmem>> -> memref<16x1024xf32, #tpu.memory_space<vmem>>
    %dma_start3A_616 = arith.constant 0 : i32
    %dma_start3A_617 = tpu.memref_slice %arg5[%dma_start3A_610, %dma_start3A_616] : memref<16x16xi32, #tpu.memory_space<vmem>> -> memref<1x16xi32, #tpu.memory_space<vmem>>
    %dma_start3A_618 = tpu.memref_squeeze %dma_start3A_617 : memref<1x16xi32, #tpu.memory_space<vmem>> -> memref<16xi32, #tpu.memory_space<vmem>>
    %dma_start3A_619 = arith.constant 0 : i32
    %dma_start3A_620 = arith.constant 0 : i32
    %dma_start3A_621 = tpu.memref_slice %arg2[%dma_start3A_619, %dma_start3A_620] : memref<8192x1024xf32, #tpu.memory_space<hbm>> -> memref<8192x1024xf32, #tpu.memory_space<hbm>>
    tpu.enqueue_indirect_dma source(%dma_start3A_621 : memref<8192x1024xf32, #tpu.memory_space<hbm>>) target(%dma_start3A_615 : memref<16x1024xf32, #tpu.memory_space<vmem>>) offsets(%dma_start3A_618 : memref<16xi32, #tpu.memory_space<vmem>>) semaphore(%arg9 : memref<!tpu.dma_semaphore, #tpu.memory_space<semaphore_mem>>)
    %dma_wait3A_622 = arith.constant 12 : i32
    %dma_wait3A_623 = arith.constant 0 : i32
    %dma_wait3A_624 = arith.constant 0 : i32
    %dma_wait3A_625 = arith.constant 0 : i32
    %dma_wait3A_626 = tpu.memref_slice %arg6[%dma_wait3A_623, %dma_wait3A_624, %dma_wait3A_625] : memref<6x16x1024xf32, #tpu.memory_space<vmem>> -> memref<1x16x1024xf32, #tpu.memory_space<vmem>>
    %dma_wait3A_627 = tpu.memref_squeeze %dma_wait3A_626 : memref<1x16x1024xf32, #tpu.memory_space<vmem>> -> memref<16x1024xf32, #tpu.memory_space<vmem>>
    %dma_wait3A_628 = arith.constant 0 : i32
    %dma_wait3A_629 = tpu.memref_slice %arg5[%dma_wait3A_622, %dma_wait3A_628] : memref<16x16xi32, #tpu.memory_space<vmem>> -> memref<1x16xi32, #tpu.memory_space<vmem>>
    %dma_wait3A_630 = tpu.memref_squeeze %dma_wait3A_629 : memref<1x16xi32, #tpu.memory_space<vmem>> -> memref<16xi32, #tpu.memory_space<vmem>>
    %dma_wait3A_631 = arith.constant 0 : i32
    %dma_wait3A_632 = arith.constant 0 : i32
    %dma_wait3A_633 = tpu.memref_slice %arg2[%dma_wait3A_631, %dma_wait3A_632] : memref<8192x1024xf32, #tpu.memory_space<hbm>> -> memref<8192x1024xf32, #tpu.memory_space<hbm>>
    tpu.wait_indirect_dma semaphore(%arg7 : memref<!tpu.dma_semaphore, #tpu.memory_space<semaphore_mem>>) src(%dma_wait3A_633 : memref<8192x1024xf32, #tpu.memory_space<hbm>>) dst(%dma_wait3A_627 : memref<16x1024xf32, #tpu.memory_space<vmem>>)
    %add3A_634 = arith.constant 192 : i32
    %add3A_635 = arith.addi %mul3A_2, %add3A_634 : i32
    %dma_start3A_636 = arith.constant 0 : i32
    %dma_start3A_637 = arith.constant 0 : i32
    %dma_start3A_638 = arith.constant 0 : i32
    %dma_start3A_639 = tpu.memref_slice %arg6[%dma_start3A_636, %dma_start3A_637, %dma_start3A_638] : memref<6x16x1024xf32, #tpu.memory_space<vmem>> -> memref<1x16x1024xf32, #tpu.memory_space<vmem>>
    %dma_start3A_640 = tpu.memref_squeeze %dma_start3A_639 : memref<1x16x1024xf32, #tpu.memory_space<vmem>> -> memref<16x1024xf32, #tpu.memory_space<vmem>>
    %dma_start3A_641 = arith.constant 0 : i32
    %dma_start3A_642 = tpu.memref_slice %arg4[%add3A_635, %dma_start3A_641] : memref<8192x1024xf32, #tpu.memory_space<hbm>> -> memref<16x1024xf32, #tpu.memory_space<hbm>>
    %dma_start3A_643 = arith.constant 0 : i32
    %dma_start3A_644 = tpu.memref_slice %arg4[%add3A_635, %dma_start3A_643] : memref<8192x1024xf32, #tpu.memory_space<hbm>> -> memref<16x1024xf32, #tpu.memory_space<hbm>>
    %dma_start3A_645 = arith.constant 0 : i32
    %dma_start3A_646 = arith.constant 0 : i32
    %dma_start3A_647 = tpu.memref_slice %arg6[%dma_start3A_636, %dma_start3A_645, %dma_start3A_646] : memref<6x16x1024xf32, #tpu.memory_space<vmem>> -> memref<1x16x1024xf32, #tpu.memory_space<vmem>>
    %dma_start3A_648 = tpu.memref_squeeze %dma_start3A_647 : memref<1x16x1024xf32, #tpu.memory_space<vmem>> -> memref<16x1024xf32, #tpu.memory_space<vmem>>
    tpu.enqueue_dma source(%dma_start3A_648 : memref<16x1024xf32, #tpu.memory_space<vmem>>) target(%dma_start3A_644 : memref<16x1024xf32, #tpu.memory_space<hbm>>) target_semaphore(%arg13 : memref<!tpu.dma_semaphore, #tpu.memory_space<semaphore_mem>>)
    %dma_wait3A_649 = arith.constant 3 : i32
    %dma_wait3A_650 = arith.constant 0 : i32
    %dma_wait3A_651 = arith.constant 0 : i32
    %dma_wait3A_652 = tpu.memref_slice %arg6[%dma_wait3A_649, %dma_wait3A_650, %dma_wait3A_651] : memref<6x16x1024xf32, #tpu.memory_space<vmem>> -> memref<1x16x1024xf32, #tpu.memory_space<vmem>>
    %dma_wait3A_653 = tpu.memref_squeeze %dma_wait3A_652 : memref<1x16x1024xf32, #tpu.memory_space<vmem>> -> memref<16x1024xf32, #tpu.memory_space<vmem>>
    %dma_wait3A_654 = arith.constant 0 : i32
    %dma_wait3A_655 = tpu.memref_slice %arg4[%add3A_479, %dma_wait3A_654] : memref<8192x1024xf32, #tpu.memory_space<hbm>> -> memref<16x1024xf32, #tpu.memory_space<hbm>>
    %dma_wait3A_656 = arith.constant 0 : i32
    %dma_wait3A_657 = tpu.memref_slice %arg4[%add3A_479, %dma_wait3A_656] : memref<8192x1024xf32, #tpu.memory_space<hbm>> -> memref<16x1024xf32, #tpu.memory_space<hbm>>
    %dma_wait3A_658 = arith.constant 0 : i32
    %dma_wait3A_659 = arith.constant 0 : i32
    %dma_wait3A_660 = tpu.memref_slice %arg6[%dma_wait3A_649, %dma_wait3A_658, %dma_wait3A_659] : memref<6x16x1024xf32, #tpu.memory_space<vmem>> -> memref<1x16x1024xf32, #tpu.memory_space<vmem>>
    %dma_wait3A_661 = tpu.memref_squeeze %dma_wait3A_660 : memref<1x16x1024xf32, #tpu.memory_space<vmem>> -> memref<16x1024xf32, #tpu.memory_space<vmem>>
    tpu.wait_dma2 semaphore(%arg16 : memref<!tpu.dma_semaphore, #tpu.memory_space<semaphore_mem>>) src(%dma_wait3A_661 : memref<16x1024xf32, #tpu.memory_space<vmem>>) dst(%dma_wait3A_657 : memref<16x1024xf32, #tpu.memory_space<hbm>>)
    %dma_start3A_662 = arith.constant 15 : i32
    %dma_start3A_663 = arith.constant 3 : i32
    %dma_start3A_664 = arith.constant 0 : i32
    %dma_start3A_665 = arith.constant 0 : i32
    %dma_start3A_666 = tpu.memref_slice %arg6[%dma_start3A_663, %dma_start3A_664, %dma_start3A_665] : memref<6x16x1024xf32, #tpu.memory_space<vmem>> -> memref<1x16x1024xf32, #tpu.memory_space<vmem>>
    %dma_start3A_667 = tpu.memref_squeeze %dma_start3A_666 : memref<1x16x1024xf32, #tpu.memory_space<vmem>> -> memref<16x1024xf32, #tpu.memory_space<vmem>>
    %dma_start3A_668 = arith.constant 0 : i32
    %dma_start3A_669 = tpu.memref_slice %arg5[%dma_start3A_662, %dma_start3A_668] : memref<16x16xi32, #tpu.memory_space<vmem>> -> memref<1x16xi32, #tpu.memory_space<vmem>>
    %dma_start3A_670 = tpu.memref_squeeze %dma_start3A_669 : memref<1x16xi32, #tpu.memory_space<vmem>> -> memref<16xi32, #tpu.memory_space<vmem>>
    %dma_start3A_671 = arith.constant 0 : i32
    %dma_start3A_672 = arith.constant 0 : i32
    %dma_start3A_673 = tpu.memref_slice %arg2[%dma_start3A_671, %dma_start3A_672] : memref<8192x1024xf32, #tpu.memory_space<hbm>> -> memref<8192x1024xf32, #tpu.memory_space<hbm>>
    tpu.enqueue_indirect_dma source(%dma_start3A_673 : memref<8192x1024xf32, #tpu.memory_space<hbm>>) target(%dma_start3A_667 : memref<16x1024xf32, #tpu.memory_space<vmem>>) offsets(%dma_start3A_670 : memref<16xi32, #tpu.memory_space<vmem>>) semaphore(%arg10 : memref<!tpu.dma_semaphore, #tpu.memory_space<semaphore_mem>>)
    %dma_wait3A_674 = arith.constant 13 : i32
    %dma_wait3A_675 = arith.constant 1 : i32
    %dma_wait3A_676 = arith.constant 0 : i32
    %dma_wait3A_677 = arith.constant 0 : i32
    %dma_wait3A_678 = tpu.memref_slice %arg6[%dma_wait3A_675, %dma_wait3A_676, %dma_wait3A_677] : memref<6x16x1024xf32, #tpu.memory_space<vmem>> -> memref<1x16x1024xf32, #tpu.memory_space<vmem>>
    %dma_wait3A_679 = tpu.memref_squeeze %dma_wait3A_678 : memref<1x16x1024xf32, #tpu.memory_space<vmem>> -> memref<16x1024xf32, #tpu.memory_space<vmem>>
    %dma_wait3A_680 = arith.constant 0 : i32
    %dma_wait3A_681 = tpu.memref_slice %arg5[%dma_wait3A_674, %dma_wait3A_680] : memref<16x16xi32, #tpu.memory_space<vmem>> -> memref<1x16xi32, #tpu.memory_space<vmem>>
    %dma_wait3A_682 = tpu.memref_squeeze %dma_wait3A_681 : memref<1x16xi32, #tpu.memory_space<vmem>> -> memref<16xi32, #tpu.memory_space<vmem>>
    %dma_wait3A_683 = arith.constant 0 : i32
    %dma_wait3A_684 = arith.constant 0 : i32
    %dma_wait3A_685 = tpu.memref_slice %arg2[%dma_wait3A_683, %dma_wait3A_684] : memref<8192x1024xf32, #tpu.memory_space<hbm>> -> memref<8192x1024xf32, #tpu.memory_space<hbm>>
    tpu.wait_indirect_dma semaphore(%arg8 : memref<!tpu.dma_semaphore, #tpu.memory_space<semaphore_mem>>) src(%dma_wait3A_685 : memref<8192x1024xf32, #tpu.memory_space<hbm>>) dst(%dma_wait3A_679 : memref<16x1024xf32, #tpu.memory_space<vmem>>)
    %add3A_686 = arith.constant 208 : i32
    %add3A_687 = arith.addi %mul3A_2, %add3A_686 : i32
    %dma_start3A_688 = arith.constant 1 : i32
    %dma_start3A_689 = arith.constant 0 : i32
    %dma_start3A_690 = arith.constant 0 : i32
    %dma_start3A_691 = tpu.memref_slice %arg6[%dma_start3A_688, %dma_start3A_689, %dma_start3A_690] : memref<6x16x1024xf32, #tpu.memory_space<vmem>> -> memref<1x16x1024xf32, #tpu.memory_space<vmem>>
    %dma_start3A_692 = tpu.memref_squeeze %dma_start3A_691 : memref<1x16x1024xf32, #tpu.memory_space<vmem>> -> memref<16x1024xf32, #tpu.memory_space<vmem>>
    %dma_start3A_693 = arith.constant 0 : i32
    %dma_start3A_694 = tpu.memref_slice %arg4[%add3A_687, %dma_start3A_693] : memref<8192x1024xf32, #tpu.memory_space<hbm>> -> memref<16x1024xf32, #tpu.memory_space<hbm>>
    %dma_start3A_695 = arith.constant 0 : i32
    %dma_start3A_696 = tpu.memref_slice %arg4[%add3A_687, %dma_start3A_695] : memref<8192x1024xf32, #tpu.memory_space<hbm>> -> memref<16x1024xf32, #tpu.memory_space<hbm>>
    %dma_start3A_697 = arith.constant 0 : i32
    %dma_start3A_698 = arith.constant 0 : i32
    %dma_start3A_699 = tpu.memref_slice %arg6[%dma_start3A_688, %dma_start3A_697, %dma_start3A_698] : memref<6x16x1024xf32, #tpu.memory_space<vmem>> -> memref<1x16x1024xf32, #tpu.memory_space<vmem>>
    %dma_start3A_700 = tpu.memref_squeeze %dma_start3A_699 : memref<1x16x1024xf32, #tpu.memory_space<vmem>> -> memref<16x1024xf32, #tpu.memory_space<vmem>>
    tpu.enqueue_dma source(%dma_start3A_700 : memref<16x1024xf32, #tpu.memory_space<vmem>>) target(%dma_start3A_696 : memref<16x1024xf32, #tpu.memory_space<hbm>>) target_semaphore(%arg14 : memref<!tpu.dma_semaphore, #tpu.memory_space<semaphore_mem>>)
    %dma_wait3A_701 = arith.constant 14 : i32
    %dma_wait3A_702 = arith.constant 2 : i32
    %dma_wait3A_703 = arith.constant 0 : i32
    %dma_wait3A_704 = arith.constant 0 : i32
    %dma_wait3A_705 = tpu.memref_slice %arg6[%dma_wait3A_702, %dma_wait3A_703, %dma_wait3A_704] : memref<6x16x1024xf32, #tpu.memory_space<vmem>> -> memref<1x16x1024xf32, #tpu.memory_space<vmem>>
    %dma_wait3A_706 = tpu.memref_squeeze %dma_wait3A_705 : memref<1x16x1024xf32, #tpu.memory_space<vmem>> -> memref<16x1024xf32, #tpu.memory_space<vmem>>
    %dma_wait3A_707 = arith.constant 0 : i32
    %dma_wait3A_708 = tpu.memref_slice %arg5[%dma_wait3A_701, %dma_wait3A_707] : memref<16x16xi32, #tpu.memory_space<vmem>> -> memref<1x16xi32, #tpu.memory_space<vmem>>
    %dma_wait3A_709 = tpu.memref_squeeze %dma_wait3A_708 : memref<1x16xi32, #tpu.memory_space<vmem>> -> memref<16xi32, #tpu.memory_space<vmem>>
    %dma_wait3A_710 = arith.constant 0 : i32
    %dma_wait3A_711 = arith.constant 0 : i32
    %dma_wait3A_712 = tpu.memref_slice %arg2[%dma_wait3A_710, %dma_wait3A_711] : memref<8192x1024xf32, #tpu.memory_space<hbm>> -> memref<8192x1024xf32, #tpu.memory_space<hbm>>
    tpu.wait_indirect_dma semaphore(%arg9 : memref<!tpu.dma_semaphore, #tpu.memory_space<semaphore_mem>>) src(%dma_wait3A_712 : memref<8192x1024xf32, #tpu.memory_space<hbm>>) dst(%dma_wait3A_706 : memref<16x1024xf32, #tpu.memory_space<vmem>>)
    %add3A_713 = arith.constant 224 : i32
    %add3A_714 = arith.addi %mul3A_2, %add3A_713 : i32
    %dma_start3A_715 = arith.constant 2 : i32
    %dma_start3A_716 = arith.constant 0 : i32
    %dma_start3A_717 = arith.constant 0 : i32
    %dma_start3A_718 = tpu.memref_slice %arg6[%dma_start3A_715, %dma_start3A_716, %dma_start3A_717] : memref<6x16x1024xf32, #tpu.memory_space<vmem>> -> memref<1x16x1024xf32, #tpu.memory_space<vmem>>
    %dma_start3A_719 = tpu.memref_squeeze %dma_start3A_718 : memref<1x16x1024xf32, #tpu.memory_space<vmem>> -> memref<16x1024xf32, #tpu.memory_space<vmem>>
    %dma_start3A_720 = arith.constant 0 : i32
    %dma_start3A_721 = tpu.memref_slice %arg4[%add3A_714, %dma_start3A_720] : memref<8192x1024xf32, #tpu.memory_space<hbm>> -> memref<16x1024xf32, #tpu.memory_space<hbm>>
    %dma_start3A_722 = arith.constant 0 : i32
    %dma_start3A_723 = tpu.memref_slice %arg4[%add3A_714, %dma_start3A_722] : memref<8192x1024xf32, #tpu.memory_space<hbm>> -> memref<16x1024xf32, #tpu.memory_space<hbm>>
    %dma_start3A_724 = arith.constant 0 : i32
    %dma_start3A_725 = arith.constant 0 : i32
    %dma_start3A_726 = tpu.memref_slice %arg6[%dma_start3A_715, %dma_start3A_724, %dma_start3A_725] : memref<6x16x1024xf32, #tpu.memory_space<vmem>> -> memref<1x16x1024xf32, #tpu.memory_space<vmem>>
    %dma_start3A_727 = tpu.memref_squeeze %dma_start3A_726 : memref<1x16x1024xf32, #tpu.memory_space<vmem>> -> memref<16x1024xf32, #tpu.memory_space<vmem>>
    tpu.enqueue_dma source(%dma_start3A_727 : memref<16x1024xf32, #tpu.memory_space<vmem>>) target(%dma_start3A_723 : memref<16x1024xf32, #tpu.memory_space<hbm>>) target_semaphore(%arg15 : memref<!tpu.dma_semaphore, #tpu.memory_space<semaphore_mem>>)
    %dma_wait3A_728 = arith.constant 15 : i32
    %dma_wait3A_729 = arith.constant 3 : i32
    %dma_wait3A_730 = arith.constant 0 : i32
    %dma_wait3A_731 = arith.constant 0 : i32
    %dma_wait3A_732 = tpu.memref_slice %arg6[%dma_wait3A_729, %dma_wait3A_730, %dma_wait3A_731] : memref<6x16x1024xf32, #tpu.memory_space<vmem>> -> memref<1x16x1024xf32, #tpu.memory_space<vmem>>
    %dma_wait3A_733 = tpu.memref_squeeze %dma_wait3A_732 : memref<1x16x1024xf32, #tpu.memory_space<vmem>> -> memref<16x1024xf32, #tpu.memory_space<vmem>>
    %dma_wait3A_734 = arith.constant 0 : i32
    %dma_wait3A_735 = tpu.memref_slice %arg5[%dma_wait3A_728, %dma_wait3A_734] : memref<16x16xi32, #tpu.memory_space<vmem>> -> memref<1x16xi32, #tpu.memory_space<vmem>>
    %dma_wait3A_736 = tpu.memref_squeeze %dma_wait3A_735 : memref<1x16xi32, #tpu.memory_space<vmem>> -> memref<16xi32, #tpu.memory_space<vmem>>
    %dma_wait3A_737 = arith.constant 0 : i32
    %dma_wait3A_738 = arith.constant 0 : i32
    %dma_wait3A_739 = tpu.memref_slice %arg2[%dma_wait3A_737, %dma_wait3A_738] : memref<8192x1024xf32, #tpu.memory_space<hbm>> -> memref<8192x1024xf32, #tpu.memory_space<hbm>>
    tpu.wait_indirect_dma semaphore(%arg10 : memref<!tpu.dma_semaphore, #tpu.memory_space<semaphore_mem>>) src(%dma_wait3A_739 : memref<8192x1024xf32, #tpu.memory_space<hbm>>) dst(%dma_wait3A_733 : memref<16x1024xf32, #tpu.memory_space<vmem>>)
    %add3A_740 = arith.constant 240 : i32
    %add3A_741 = arith.addi %mul3A_2, %add3A_740 : i32
    %dma_start3A_742 = arith.constant 3 : i32
    %dma_start3A_743 = arith.constant 0 : i32
    %dma_start3A_744 = arith.constant 0 : i32
    %dma_start3A_745 = tpu.memref_slice %arg6[%dma_start3A_742, %dma_start3A_743, %dma_start3A_744] : memref<6x16x1024xf32, #tpu.memory_space<vmem>> -> memref<1x16x1024xf32, #tpu.memory_space<vmem>>
    %dma_start3A_746 = tpu.memref_squeeze %dma_start3A_745 : memref<1x16x1024xf32, #tpu.memory_space<vmem>> -> memref<16x1024xf32, #tpu.memory_space<vmem>>
    %dma_start3A_747 = arith.constant 0 : i32
    %dma_start3A_748 = tpu.memref_slice %arg4[%add3A_741, %dma_start3A_747] : memref<8192x1024xf32, #tpu.memory_space<hbm>> -> memref<16x1024xf32, #tpu.memory_space<hbm>>
    %dma_start3A_749 = arith.constant 0 : i32
    %dma_start3A_750 = tpu.memref_slice %arg4[%add3A_741, %dma_start3A_749] : memref<8192x1024xf32, #tpu.memory_space<hbm>> -> memref<16x1024xf32, #tpu.memory_space<hbm>>
    %dma_start3A_751 = arith.constant 0 : i32
    %dma_start3A_752 = arith.constant 0 : i32
    %dma_start3A_753 = tpu.memref_slice %arg6[%dma_start3A_742, %dma_start3A_751, %dma_start3A_752] : memref<6x16x1024xf32, #tpu.memory_space<vmem>> -> memref<1x16x1024xf32, #tpu.memory_space<vmem>>
    %dma_start3A_754 = tpu.memref_squeeze %dma_start3A_753 : memref<1x16x1024xf32, #tpu.memory_space<vmem>> -> memref<16x1024xf32, #tpu.memory_space<vmem>>
    tpu.enqueue_dma source(%dma_start3A_754 : memref<16x1024xf32, #tpu.memory_space<vmem>>) target(%dma_start3A_750 : memref<16x1024xf32, #tpu.memory_space<hbm>>) target_semaphore(%arg16 : memref<!tpu.dma_semaphore, #tpu.memory_space<semaphore_mem>>)
    %dma_wait3A_755 = arith.constant 4 : i32
    %dma_wait3A_756 = arith.constant 0 : i32
    %dma_wait3A_757 = arith.constant 0 : i32
    %dma_wait3A_758 = tpu.memref_slice %arg6[%dma_wait3A_755, %dma_wait3A_756, %dma_wait3A_757] : memref<6x16x1024xf32, #tpu.memory_space<vmem>> -> memref<1x16x1024xf32, #tpu.memory_space<vmem>>
    %dma_wait3A_759 = tpu.memref_squeeze %dma_wait3A_758 : memref<1x16x1024xf32, #tpu.memory_space<vmem>> -> memref<16x1024xf32, #tpu.memory_space<vmem>>
    %dma_wait3A_760 = arith.constant 0 : i32
    %dma_wait3A_761 = tpu.memref_slice %arg4[%add3A_531, %dma_wait3A_760] : memref<8192x1024xf32, #tpu.memory_space<hbm>> -> memref<16x1024xf32, #tpu.memory_space<hbm>>
    %dma_wait3A_762 = arith.constant 0 : i32
    %dma_wait3A_763 = tpu.memref_slice %arg4[%add3A_531, %dma_wait3A_762] : memref<8192x1024xf32, #tpu.memory_space<hbm>> -> memref<16x1024xf32, #tpu.memory_space<hbm>>
    %dma_wait3A_764 = arith.constant 0 : i32
    %dma_wait3A_765 = arith.constant 0 : i32
    %dma_wait3A_766 = tpu.memref_slice %arg6[%dma_wait3A_755, %dma_wait3A_764, %dma_wait3A_765] : memref<6x16x1024xf32, #tpu.memory_space<vmem>> -> memref<1x16x1024xf32, #tpu.memory_space<vmem>>
    %dma_wait3A_767 = tpu.memref_squeeze %dma_wait3A_766 : memref<1x16x1024xf32, #tpu.memory_space<vmem>> -> memref<16x1024xf32, #tpu.memory_space<vmem>>
    tpu.wait_dma2 semaphore(%arg17 : memref<!tpu.dma_semaphore, #tpu.memory_space<semaphore_mem>>) src(%dma_wait3A_767 : memref<16x1024xf32, #tpu.memory_space<vmem>>) dst(%dma_wait3A_763 : memref<16x1024xf32, #tpu.memory_space<hbm>>)
    %dma_wait3A_768 = arith.constant 5 : i32
    %dma_wait3A_769 = arith.constant 0 : i32
    %dma_wait3A_770 = arith.constant 0 : i32
    %dma_wait3A_771 = tpu.memref_slice %arg6[%dma_wait3A_768, %dma_wait3A_769, %dma_wait3A_770] : memref<6x16x1024xf32, #tpu.memory_space<vmem>> -> memref<1x16x1024xf32, #tpu.memory_space<vmem>>
    %dma_wait3A_772 = tpu.memref_squeeze %dma_wait3A_771 : memref<1x16x1024xf32, #tpu.memory_space<vmem>> -> memref<16x1024xf32, #tpu.memory_space<vmem>>
    %dma_wait3A_773 = arith.constant 0 : i32
    %dma_wait3A_774 = tpu.memref_slice %arg4[%add3A_583, %dma_wait3A_773] : memref<8192x1024xf32, #tpu.memory_space<hbm>> -> memref<16x1024xf32, #tpu.memory_space<hbm>>
    %dma_wait3A_775 = arith.constant 0 : i32
    %dma_wait3A_776 = tpu.memref_slice %arg4[%add3A_583, %dma_wait3A_775] : memref<8192x1024xf32, #tpu.memory_space<hbm>> -> memref<16x1024xf32, #tpu.memory_space<hbm>>
    %dma_wait3A_777 = arith.constant 0 : i32
    %dma_wait3A_778 = arith.constant 0 : i32
    %dma_wait3A_779 = tpu.memref_slice %arg6[%dma_wait3A_768, %dma_wait3A_777, %dma_wait3A_778] : memref<6x16x1024xf32, #tpu.memory_space<vmem>> -> memref<1x16x1024xf32, #tpu.memory_space<vmem>>
    %dma_wait3A_780 = tpu.memref_squeeze %dma_wait3A_779 : memref<1x16x1024xf32, #tpu.memory_space<vmem>> -> memref<16x1024xf32, #tpu.memory_space<vmem>>
    tpu.wait_dma2 semaphore(%arg18 : memref<!tpu.dma_semaphore, #tpu.memory_space<semaphore_mem>>) src(%dma_wait3A_780 : memref<16x1024xf32, #tpu.memory_space<vmem>>) dst(%dma_wait3A_776 : memref<16x1024xf32, #tpu.memory_space<hbm>>)
    %dma_wait3A_781 = arith.constant 0 : i32
    %dma_wait3A_782 = arith.constant 0 : i32
    %dma_wait3A_783 = arith.constant 0 : i32
    %dma_wait3A_784 = tpu.memref_slice %arg6[%dma_wait3A_781, %dma_wait3A_782, %dma_wait3A_783] : memref<6x16x1024xf32, #tpu.memory_space<vmem>> -> memref<1x16x1024xf32, #tpu.memory_space<vmem>>
    %dma_wait3A_785 = tpu.memref_squeeze %dma_wait3A_784 : memref<1x16x1024xf32, #tpu.memory_space<vmem>> -> memref<16x1024xf32, #tpu.memory_space<vmem>>
    %dma_wait3A_786 = arith.constant 0 : i32
    %dma_wait3A_787 = tpu.memref_slice %arg4[%add3A_635, %dma_wait3A_786] : memref<8192x1024xf32, #tpu.memory_space<hbm>> -> memref<16x1024xf32, #tpu.memory_space<hbm>>
    %dma_wait3A_788 = arith.constant 0 : i32
    %dma_wait3A_789 = tpu.memref_slice %arg4[%add3A_635, %dma_wait3A_788] : memref<8192x1024xf32, #tpu.memory_space<hbm>> -> memref<16x1024xf32, #tpu.memory_space<hbm>>
    %dma_wait3A_790 = arith.constant 0 : i32
    %dma_wait3A_791 = arith.constant 0 : i32
    %dma_wait3A_792 = tpu.memref_slice %arg6[%dma_wait3A_781, %dma_wait3A_790, %dma_wait3A_791] : memref<6x16x1024xf32, #tpu.memory_space<vmem>> -> memref<1x16x1024xf32, #tpu.memory_space<vmem>>
    %dma_wait3A_793 = tpu.memref_squeeze %dma_wait3A_792 : memref<1x16x1024xf32, #tpu.memory_space<vmem>> -> memref<16x1024xf32, #tpu.memory_space<vmem>>
    tpu.wait_dma2 semaphore(%arg13 : memref<!tpu.dma_semaphore, #tpu.memory_space<semaphore_mem>>) src(%dma_wait3A_793 : memref<16x1024xf32, #tpu.memory_space<vmem>>) dst(%dma_wait3A_789 : memref<16x1024xf32, #tpu.memory_space<hbm>>)
    %dma_wait3A_794 = arith.constant 1 : i32
    %dma_wait3A_795 = arith.constant 0 : i32
    %dma_wait3A_796 = arith.constant 0 : i32
    %dma_wait3A_797 = tpu.memref_slice %arg6[%dma_wait3A_794, %dma_wait3A_795, %dma_wait3A_796] : memref<6x16x1024xf32, #tpu.memory_space<vmem>> -> memref<1x16x1024xf32, #tpu.memory_space<vmem>>
    %dma_wait3A_798 = tpu.memref_squeeze %dma_wait3A_797 : memref<1x16x1024xf32, #tpu.memory_space<vmem>> -> memref<16x1024xf32, #tpu.memory_space<vmem>>
    %dma_wait3A_799 = arith.constant 0 : i32
    %dma_wait3A_800 = tpu.memref_slice %arg4[%add3A_687, %dma_wait3A_799] : memref<8192x1024xf32, #tpu.memory_space<hbm>> -> memref<16x1024xf32, #tpu.memory_space<hbm>>
    %dma_wait3A_801 = arith.constant 0 : i32
    %dma_wait3A_802 = tpu.memref_slice %arg4[%add3A_687, %dma_wait3A_801] : memref<8192x1024xf32, #tpu.memory_space<hbm>> -> memref<16x1024xf32, #tpu.memory_space<hbm>>
    %dma_wait3A_803 = arith.constant 0 : i32
    %dma_wait3A_804 = arith.constant 0 : i32
    %dma_wait3A_805 = tpu.memref_slice %arg6[%dma_wait3A_794, %dma_wait3A_803, %dma_wait3A_804] : memref<6x16x1024xf32, #tpu.memory_space<vmem>> -> memref<1x16x1024xf32, #tpu.memory_space<vmem>>
    %dma_wait3A_806 = tpu.memref_squeeze %dma_wait3A_805 : memref<1x16x1024xf32, #tpu.memory_space<vmem>> -> memref<16x1024xf32, #tpu.memory_space<vmem>>
    tpu.wait_dma2 semaphore(%arg14 : memref<!tpu.dma_semaphore, #tpu.memory_space<semaphore_mem>>) src(%dma_wait3A_806 : memref<16x1024xf32, #tpu.memory_space<vmem>>) dst(%dma_wait3A_802 : memref<16x1024xf32, #tpu.memory_space<hbm>>)
    %dma_wait3A_807 = arith.constant 2 : i32
    %dma_wait3A_808 = arith.constant 0 : i32
    %dma_wait3A_809 = arith.constant 0 : i32
    %dma_wait3A_810 = tpu.memref_slice %arg6[%dma_wait3A_807, %dma_wait3A_808, %dma_wait3A_809] : memref<6x16x1024xf32, #tpu.memory_space<vmem>> -> memref<1x16x1024xf32, #tpu.memory_space<vmem>>
    %dma_wait3A_811 = tpu.memref_squeeze %dma_wait3A_810 : memref<1x16x1024xf32, #tpu.memory_space<vmem>> -> memref<16x1024xf32, #tpu.memory_space<vmem>>
    %dma_wait3A_812 = arith.constant 0 : i32
    %dma_wait3A_813 = tpu.memref_slice %arg4[%add3A_714, %dma_wait3A_812] : memref<8192x1024xf32, #tpu.memory_space<hbm>> -> memref<16x1024xf32, #tpu.memory_space<hbm>>
    %dma_wait3A_814 = arith.constant 0 : i32
    %dma_wait3A_815 = tpu.memref_slice %arg4[%add3A_714, %dma_wait3A_814] : memref<8192x1024xf32, #tpu.memory_space<hbm>> -> memref<16x1024xf32, #tpu.memory_space<hbm>>
    %dma_wait3A_816 = arith.constant 0 : i32
    %dma_wait3A_817 = arith.constant 0 : i32
    %dma_wait3A_818 = tpu.memref_slice %arg6[%dma_wait3A_807, %dma_wait3A_816, %dma_wait3A_817] : memref<6x16x1024xf32, #tpu.memory_space<vmem>> -> memref<1x16x1024xf32, #tpu.memory_space<vmem>>
    %dma_wait3A_819 = tpu.memref_squeeze %dma_wait3A_818 : memref<1x16x1024xf32, #tpu.memory_space<vmem>> -> memref<16x1024xf32, #tpu.memory_space<vmem>>
    tpu.wait_dma2 semaphore(%arg15 : memref<!tpu.dma_semaphore, #tpu.memory_space<semaphore_mem>>) src(%dma_wait3A_819 : memref<16x1024xf32, #tpu.memory_space<vmem>>) dst(%dma_wait3A_815 : memref<16x1024xf32, #tpu.memory_space<hbm>>)
    %dma_wait3A_820 = arith.constant 3 : i32
    %dma_wait3A_821 = arith.constant 0 : i32
    %dma_wait3A_822 = arith.constant 0 : i32
    %dma_wait3A_823 = tpu.memref_slice %arg6[%dma_wait3A_820, %dma_wait3A_821, %dma_wait3A_822] : memref<6x16x1024xf32, #tpu.memory_space<vmem>> -> memref<1x16x1024xf32, #tpu.memory_space<vmem>>
    %dma_wait3A_824 = tpu.memref_squeeze %dma_wait3A_823 : memref<1x16x1024xf32, #tpu.memory_space<vmem>> -> memref<16x1024xf32, #tpu.memory_space<vmem>>
    %dma_wait3A_825 = arith.constant 0 : i32
    %dma_wait3A_826 = tpu.memref_slice %arg4[%add3A_741, %dma_wait3A_825] : memref<8192x1024xf32, #tpu.memory_space<hbm>> -> memref<16x1024xf32, #tpu.memory_space<hbm>>
    %dma_wait3A_827 = arith.constant 0 : i32
    %dma_wait3A_828 = tpu.memref_slice %arg4[%add3A_741, %dma_wait3A_827] : memref<8192x1024xf32, #tpu.memory_space<hbm>> -> memref<16x1024xf32, #tpu.memory_space<hbm>>
    %dma_wait3A_829 = arith.constant 0 : i32
    %dma_wait3A_830 = arith.constant 0 : i32
    %dma_wait3A_831 = tpu.memref_slice %arg6[%dma_wait3A_820, %dma_wait3A_829, %dma_wait3A_830] : memref<6x16x1024xf32, #tpu.memory_space<vmem>> -> memref<1x16x1024xf32, #tpu.memory_space<vmem>>
    %dma_wait3A_832 = tpu.memref_squeeze %dma_wait3A_831 : memref<1x16x1024xf32, #tpu.memory_space<vmem>> -> memref<16x1024xf32, #tpu.memory_space<vmem>>
    tpu.wait_dma2 semaphore(%arg16 : memref<!tpu.dma_semaphore, #tpu.memory_space<semaphore_mem>>) src(%dma_wait3A_832 : memref<16x1024xf32, #tpu.memory_space<vmem>>) dst(%dma_wait3A_828 : memref<16x1024xf32, #tpu.memory_space<hbm>>)
    return
  }
}

#map = affine_map<(d0, d1) -> (0, 0)>
#map1 = affine_map<(d0, d1) -> (0)>
#map2 = affine_map<(d0, d1) -> (0, 0, 0)>
module attributes {stable_mosaic.version = 14 : i64} {
  func.func @_sc_dispatch_body(%arg0: i32, %arg1: i32, %arg2: memref<8192x1024xf32, #tpu.memory_space<hbm>>, %arg3: memref<8192xi32, #tpu.memory_space<hbm>>, %arg4: memref<32x16xi32, #tpu.memory_space<hbm>>, %arg5: memref<8192x1024xf32, #tpu.memory_space<hbm>>, %arg6: memref<32x16x16xi32, #tpu.memory_space<hbm>>, %arg7: memref<256xi32, #tpu.memory_space<vmem>>, %arg8: memref<32x16xi32, #tpu.memory_space<vmem>>, %arg9: memref<16x16xi32, #tpu.memory_space<vmem>>, %arg10: memref<6x16x1024xf32, #tpu.memory_space<vmem>>, %arg11: memref<8x16xi32, #tpu.memory_space<vmem>>, %arg12: memref<!tpu.dma_semaphore, #tpu.memory_space<semaphore_mem>>, %arg13: memref<!tpu.dma_semaphore, #tpu.memory_space<semaphore_mem>>, %arg14: memref<!tpu.dma_semaphore, #tpu.memory_space<semaphore_mem>>, %arg15: memref<!tpu.dma_semaphore, #tpu.memory_space<semaphore_mem>>, %arg16: memref<!tpu.dma_semaphore, #tpu.memory_space<semaphore_mem>>, %arg17: memref<!tpu.dma_semaphore, #tpu.memory_space<semaphore_mem>>, %arg18: memref<!tpu.dma_semaphore, #tpu.memory_space<semaphore_mem>>, %arg19: memref<!tpu.dma_semaphore, #tpu.memory_space<semaphore_mem>>, %arg20: memref<!tpu.dma_semaphore, #tpu.memory_space<semaphore_mem>>, %arg21: memref<!tpu.dma_semaphore, #tpu.memory_space<semaphore_mem>>, %arg22: memref<!tpu.dma_semaphore, #tpu.memory_space<semaphore_mem>>, %arg23: memref<!tpu.dma_semaphore, #tpu.memory_space<semaphore_mem>>) attributes {dimension_semantics = [#tpu.dimension_semantics<core_parallel>, #tpu.dimension_semantics<subcore_parallel>], iteration_bounds = array<i64: 2, 16>, scalar_prefetch = 0 : i64, scratch_operands = 17 : i64, tpu.core_type = #tpu.core_type<sc_vector_subcore>, window_params = [{transform_indices = #map}, {transform_indices = #map1}, {transform_indices = #map}, {transform_indices = #map}, {transform_indices = #map2}]} {
    %mul3A = arith.constant 2 : i32
    %mul3A_0 = arith.muli %arg1, %mul3A : i32
    %add3A = arith.addi %mul3A_0, %arg0 : i32
    %mul3A_1 = arith.constant 256 : i32
    %mul3A_2 = arith.muli %add3A, %mul3A_1 : i32
    %add3A_3 = arith.constant 0 : i32
    %add3A_4 = arith.addi %mul3A_2, %add3A_3 : i32
    %dma_start3A = arith.constant 0 : i32
    %dma_start3A_5 = arith.constant 0 : i32
    %dma_start3A_6 = arith.constant 0 : i32
    %dma_start3A_7 = tpu.memref_slice %arg10[%dma_start3A, %dma_start3A_5, %dma_start3A_6] : memref<6x16x1024xf32, #tpu.memory_space<vmem>> -> memref<1x16x1024xf32, #tpu.memory_space<vmem>>
    %dma_start3A_8 = tpu.memref_squeeze %dma_start3A_7 : memref<1x16x1024xf32, #tpu.memory_space<vmem>> -> memref<16x1024xf32, #tpu.memory_space<vmem>>
    %dma_start3A_9 = arith.constant 0 : i32
    %dma_start3A_10 = tpu.memref_slice %arg2[%add3A_4, %dma_start3A_9] : memref<8192x1024xf32, #tpu.memory_space<hbm>> -> memref<16x1024xf32, #tpu.memory_space<hbm>>
    %dma_start3A_11 = arith.constant 0 : i32
    %dma_start3A_12 = arith.constant 0 : i32
    %dma_start3A_13 = tpu.memref_slice %arg10[%dma_start3A, %dma_start3A_11, %dma_start3A_12] : memref<6x16x1024xf32, #tpu.memory_space<vmem>> -> memref<1x16x1024xf32, #tpu.memory_space<vmem>>
    %dma_start3A_14 = tpu.memref_squeeze %dma_start3A_13 : memref<1x16x1024xf32, #tpu.memory_space<vmem>> -> memref<16x1024xf32, #tpu.memory_space<vmem>>
    %dma_start3A_15 = arith.constant 0 : i32
    %dma_start3A_16 = tpu.memref_slice %arg2[%add3A_4, %dma_start3A_15] : memref<8192x1024xf32, #tpu.memory_space<hbm>> -> memref<16x1024xf32, #tpu.memory_space<hbm>>
    tpu.enqueue_dma source(%dma_start3A_16 : memref<16x1024xf32, #tpu.memory_space<hbm>>) target(%dma_start3A_14 : memref<16x1024xf32, #tpu.memory_space<vmem>>) target_semaphore(%arg12 : memref<!tpu.dma_semaphore, #tpu.memory_space<semaphore_mem>>)
    %add3A_17 = arith.constant 16 : i32
    %add3A_18 = arith.addi %mul3A_2, %add3A_17 : i32
    %dma_start3A_19 = arith.constant 1 : i32
    %dma_start3A_20 = arith.constant 0 : i32
    %dma_start3A_21 = arith.constant 0 : i32
    %dma_start3A_22 = tpu.memref_slice %arg10[%dma_start3A_19, %dma_start3A_20, %dma_start3A_21] : memref<6x16x1024xf32, #tpu.memory_space<vmem>> -> memref<1x16x1024xf32, #tpu.memory_space<vmem>>
    %dma_start3A_23 = tpu.memref_squeeze %dma_start3A_22 : memref<1x16x1024xf32, #tpu.memory_space<vmem>> -> memref<16x1024xf32, #tpu.memory_space<vmem>>
    %dma_start3A_24 = arith.constant 0 : i32
    %dma_start3A_25 = tpu.memref_slice %arg2[%add3A_18, %dma_start3A_24] : memref<8192x1024xf32, #tpu.memory_space<hbm>> -> memref<16x1024xf32, #tpu.memory_space<hbm>>
    %dma_start3A_26 = arith.constant 0 : i32
    %dma_start3A_27 = arith.constant 0 : i32
    %dma_start3A_28 = tpu.memref_slice %arg10[%dma_start3A_19, %dma_start3A_26, %dma_start3A_27] : memref<6x16x1024xf32, #tpu.memory_space<vmem>> -> memref<1x16x1024xf32, #tpu.memory_space<vmem>>
    %dma_start3A_29 = tpu.memref_squeeze %dma_start3A_28 : memref<1x16x1024xf32, #tpu.memory_space<vmem>> -> memref<16x1024xf32, #tpu.memory_space<vmem>>
    %dma_start3A_30 = arith.constant 0 : i32
    %dma_start3A_31 = tpu.memref_slice %arg2[%add3A_18, %dma_start3A_30] : memref<8192x1024xf32, #tpu.memory_space<hbm>> -> memref<16x1024xf32, #tpu.memory_space<hbm>>
    tpu.enqueue_dma source(%dma_start3A_31 : memref<16x1024xf32, #tpu.memory_space<hbm>>) target(%dma_start3A_29 : memref<16x1024xf32, #tpu.memory_space<vmem>>) target_semaphore(%arg13 : memref<!tpu.dma_semaphore, #tpu.memory_space<semaphore_mem>>)
    %add3A_32 = arith.constant 32 : i32
    %add3A_33 = arith.addi %mul3A_2, %add3A_32 : i32
    %dma_start3A_34 = arith.constant 2 : i32
    %dma_start3A_35 = arith.constant 0 : i32
    %dma_start3A_36 = arith.constant 0 : i32
    %dma_start3A_37 = tpu.memref_slice %arg10[%dma_start3A_34, %dma_start3A_35, %dma_start3A_36] : memref<6x16x1024xf32, #tpu.memory_space<vmem>> -> memref<1x16x1024xf32, #tpu.memory_space<vmem>>
    %dma_start3A_38 = tpu.memref_squeeze %dma_start3A_37 : memref<1x16x1024xf32, #tpu.memory_space<vmem>> -> memref<16x1024xf32, #tpu.memory_space<vmem>>
    %dma_start3A_39 = arith.constant 0 : i32
    %dma_start3A_40 = tpu.memref_slice %arg2[%add3A_33, %dma_start3A_39] : memref<8192x1024xf32, #tpu.memory_space<hbm>> -> memref<16x1024xf32, #tpu.memory_space<hbm>>
    %dma_start3A_41 = arith.constant 0 : i32
    %dma_start3A_42 = arith.constant 0 : i32
    %dma_start3A_43 = tpu.memref_slice %arg10[%dma_start3A_34, %dma_start3A_41, %dma_start3A_42] : memref<6x16x1024xf32, #tpu.memory_space<vmem>> -> memref<1x16x1024xf32, #tpu.memory_space<vmem>>
    %dma_start3A_44 = tpu.memref_squeeze %dma_start3A_43 : memref<1x16x1024xf32, #tpu.memory_space<vmem>> -> memref<16x1024xf32, #tpu.memory_space<vmem>>
    %dma_start3A_45 = arith.constant 0 : i32
    %dma_start3A_46 = tpu.memref_slice %arg2[%add3A_33, %dma_start3A_45] : memref<8192x1024xf32, #tpu.memory_space<hbm>> -> memref<16x1024xf32, #tpu.memory_space<hbm>>
    tpu.enqueue_dma source(%dma_start3A_46 : memref<16x1024xf32, #tpu.memory_space<hbm>>) target(%dma_start3A_44 : memref<16x1024xf32, #tpu.memory_space<vmem>>) target_semaphore(%arg14 : memref<!tpu.dma_semaphore, #tpu.memory_space<semaphore_mem>>)
    "tpu.region"() ({
      %run_scoped3A = tpu.sem_alloc : memref<!tpu.dma_semaphore, #tpu.memory_space<semaphore_mem>>
      %dma_start3A_1569 = tpu.memref_slice %arg3[%mul3A_2] : memref<8192xi32, #tpu.memory_space<hbm>> -> memref<256xi32, #tpu.memory_space<hbm>>
      %dma_start3A_1570 = tpu.memref_slice %arg3[%mul3A_2] : memref<8192xi32, #tpu.memory_space<hbm>> -> memref<256xi32, #tpu.memory_space<hbm>>
      tpu.enqueue_dma source(%dma_start3A_1570 : memref<256xi32, #tpu.memory_space<hbm>>) target(%arg7 : memref<256xi32, #tpu.memory_space<vmem>>) target_semaphore(%run_scoped3A : memref<!tpu.dma_semaphore, #tpu.memory_space<semaphore_mem>>)
      %dma_wait3A_1571 = tpu.memref_slice %arg3[%mul3A_2] : memref<8192xi32, #tpu.memory_space<hbm>> -> memref<256xi32, #tpu.memory_space<hbm>>
      %dma_wait3A_1572 = tpu.memref_slice %arg3[%mul3A_2] : memref<8192xi32, #tpu.memory_space<hbm>> -> memref<256xi32, #tpu.memory_space<hbm>>
      tpu.wait_dma2 semaphore(%run_scoped3A : memref<!tpu.dma_semaphore, #tpu.memory_space<semaphore_mem>>) src(%dma_wait3A_1572 : memref<256xi32, #tpu.memory_space<hbm>>) dst(%arg7 : memref<256xi32, #tpu.memory_space<vmem>>)
      tpu.yield
    }) : () -> ()
    "tpu.region"() ({
      %run_scoped3A = tpu.sem_alloc : memref<!tpu.dma_semaphore, #tpu.memory_space<semaphore_mem>>
      tpu.enqueue_dma source(%arg4 : memref<32x16xi32, #tpu.memory_space<hbm>>) target(%arg8 : memref<32x16xi32, #tpu.memory_space<vmem>>) target_semaphore(%run_scoped3A : memref<!tpu.dma_semaphore, #tpu.memory_space<semaphore_mem>>)
      tpu.wait_dma2 semaphore(%run_scoped3A : memref<!tpu.dma_semaphore, #tpu.memory_space<semaphore_mem>>) src(%arg4 : memref<32x16xi32, #tpu.memory_space<hbm>>) dst(%arg8 : memref<32x16xi32, #tpu.memory_space<vmem>>)
      tpu.yield
    }) : () -> ()
    %iota3A = tpu.iota {dimensions = array<i32: 0>} : vector<16xi32>
    %broadcast_in_dim3A = arith.constant 0 : i32
    %broadcast_in_dim3A_47 = vector.broadcast %broadcast_in_dim3A : i32 to vector<16xi32>
    %broadcast_in_dim3A_48 = arith.constant 0 : i32
    %broadcast_in_dim3A_49 = vector.broadcast %broadcast_in_dim3A_48 : i32 to vector<16xi32>
    %get3A = arith.constant 0 : i32
    %get3A_50 = arith.index_cast %get3A : i32 to index
    %get3A_51 = arith.constant 0 : index
    %get3A_52 = tpu.vector_load %arg8[%get3A_50, %get3A_51] {strides = array<i32>} : memref<32x16xi32, #tpu.memory_space<vmem>>, vector<16xi32>,
    %add3A_53 = arith.addi %broadcast_in_dim3A_47, %get3A_52 : vector<16xi32>
    %broadcast_in_dim3A_54 = arith.constant 0 : i32
    %broadcast_in_dim3A_55 = vector.broadcast %broadcast_in_dim3A_54 : i32 to vector<16xi32>
    %lt3A = vector.broadcast %add3A : i32 to vector<16xi32>
    %lt3A_56 = arith.cmpi slt, %broadcast_in_dim3A_55, %lt3A : vector<16xi32>
    %jit3A = arith.constant 0 : i32
    %broadcast_in_dim3A_57 = vector.broadcast %jit3A : i32 to vector<16xi32>
    %select_n3A = arith.select %lt3A_56, %get3A_52, %broadcast_in_dim3A_57 : vector<16xi1>, vector<16xi32>
    %add3A_58 = arith.addi %broadcast_in_dim3A_49, %select_n3A : vector<16xi32>
    %get3A_59 = arith.constant 1 : i32
    %get3A_60 = arith.index_cast %get3A_59 : i32 to index
    %get3A_61 = arith.constant 0 : index
    %get3A_62 = tpu.vector_load %arg8[%get3A_60, %get3A_61] {strides = array<i32>} : memref<32x16xi32, #tpu.memory_space<vmem>>, vector<16xi32>,
    %add3A_63 = arith.addi %add3A_53, %get3A_62 : vector<16xi32>
    %broadcast_in_dim3A_64 = arith.constant 1 : i32
    %broadcast_in_dim3A_65 = vector.broadcast %broadcast_in_dim3A_64 : i32 to vector<16xi32>
    %lt3A_66 = vector.broadcast %add3A : i32 to vector<16xi32>
    %lt3A_67 = arith.cmpi slt, %broadcast_in_dim3A_65, %lt3A_66 : vector<16xi32>
    %jit3A_68 = arith.constant 0 : i32
    %broadcast_in_dim3A_69 = vector.broadcast %jit3A_68 : i32 to vector<16xi32>
    %select_n3A_70 = arith.select %lt3A_67, %get3A_62, %broadcast_in_dim3A_69 : vector<16xi1>, vector<16xi32>
    %add3A_71 = arith.addi %add3A_58, %select_n3A_70 : vector<16xi32>
    %get3A_72 = arith.constant 2 : i32
    %get3A_73 = arith.index_cast %get3A_72 : i32 to index
    %get3A_74 = arith.constant 0 : index
    %get3A_75 = tpu.vector_load %arg8[%get3A_73, %get3A_74] {strides = array<i32>} : memref<32x16xi32, #tpu.memory_space<vmem>>, vector<16xi32>,
    %add3A_76 = arith.addi %add3A_63, %get3A_75 : vector<16xi32>
    %broadcast_in_dim3A_77 = arith.constant 2 : i32
    %broadcast_in_dim3A_78 = vector.broadcast %broadcast_in_dim3A_77 : i32 to vector<16xi32>
    %lt3A_79 = vector.broadcast %add3A : i32 to vector<16xi32>
    %lt3A_80 = arith.cmpi slt, %broadcast_in_dim3A_78, %lt3A_79 : vector<16xi32>
    %jit3A_81 = arith.constant 0 : i32
    %broadcast_in_dim3A_82 = vector.broadcast %jit3A_81 : i32 to vector<16xi32>
    %select_n3A_83 = arith.select %lt3A_80, %get3A_75, %broadcast_in_dim3A_82 : vector<16xi1>, vector<16xi32>
    %add3A_84 = arith.addi %add3A_71, %select_n3A_83 : vector<16xi32>
    %get3A_85 = arith.constant 3 : i32
    %get3A_86 = arith.index_cast %get3A_85 : i32 to index
    %get3A_87 = arith.constant 0 : index
    %get3A_88 = tpu.vector_load %arg8[%get3A_86, %get3A_87] {strides = array<i32>} : memref<32x16xi32, #tpu.memory_space<vmem>>, vector<16xi32>,
    %add3A_89 = arith.addi %add3A_76, %get3A_88 : vector<16xi32>
    %broadcast_in_dim3A_90 = arith.constant 3 : i32
    %broadcast_in_dim3A_91 = vector.broadcast %broadcast_in_dim3A_90 : i32 to vector<16xi32>
    %lt3A_92 = vector.broadcast %add3A : i32 to vector<16xi32>
    %lt3A_93 = arith.cmpi slt, %broadcast_in_dim3A_91, %lt3A_92 : vector<16xi32>
    %jit3A_94 = arith.constant 0 : i32
    %broadcast_in_dim3A_95 = vector.broadcast %jit3A_94 : i32 to vector<16xi32>
    %select_n3A_96 = arith.select %lt3A_93, %get3A_88, %broadcast_in_dim3A_95 : vector<16xi1>, vector<16xi32>
    %add3A_97 = arith.addi %add3A_84, %select_n3A_96 : vector<16xi32>
    %get3A_98 = arith.constant 4 : i32
    %get3A_99 = arith.index_cast %get3A_98 : i32 to index
    %get3A_100 = arith.constant 0 : index
    %get3A_101 = tpu.vector_load %arg8[%get3A_99, %get3A_100] {strides = array<i32>} : memref<32x16xi32, #tpu.memory_space<vmem>>, vector<16xi32>,
    %add3A_102 = arith.addi %add3A_89, %get3A_101 : vector<16xi32>
    %broadcast_in_dim3A_103 = arith.constant 4 : i32
    %broadcast_in_dim3A_104 = vector.broadcast %broadcast_in_dim3A_103 : i32 to vector<16xi32>
    %lt3A_105 = vector.broadcast %add3A : i32 to vector<16xi32>
    %lt3A_106 = arith.cmpi slt, %broadcast_in_dim3A_104, %lt3A_105 : vector<16xi32>
    %jit3A_107 = arith.constant 0 : i32
    %broadcast_in_dim3A_108 = vector.broadcast %jit3A_107 : i32 to vector<16xi32>
    %select_n3A_109 = arith.select %lt3A_106, %get3A_101, %broadcast_in_dim3A_108 : vector<16xi1>, vector<16xi32>
    %add3A_110 = arith.addi %add3A_97, %select_n3A_109 : vector<16xi32>
    %get3A_111 = arith.constant 5 : i32
    %get3A_112 = arith.index_cast %get3A_111 : i32 to index
    %get3A_113 = arith.constant 0 : index
    %get3A_114 = tpu.vector_load %arg8[%get3A_112, %get3A_113] {strides = array<i32>} : memref<32x16xi32, #tpu.memory_space<vmem>>, vector<16xi32>,
    %add3A_115 = arith.addi %add3A_102, %get3A_114 : vector<16xi32>
    %broadcast_in_dim3A_116 = arith.constant 5 : i32
    %broadcast_in_dim3A_117 = vector.broadcast %broadcast_in_dim3A_116 : i32 to vector<16xi32>
    %lt3A_118 = vector.broadcast %add3A : i32 to vector<16xi32>
    %lt3A_119 = arith.cmpi slt, %broadcast_in_dim3A_117, %lt3A_118 : vector<16xi32>
    %jit3A_120 = arith.constant 0 : i32
    %broadcast_in_dim3A_121 = vector.broadcast %jit3A_120 : i32 to vector<16xi32>
    %select_n3A_122 = arith.select %lt3A_119, %get3A_114, %broadcast_in_dim3A_121 : vector<16xi1>, vector<16xi32>
    %add3A_123 = arith.addi %add3A_110, %select_n3A_122 : vector<16xi32>
    %get3A_124 = arith.constant 6 : i32
    %get3A_125 = arith.index_cast %get3A_124 : i32 to index
    %get3A_126 = arith.constant 0 : index
    %get3A_127 = tpu.vector_load %arg8[%get3A_125, %get3A_126] {strides = array<i32>} : memref<32x16xi32, #tpu.memory_space<vmem>>, vector<16xi32>,
    %add3A_128 = arith.addi %add3A_115, %get3A_127 : vector<16xi32>
    %broadcast_in_dim3A_129 = arith.constant 6 : i32
    %broadcast_in_dim3A_130 = vector.broadcast %broadcast_in_dim3A_129 : i32 to vector<16xi32>
    %lt3A_131 = vector.broadcast %add3A : i32 to vector<16xi32>
    %lt3A_132 = arith.cmpi slt, %broadcast_in_dim3A_130, %lt3A_131 : vector<16xi32>
    %jit3A_133 = arith.constant 0 : i32
    %broadcast_in_dim3A_134 = vector.broadcast %jit3A_133 : i32 to vector<16xi32>
    %select_n3A_135 = arith.select %lt3A_132, %get3A_127, %broadcast_in_dim3A_134 : vector<16xi1>, vector<16xi32>
    %add3A_136 = arith.addi %add3A_123, %select_n3A_135 : vector<16xi32>
    %get3A_137 = arith.constant 7 : i32
    %get3A_138 = arith.index_cast %get3A_137 : i32 to index
    %get3A_139 = arith.constant 0 : index
    %get3A_140 = tpu.vector_load %arg8[%get3A_138, %get3A_139] {strides = array<i32>} : memref<32x16xi32, #tpu.memory_space<vmem>>, vector<16xi32>,
    %add3A_141 = arith.addi %add3A_128, %get3A_140 : vector<16xi32>
    %broadcast_in_dim3A_142 = arith.constant 7 : i32
    %broadcast_in_dim3A_143 = vector.broadcast %broadcast_in_dim3A_142 : i32 to vector<16xi32>
    %lt3A_144 = vector.broadcast %add3A : i32 to vector<16xi32>
    %lt3A_145 = arith.cmpi slt, %broadcast_in_dim3A_143, %lt3A_144 : vector<16xi32>
    %jit3A_146 = arith.constant 0 : i32
    %broadcast_in_dim3A_147 = vector.broadcast %jit3A_146 : i32 to vector<16xi32>
    %select_n3A_148 = arith.select %lt3A_145, %get3A_140, %broadcast_in_dim3A_147 : vector<16xi1>, vector<16xi32>
    %add3A_149 = arith.addi %add3A_136, %select_n3A_148 : vector<16xi32>
    %get3A_150 = arith.constant 8 : i32
    %get3A_151 = arith.index_cast %get3A_150 : i32 to index
    %get3A_152 = arith.constant 0 : index
    %get3A_153 = tpu.vector_load %arg8[%get3A_151, %get3A_152] {strides = array<i32>} : memref<32x16xi32, #tpu.memory_space<vmem>>, vector<16xi32>,
    %add3A_154 = arith.addi %add3A_141, %get3A_153 : vector<16xi32>
    %broadcast_in_dim3A_155 = arith.constant 8 : i32
    %broadcast_in_dim3A_156 = vector.broadcast %broadcast_in_dim3A_155 : i32 to vector<16xi32>
    %lt3A_157 = vector.broadcast %add3A : i32 to vector<16xi32>
    %lt3A_158 = arith.cmpi slt, %broadcast_in_dim3A_156, %lt3A_157 : vector<16xi32>
    %jit3A_159 = arith.constant 0 : i32
    %broadcast_in_dim3A_160 = vector.broadcast %jit3A_159 : i32 to vector<16xi32>
    %select_n3A_161 = arith.select %lt3A_158, %get3A_153, %broadcast_in_dim3A_160 : vector<16xi1>, vector<16xi32>
    %add3A_162 = arith.addi %add3A_149, %select_n3A_161 : vector<16xi32>
    %get3A_163 = arith.constant 9 : i32
    %get3A_164 = arith.index_cast %get3A_163 : i32 to index
    %get3A_165 = arith.constant 0 : index
    %get3A_166 = tpu.vector_load %arg8[%get3A_164, %get3A_165] {strides = array<i32>} : memref<32x16xi32, #tpu.memory_space<vmem>>, vector<16xi32>,
    %add3A_167 = arith.addi %add3A_154, %get3A_166 : vector<16xi32>
    %broadcast_in_dim3A_168 = arith.constant 9 : i32
    %broadcast_in_dim3A_169 = vector.broadcast %broadcast_in_dim3A_168 : i32 to vector<16xi32>
    %lt3A_170 = vector.broadcast %add3A : i32 to vector<16xi32>
    %lt3A_171 = arith.cmpi slt, %broadcast_in_dim3A_169, %lt3A_170 : vector<16xi32>
    %jit3A_172 = arith.constant 0 : i32
    %broadcast_in_dim3A_173 = vector.broadcast %jit3A_172 : i32 to vector<16xi32>
    %select_n3A_174 = arith.select %lt3A_171, %get3A_166, %broadcast_in_dim3A_173 : vector<16xi1>, vector<16xi32>
    %add3A_175 = arith.addi %add3A_162, %select_n3A_174 : vector<16xi32>
    %get3A_176 = arith.constant 10 : i32
    %get3A_177 = arith.index_cast %get3A_176 : i32 to index
    %get3A_178 = arith.constant 0 : index
    %get3A_179 = tpu.vector_load %arg8[%get3A_177, %get3A_178] {strides = array<i32>} : memref<32x16xi32, #tpu.memory_space<vmem>>, vector<16xi32>,
    %add3A_180 = arith.addi %add3A_167, %get3A_179 : vector<16xi32>
    %broadcast_in_dim3A_181 = arith.constant 10 : i32
    %broadcast_in_dim3A_182 = vector.broadcast %broadcast_in_dim3A_181 : i32 to vector<16xi32>
    %lt3A_183 = vector.broadcast %add3A : i32 to vector<16xi32>
    %lt3A_184 = arith.cmpi slt, %broadcast_in_dim3A_182, %lt3A_183 : vector<16xi32>
    %jit3A_185 = arith.constant 0 : i32
    %broadcast_in_dim3A_186 = vector.broadcast %jit3A_185 : i32 to vector<16xi32>
    %select_n3A_187 = arith.select %lt3A_184, %get3A_179, %broadcast_in_dim3A_186 : vector<16xi1>, vector<16xi32>
    %add3A_188 = arith.addi %add3A_175, %select_n3A_187 : vector<16xi32>
    %get3A_189 = arith.constant 11 : i32
    %get3A_190 = arith.index_cast %get3A_189 : i32 to index
    %get3A_191 = arith.constant 0 : index
    %get3A_192 = tpu.vector_load %arg8[%get3A_190, %get3A_191] {strides = array<i32>} : memref<32x16xi32, #tpu.memory_space<vmem>>, vector<16xi32>,
    %add3A_193 = arith.addi %add3A_180, %get3A_192 : vector<16xi32>
    %broadcast_in_dim3A_194 = arith.constant 11 : i32
    %broadcast_in_dim3A_195 = vector.broadcast %broadcast_in_dim3A_194 : i32 to vector<16xi32>
    %lt3A_196 = vector.broadcast %add3A : i32 to vector<16xi32>
    %lt3A_197 = arith.cmpi slt, %broadcast_in_dim3A_195, %lt3A_196 : vector<16xi32>
    %jit3A_198 = arith.constant 0 : i32
    %broadcast_in_dim3A_199 = vector.broadcast %jit3A_198 : i32 to vector<16xi32>
    %select_n3A_200 = arith.select %lt3A_197, %get3A_192, %broadcast_in_dim3A_199 : vector<16xi1>, vector<16xi32>
    %add3A_201 = arith.addi %add3A_188, %select_n3A_200 : vector<16xi32>
    %get3A_202 = arith.constant 12 : i32
    %get3A_203 = arith.index_cast %get3A_202 : i32 to index
    %get3A_204 = arith.constant 0 : index
    %get3A_205 = tpu.vector_load %arg8[%get3A_203, %get3A_204] {strides = array<i32>} : memref<32x16xi32, #tpu.memory_space<vmem>>, vector<16xi32>,
    %add3A_206 = arith.addi %add3A_193, %get3A_205 : vector<16xi32>
    %broadcast_in_dim3A_207 = arith.constant 12 : i32
    %broadcast_in_dim3A_208 = vector.broadcast %broadcast_in_dim3A_207 : i32 to vector<16xi32>
    %lt3A_209 = vector.broadcast %add3A : i32 to vector<16xi32>
    %lt3A_210 = arith.cmpi slt, %broadcast_in_dim3A_208, %lt3A_209 : vector<16xi32>
    %jit3A_211 = arith.constant 0 : i32
    %broadcast_in_dim3A_212 = vector.broadcast %jit3A_211 : i32 to vector<16xi32>
    %select_n3A_213 = arith.select %lt3A_210, %get3A_205, %broadcast_in_dim3A_212 : vector<16xi1>, vector<16xi32>
    %add3A_214 = arith.addi %add3A_201, %select_n3A_213 : vector<16xi32>
    %get3A_215 = arith.constant 13 : i32
    %get3A_216 = arith.index_cast %get3A_215 : i32 to index
    %get3A_217 = arith.constant 0 : index
    %get3A_218 = tpu.vector_load %arg8[%get3A_216, %get3A_217] {strides = array<i32>} : memref<32x16xi32, #tpu.memory_space<vmem>>, vector<16xi32>,
    %add3A_219 = arith.addi %add3A_206, %get3A_218 : vector<16xi32>
    %broadcast_in_dim3A_220 = arith.constant 13 : i32
    %broadcast_in_dim3A_221 = vector.broadcast %broadcast_in_dim3A_220 : i32 to vector<16xi32>
    %lt3A_222 = vector.broadcast %add3A : i32 to vector<16xi32>
    %lt3A_223 = arith.cmpi slt, %broadcast_in_dim3A_221, %lt3A_222 : vector<16xi32>
    %jit3A_224 = arith.constant 0 : i32
    %broadcast_in_dim3A_225 = vector.broadcast %jit3A_224 : i32 to vector<16xi32>
    %select_n3A_226 = arith.select %lt3A_223, %get3A_218, %broadcast_in_dim3A_225 : vector<16xi1>, vector<16xi32>
    %add3A_227 = arith.addi %add3A_214, %select_n3A_226 : vector<16xi32>
    %get3A_228 = arith.constant 14 : i32
    %get3A_229 = arith.index_cast %get3A_228 : i32 to index
    %get3A_230 = arith.constant 0 : index
    %get3A_231 = tpu.vector_load %arg8[%get3A_229, %get3A_230] {strides = array<i32>} : memref<32x16xi32, #tpu.memory_space<vmem>>, vector<16xi32>,
    %add3A_232 = arith.addi %add3A_219, %get3A_231 : vector<16xi32>
    %broadcast_in_dim3A_233 = arith.constant 14 : i32
    %broadcast_in_dim3A_234 = vector.broadcast %broadcast_in_dim3A_233 : i32 to vector<16xi32>
    %lt3A_235 = vector.broadcast %add3A : i32 to vector<16xi32>
    %lt3A_236 = arith.cmpi slt, %broadcast_in_dim3A_234, %lt3A_235 : vector<16xi32>
    %jit3A_237 = arith.constant 0 : i32
    %broadcast_in_dim3A_238 = vector.broadcast %jit3A_237 : i32 to vector<16xi32>
    %select_n3A_239 = arith.select %lt3A_236, %get3A_231, %broadcast_in_dim3A_238 : vector<16xi1>, vector<16xi32>
    %add3A_240 = arith.addi %add3A_227, %select_n3A_239 : vector<16xi32>
    %get3A_241 = arith.constant 15 : i32
    %get3A_242 = arith.index_cast %get3A_241 : i32 to index
    %get3A_243 = arith.constant 0 : index
    %get3A_244 = tpu.vector_load %arg8[%get3A_242, %get3A_243] {strides = array<i32>} : memref<32x16xi32, #tpu.memory_space<vmem>>, vector<16xi32>,
    %add3A_245 = arith.addi %add3A_232, %get3A_244 : vector<16xi32>
    %broadcast_in_dim3A_246 = arith.constant 15 : i32
    %broadcast_in_dim3A_247 = vector.broadcast %broadcast_in_dim3A_246 : i32 to vector<16xi32>
    %lt3A_248 = vector.broadcast %add3A : i32 to vector<16xi32>
    %lt3A_249 = arith.cmpi slt, %broadcast_in_dim3A_247, %lt3A_248 : vector<16xi32>
    %jit3A_250 = arith.constant 0 : i32
    %broadcast_in_dim3A_251 = vector.broadcast %jit3A_250 : i32 to vector<16xi32>
    %select_n3A_252 = arith.select %lt3A_249, %get3A_244, %broadcast_in_dim3A_251 : vector<16xi1>, vector<16xi32>
    %add3A_253 = arith.addi %add3A_240, %select_n3A_252 : vector<16xi32>
    %get3A_254 = arith.constant 16 : i32
    %get3A_255 = arith.index_cast %get3A_254 : i32 to index
    %get3A_256 = arith.constant 0 : index
    %get3A_257 = tpu.vector_load %arg8[%get3A_255, %get3A_256] {strides = array<i32>} : memref<32x16xi32, #tpu.memory_space<vmem>>, vector<16xi32>,
    %add3A_258 = arith.addi %add3A_245, %get3A_257 : vector<16xi32>
    %broadcast_in_dim3A_259 = arith.constant 16 : i32
    %broadcast_in_dim3A_260 = vector.broadcast %broadcast_in_dim3A_259 : i32 to vector<16xi32>
    %lt3A_261 = vector.broadcast %add3A : i32 to vector<16xi32>
    %lt3A_262 = arith.cmpi slt, %broadcast_in_dim3A_260, %lt3A_261 : vector<16xi32>
    %jit3A_263 = arith.constant 0 : i32
    %broadcast_in_dim3A_264 = vector.broadcast %jit3A_263 : i32 to vector<16xi32>
    %select_n3A_265 = arith.select %lt3A_262, %get3A_257, %broadcast_in_dim3A_264 : vector<16xi1>, vector<16xi32>
    %add3A_266 = arith.addi %add3A_253, %select_n3A_265 : vector<16xi32>
    %get3A_267 = arith.constant 17 : i32
    %get3A_268 = arith.index_cast %get3A_267 : i32 to index
    %get3A_269 = arith.constant 0 : index
    %get3A_270 = tpu.vector_load %arg8[%get3A_268, %get3A_269] {strides = array<i32>} : memref<32x16xi32, #tpu.memory_space<vmem>>, vector<16xi32>,
    %add3A_271 = arith.addi %add3A_258, %get3A_270 : vector<16xi32>
    %broadcast_in_dim3A_272 = arith.constant 17 : i32
    %broadcast_in_dim3A_273 = vector.broadcast %broadcast_in_dim3A_272 : i32 to vector<16xi32>
    %lt3A_274 = vector.broadcast %add3A : i32 to vector<16xi32>
    %lt3A_275 = arith.cmpi slt, %broadcast_in_dim3A_273, %lt3A_274 : vector<16xi32>
    %jit3A_276 = arith.constant 0 : i32
    %broadcast_in_dim3A_277 = vector.broadcast %jit3A_276 : i32 to vector<16xi32>
    %select_n3A_278 = arith.select %lt3A_275, %get3A_270, %broadcast_in_dim3A_277 : vector<16xi1>, vector<16xi32>
    %add3A_279 = arith.addi %add3A_266, %select_n3A_278 : vector<16xi32>
    %get3A_280 = arith.constant 18 : i32
    %get3A_281 = arith.index_cast %get3A_280 : i32 to index
    %get3A_282 = arith.constant 0 : index
    %get3A_283 = tpu.vector_load %arg8[%get3A_281, %get3A_282] {strides = array<i32>} : memref<32x16xi32, #tpu.memory_space<vmem>>, vector<16xi32>,
    %add3A_284 = arith.addi %add3A_271, %get3A_283 : vector<16xi32>
    %broadcast_in_dim3A_285 = arith.constant 18 : i32
    %broadcast_in_dim3A_286 = vector.broadcast %broadcast_in_dim3A_285 : i32 to vector<16xi32>
    %lt3A_287 = vector.broadcast %add3A : i32 to vector<16xi32>
    %lt3A_288 = arith.cmpi slt, %broadcast_in_dim3A_286, %lt3A_287 : vector<16xi32>
    %jit3A_289 = arith.constant 0 : i32
    %broadcast_in_dim3A_290 = vector.broadcast %jit3A_289 : i32 to vector<16xi32>
    %select_n3A_291 = arith.select %lt3A_288, %get3A_283, %broadcast_in_dim3A_290 : vector<16xi1>, vector<16xi32>
    %add3A_292 = arith.addi %add3A_279, %select_n3A_291 : vector<16xi32>
    %get3A_293 = arith.constant 19 : i32
    %get3A_294 = arith.index_cast %get3A_293 : i32 to index
    %get3A_295 = arith.constant 0 : index
    %get3A_296 = tpu.vector_load %arg8[%get3A_294, %get3A_295] {strides = array<i32>} : memref<32x16xi32, #tpu.memory_space<vmem>>, vector<16xi32>,
    %add3A_297 = arith.addi %add3A_284, %get3A_296 : vector<16xi32>
    %broadcast_in_dim3A_298 = arith.constant 19 : i32
    %broadcast_in_dim3A_299 = vector.broadcast %broadcast_in_dim3A_298 : i32 to vector<16xi32>
    %lt3A_300 = vector.broadcast %add3A : i32 to vector<16xi32>
    %lt3A_301 = arith.cmpi slt, %broadcast_in_dim3A_299, %lt3A_300 : vector<16xi32>
    %jit3A_302 = arith.constant 0 : i32
    %broadcast_in_dim3A_303 = vector.broadcast %jit3A_302 : i32 to vector<16xi32>
    %select_n3A_304 = arith.select %lt3A_301, %get3A_296, %broadcast_in_dim3A_303 : vector<16xi1>, vector<16xi32>
    %add3A_305 = arith.addi %add3A_292, %select_n3A_304 : vector<16xi32>
    %get3A_306 = arith.constant 20 : i32
    %get3A_307 = arith.index_cast %get3A_306 : i32 to index
    %get3A_308 = arith.constant 0 : index
    %get3A_309 = tpu.vector_load %arg8[%get3A_307, %get3A_308] {strides = array<i32>} : memref<32x16xi32, #tpu.memory_space<vmem>>, vector<16xi32>,
    %add3A_310 = arith.addi %add3A_297, %get3A_309 : vector<16xi32>
    %broadcast_in_dim3A_311 = arith.constant 20 : i32
    %broadcast_in_dim3A_312 = vector.broadcast %broadcast_in_dim3A_311 : i32 to vector<16xi32>
    %lt3A_313 = vector.broadcast %add3A : i32 to vector<16xi32>
    %lt3A_314 = arith.cmpi slt, %broadcast_in_dim3A_312, %lt3A_313 : vector<16xi32>
    %jit3A_315 = arith.constant 0 : i32
    %broadcast_in_dim3A_316 = vector.broadcast %jit3A_315 : i32 to vector<16xi32>
    %select_n3A_317 = arith.select %lt3A_314, %get3A_309, %broadcast_in_dim3A_316 : vector<16xi1>, vector<16xi32>
    %add3A_318 = arith.addi %add3A_305, %select_n3A_317 : vector<16xi32>
    %get3A_319 = arith.constant 21 : i32
    %get3A_320 = arith.index_cast %get3A_319 : i32 to index
    %get3A_321 = arith.constant 0 : index
    %get3A_322 = tpu.vector_load %arg8[%get3A_320, %get3A_321] {strides = array<i32>} : memref<32x16xi32, #tpu.memory_space<vmem>>, vector<16xi32>,
    %add3A_323 = arith.addi %add3A_310, %get3A_322 : vector<16xi32>
    %broadcast_in_dim3A_324 = arith.constant 21 : i32
    %broadcast_in_dim3A_325 = vector.broadcast %broadcast_in_dim3A_324 : i32 to vector<16xi32>
    %lt3A_326 = vector.broadcast %add3A : i32 to vector<16xi32>
    %lt3A_327 = arith.cmpi slt, %broadcast_in_dim3A_325, %lt3A_326 : vector<16xi32>
    %jit3A_328 = arith.constant 0 : i32
    %broadcast_in_dim3A_329 = vector.broadcast %jit3A_328 : i32 to vector<16xi32>
    %select_n3A_330 = arith.select %lt3A_327, %get3A_322, %broadcast_in_dim3A_329 : vector<16xi1>, vector<16xi32>
    %add3A_331 = arith.addi %add3A_318, %select_n3A_330 : vector<16xi32>
    %get3A_332 = arith.constant 22 : i32
    %get3A_333 = arith.index_cast %get3A_332 : i32 to index
    %get3A_334 = arith.constant 0 : index
    %get3A_335 = tpu.vector_load %arg8[%get3A_333, %get3A_334] {strides = array<i32>} : memref<32x16xi32, #tpu.memory_space<vmem>>, vector<16xi32>,
    %add3A_336 = arith.addi %add3A_323, %get3A_335 : vector<16xi32>
    %broadcast_in_dim3A_337 = arith.constant 22 : i32
    %broadcast_in_dim3A_338 = vector.broadcast %broadcast_in_dim3A_337 : i32 to vector<16xi32>
    %lt3A_339 = vector.broadcast %add3A : i32 to vector<16xi32>
    %lt3A_340 = arith.cmpi slt, %broadcast_in_dim3A_338, %lt3A_339 : vector<16xi32>
    %jit3A_341 = arith.constant 0 : i32
    %broadcast_in_dim3A_342 = vector.broadcast %jit3A_341 : i32 to vector<16xi32>
    %select_n3A_343 = arith.select %lt3A_340, %get3A_335, %broadcast_in_dim3A_342 : vector<16xi1>, vector<16xi32>
    %add3A_344 = arith.addi %add3A_331, %select_n3A_343 : vector<16xi32>
    %get3A_345 = arith.constant 23 : i32
    %get3A_346 = arith.index_cast %get3A_345 : i32 to index
    %get3A_347 = arith.constant 0 : index
    %get3A_348 = tpu.vector_load %arg8[%get3A_346, %get3A_347] {strides = array<i32>} : memref<32x16xi32, #tpu.memory_space<vmem>>, vector<16xi32>,
    %add3A_349 = arith.addi %add3A_336, %get3A_348 : vector<16xi32>
    %broadcast_in_dim3A_350 = arith.constant 23 : i32
    %broadcast_in_dim3A_351 = vector.broadcast %broadcast_in_dim3A_350 : i32 to vector<16xi32>
    %lt3A_352 = vector.broadcast %add3A : i32 to vector<16xi32>
    %lt3A_353 = arith.cmpi slt, %broadcast_in_dim3A_351, %lt3A_352 : vector<16xi32>
    %jit3A_354 = arith.constant 0 : i32
    %broadcast_in_dim3A_355 = vector.broadcast %jit3A_354 : i32 to vector<16xi32>
    %select_n3A_356 = arith.select %lt3A_353, %get3A_348, %broadcast_in_dim3A_355 : vector<16xi1>, vector<16xi32>
    %add3A_357 = arith.addi %add3A_344, %select_n3A_356 : vector<16xi32>
    %get3A_358 = arith.constant 24 : i32
    %get3A_359 = arith.index_cast %get3A_358 : i32 to index
    %get3A_360 = arith.constant 0 : index
    %get3A_361 = tpu.vector_load %arg8[%get3A_359, %get3A_360] {strides = array<i32>} : memref<32x16xi32, #tpu.memory_space<vmem>>, vector<16xi32>,
    %add3A_362 = arith.addi %add3A_349, %get3A_361 : vector<16xi32>
    %broadcast_in_dim3A_363 = arith.constant 24 : i32
    %broadcast_in_dim3A_364 = vector.broadcast %broadcast_in_dim3A_363 : i32 to vector<16xi32>
    %lt3A_365 = vector.broadcast %add3A : i32 to vector<16xi32>
    %lt3A_366 = arith.cmpi slt, %broadcast_in_dim3A_364, %lt3A_365 : vector<16xi32>
    %jit3A_367 = arith.constant 0 : i32
    %broadcast_in_dim3A_368 = vector.broadcast %jit3A_367 : i32 to vector<16xi32>
    %select_n3A_369 = arith.select %lt3A_366, %get3A_361, %broadcast_in_dim3A_368 : vector<16xi1>, vector<16xi32>
    %add3A_370 = arith.addi %add3A_357, %select_n3A_369 : vector<16xi32>
    %get3A_371 = arith.constant 25 : i32
    %get3A_372 = arith.index_cast %get3A_371 : i32 to index
    %get3A_373 = arith.constant 0 : index
    %get3A_374 = tpu.vector_load %arg8[%get3A_372, %get3A_373] {strides = array<i32>} : memref<32x16xi32, #tpu.memory_space<vmem>>, vector<16xi32>,
    %add3A_375 = arith.addi %add3A_362, %get3A_374 : vector<16xi32>
    %broadcast_in_dim3A_376 = arith.constant 25 : i32
    %broadcast_in_dim3A_377 = vector.broadcast %broadcast_in_dim3A_376 : i32 to vector<16xi32>
    %lt3A_378 = vector.broadcast %add3A : i32 to vector<16xi32>
    %lt3A_379 = arith.cmpi slt, %broadcast_in_dim3A_377, %lt3A_378 : vector<16xi32>
    %jit3A_380 = arith.constant 0 : i32
    %broadcast_in_dim3A_381 = vector.broadcast %jit3A_380 : i32 to vector<16xi32>
    %select_n3A_382 = arith.select %lt3A_379, %get3A_374, %broadcast_in_dim3A_381 : vector<16xi1>, vector<16xi32>
    %add3A_383 = arith.addi %add3A_370, %select_n3A_382 : vector<16xi32>
    %get3A_384 = arith.constant 26 : i32
    %get3A_385 = arith.index_cast %get3A_384 : i32 to index
    %get3A_386 = arith.constant 0 : index
    %get3A_387 = tpu.vector_load %arg8[%get3A_385, %get3A_386] {strides = array<i32>} : memref<32x16xi32, #tpu.memory_space<vmem>>, vector<16xi32>,
    %add3A_388 = arith.addi %add3A_375, %get3A_387 : vector<16xi32>
    %broadcast_in_dim3A_389 = arith.constant 26 : i32
    %broadcast_in_dim3A_390 = vector.broadcast %broadcast_in_dim3A_389 : i32 to vector<16xi32>
    %lt3A_391 = vector.broadcast %add3A : i32 to vector<16xi32>
    %lt3A_392 = arith.cmpi slt, %broadcast_in_dim3A_390, %lt3A_391 : vector<16xi32>
    %jit3A_393 = arith.constant 0 : i32
    %broadcast_in_dim3A_394 = vector.broadcast %jit3A_393 : i32 to vector<16xi32>
    %select_n3A_395 = arith.select %lt3A_392, %get3A_387, %broadcast_in_dim3A_394 : vector<16xi1>, vector<16xi32>
    %add3A_396 = arith.addi %add3A_383, %select_n3A_395 : vector<16xi32>
    %get3A_397 = arith.constant 27 : i32
    %get3A_398 = arith.index_cast %get3A_397 : i32 to index
    %get3A_399 = arith.constant 0 : index
    %get3A_400 = tpu.vector_load %arg8[%get3A_398, %get3A_399] {strides = array<i32>} : memref<32x16xi32, #tpu.memory_space<vmem>>, vector<16xi32>,
    %add3A_401 = arith.addi %add3A_388, %get3A_400 : vector<16xi32>
    %broadcast_in_dim3A_402 = arith.constant 27 : i32
    %broadcast_in_dim3A_403 = vector.broadcast %broadcast_in_dim3A_402 : i32 to vector<16xi32>
    %lt3A_404 = vector.broadcast %add3A : i32 to vector<16xi32>
    %lt3A_405 = arith.cmpi slt, %broadcast_in_dim3A_403, %lt3A_404 : vector<16xi32>
    %jit3A_406 = arith.constant 0 : i32
    %broadcast_in_dim3A_407 = vector.broadcast %jit3A_406 : i32 to vector<16xi32>
    %select_n3A_408 = arith.select %lt3A_405, %get3A_400, %broadcast_in_dim3A_407 : vector<16xi1>, vector<16xi32>
    %add3A_409 = arith.addi %add3A_396, %select_n3A_408 : vector<16xi32>
    %get3A_410 = arith.constant 28 : i32
    %get3A_411 = arith.index_cast %get3A_410 : i32 to index
    %get3A_412 = arith.constant 0 : index
    %get3A_413 = tpu.vector_load %arg8[%get3A_411, %get3A_412] {strides = array<i32>} : memref<32x16xi32, #tpu.memory_space<vmem>>, vector<16xi32>,
    %add3A_414 = arith.addi %add3A_401, %get3A_413 : vector<16xi32>
    %broadcast_in_dim3A_415 = arith.constant 28 : i32
    %broadcast_in_dim3A_416 = vector.broadcast %broadcast_in_dim3A_415 : i32 to vector<16xi32>
    %lt3A_417 = vector.broadcast %add3A : i32 to vector<16xi32>
    %lt3A_418 = arith.cmpi slt, %broadcast_in_dim3A_416, %lt3A_417 : vector<16xi32>
    %jit3A_419 = arith.constant 0 : i32
    %broadcast_in_dim3A_420 = vector.broadcast %jit3A_419 : i32 to vector<16xi32>
    %select_n3A_421 = arith.select %lt3A_418, %get3A_413, %broadcast_in_dim3A_420 : vector<16xi1>, vector<16xi32>
    %add3A_422 = arith.addi %add3A_409, %select_n3A_421 : vector<16xi32>
    %get3A_423 = arith.constant 29 : i32
    %get3A_424 = arith.index_cast %get3A_423 : i32 to index
    %get3A_425 = arith.constant 0 : index
    %get3A_426 = tpu.vector_load %arg8[%get3A_424, %get3A_425] {strides = array<i32>} : memref<32x16xi32, #tpu.memory_space<vmem>>, vector<16xi32>,
    %add3A_427 = arith.addi %add3A_414, %get3A_426 : vector<16xi32>
    %broadcast_in_dim3A_428 = arith.constant 29 : i32
    %broadcast_in_dim3A_429 = vector.broadcast %broadcast_in_dim3A_428 : i32 to vector<16xi32>
    %lt3A_430 = vector.broadcast %add3A : i32 to vector<16xi32>
    %lt3A_431 = arith.cmpi slt, %broadcast_in_dim3A_429, %lt3A_430 : vector<16xi32>
    %jit3A_432 = arith.constant 0 : i32
    %broadcast_in_dim3A_433 = vector.broadcast %jit3A_432 : i32 to vector<16xi32>
    %select_n3A_434 = arith.select %lt3A_431, %get3A_426, %broadcast_in_dim3A_433 : vector<16xi1>, vector<16xi32>
    %add3A_435 = arith.addi %add3A_422, %select_n3A_434 : vector<16xi32>
    %get3A_436 = arith.constant 30 : i32
    %get3A_437 = arith.index_cast %get3A_436 : i32 to index
    %get3A_438 = arith.constant 0 : index
    %get3A_439 = tpu.vector_load %arg8[%get3A_437, %get3A_438] {strides = array<i32>} : memref<32x16xi32, #tpu.memory_space<vmem>>, vector<16xi32>,
    %add3A_440 = arith.addi %add3A_427, %get3A_439 : vector<16xi32>
    %broadcast_in_dim3A_441 = arith.constant 30 : i32
    %broadcast_in_dim3A_442 = vector.broadcast %broadcast_in_dim3A_441 : i32 to vector<16xi32>
    %lt3A_443 = vector.broadcast %add3A : i32 to vector<16xi32>
    %lt3A_444 = arith.cmpi slt, %broadcast_in_dim3A_442, %lt3A_443 : vector<16xi32>
    %jit3A_445 = arith.constant 0 : i32
    %broadcast_in_dim3A_446 = vector.broadcast %jit3A_445 : i32 to vector<16xi32>
    %select_n3A_447 = arith.select %lt3A_444, %get3A_439, %broadcast_in_dim3A_446 : vector<16xi1>, vector<16xi32>
    %add3A_448 = arith.addi %add3A_435, %select_n3A_447 : vector<16xi32>
    %get3A_449 = arith.constant 31 : i32
    %get3A_450 = arith.index_cast %get3A_449 : i32 to index
    %get3A_451 = arith.constant 0 : index
    %get3A_452 = tpu.vector_load %arg8[%get3A_450, %get3A_451] {strides = array<i32>} : memref<32x16xi32, #tpu.memory_space<vmem>>, vector<16xi32>,
    %add3A_453 = arith.addi %add3A_440, %get3A_452 : vector<16xi32>
    %broadcast_in_dim3A_454 = arith.constant 31 : i32
    %broadcast_in_dim3A_455 = vector.broadcast %broadcast_in_dim3A_454 : i32 to vector<16xi32>
    %lt3A_456 = vector.broadcast %add3A : i32 to vector<16xi32>
    %lt3A_457 = arith.cmpi slt, %broadcast_in_dim3A_455, %lt3A_456 : vector<16xi32>
    %jit3A_458 = arith.constant 0 : i32
    %broadcast_in_dim3A_459 = vector.broadcast %jit3A_458 : i32 to vector<16xi32>
    %select_n3A_460 = arith.select %lt3A_457, %get3A_452, %broadcast_in_dim3A_459 : vector<16xi1>, vector<16xi32>
    %add3A_461 = arith.addi %add3A_448, %select_n3A_460 : vector<16xi32>
    %broadcast_in_dim3A_462 = arith.constant true
    %broadcast_in_dim3A_463 = vector.broadcast %broadcast_in_dim3A_462 : i1 to vector<16xi1>
    %masked_cumsum3A = tpu.scan <sum>, %add3A_453 masked %broadcast_in_dim3A_463 : vector<16xi32>, vector<16xi1> -> vector<16xi32>
    %sub3A = arith.subi %masked_cumsum3A, %add3A_453 : vector<16xi32>
    %add3A_464 = arith.addi %sub3A, %add3A_461 : vector<16xi32>
    %broadcast_in_dim3A_465 = arith.constant 1 : i32
    %broadcast_in_dim3A_466 = vector.broadcast %broadcast_in_dim3A_465 : i32 to vector<16xi32>
    %broadcast_in_dim3A_467 = arith.constant 0 : i32
    %broadcast_in_dim3A_468 = vector.broadcast %broadcast_in_dim3A_467 : i32 to vector<16xi32>
    %swap3A = arith.constant 0 : i32
    %swap3A_469 = arith.index_cast %swap3A : i32 to index
    %swap3A_470 = arith.constant 0 : index
    %swap3A_471 = tpu.vector_load %arg11[%swap3A_469, %swap3A_470] {strides = array<i32>} : memref<8x16xi32, #tpu.memory_space<vmem>>, vector<16xi32>,
    tpu.vector_store %arg11[%swap3A_469, %swap3A_470], %broadcast_in_dim3A_468 {strides = array<i32>} : memref<8x16xi32, #tpu.memory_space<vmem>>, vector<16xi32>,
    %broadcast_in_dim3A_472 = arith.constant 0 : i32
    %broadcast_in_dim3A_473 = vector.broadcast %broadcast_in_dim3A_472 : i32 to vector<16xi32>
    %swap3A_474 = arith.constant 1 : i32
    %swap3A_475 = arith.index_cast %swap3A_474 : i32 to index
    %swap3A_476 = arith.constant 0 : index
    %swap3A_477 = tpu.vector_load %arg11[%swap3A_475, %swap3A_476] {strides = array<i32>} : memref<8x16xi32, #tpu.memory_space<vmem>>, vector<16xi32>,
    tpu.vector_store %arg11[%swap3A_475, %swap3A_476], %broadcast_in_dim3A_473 {strides = array<i32>} : memref<8x16xi32, #tpu.memory_space<vmem>>, vector<16xi32>,
    %broadcast_in_dim3A_478 = arith.constant 0 : i32
    %broadcast_in_dim3A_479 = vector.broadcast %broadcast_in_dim3A_478 : i32 to vector<16xi32>
    %swap3A_480 = arith.constant 2 : i32
    %swap3A_481 = arith.index_cast %swap3A_480 : i32 to index
    %swap3A_482 = arith.constant 0 : index
    %swap3A_483 = tpu.vector_load %arg11[%swap3A_481, %swap3A_482] {strides = array<i32>} : memref<8x16xi32, #tpu.memory_space<vmem>>, vector<16xi32>,
    tpu.vector_store %arg11[%swap3A_481, %swap3A_482], %broadcast_in_dim3A_479 {strides = array<i32>} : memref<8x16xi32, #tpu.memory_space<vmem>>, vector<16xi32>,
    %broadcast_in_dim3A_484 = arith.constant 0 : i32
    %broadcast_in_dim3A_485 = vector.broadcast %broadcast_in_dim3A_484 : i32 to vector<16xi32>
    %swap3A_486 = arith.constant 3 : i32
    %swap3A_487 = arith.index_cast %swap3A_486 : i32 to index
    %swap3A_488 = arith.constant 0 : index
    %swap3A_489 = tpu.vector_load %arg11[%swap3A_487, %swap3A_488] {strides = array<i32>} : memref<8x16xi32, #tpu.memory_space<vmem>>, vector<16xi32>,
    tpu.vector_store %arg11[%swap3A_487, %swap3A_488], %broadcast_in_dim3A_485 {strides = array<i32>} : memref<8x16xi32, #tpu.memory_space<vmem>>, vector<16xi32>,
    %broadcast_in_dim3A_490 = arith.constant 0 : i32
    %broadcast_in_dim3A_491 = vector.broadcast %broadcast_in_dim3A_490 : i32 to vector<16xi32>
    %swap3A_492 = arith.constant 4 : i32
    %swap3A_493 = arith.index_cast %swap3A_492 : i32 to index
    %swap3A_494 = arith.constant 0 : index
    %swap3A_495 = tpu.vector_load %arg11[%swap3A_493, %swap3A_494] {strides = array<i32>} : memref<8x16xi32, #tpu.memory_space<vmem>>, vector<16xi32>,
    tpu.vector_store %arg11[%swap3A_493, %swap3A_494], %broadcast_in_dim3A_491 {strides = array<i32>} : memref<8x16xi32, #tpu.memory_space<vmem>>, vector<16xi32>,
    %broadcast_in_dim3A_496 = arith.constant 0 : i32
    %broadcast_in_dim3A_497 = vector.broadcast %broadcast_in_dim3A_496 : i32 to vector<16xi32>
    %swap3A_498 = arith.constant 5 : i32
    %swap3A_499 = arith.index_cast %swap3A_498 : i32 to index
    %swap3A_500 = arith.constant 0 : index
    %swap3A_501 = tpu.vector_load %arg11[%swap3A_499, %swap3A_500] {strides = array<i32>} : memref<8x16xi32, #tpu.memory_space<vmem>>, vector<16xi32>,
    tpu.vector_store %arg11[%swap3A_499, %swap3A_500], %broadcast_in_dim3A_497 {strides = array<i32>} : memref<8x16xi32, #tpu.memory_space<vmem>>, vector<16xi32>,
    %broadcast_in_dim3A_502 = arith.constant 0 : i32
    %broadcast_in_dim3A_503 = vector.broadcast %broadcast_in_dim3A_502 : i32 to vector<16xi32>
    %swap3A_504 = arith.constant 6 : i32
    %swap3A_505 = arith.index_cast %swap3A_504 : i32 to index
    %swap3A_506 = arith.constant 0 : index
    %swap3A_507 = tpu.vector_load %arg11[%swap3A_505, %swap3A_506] {strides = array<i32>} : memref<8x16xi32, #tpu.memory_space<vmem>>, vector<16xi32>,
    tpu.vector_store %arg11[%swap3A_505, %swap3A_506], %broadcast_in_dim3A_503 {strides = array<i32>} : memref<8x16xi32, #tpu.memory_space<vmem>>, vector<16xi32>,
    %broadcast_in_dim3A_508 = arith.constant 0 : i32
    %broadcast_in_dim3A_509 = vector.broadcast %broadcast_in_dim3A_508 : i32 to vector<16xi32>
    %swap3A_510 = arith.constant 7 : i32
    %swap3A_511 = arith.index_cast %swap3A_510 : i32 to index
    %swap3A_512 = arith.constant 0 : index
    %swap3A_513 = tpu.vector_load %arg11[%swap3A_511, %swap3A_512] {strides = array<i32>} : memref<8x16xi32, #tpu.memory_space<vmem>>, vector<16xi32>,
    tpu.vector_store %arg11[%swap3A_511, %swap3A_512], %broadcast_in_dim3A_509 {strides = array<i32>} : memref<8x16xi32, #tpu.memory_space<vmem>>, vector<16xi32>,
    %get3A_514 = arith.constant 0 : index
    %get3A_515 = tpu.vector_load %arg7[%get3A_514] {strides = array<i32>} : memref<256xi32, #tpu.memory_space<vmem>>, vector<16xi32>,
    tpu.vector_store_idx %arg11[%get3A_515, %iota3A], %broadcast_in_dim3A_466 {add = true} : memref<8x16xi32, #tpu.memory_space<vmem>>[vector<16xi32>, vector<16xi32>], vector<16xi32>,
    %get3A_516 = arith.constant 16 : index
    %get3A_517 = tpu.vector_load %arg7[%get3A_516] {strides = array<i32>} : memref<256xi32, #tpu.memory_space<vmem>>, vector<16xi32>,
    tpu.vector_store_idx %arg11[%get3A_517, %iota3A], %broadcast_in_dim3A_466 {add = true} : memref<8x16xi32, #tpu.memory_space<vmem>>[vector<16xi32>, vector<16xi32>], vector<16xi32>,
    %get3A_518 = arith.constant 32 : index
    %get3A_519 = tpu.vector_load %arg7[%get3A_518] {strides = array<i32>} : memref<256xi32, #tpu.memory_space<vmem>>, vector<16xi32>,
    tpu.vector_store_idx %arg11[%get3A_519, %iota3A], %broadcast_in_dim3A_466 {add = true} : memref<8x16xi32, #tpu.memory_space<vmem>>[vector<16xi32>, vector<16xi32>], vector<16xi32>,
    %get3A_520 = arith.constant 48 : index
    %get3A_521 = tpu.vector_load %arg7[%get3A_520] {strides = array<i32>} : memref<256xi32, #tpu.memory_space<vmem>>, vector<16xi32>,
    tpu.vector_store_idx %arg11[%get3A_521, %iota3A], %broadcast_in_dim3A_466 {add = true} : memref<8x16xi32, #tpu.memory_space<vmem>>[vector<16xi32>, vector<16xi32>], vector<16xi32>,
    %get3A_522 = arith.constant 64 : index
    %get3A_523 = tpu.vector_load %arg7[%get3A_522] {strides = array<i32>} : memref<256xi32, #tpu.memory_space<vmem>>, vector<16xi32>,
    tpu.vector_store_idx %arg11[%get3A_523, %iota3A], %broadcast_in_dim3A_466 {add = true} : memref<8x16xi32, #tpu.memory_space<vmem>>[vector<16xi32>, vector<16xi32>], vector<16xi32>,
    %get3A_524 = arith.constant 80 : index
    %get3A_525 = tpu.vector_load %arg7[%get3A_524] {strides = array<i32>} : memref<256xi32, #tpu.memory_space<vmem>>, vector<16xi32>,
    tpu.vector_store_idx %arg11[%get3A_525, %iota3A], %broadcast_in_dim3A_466 {add = true} : memref<8x16xi32, #tpu.memory_space<vmem>>[vector<16xi32>, vector<16xi32>], vector<16xi32>,
    %get3A_526 = arith.constant 96 : index
    %get3A_527 = tpu.vector_load %arg7[%get3A_526] {strides = array<i32>} : memref<256xi32, #tpu.memory_space<vmem>>, vector<16xi32>,
    tpu.vector_store_idx %arg11[%get3A_527, %iota3A], %broadcast_in_dim3A_466 {add = true} : memref<8x16xi32, #tpu.memory_space<vmem>>[vector<16xi32>, vector<16xi32>], vector<16xi32>,
    %get3A_528 = arith.constant 112 : index
    %get3A_529 = tpu.vector_load %arg7[%get3A_528] {strides = array<i32>} : memref<256xi32, #tpu.memory_space<vmem>>, vector<16xi32>,
    tpu.vector_store_idx %arg11[%get3A_529, %iota3A], %broadcast_in_dim3A_466 {add = true} : memref<8x16xi32, #tpu.memory_space<vmem>>[vector<16xi32>, vector<16xi32>], vector<16xi32>,
    %get3A_530 = arith.constant 128 : index
    %get3A_531 = tpu.vector_load %arg7[%get3A_530] {strides = array<i32>} : memref<256xi32, #tpu.memory_space<vmem>>, vector<16xi32>,
    tpu.vector_store_idx %arg11[%get3A_531, %iota3A], %broadcast_in_dim3A_466 {add = true} : memref<8x16xi32, #tpu.memory_space<vmem>>[vector<16xi32>, vector<16xi32>], vector<16xi32>,
    %get3A_532 = arith.constant 144 : index
    %get3A_533 = tpu.vector_load %arg7[%get3A_532] {strides = array<i32>} : memref<256xi32, #tpu.memory_space<vmem>>, vector<16xi32>,
    tpu.vector_store_idx %arg11[%get3A_533, %iota3A], %broadcast_in_dim3A_466 {add = true} : memref<8x16xi32, #tpu.memory_space<vmem>>[vector<16xi32>, vector<16xi32>], vector<16xi32>,
    %get3A_534 = arith.constant 160 : index
    %get3A_535 = tpu.vector_load %arg7[%get3A_534] {strides = array<i32>} : memref<256xi32, #tpu.memory_space<vmem>>, vector<16xi32>,
    tpu.vector_store_idx %arg11[%get3A_535, %iota3A], %broadcast_in_dim3A_466 {add = true} : memref<8x16xi32, #tpu.memory_space<vmem>>[vector<16xi32>, vector<16xi32>], vector<16xi32>,
    %get3A_536 = arith.constant 176 : index
    %get3A_537 = tpu.vector_load %arg7[%get3A_536] {strides = array<i32>} : memref<256xi32, #tpu.memory_space<vmem>>, vector<16xi32>,
    tpu.vector_store_idx %arg11[%get3A_537, %iota3A], %broadcast_in_dim3A_466 {add = true} : memref<8x16xi32, #tpu.memory_space<vmem>>[vector<16xi32>, vector<16xi32>], vector<16xi32>,
    %get3A_538 = arith.constant 192 : index
    %get3A_539 = tpu.vector_load %arg7[%get3A_538] {strides = array<i32>} : memref<256xi32, #tpu.memory_space<vmem>>, vector<16xi32>,
    tpu.vector_store_idx %arg11[%get3A_539, %iota3A], %broadcast_in_dim3A_466 {add = true} : memref<8x16xi32, #tpu.memory_space<vmem>>[vector<16xi32>, vector<16xi32>], vector<16xi32>,
    %get3A_540 = arith.constant 208 : index
    %get3A_541 = tpu.vector_load %arg7[%get3A_540] {strides = array<i32>} : memref<256xi32, #tpu.memory_space<vmem>>, vector<16xi32>,
    tpu.vector_store_idx %arg11[%get3A_541, %iota3A], %broadcast_in_dim3A_466 {add = true} : memref<8x16xi32, #tpu.memory_space<vmem>>[vector<16xi32>, vector<16xi32>], vector<16xi32>,
    %get3A_542 = arith.constant 224 : index
    %get3A_543 = tpu.vector_load %arg7[%get3A_542] {strides = array<i32>} : memref<256xi32, #tpu.memory_space<vmem>>, vector<16xi32>,
    tpu.vector_store_idx %arg11[%get3A_543, %iota3A], %broadcast_in_dim3A_466 {add = true} : memref<8x16xi32, #tpu.memory_space<vmem>>[vector<16xi32>, vector<16xi32>], vector<16xi32>,
    %get3A_544 = arith.constant 240 : index
    %get3A_545 = tpu.vector_load %arg7[%get3A_544] {strides = array<i32>} : memref<256xi32, #tpu.memory_space<vmem>>, vector<16xi32>,
    tpu.vector_store_idx %arg11[%get3A_545, %iota3A], %broadcast_in_dim3A_466 {add = true} : memref<8x16xi32, #tpu.memory_space<vmem>>[vector<16xi32>, vector<16xi32>], vector<16xi32>,
    %get3A_546 = arith.constant 0 : i32
    %get3A_547 = arith.index_cast %get3A_546 : i32 to index
    %get3A_548 = arith.constant 0 : index
    %get3A_549 = tpu.vector_load %arg11[%get3A_547, %get3A_548] {strides = array<i32>} : memref<8x16xi32, #tpu.memory_space<vmem>>, vector<16xi32>,
    %broadcast_in_dim3A_550 = arith.constant true
    %broadcast_in_dim3A_551 = vector.broadcast %broadcast_in_dim3A_550 : i1 to vector<16xi1>
    %masked_cumsum3A_552 = tpu.scan <sum>, %get3A_549 masked %broadcast_in_dim3A_551 : vector<16xi32>, vector<16xi1> -> vector<16xi32>
    %sub3A_553 = arith.subi %masked_cumsum3A_552, %get3A_549 : vector<16xi32>
    %eq3A = arith.constant 0 : i32
    %eq3A_554 = vector.broadcast %eq3A : i32 to vector<16xi32>
    %eq3A_555 = arith.cmpi eq, %iota3A, %eq3A_554 : vector<16xi32>
    %jit3A_556 = arith.constant 0 : i32
    %broadcast_in_dim3A_557 = vector.broadcast %jit3A_556 : i32 to vector<16xi32>
    %select_n3A_558 = arith.select %eq3A_555, %add3A_464, %broadcast_in_dim3A_557 : vector<16xi1>, vector<16xi32>
    %reduce_sum3A = arith.constant true
    %reduce_sum3A_559 = vector.broadcast %reduce_sum3A : i1 to vector<16xi1>
    %reduce_sum3A_560 = tpu.scan <sum>, %select_n3A_558 masked %reduce_sum3A_559 : vector<16xi32>, vector<16xi1> -> vector<16xi32>
    %reduce_sum3A_561 = vector.extract %reduce_sum3A_560[15] : i32 from vector<16xi32>
    %add3A_562 = vector.broadcast %reduce_sum3A_561 : i32 to vector<16xi32>
    %add3A_563 = arith.addi %sub3A_553, %add3A_562 : vector<16xi32>
    %swap3A_564 = arith.constant 0 : i32
    %swap3A_565 = arith.index_cast %swap3A_564 : i32 to index
    %swap3A_566 = arith.constant 0 : index
    %swap3A_567 = tpu.vector_load %arg11[%swap3A_565, %swap3A_566] {strides = array<i32>} : memref<8x16xi32, #tpu.memory_space<vmem>>, vector<16xi32>,
    tpu.vector_store %arg11[%swap3A_565, %swap3A_566], %add3A_563 {strides = array<i32>} : memref<8x16xi32, #tpu.memory_space<vmem>>, vector<16xi32>,
    %get3A_568 = arith.constant 1 : i32
    %get3A_569 = arith.index_cast %get3A_568 : i32 to index
    %get3A_570 = arith.constant 0 : index
    %get3A_571 = tpu.vector_load %arg11[%get3A_569, %get3A_570] {strides = array<i32>} : memref<8x16xi32, #tpu.memory_space<vmem>>, vector<16xi32>,
    %broadcast_in_dim3A_572 = arith.constant true
    %broadcast_in_dim3A_573 = vector.broadcast %broadcast_in_dim3A_572 : i1 to vector<16xi1>
    %masked_cumsum3A_574 = tpu.scan <sum>, %get3A_571 masked %broadcast_in_dim3A_573 : vector<16xi32>, vector<16xi1> -> vector<16xi32>
    %sub3A_575 = arith.subi %masked_cumsum3A_574, %get3A_571 : vector<16xi32>
    %eq3A_576 = arith.constant 1 : i32
    %eq3A_577 = vector.broadcast %eq3A_576 : i32 to vector<16xi32>
    %eq3A_578 = arith.cmpi eq, %iota3A, %eq3A_577 : vector<16xi32>
    %jit3A_579 = arith.constant 0 : i32
    %broadcast_in_dim3A_580 = vector.broadcast %jit3A_579 : i32 to vector<16xi32>
    %select_n3A_581 = arith.select %eq3A_578, %add3A_464, %broadcast_in_dim3A_580 : vector<16xi1>, vector<16xi32>
    %reduce_sum3A_582 = arith.constant true
    %reduce_sum3A_583 = vector.broadcast %reduce_sum3A_582 : i1 to vector<16xi1>
    %reduce_sum3A_584 = tpu.scan <sum>, %select_n3A_581 masked %reduce_sum3A_583 : vector<16xi32>, vector<16xi1> -> vector<16xi32>
    %reduce_sum3A_585 = vector.extract %reduce_sum3A_584[15] : i32 from vector<16xi32>
    %add3A_586 = vector.broadcast %reduce_sum3A_585 : i32 to vector<16xi32>
    %add3A_587 = arith.addi %sub3A_575, %add3A_586 : vector<16xi32>
    %swap3A_588 = arith.constant 1 : i32
    %swap3A_589 = arith.index_cast %swap3A_588 : i32 to index
    %swap3A_590 = arith.constant 0 : index
    %swap3A_591 = tpu.vector_load %arg11[%swap3A_589, %swap3A_590] {strides = array<i32>} : memref<8x16xi32, #tpu.memory_space<vmem>>, vector<16xi32>,
    tpu.vector_store %arg11[%swap3A_589, %swap3A_590], %add3A_587 {strides = array<i32>} : memref<8x16xi32, #tpu.memory_space<vmem>>, vector<16xi32>,
    %get3A_592 = arith.constant 2 : i32
    %get3A_593 = arith.index_cast %get3A_592 : i32 to index
    %get3A_594 = arith.constant 0 : index
    %get3A_595 = tpu.vector_load %arg11[%get3A_593, %get3A_594] {strides = array<i32>} : memref<8x16xi32, #tpu.memory_space<vmem>>, vector<16xi32>,
    %broadcast_in_dim3A_596 = arith.constant true
    %broadcast_in_dim3A_597 = vector.broadcast %broadcast_in_dim3A_596 : i1 to vector<16xi1>
    %masked_cumsum3A_598 = tpu.scan <sum>, %get3A_595 masked %broadcast_in_dim3A_597 : vector<16xi32>, vector<16xi1> -> vector<16xi32>
    %sub3A_599 = arith.subi %masked_cumsum3A_598, %get3A_595 : vector<16xi32>
    %eq3A_600 = arith.constant 2 : i32
    %eq3A_601 = vector.broadcast %eq3A_600 : i32 to vector<16xi32>
    %eq3A_602 = arith.cmpi eq, %iota3A, %eq3A_601 : vector<16xi32>
    %jit3A_603 = arith.constant 0 : i32
    %broadcast_in_dim3A_604 = vector.broadcast %jit3A_603 : i32 to vector<16xi32>
    %select_n3A_605 = arith.select %eq3A_602, %add3A_464, %broadcast_in_dim3A_604 : vector<16xi1>, vector<16xi32>
    %reduce_sum3A_606 = arith.constant true
    %reduce_sum3A_607 = vector.broadcast %reduce_sum3A_606 : i1 to vector<16xi1>
    %reduce_sum3A_608 = tpu.scan <sum>, %select_n3A_605 masked %reduce_sum3A_607 : vector<16xi32>, vector<16xi1> -> vector<16xi32>
    %reduce_sum3A_609 = vector.extract %reduce_sum3A_608[15] : i32 from vector<16xi32>
    %add3A_610 = vector.broadcast %reduce_sum3A_609 : i32 to vector<16xi32>
    %add3A_611 = arith.addi %sub3A_599, %add3A_610 : vector<16xi32>
    %swap3A_612 = arith.constant 2 : i32
    %swap3A_613 = arith.index_cast %swap3A_612 : i32 to index
    %swap3A_614 = arith.constant 0 : index
    %swap3A_615 = tpu.vector_load %arg11[%swap3A_613, %swap3A_614] {strides = array<i32>} : memref<8x16xi32, #tpu.memory_space<vmem>>, vector<16xi32>,
    tpu.vector_store %arg11[%swap3A_613, %swap3A_614], %add3A_611 {strides = array<i32>} : memref<8x16xi32, #tpu.memory_space<vmem>>, vector<16xi32>,
    %get3A_616 = arith.constant 3 : i32
    %get3A_617 = arith.index_cast %get3A_616 : i32 to index
    %get3A_618 = arith.constant 0 : index
    %get3A_619 = tpu.vector_load %arg11[%get3A_617, %get3A_618] {strides = array<i32>} : memref<8x16xi32, #tpu.memory_space<vmem>>, vector<16xi32>,
    %broadcast_in_dim3A_620 = arith.constant true
    %broadcast_in_dim3A_621 = vector.broadcast %broadcast_in_dim3A_620 : i1 to vector<16xi1>
    %masked_cumsum3A_622 = tpu.scan <sum>, %get3A_619 masked %broadcast_in_dim3A_621 : vector<16xi32>, vector<16xi1> -> vector<16xi32>
    %sub3A_623 = arith.subi %masked_cumsum3A_622, %get3A_619 : vector<16xi32>
    %eq3A_624 = arith.constant 3 : i32
    %eq3A_625 = vector.broadcast %eq3A_624 : i32 to vector<16xi32>
    %eq3A_626 = arith.cmpi eq, %iota3A, %eq3A_625 : vector<16xi32>
    %jit3A_627 = arith.constant 0 : i32
    %broadcast_in_dim3A_628 = vector.broadcast %jit3A_627 : i32 to vector<16xi32>
    %select_n3A_629 = arith.select %eq3A_626, %add3A_464, %broadcast_in_dim3A_628 : vector<16xi1>, vector<16xi32>
    %reduce_sum3A_630 = arith.constant true
    %reduce_sum3A_631 = vector.broadcast %reduce_sum3A_630 : i1 to vector<16xi1>
    %reduce_sum3A_632 = tpu.scan <sum>, %select_n3A_629 masked %reduce_sum3A_631 : vector<16xi32>, vector<16xi1> -> vector<16xi32>
    %reduce_sum3A_633 = vector.extract %reduce_sum3A_632[15] : i32 from vector<16xi32>
    %add3A_634 = vector.broadcast %reduce_sum3A_633 : i32 to vector<16xi32>
    %add3A_635 = arith.addi %sub3A_623, %add3A_634 : vector<16xi32>
    %swap3A_636 = arith.constant 3 : i32
    %swap3A_637 = arith.index_cast %swap3A_636 : i32 to index
    %swap3A_638 = arith.constant 0 : index
    %swap3A_639 = tpu.vector_load %arg11[%swap3A_637, %swap3A_638] {strides = array<i32>} : memref<8x16xi32, #tpu.memory_space<vmem>>, vector<16xi32>,
    tpu.vector_store %arg11[%swap3A_637, %swap3A_638], %add3A_635 {strides = array<i32>} : memref<8x16xi32, #tpu.memory_space<vmem>>, vector<16xi32>,
    %get3A_640 = arith.constant 4 : i32
    %get3A_641 = arith.index_cast %get3A_640 : i32 to index
    %get3A_642 = arith.constant 0 : index
    %get3A_643 = tpu.vector_load %arg11[%get3A_641, %get3A_642] {strides = array<i32>} : memref<8x16xi32, #tpu.memory_space<vmem>>, vector<16xi32>,
    %broadcast_in_dim3A_644 = arith.constant true
    %broadcast_in_dim3A_645 = vector.broadcast %broadcast_in_dim3A_644 : i1 to vector<16xi1>
    %masked_cumsum3A_646 = tpu.scan <sum>, %get3A_643 masked %broadcast_in_dim3A_645 : vector<16xi32>, vector<16xi1> -> vector<16xi32>
    %sub3A_647 = arith.subi %masked_cumsum3A_646, %get3A_643 : vector<16xi32>
    %eq3A_648 = arith.constant 4 : i32
    %eq3A_649 = vector.broadcast %eq3A_648 : i32 to vector<16xi32>
    %eq3A_650 = arith.cmpi eq, %iota3A, %eq3A_649 : vector<16xi32>
    %jit3A_651 = arith.constant 0 : i32
    %broadcast_in_dim3A_652 = vector.broadcast %jit3A_651 : i32 to vector<16xi32>
    %select_n3A_653 = arith.select %eq3A_650, %add3A_464, %broadcast_in_dim3A_652 : vector<16xi1>, vector<16xi32>
    %reduce_sum3A_654 = arith.constant true
    %reduce_sum3A_655 = vector.broadcast %reduce_sum3A_654 : i1 to vector<16xi1>
    %reduce_sum3A_656 = tpu.scan <sum>, %select_n3A_653 masked %reduce_sum3A_655 : vector<16xi32>, vector<16xi1> -> vector<16xi32>
    %reduce_sum3A_657 = vector.extract %reduce_sum3A_656[15] : i32 from vector<16xi32>
    %add3A_658 = vector.broadcast %reduce_sum3A_657 : i32 to vector<16xi32>
    %add3A_659 = arith.addi %sub3A_647, %add3A_658 : vector<16xi32>
    %swap3A_660 = arith.constant 4 : i32
    %swap3A_661 = arith.index_cast %swap3A_660 : i32 to index
    %swap3A_662 = arith.constant 0 : index
    %swap3A_663 = tpu.vector_load %arg11[%swap3A_661, %swap3A_662] {strides = array<i32>} : memref<8x16xi32, #tpu.memory_space<vmem>>, vector<16xi32>,
    tpu.vector_store %arg11[%swap3A_661, %swap3A_662], %add3A_659 {strides = array<i32>} : memref<8x16xi32, #tpu.memory_space<vmem>>, vector<16xi32>,
    %get3A_664 = arith.constant 5 : i32
    %get3A_665 = arith.index_cast %get3A_664 : i32 to index
    %get3A_666 = arith.constant 0 : index
    %get3A_667 = tpu.vector_load %arg11[%get3A_665, %get3A_666] {strides = array<i32>} : memref<8x16xi32, #tpu.memory_space<vmem>>, vector<16xi32>,
    %broadcast_in_dim3A_668 = arith.constant true
    %broadcast_in_dim3A_669 = vector.broadcast %broadcast_in_dim3A_668 : i1 to vector<16xi1>
    %masked_cumsum3A_670 = tpu.scan <sum>, %get3A_667 masked %broadcast_in_dim3A_669 : vector<16xi32>, vector<16xi1> -> vector<16xi32>
    %sub3A_671 = arith.subi %masked_cumsum3A_670, %get3A_667 : vector<16xi32>
    %eq3A_672 = arith.constant 5 : i32
    %eq3A_673 = vector.broadcast %eq3A_672 : i32 to vector<16xi32>
    %eq3A_674 = arith.cmpi eq, %iota3A, %eq3A_673 : vector<16xi32>
    %jit3A_675 = arith.constant 0 : i32
    %broadcast_in_dim3A_676 = vector.broadcast %jit3A_675 : i32 to vector<16xi32>
    %select_n3A_677 = arith.select %eq3A_674, %add3A_464, %broadcast_in_dim3A_676 : vector<16xi1>, vector<16xi32>
    %reduce_sum3A_678 = arith.constant true
    %reduce_sum3A_679 = vector.broadcast %reduce_sum3A_678 : i1 to vector<16xi1>
    %reduce_sum3A_680 = tpu.scan <sum>, %select_n3A_677 masked %reduce_sum3A_679 : vector<16xi32>, vector<16xi1> -> vector<16xi32>
    %reduce_sum3A_681 = vector.extract %reduce_sum3A_680[15] : i32 from vector<16xi32>
    %add3A_682 = vector.broadcast %reduce_sum3A_681 : i32 to vector<16xi32>
    %add3A_683 = arith.addi %sub3A_671, %add3A_682 : vector<16xi32>
    %swap3A_684 = arith.constant 5 : i32
    %swap3A_685 = arith.index_cast %swap3A_684 : i32 to index
    %swap3A_686 = arith.constant 0 : index
    %swap3A_687 = tpu.vector_load %arg11[%swap3A_685, %swap3A_686] {strides = array<i32>} : memref<8x16xi32, #tpu.memory_space<vmem>>, vector<16xi32>,
    tpu.vector_store %arg11[%swap3A_685, %swap3A_686], %add3A_683 {strides = array<i32>} : memref<8x16xi32, #tpu.memory_space<vmem>>, vector<16xi32>,
    %get3A_688 = arith.constant 6 : i32
    %get3A_689 = arith.index_cast %get3A_688 : i32 to index
    %get3A_690 = arith.constant 0 : index
    %get3A_691 = tpu.vector_load %arg11[%get3A_689, %get3A_690] {strides = array<i32>} : memref<8x16xi32, #tpu.memory_space<vmem>>, vector<16xi32>,
    %broadcast_in_dim3A_692 = arith.constant true
    %broadcast_in_dim3A_693 = vector.broadcast %broadcast_in_dim3A_692 : i1 to vector<16xi1>
    %masked_cumsum3A_694 = tpu.scan <sum>, %get3A_691 masked %broadcast_in_dim3A_693 : vector<16xi32>, vector<16xi1> -> vector<16xi32>
    %sub3A_695 = arith.subi %masked_cumsum3A_694, %get3A_691 : vector<16xi32>
    %eq3A_696 = arith.constant 6 : i32
    %eq3A_697 = vector.broadcast %eq3A_696 : i32 to vector<16xi32>
    %eq3A_698 = arith.cmpi eq, %iota3A, %eq3A_697 : vector<16xi32>
    %jit3A_699 = arith.constant 0 : i32
    %broadcast_in_dim3A_700 = vector.broadcast %jit3A_699 : i32 to vector<16xi32>
    %select_n3A_701 = arith.select %eq3A_698, %add3A_464, %broadcast_in_dim3A_700 : vector<16xi1>, vector<16xi32>
    %reduce_sum3A_702 = arith.constant true
    %reduce_sum3A_703 = vector.broadcast %reduce_sum3A_702 : i1 to vector<16xi1>
    %reduce_sum3A_704 = tpu.scan <sum>, %select_n3A_701 masked %reduce_sum3A_703 : vector<16xi32>, vector<16xi1> -> vector<16xi32>
    %reduce_sum3A_705 = vector.extract %reduce_sum3A_704[15] : i32 from vector<16xi32>
    %add3A_706 = vector.broadcast %reduce_sum3A_705 : i32 to vector<16xi32>
    %add3A_707 = arith.addi %sub3A_695, %add3A_706 : vector<16xi32>
    %swap3A_708 = arith.constant 6 : i32
    %swap3A_709 = arith.index_cast %swap3A_708 : i32 to index
    %swap3A_710 = arith.constant 0 : index
    %swap3A_711 = tpu.vector_load %arg11[%swap3A_709, %swap3A_710] {strides = array<i32>} : memref<8x16xi32, #tpu.memory_space<vmem>>, vector<16xi32>,
    tpu.vector_store %arg11[%swap3A_709, %swap3A_710], %add3A_707 {strides = array<i32>} : memref<8x16xi32, #tpu.memory_space<vmem>>, vector<16xi32>,
    %get3A_712 = arith.constant 7 : i32
    %get3A_713 = arith.index_cast %get3A_712 : i32 to index
    %get3A_714 = arith.constant 0 : index
    %get3A_715 = tpu.vector_load %arg11[%get3A_713, %get3A_714] {strides = array<i32>} : memref<8x16xi32, #tpu.memory_space<vmem>>, vector<16xi32>,
    %broadcast_in_dim3A_716 = arith.constant true
    %broadcast_in_dim3A_717 = vector.broadcast %broadcast_in_dim3A_716 : i1 to vector<16xi1>
    %masked_cumsum3A_718 = tpu.scan <sum>, %get3A_715 masked %broadcast_in_dim3A_717 : vector<16xi32>, vector<16xi1> -> vector<16xi32>
    %sub3A_719 = arith.subi %masked_cumsum3A_718, %get3A_715 : vector<16xi32>
    %eq3A_720 = arith.constant 7 : i32
    %eq3A_721 = vector.broadcast %eq3A_720 : i32 to vector<16xi32>
    %eq3A_722 = arith.cmpi eq, %iota3A, %eq3A_721 : vector<16xi32>
    %jit3A_723 = arith.constant 0 : i32
    %broadcast_in_dim3A_724 = vector.broadcast %jit3A_723 : i32 to vector<16xi32>
    %select_n3A_725 = arith.select %eq3A_722, %add3A_464, %broadcast_in_dim3A_724 : vector<16xi1>, vector<16xi32>
    %reduce_sum3A_726 = arith.constant true
    %reduce_sum3A_727 = vector.broadcast %reduce_sum3A_726 : i1 to vector<16xi1>
    %reduce_sum3A_728 = tpu.scan <sum>, %select_n3A_725 masked %reduce_sum3A_727 : vector<16xi32>, vector<16xi1> -> vector<16xi32>
    %reduce_sum3A_729 = vector.extract %reduce_sum3A_728[15] : i32 from vector<16xi32>
    %add3A_730 = vector.broadcast %reduce_sum3A_729 : i32 to vector<16xi32>
    %add3A_731 = arith.addi %sub3A_719, %add3A_730 : vector<16xi32>
    %swap3A_732 = arith.constant 7 : i32
    %swap3A_733 = arith.index_cast %swap3A_732 : i32 to index
    %swap3A_734 = arith.constant 0 : index
    %swap3A_735 = tpu.vector_load %arg11[%swap3A_733, %swap3A_734] {strides = array<i32>} : memref<8x16xi32, #tpu.memory_space<vmem>>, vector<16xi32>,
    tpu.vector_store %arg11[%swap3A_733, %swap3A_734], %add3A_731 {strides = array<i32>} : memref<8x16xi32, #tpu.memory_space<vmem>>, vector<16xi32>,
    %get3A_736 = arith.constant 0 : index
    %get3A_737 = tpu.vector_load %arg7[%get3A_736] {strides = array<i32>} : memref<256xi32, #tpu.memory_space<vmem>>, vector<16xi32>,
    %gather3A = tpu.vector_load_idx %arg11[%get3A_737, %iota3A] : memref<8x16xi32, #tpu.memory_space<vmem>>[vector<16xi32>, vector<16xi32>], vector<16xi32>,
    tpu.vector_store_idx %arg11[%get3A_737, %iota3A], %broadcast_in_dim3A_466 {add = true} : memref<8x16xi32, #tpu.memory_space<vmem>>[vector<16xi32>, vector<16xi32>], vector<16xi32>,
    %swap3A_738 = arith.constant 0 : i32
    %swap3A_739 = arith.index_cast %swap3A_738 : i32 to index
    %swap3A_740 = arith.constant 0 : index
    %swap3A_741 = tpu.vector_load %arg9[%swap3A_739, %swap3A_740] {strides = array<i32>} : memref<16x16xi32, #tpu.memory_space<vmem>>, vector<16xi32>,
    tpu.vector_store %arg9[%swap3A_739, %swap3A_740], %gather3A {strides = array<i32>} : memref<16x16xi32, #tpu.memory_space<vmem>>, vector<16xi32>,
    %get3A_742 = arith.constant 16 : index
    %get3A_743 = tpu.vector_load %arg7[%get3A_742] {strides = array<i32>} : memref<256xi32, #tpu.memory_space<vmem>>, vector<16xi32>,
    %gather3A_744 = tpu.vector_load_idx %arg11[%get3A_743, %iota3A] : memref<8x16xi32, #tpu.memory_space<vmem>>[vector<16xi32>, vector<16xi32>], vector<16xi32>,
    tpu.vector_store_idx %arg11[%get3A_743, %iota3A], %broadcast_in_dim3A_466 {add = true} : memref<8x16xi32, #tpu.memory_space<vmem>>[vector<16xi32>, vector<16xi32>], vector<16xi32>,
    %swap3A_745 = arith.constant 1 : i32
    %swap3A_746 = arith.index_cast %swap3A_745 : i32 to index
    %swap3A_747 = arith.constant 0 : index
    %swap3A_748 = tpu.vector_load %arg9[%swap3A_746, %swap3A_747] {strides = array<i32>} : memref<16x16xi32, #tpu.memory_space<vmem>>, vector<16xi32>,
    tpu.vector_store %arg9[%swap3A_746, %swap3A_747], %gather3A_744 {strides = array<i32>} : memref<16x16xi32, #tpu.memory_space<vmem>>, vector<16xi32>,
    %get3A_749 = arith.constant 32 : index
    %get3A_750 = tpu.vector_load %arg7[%get3A_749] {strides = array<i32>} : memref<256xi32, #tpu.memory_space<vmem>>, vector<16xi32>,
    %gather3A_751 = tpu.vector_load_idx %arg11[%get3A_750, %iota3A] : memref<8x16xi32, #tpu.memory_space<vmem>>[vector<16xi32>, vector<16xi32>], vector<16xi32>,
    tpu.vector_store_idx %arg11[%get3A_750, %iota3A], %broadcast_in_dim3A_466 {add = true} : memref<8x16xi32, #tpu.memory_space<vmem>>[vector<16xi32>, vector<16xi32>], vector<16xi32>,
    %swap3A_752 = arith.constant 2 : i32
    %swap3A_753 = arith.index_cast %swap3A_752 : i32 to index
    %swap3A_754 = arith.constant 0 : index
    %swap3A_755 = tpu.vector_load %arg9[%swap3A_753, %swap3A_754] {strides = array<i32>} : memref<16x16xi32, #tpu.memory_space<vmem>>, vector<16xi32>,
    tpu.vector_store %arg9[%swap3A_753, %swap3A_754], %gather3A_751 {strides = array<i32>} : memref<16x16xi32, #tpu.memory_space<vmem>>, vector<16xi32>,
    %get3A_756 = arith.constant 48 : index
    %get3A_757 = tpu.vector_load %arg7[%get3A_756] {strides = array<i32>} : memref<256xi32, #tpu.memory_space<vmem>>, vector<16xi32>,
    %gather3A_758 = tpu.vector_load_idx %arg11[%get3A_757, %iota3A] : memref<8x16xi32, #tpu.memory_space<vmem>>[vector<16xi32>, vector<16xi32>], vector<16xi32>,
    tpu.vector_store_idx %arg11[%get3A_757, %iota3A], %broadcast_in_dim3A_466 {add = true} : memref<8x16xi32, #tpu.memory_space<vmem>>[vector<16xi32>, vector<16xi32>], vector<16xi32>,
    %swap3A_759 = arith.constant 3 : i32
    %swap3A_760 = arith.index_cast %swap3A_759 : i32 to index
    %swap3A_761 = arith.constant 0 : index
    %swap3A_762 = tpu.vector_load %arg9[%swap3A_760, %swap3A_761] {strides = array<i32>} : memref<16x16xi32, #tpu.memory_space<vmem>>, vector<16xi32>,
    tpu.vector_store %arg9[%swap3A_760, %swap3A_761], %gather3A_758 {strides = array<i32>} : memref<16x16xi32, #tpu.memory_space<vmem>>, vector<16xi32>,
    %get3A_763 = arith.constant 64 : index
    %get3A_764 = tpu.vector_load %arg7[%get3A_763] {strides = array<i32>} : memref<256xi32, #tpu.memory_space<vmem>>, vector<16xi32>,
    %gather3A_765 = tpu.vector_load_idx %arg11[%get3A_764, %iota3A] : memref<8x16xi32, #tpu.memory_space<vmem>>[vector<16xi32>, vector<16xi32>], vector<16xi32>,
    tpu.vector_store_idx %arg11[%get3A_764, %iota3A], %broadcast_in_dim3A_466 {add = true} : memref<8x16xi32, #tpu.memory_space<vmem>>[vector<16xi32>, vector<16xi32>], vector<16xi32>,
    %swap3A_766 = arith.constant 4 : i32
    %swap3A_767 = arith.index_cast %swap3A_766 : i32 to index
    %swap3A_768 = arith.constant 0 : index
    %swap3A_769 = tpu.vector_load %arg9[%swap3A_767, %swap3A_768] {strides = array<i32>} : memref<16x16xi32, #tpu.memory_space<vmem>>, vector<16xi32>,
    tpu.vector_store %arg9[%swap3A_767, %swap3A_768], %gather3A_765 {strides = array<i32>} : memref<16x16xi32, #tpu.memory_space<vmem>>, vector<16xi32>,
    %get3A_770 = arith.constant 80 : index
    %get3A_771 = tpu.vector_load %arg7[%get3A_770] {strides = array<i32>} : memref<256xi32, #tpu.memory_space<vmem>>, vector<16xi32>,
    %gather3A_772 = tpu.vector_load_idx %arg11[%get3A_771, %iota3A] : memref<8x16xi32, #tpu.memory_space<vmem>>[vector<16xi32>, vector<16xi32>], vector<16xi32>,
    tpu.vector_store_idx %arg11[%get3A_771, %iota3A], %broadcast_in_dim3A_466 {add = true} : memref<8x16xi32, #tpu.memory_space<vmem>>[vector<16xi32>, vector<16xi32>], vector<16xi32>,
    %swap3A_773 = arith.constant 5 : i32
    %swap3A_774 = arith.index_cast %swap3A_773 : i32 to index
    %swap3A_775 = arith.constant 0 : index
    %swap3A_776 = tpu.vector_load %arg9[%swap3A_774, %swap3A_775] {strides = array<i32>} : memref<16x16xi32, #tpu.memory_space<vmem>>, vector<16xi32>,
    tpu.vector_store %arg9[%swap3A_774, %swap3A_775], %gather3A_772 {strides = array<i32>} : memref<16x16xi32, #tpu.memory_space<vmem>>, vector<16xi32>,
    %get3A_777 = arith.constant 96 : index
    %get3A_778 = tpu.vector_load %arg7[%get3A_777] {strides = array<i32>} : memref<256xi32, #tpu.memory_space<vmem>>, vector<16xi32>,
    %gather3A_779 = tpu.vector_load_idx %arg11[%get3A_778, %iota3A] : memref<8x16xi32, #tpu.memory_space<vmem>>[vector<16xi32>, vector<16xi32>], vector<16xi32>,
    tpu.vector_store_idx %arg11[%get3A_778, %iota3A], %broadcast_in_dim3A_466 {add = true} : memref<8x16xi32, #tpu.memory_space<vmem>>[vector<16xi32>, vector<16xi32>], vector<16xi32>,
    %swap3A_780 = arith.constant 6 : i32
    %swap3A_781 = arith.index_cast %swap3A_780 : i32 to index
    %swap3A_782 = arith.constant 0 : index
    %swap3A_783 = tpu.vector_load %arg9[%swap3A_781, %swap3A_782] {strides = array<i32>} : memref<16x16xi32, #tpu.memory_space<vmem>>, vector<16xi32>,
    tpu.vector_store %arg9[%swap3A_781, %swap3A_782], %gather3A_779 {strides = array<i32>} : memref<16x16xi32, #tpu.memory_space<vmem>>, vector<16xi32>,
    %get3A_784 = arith.constant 112 : index
    %get3A_785 = tpu.vector_load %arg7[%get3A_784] {strides = array<i32>} : memref<256xi32, #tpu.memory_space<vmem>>, vector<16xi32>,
    %gather3A_786 = tpu.vector_load_idx %arg11[%get3A_785, %iota3A] : memref<8x16xi32, #tpu.memory_space<vmem>>[vector<16xi32>, vector<16xi32>], vector<16xi32>,
    tpu.vector_store_idx %arg11[%get3A_785, %iota3A], %broadcast_in_dim3A_466 {add = true} : memref<8x16xi32, #tpu.memory_space<vmem>>[vector<16xi32>, vector<16xi32>], vector<16xi32>,
    %swap3A_787 = arith.constant 7 : i32
    %swap3A_788 = arith.index_cast %swap3A_787 : i32 to index
    %swap3A_789 = arith.constant 0 : index
    %swap3A_790 = tpu.vector_load %arg9[%swap3A_788, %swap3A_789] {strides = array<i32>} : memref<16x16xi32, #tpu.memory_space<vmem>>, vector<16xi32>,
    tpu.vector_store %arg9[%swap3A_788, %swap3A_789], %gather3A_786 {strides = array<i32>} : memref<16x16xi32, #tpu.memory_space<vmem>>, vector<16xi32>,
    %get3A_791 = arith.constant 128 : index
    %get3A_792 = tpu.vector_load %arg7[%get3A_791] {strides = array<i32>} : memref<256xi32, #tpu.memory_space<vmem>>, vector<16xi32>,
    %gather3A_793 = tpu.vector_load_idx %arg11[%get3A_792, %iota3A] : memref<8x16xi32, #tpu.memory_space<vmem>>[vector<16xi32>, vector<16xi32>], vector<16xi32>,
    tpu.vector_store_idx %arg11[%get3A_792, %iota3A], %broadcast_in_dim3A_466 {add = true} : memref<8x16xi32, #tpu.memory_space<vmem>>[vector<16xi32>, vector<16xi32>], vector<16xi32>,
    %swap3A_794 = arith.constant 8 : i32
    %swap3A_795 = arith.index_cast %swap3A_794 : i32 to index
    %swap3A_796 = arith.constant 0 : index
    %swap3A_797 = tpu.vector_load %arg9[%swap3A_795, %swap3A_796] {strides = array<i32>} : memref<16x16xi32, #tpu.memory_space<vmem>>, vector<16xi32>,
    tpu.vector_store %arg9[%swap3A_795, %swap3A_796], %gather3A_793 {strides = array<i32>} : memref<16x16xi32, #tpu.memory_space<vmem>>, vector<16xi32>,
    %get3A_798 = arith.constant 144 : index
    %get3A_799 = tpu.vector_load %arg7[%get3A_798] {strides = array<i32>} : memref<256xi32, #tpu.memory_space<vmem>>, vector<16xi32>,
    %gather3A_800 = tpu.vector_load_idx %arg11[%get3A_799, %iota3A] : memref<8x16xi32, #tpu.memory_space<vmem>>[vector<16xi32>, vector<16xi32>], vector<16xi32>,
    tpu.vector_store_idx %arg11[%get3A_799, %iota3A], %broadcast_in_dim3A_466 {add = true} : memref<8x16xi32, #tpu.memory_space<vmem>>[vector<16xi32>, vector<16xi32>], vector<16xi32>,
    %swap3A_801 = arith.constant 9 : i32
    %swap3A_802 = arith.index_cast %swap3A_801 : i32 to index
    %swap3A_803 = arith.constant 0 : index
    %swap3A_804 = tpu.vector_load %arg9[%swap3A_802, %swap3A_803] {strides = array<i32>} : memref<16x16xi32, #tpu.memory_space<vmem>>, vector<16xi32>,
    tpu.vector_store %arg9[%swap3A_802, %swap3A_803], %gather3A_800 {strides = array<i32>} : memref<16x16xi32, #tpu.memory_space<vmem>>, vector<16xi32>,
    %get3A_805 = arith.constant 160 : index
    %get3A_806 = tpu.vector_load %arg7[%get3A_805] {strides = array<i32>} : memref<256xi32, #tpu.memory_space<vmem>>, vector<16xi32>,
    %gather3A_807 = tpu.vector_load_idx %arg11[%get3A_806, %iota3A] : memref<8x16xi32, #tpu.memory_space<vmem>>[vector<16xi32>, vector<16xi32>], vector<16xi32>,
    tpu.vector_store_idx %arg11[%get3A_806, %iota3A], %broadcast_in_dim3A_466 {add = true} : memref<8x16xi32, #tpu.memory_space<vmem>>[vector<16xi32>, vector<16xi32>], vector<16xi32>,
    %swap3A_808 = arith.constant 10 : i32
    %swap3A_809 = arith.index_cast %swap3A_808 : i32 to index
    %swap3A_810 = arith.constant 0 : index
    %swap3A_811 = tpu.vector_load %arg9[%swap3A_809, %swap3A_810] {strides = array<i32>} : memref<16x16xi32, #tpu.memory_space<vmem>>, vector<16xi32>,
    tpu.vector_store %arg9[%swap3A_809, %swap3A_810], %gather3A_807 {strides = array<i32>} : memref<16x16xi32, #tpu.memory_space<vmem>>, vector<16xi32>,
    %get3A_812 = arith.constant 176 : index
    %get3A_813 = tpu.vector_load %arg7[%get3A_812] {strides = array<i32>} : memref<256xi32, #tpu.memory_space<vmem>>, vector<16xi32>,
    %gather3A_814 = tpu.vector_load_idx %arg11[%get3A_813, %iota3A] : memref<8x16xi32, #tpu.memory_space<vmem>>[vector<16xi32>, vector<16xi32>], vector<16xi32>,
    tpu.vector_store_idx %arg11[%get3A_813, %iota3A], %broadcast_in_dim3A_466 {add = true} : memref<8x16xi32, #tpu.memory_space<vmem>>[vector<16xi32>, vector<16xi32>], vector<16xi32>,
    %swap3A_815 = arith.constant 11 : i32
    %swap3A_816 = arith.index_cast %swap3A_815 : i32 to index
    %swap3A_817 = arith.constant 0 : index
    %swap3A_818 = tpu.vector_load %arg9[%swap3A_816, %swap3A_817] {strides = array<i32>} : memref<16x16xi32, #tpu.memory_space<vmem>>, vector<16xi32>,
    tpu.vector_store %arg9[%swap3A_816, %swap3A_817], %gather3A_814 {strides = array<i32>} : memref<16x16xi32, #tpu.memory_space<vmem>>, vector<16xi32>,
    %get3A_819 = arith.constant 192 : index
    %get3A_820 = tpu.vector_load %arg7[%get3A_819] {strides = array<i32>} : memref<256xi32, #tpu.memory_space<vmem>>, vector<16xi32>,
    %gather3A_821 = tpu.vector_load_idx %arg11[%get3A_820, %iota3A] : memref<8x16xi32, #tpu.memory_space<vmem>>[vector<16xi32>, vector<16xi32>], vector<16xi32>,
    tpu.vector_store_idx %arg11[%get3A_820, %iota3A], %broadcast_in_dim3A_466 {add = true} : memref<8x16xi32, #tpu.memory_space<vmem>>[vector<16xi32>, vector<16xi32>], vector<16xi32>,
    %swap3A_822 = arith.constant 12 : i32
    %swap3A_823 = arith.index_cast %swap3A_822 : i32 to index
    %swap3A_824 = arith.constant 0 : index
    %swap3A_825 = tpu.vector_load %arg9[%swap3A_823, %swap3A_824] {strides = array<i32>} : memref<16x16xi32, #tpu.memory_space<vmem>>, vector<16xi32>,
    tpu.vector_store %arg9[%swap3A_823, %swap3A_824], %gather3A_821 {strides = array<i32>} : memref<16x16xi32, #tpu.memory_space<vmem>>, vector<16xi32>,
    %get3A_826 = arith.constant 208 : index
    %get3A_827 = tpu.vector_load %arg7[%get3A_826] {strides = array<i32>} : memref<256xi32, #tpu.memory_space<vmem>>, vector<16xi32>,
    %gather3A_828 = tpu.vector_load_idx %arg11[%get3A_827, %iota3A] : memref<8x16xi32, #tpu.memory_space<vmem>>[vector<16xi32>, vector<16xi32>], vector<16xi32>,
    tpu.vector_store_idx %arg11[%get3A_827, %iota3A], %broadcast_in_dim3A_466 {add = true} : memref<8x16xi32, #tpu.memory_space<vmem>>[vector<16xi32>, vector<16xi32>], vector<16xi32>,
    %swap3A_829 = arith.constant 13 : i32
    %swap3A_830 = arith.index_cast %swap3A_829 : i32 to index
    %swap3A_831 = arith.constant 0 : index
    %swap3A_832 = tpu.vector_load %arg9[%swap3A_830, %swap3A_831] {strides = array<i32>} : memref<16x16xi32, #tpu.memory_space<vmem>>, vector<16xi32>,
    tpu.vector_store %arg9[%swap3A_830, %swap3A_831], %gather3A_828 {strides = array<i32>} : memref<16x16xi32, #tpu.memory_space<vmem>>, vector<16xi32>,
    %get3A_833 = arith.constant 224 : index
    %get3A_834 = tpu.vector_load %arg7[%get3A_833] {strides = array<i32>} : memref<256xi32, #tpu.memory_space<vmem>>, vector<16xi32>,
    %gather3A_835 = tpu.vector_load_idx %arg11[%get3A_834, %iota3A] : memref<8x16xi32, #tpu.memory_space<vmem>>[vector<16xi32>, vector<16xi32>], vector<16xi32>,
    tpu.vector_store_idx %arg11[%get3A_834, %iota3A], %broadcast_in_dim3A_466 {add = true} : memref<8x16xi32, #tpu.memory_space<vmem>>[vector<16xi32>, vector<16xi32>], vector<16xi32>,
    %swap3A_836 = arith.constant 14 : i32
    %swap3A_837 = arith.index_cast %swap3A_836 : i32 to index
    %swap3A_838 = arith.constant 0 : index
    %swap3A_839 = tpu.vector_load %arg9[%swap3A_837, %swap3A_838] {strides = array<i32>} : memref<16x16xi32, #tpu.memory_space<vmem>>, vector<16xi32>,
    tpu.vector_store %arg9[%swap3A_837, %swap3A_838], %gather3A_835 {strides = array<i32>} : memref<16x16xi32, #tpu.memory_space<vmem>>, vector<16xi32>,
    %get3A_840 = arith.constant 240 : index
    %get3A_841 = tpu.vector_load %arg7[%get3A_840] {strides = array<i32>} : memref<256xi32, #tpu.memory_space<vmem>>, vector<16xi32>,
    %gather3A_842 = tpu.vector_load_idx %arg11[%get3A_841, %iota3A] : memref<8x16xi32, #tpu.memory_space<vmem>>[vector<16xi32>, vector<16xi32>], vector<16xi32>,
    tpu.vector_store_idx %arg11[%get3A_841, %iota3A], %broadcast_in_dim3A_466 {add = true} : memref<8x16xi32, #tpu.memory_space<vmem>>[vector<16xi32>, vector<16xi32>], vector<16xi32>,
    %swap3A_843 = arith.constant 15 : i32
    %swap3A_844 = arith.index_cast %swap3A_843 : i32 to index
    %swap3A_845 = arith.constant 0 : index
    %swap3A_846 = tpu.vector_load %arg9[%swap3A_844, %swap3A_845] {strides = array<i32>} : memref<16x16xi32, #tpu.memory_space<vmem>>, vector<16xi32>,
    tpu.vector_store %arg9[%swap3A_844, %swap3A_845], %gather3A_842 {strides = array<i32>} : memref<16x16xi32, #tpu.memory_space<vmem>>, vector<16xi32>,
    "tpu.region"() ({
      %run_scoped3A = tpu.sem_alloc : memref<!tpu.dma_semaphore, #tpu.memory_space<semaphore_mem>>
      %dma_start3A_1569 = arith.constant 0 : i32
      %dma_start3A_1570 = arith.constant 0 : i32
      %dma_start3A_1571 = tpu.memref_slice %arg6[%add3A, %dma_start3A_1569, %dma_start3A_1570] : memref<32x16x16xi32, #tpu.memory_space<hbm>> -> memref<1x16x16xi32, #tpu.memory_space<hbm>>
      %dma_start3A_1572 = tpu.memref_squeeze %dma_start3A_1571 : memref<1x16x16xi32, #tpu.memory_space<hbm>> -> memref<16x16xi32, #tpu.memory_space<hbm>>
      %dma_start3A_1573 = arith.constant 0 : i32
      %dma_start3A_1574 = arith.constant 0 : i32
      %dma_start3A_1575 = tpu.memref_slice %arg6[%add3A, %dma_start3A_1573, %dma_start3A_1574] : memref<32x16x16xi32, #tpu.memory_space<hbm>> -> memref<1x16x16xi32, #tpu.memory_space<hbm>>
      %dma_start3A_1576 = tpu.memref_squeeze %dma_start3A_1575 : memref<1x16x16xi32, #tpu.memory_space<hbm>> -> memref<16x16xi32, #tpu.memory_space<hbm>>
      tpu.enqueue_dma source(%arg9 : memref<16x16xi32, #tpu.memory_space<vmem>>) target(%dma_start3A_1576 : memref<16x16xi32, #tpu.memory_space<hbm>>) target_semaphore(%run_scoped3A : memref<!tpu.dma_semaphore, #tpu.memory_space<semaphore_mem>>)
      %dma_wait3A_1577 = arith.constant 0 : i32
      %dma_wait3A_1578 = arith.constant 0 : i32
      %dma_wait3A_1579 = tpu.memref_slice %arg6[%add3A, %dma_wait3A_1577, %dma_wait3A_1578] : memref<32x16x16xi32, #tpu.memory_space<hbm>> -> memref<1x16x16xi32, #tpu.memory_space<hbm>>
      %dma_wait3A_1580 = tpu.memref_squeeze %dma_wait3A_1579 : memref<1x16x16xi32, #tpu.memory_space<hbm>> -> memref<16x16xi32, #tpu.memory_space<hbm>>
      %dma_wait3A_1581 = arith.constant 0 : i32
      %dma_wait3A_1582 = arith.constant 0 : i32
      %dma_wait3A_1583 = tpu.memref_slice %arg6[%add3A, %dma_wait3A_1581, %dma_wait3A_1582] : memref<32x16x16xi32, #tpu.memory_space<hbm>> -> memref<1x16x16xi32, #tpu.memory_space<hbm>>
      %dma_wait3A_1584 = tpu.memref_squeeze %dma_wait3A_1583 : memref<1x16x16xi32, #tpu.memory_space<hbm>> -> memref<16x16xi32, #tpu.memory_space<hbm>>
      tpu.wait_dma2 semaphore(%run_scoped3A : memref<!tpu.dma_semaphore, #tpu.memory_space<semaphore_mem>>) src(%arg9 : memref<16x16xi32, #tpu.memory_space<vmem>>) dst(%dma_wait3A_1584 : memref<16x16xi32, #tpu.memory_space<hbm>>)
      tpu.yield
    }) : () -> ()
    %dma_wait3A = arith.constant 0 : i32
    %dma_wait3A_847 = arith.constant 0 : i32
    %dma_wait3A_848 = arith.constant 0 : i32
    %dma_wait3A_849 = tpu.memref_slice %arg10[%dma_wait3A, %dma_wait3A_847, %dma_wait3A_848] : memref<6x16x1024xf32, #tpu.memory_space<vmem>> -> memref<1x16x1024xf32, #tpu.memory_space<vmem>>
    %dma_wait3A_850 = tpu.memref_squeeze %dma_wait3A_849 : memref<1x16x1024xf32, #tpu.memory_space<vmem>> -> memref<16x1024xf32, #tpu.memory_space<vmem>>
    %dma_wait3A_851 = arith.constant 0 : i32
    %dma_wait3A_852 = tpu.memref_slice %arg2[%add3A_4, %dma_wait3A_851] : memref<8192x1024xf32, #tpu.memory_space<hbm>> -> memref<16x1024xf32, #tpu.memory_space<hbm>>
    %dma_wait3A_853 = arith.constant 0 : i32
    %dma_wait3A_854 = arith.constant 0 : i32
    %dma_wait3A_855 = tpu.memref_slice %arg10[%dma_wait3A, %dma_wait3A_853, %dma_wait3A_854] : memref<6x16x1024xf32, #tpu.memory_space<vmem>> -> memref<1x16x1024xf32, #tpu.memory_space<vmem>>
    %dma_wait3A_856 = tpu.memref_squeeze %dma_wait3A_855 : memref<1x16x1024xf32, #tpu.memory_space<vmem>> -> memref<16x1024xf32, #tpu.memory_space<vmem>>
    %dma_wait3A_857 = arith.constant 0 : i32
    %dma_wait3A_858 = tpu.memref_slice %arg2[%add3A_4, %dma_wait3A_857] : memref<8192x1024xf32, #tpu.memory_space<hbm>> -> memref<16x1024xf32, #tpu.memory_space<hbm>>
    tpu.wait_dma2 semaphore(%arg12 : memref<!tpu.dma_semaphore, #tpu.memory_space<semaphore_mem>>) src(%dma_wait3A_858 : memref<16x1024xf32, #tpu.memory_space<hbm>>) dst(%dma_wait3A_856 : memref<16x1024xf32, #tpu.memory_space<vmem>>)
    %get3A_859 = arith.constant 0 : i32
    %get3A_860 = arith.index_cast %get3A_859 : i32 to index
    %get3A_861 = arith.constant 0 : index
    %get3A_862 = tpu.vector_load %arg9[%get3A_860, %get3A_861] {strides = array<i32>} : memref<16x16xi32, #tpu.memory_space<vmem>>, vector<16xi32>,
    %dma_start3A_863 = arith.constant 0 : i32
    %dma_start3A_864 = arith.constant 0 : i32
    %dma_start3A_865 = arith.constant 0 : i32
    %dma_start3A_866 = tpu.memref_slice %arg10[%dma_start3A_863, %dma_start3A_864, %dma_start3A_865] : memref<6x16x1024xf32, #tpu.memory_space<vmem>> -> memref<1x16x1024xf32, #tpu.memory_space<vmem>>
    %dma_start3A_867 = tpu.memref_squeeze %dma_start3A_866 : memref<1x16x1024xf32, #tpu.memory_space<vmem>> -> memref<16x1024xf32, #tpu.memory_space<vmem>>
    %dma_start3A_868 = arith.constant 0 : i32
    %dma_start3A_869 = arith.constant 0 : i32
    %dma_start3A_870 = tpu.memref_slice %arg5[%dma_start3A_868, %dma_start3A_869] : memref<8192x1024xf32, #tpu.memory_space<hbm>> -> memref<8192x1024xf32, #tpu.memory_space<hbm>>
    tpu.enqueue_indirect_dma source(%dma_start3A_867 : memref<16x1024xf32, #tpu.memory_space<vmem>>) target(%dma_start3A_870 : memref<8192x1024xf32, #tpu.memory_space<hbm>>) offsets(%get3A_862 : vector<16xi32>) semaphore(%arg18 : memref<!tpu.dma_semaphore, #tpu.memory_space<semaphore_mem>>)
    %add3A_871 = arith.constant 48 : i32
    %add3A_872 = arith.addi %mul3A_2, %add3A_871 : i32
    %dma_start3A_873 = arith.constant 3 : i32
    %dma_start3A_874 = arith.constant 0 : i32
    %dma_start3A_875 = arith.constant 0 : i32
    %dma_start3A_876 = tpu.memref_slice %arg10[%dma_start3A_873, %dma_start3A_874, %dma_start3A_875] : memref<6x16x1024xf32, #tpu.memory_space<vmem>> -> memref<1x16x1024xf32, #tpu.memory_space<vmem>>
    %dma_start3A_877 = tpu.memref_squeeze %dma_start3A_876 : memref<1x16x1024xf32, #tpu.memory_space<vmem>> -> memref<16x1024xf32, #tpu.memory_space<vmem>>
    %dma_start3A_878 = arith.constant 0 : i32
    %dma_start3A_879 = tpu.memref_slice %arg2[%add3A_872, %dma_start3A_878] : memref<8192x1024xf32, #tpu.memory_space<hbm>> -> memref<16x1024xf32, #tpu.memory_space<hbm>>
    %dma_start3A_880 = arith.constant 0 : i32
    %dma_start3A_881 = arith.constant 0 : i32
    %dma_start3A_882 = tpu.memref_slice %arg10[%dma_start3A_873, %dma_start3A_880, %dma_start3A_881] : memref<6x16x1024xf32, #tpu.memory_space<vmem>> -> memref<1x16x1024xf32, #tpu.memory_space<vmem>>
    %dma_start3A_883 = tpu.memref_squeeze %dma_start3A_882 : memref<1x16x1024xf32, #tpu.memory_space<vmem>> -> memref<16x1024xf32, #tpu.memory_space<vmem>>
    %dma_start3A_884 = arith.constant 0 : i32
    %dma_start3A_885 = tpu.memref_slice %arg2[%add3A_872, %dma_start3A_884] : memref<8192x1024xf32, #tpu.memory_space<hbm>> -> memref<16x1024xf32, #tpu.memory_space<hbm>>
    tpu.enqueue_dma source(%dma_start3A_885 : memref<16x1024xf32, #tpu.memory_space<hbm>>) target(%dma_start3A_883 : memref<16x1024xf32, #tpu.memory_space<vmem>>) target_semaphore(%arg15 : memref<!tpu.dma_semaphore, #tpu.memory_space<semaphore_mem>>)
    %dma_wait3A_886 = arith.constant 1 : i32
    %dma_wait3A_887 = arith.constant 0 : i32
    %dma_wait3A_888 = arith.constant 0 : i32
    %dma_wait3A_889 = tpu.memref_slice %arg10[%dma_wait3A_886, %dma_wait3A_887, %dma_wait3A_888] : memref<6x16x1024xf32, #tpu.memory_space<vmem>> -> memref<1x16x1024xf32, #tpu.memory_space<vmem>>
    %dma_wait3A_890 = tpu.memref_squeeze %dma_wait3A_889 : memref<1x16x1024xf32, #tpu.memory_space<vmem>> -> memref<16x1024xf32, #tpu.memory_space<vmem>>
    %dma_wait3A_891 = arith.constant 0 : i32
    %dma_wait3A_892 = tpu.memref_slice %arg2[%add3A_18, %dma_wait3A_891] : memref<8192x1024xf32, #tpu.memory_space<hbm>> -> memref<16x1024xf32, #tpu.memory_space<hbm>>
    %dma_wait3A_893 = arith.constant 0 : i32
    %dma_wait3A_894 = arith.constant 0 : i32
    %dma_wait3A_895 = tpu.memref_slice %arg10[%dma_wait3A_886, %dma_wait3A_893, %dma_wait3A_894] : memref<6x16x1024xf32, #tpu.memory_space<vmem>> -> memref<1x16x1024xf32, #tpu.memory_space<vmem>>
    %dma_wait3A_896 = tpu.memref_squeeze %dma_wait3A_895 : memref<1x16x1024xf32, #tpu.memory_space<vmem>> -> memref<16x1024xf32, #tpu.memory_space<vmem>>
    %dma_wait3A_897 = arith.constant 0 : i32
    %dma_wait3A_898 = tpu.memref_slice %arg2[%add3A_18, %dma_wait3A_897] : memref<8192x1024xf32, #tpu.memory_space<hbm>> -> memref<16x1024xf32, #tpu.memory_space<hbm>>
    tpu.wait_dma2 semaphore(%arg13 : memref<!tpu.dma_semaphore, #tpu.memory_space<semaphore_mem>>) src(%dma_wait3A_898 : memref<16x1024xf32, #tpu.memory_space<hbm>>) dst(%dma_wait3A_896 : memref<16x1024xf32, #tpu.memory_space<vmem>>)
    %get3A_899 = arith.constant 1 : i32
    %get3A_900 = arith.index_cast %get3A_899 : i32 to index
    %get3A_901 = arith.constant 0 : index
    %get3A_902 = tpu.vector_load %arg9[%get3A_900, %get3A_901] {strides = array<i32>} : memref<16x16xi32, #tpu.memory_space<vmem>>, vector<16xi32>,
    %dma_start3A_903 = arith.constant 1 : i32
    %dma_start3A_904 = arith.constant 0 : i32
    %dma_start3A_905 = arith.constant 0 : i32
    %dma_start3A_906 = tpu.memref_slice %arg10[%dma_start3A_903, %dma_start3A_904, %dma_start3A_905] : memref<6x16x1024xf32, #tpu.memory_space<vmem>> -> memref<1x16x1024xf32, #tpu.memory_space<vmem>>
    %dma_start3A_907 = tpu.memref_squeeze %dma_start3A_906 : memref<1x16x1024xf32, #tpu.memory_space<vmem>> -> memref<16x1024xf32, #tpu.memory_space<vmem>>
    %dma_start3A_908 = arith.constant 0 : i32
    %dma_start3A_909 = arith.constant 0 : i32
    %dma_start3A_910 = tpu.memref_slice %arg5[%dma_start3A_908, %dma_start3A_909] : memref<8192x1024xf32, #tpu.memory_space<hbm>> -> memref<8192x1024xf32, #tpu.memory_space<hbm>>
    tpu.enqueue_indirect_dma source(%dma_start3A_907 : memref<16x1024xf32, #tpu.memory_space<vmem>>) target(%dma_start3A_910 : memref<8192x1024xf32, #tpu.memory_space<hbm>>) offsets(%get3A_902 : vector<16xi32>) semaphore(%arg19 : memref<!tpu.dma_semaphore, #tpu.memory_space<semaphore_mem>>)
    %add3A_911 = arith.constant 64 : i32
    %add3A_912 = arith.addi %mul3A_2, %add3A_911 : i32
    %dma_start3A_913 = arith.constant 4 : i32
    %dma_start3A_914 = arith.constant 0 : i32
    %dma_start3A_915 = arith.constant 0 : i32
    %dma_start3A_916 = tpu.memref_slice %arg10[%dma_start3A_913, %dma_start3A_914, %dma_start3A_915] : memref<6x16x1024xf32, #tpu.memory_space<vmem>> -> memref<1x16x1024xf32, #tpu.memory_space<vmem>>
    %dma_start3A_917 = tpu.memref_squeeze %dma_start3A_916 : memref<1x16x1024xf32, #tpu.memory_space<vmem>> -> memref<16x1024xf32, #tpu.memory_space<vmem>>
    %dma_start3A_918 = arith.constant 0 : i32
    %dma_start3A_919 = tpu.memref_slice %arg2[%add3A_912, %dma_start3A_918] : memref<8192x1024xf32, #tpu.memory_space<hbm>> -> memref<16x1024xf32, #tpu.memory_space<hbm>>
    %dma_start3A_920 = arith.constant 0 : i32
    %dma_start3A_921 = arith.constant 0 : i32
    %dma_start3A_922 = tpu.memref_slice %arg10[%dma_start3A_913, %dma_start3A_920, %dma_start3A_921] : memref<6x16x1024xf32, #tpu.memory_space<vmem>> -> memref<1x16x1024xf32, #tpu.memory_space<vmem>>
    %dma_start3A_923 = tpu.memref_squeeze %dma_start3A_922 : memref<1x16x1024xf32, #tpu.memory_space<vmem>> -> memref<16x1024xf32, #tpu.memory_space<vmem>>
    %dma_start3A_924 = arith.constant 0 : i32
    %dma_start3A_925 = tpu.memref_slice %arg2[%add3A_912, %dma_start3A_924] : memref<8192x1024xf32, #tpu.memory_space<hbm>> -> memref<16x1024xf32, #tpu.memory_space<hbm>>
    tpu.enqueue_dma source(%dma_start3A_925 : memref<16x1024xf32, #tpu.memory_space<hbm>>) target(%dma_start3A_923 : memref<16x1024xf32, #tpu.memory_space<vmem>>) target_semaphore(%arg16 : memref<!tpu.dma_semaphore, #tpu.memory_space<semaphore_mem>>)
    %dma_wait3A_926 = arith.constant 2 : i32
    %dma_wait3A_927 = arith.constant 0 : i32
    %dma_wait3A_928 = arith.constant 0 : i32
    %dma_wait3A_929 = tpu.memref_slice %arg10[%dma_wait3A_926, %dma_wait3A_927, %dma_wait3A_928] : memref<6x16x1024xf32, #tpu.memory_space<vmem>> -> memref<1x16x1024xf32, #tpu.memory_space<vmem>>
    %dma_wait3A_930 = tpu.memref_squeeze %dma_wait3A_929 : memref<1x16x1024xf32, #tpu.memory_space<vmem>> -> memref<16x1024xf32, #tpu.memory_space<vmem>>
    %dma_wait3A_931 = arith.constant 0 : i32
    %dma_wait3A_932 = tpu.memref_slice %arg2[%add3A_33, %dma_wait3A_931] : memref<8192x1024xf32, #tpu.memory_space<hbm>> -> memref<16x1024xf32, #tpu.memory_space<hbm>>
    %dma_wait3A_933 = arith.constant 0 : i32
    %dma_wait3A_934 = arith.constant 0 : i32
    %dma_wait3A_935 = tpu.memref_slice %arg10[%dma_wait3A_926, %dma_wait3A_933, %dma_wait3A_934] : memref<6x16x1024xf32, #tpu.memory_space<vmem>> -> memref<1x16x1024xf32, #tpu.memory_space<vmem>>
    %dma_wait3A_936 = tpu.memref_squeeze %dma_wait3A_935 : memref<1x16x1024xf32, #tpu.memory_space<vmem>> -> memref<16x1024xf32, #tpu.memory_space<vmem>>
    %dma_wait3A_937 = arith.constant 0 : i32
    %dma_wait3A_938 = tpu.memref_slice %arg2[%add3A_33, %dma_wait3A_937] : memref<8192x1024xf32, #tpu.memory_space<hbm>> -> memref<16x1024xf32, #tpu.memory_space<hbm>>
    tpu.wait_dma2 semaphore(%arg14 : memref<!tpu.dma_semaphore, #tpu.memory_space<semaphore_mem>>) src(%dma_wait3A_938 : memref<16x1024xf32, #tpu.memory_space<hbm>>) dst(%dma_wait3A_936 : memref<16x1024xf32, #tpu.memory_space<vmem>>)
    %get3A_939 = arith.constant 2 : i32
    %get3A_940 = arith.index_cast %get3A_939 : i32 to index
    %get3A_941 = arith.constant 0 : index
    %get3A_942 = tpu.vector_load %arg9[%get3A_940, %get3A_941] {strides = array<i32>} : memref<16x16xi32, #tpu.memory_space<vmem>>, vector<16xi32>,
    %dma_start3A_943 = arith.constant 2 : i32
    %dma_start3A_944 = arith.constant 0 : i32
    %dma_start3A_945 = arith.constant 0 : i32
    %dma_start3A_946 = tpu.memref_slice %arg10[%dma_start3A_943, %dma_start3A_944, %dma_start3A_945] : memref<6x16x1024xf32, #tpu.memory_space<vmem>> -> memref<1x16x1024xf32, #tpu.memory_space<vmem>>
    %dma_start3A_947 = tpu.memref_squeeze %dma_start3A_946 : memref<1x16x1024xf32, #tpu.memory_space<vmem>> -> memref<16x1024xf32, #tpu.memory_space<vmem>>
    %dma_start3A_948 = arith.constant 0 : i32
    %dma_start3A_949 = arith.constant 0 : i32
    %dma_start3A_950 = tpu.memref_slice %arg5[%dma_start3A_948, %dma_start3A_949] : memref<8192x1024xf32, #tpu.memory_space<hbm>> -> memref<8192x1024xf32, #tpu.memory_space<hbm>>
    tpu.enqueue_indirect_dma source(%dma_start3A_947 : memref<16x1024xf32, #tpu.memory_space<vmem>>) target(%dma_start3A_950 : memref<8192x1024xf32, #tpu.memory_space<hbm>>) offsets(%get3A_942 : vector<16xi32>) semaphore(%arg20 : memref<!tpu.dma_semaphore, #tpu.memory_space<semaphore_mem>>)
    %add3A_951 = arith.constant 80 : i32
    %add3A_952 = arith.addi %mul3A_2, %add3A_951 : i32
    %dma_start3A_953 = arith.constant 5 : i32
    %dma_start3A_954 = arith.constant 0 : i32
    %dma_start3A_955 = arith.constant 0 : i32
    %dma_start3A_956 = tpu.memref_slice %arg10[%dma_start3A_953, %dma_start3A_954, %dma_start3A_955] : memref<6x16x1024xf32, #tpu.memory_space<vmem>> -> memref<1x16x1024xf32, #tpu.memory_space<vmem>>
    %dma_start3A_957 = tpu.memref_squeeze %dma_start3A_956 : memref<1x16x1024xf32, #tpu.memory_space<vmem>> -> memref<16x1024xf32, #tpu.memory_space<vmem>>
    %dma_start3A_958 = arith.constant 0 : i32
    %dma_start3A_959 = tpu.memref_slice %arg2[%add3A_952, %dma_start3A_958] : memref<8192x1024xf32, #tpu.memory_space<hbm>> -> memref<16x1024xf32, #tpu.memory_space<hbm>>
    %dma_start3A_960 = arith.constant 0 : i32
    %dma_start3A_961 = arith.constant 0 : i32
    %dma_start3A_962 = tpu.memref_slice %arg10[%dma_start3A_953, %dma_start3A_960, %dma_start3A_961] : memref<6x16x1024xf32, #tpu.memory_space<vmem>> -> memref<1x16x1024xf32, #tpu.memory_space<vmem>>
    %dma_start3A_963 = tpu.memref_squeeze %dma_start3A_962 : memref<1x16x1024xf32, #tpu.memory_space<vmem>> -> memref<16x1024xf32, #tpu.memory_space<vmem>>
    %dma_start3A_964 = arith.constant 0 : i32
    %dma_start3A_965 = tpu.memref_slice %arg2[%add3A_952, %dma_start3A_964] : memref<8192x1024xf32, #tpu.memory_space<hbm>> -> memref<16x1024xf32, #tpu.memory_space<hbm>>
    tpu.enqueue_dma source(%dma_start3A_965 : memref<16x1024xf32, #tpu.memory_space<hbm>>) target(%dma_start3A_963 : memref<16x1024xf32, #tpu.memory_space<vmem>>) target_semaphore(%arg17 : memref<!tpu.dma_semaphore, #tpu.memory_space<semaphore_mem>>)
    %dma_wait3A_966 = arith.constant 3 : i32
    %dma_wait3A_967 = arith.constant 0 : i32
    %dma_wait3A_968 = arith.constant 0 : i32
    %dma_wait3A_969 = tpu.memref_slice %arg10[%dma_wait3A_966, %dma_wait3A_967, %dma_wait3A_968] : memref<6x16x1024xf32, #tpu.memory_space<vmem>> -> memref<1x16x1024xf32, #tpu.memory_space<vmem>>
    %dma_wait3A_970 = tpu.memref_squeeze %dma_wait3A_969 : memref<1x16x1024xf32, #tpu.memory_space<vmem>> -> memref<16x1024xf32, #tpu.memory_space<vmem>>
    %dma_wait3A_971 = arith.constant 0 : i32
    %dma_wait3A_972 = tpu.memref_slice %arg2[%add3A_872, %dma_wait3A_971] : memref<8192x1024xf32, #tpu.memory_space<hbm>> -> memref<16x1024xf32, #tpu.memory_space<hbm>>
    %dma_wait3A_973 = arith.constant 0 : i32
    %dma_wait3A_974 = arith.constant 0 : i32
    %dma_wait3A_975 = tpu.memref_slice %arg10[%dma_wait3A_966, %dma_wait3A_973, %dma_wait3A_974] : memref<6x16x1024xf32, #tpu.memory_space<vmem>> -> memref<1x16x1024xf32, #tpu.memory_space<vmem>>
    %dma_wait3A_976 = tpu.memref_squeeze %dma_wait3A_975 : memref<1x16x1024xf32, #tpu.memory_space<vmem>> -> memref<16x1024xf32, #tpu.memory_space<vmem>>
    %dma_wait3A_977 = arith.constant 0 : i32
    %dma_wait3A_978 = tpu.memref_slice %arg2[%add3A_872, %dma_wait3A_977] : memref<8192x1024xf32, #tpu.memory_space<hbm>> -> memref<16x1024xf32, #tpu.memory_space<hbm>>
    tpu.wait_dma2 semaphore(%arg15 : memref<!tpu.dma_semaphore, #tpu.memory_space<semaphore_mem>>) src(%dma_wait3A_978 : memref<16x1024xf32, #tpu.memory_space<hbm>>) dst(%dma_wait3A_976 : memref<16x1024xf32, #tpu.memory_space<vmem>>)
    %get3A_979 = arith.constant 3 : i32
    %get3A_980 = arith.index_cast %get3A_979 : i32 to index
    %get3A_981 = arith.constant 0 : index
    %get3A_982 = tpu.vector_load %arg9[%get3A_980, %get3A_981] {strides = array<i32>} : memref<16x16xi32, #tpu.memory_space<vmem>>, vector<16xi32>,
    %dma_start3A_983 = arith.constant 3 : i32
    %dma_start3A_984 = arith.constant 0 : i32
    %dma_start3A_985 = arith.constant 0 : i32
    %dma_start3A_986 = tpu.memref_slice %arg10[%dma_start3A_983, %dma_start3A_984, %dma_start3A_985] : memref<6x16x1024xf32, #tpu.memory_space<vmem>> -> memref<1x16x1024xf32, #tpu.memory_space<vmem>>
    %dma_start3A_987 = tpu.memref_squeeze %dma_start3A_986 : memref<1x16x1024xf32, #tpu.memory_space<vmem>> -> memref<16x1024xf32, #tpu.memory_space<vmem>>
    %dma_start3A_988 = arith.constant 0 : i32
    %dma_start3A_989 = arith.constant 0 : i32
    %dma_start3A_990 = tpu.memref_slice %arg5[%dma_start3A_988, %dma_start3A_989] : memref<8192x1024xf32, #tpu.memory_space<hbm>> -> memref<8192x1024xf32, #tpu.memory_space<hbm>>
    tpu.enqueue_indirect_dma source(%dma_start3A_987 : memref<16x1024xf32, #tpu.memory_space<vmem>>) target(%dma_start3A_990 : memref<8192x1024xf32, #tpu.memory_space<hbm>>) offsets(%get3A_982 : vector<16xi32>) semaphore(%arg21 : memref<!tpu.dma_semaphore, #tpu.memory_space<semaphore_mem>>)
    %dma_wait3A_991 = arith.constant 0 : i32
    %dma_wait3A_992 = arith.constant 0 : i32
    %dma_wait3A_993 = arith.constant 0 : i32
    %dma_wait3A_994 = tpu.memref_slice %arg10[%dma_wait3A_991, %dma_wait3A_992, %dma_wait3A_993] : memref<6x16x1024xf32, #tpu.memory_space<vmem>> -> memref<1x16x1024xf32, #tpu.memory_space<vmem>>
    %dma_wait3A_995 = tpu.memref_squeeze %dma_wait3A_994 : memref<1x16x1024xf32, #tpu.memory_space<vmem>> -> memref<16x1024xf32, #tpu.memory_space<vmem>>
    %dma_wait3A_996 = arith.constant 0 : i32
    %dma_wait3A_997 = arith.constant 0 : i32
    %dma_wait3A_998 = tpu.memref_slice %arg5[%dma_wait3A_996, %dma_wait3A_997] : memref<8192x1024xf32, #tpu.memory_space<hbm>> -> memref<8192x1024xf32, #tpu.memory_space<hbm>>
    tpu.wait_indirect_dma semaphore(%arg18 : memref<!tpu.dma_semaphore, #tpu.memory_space<semaphore_mem>>) src(%dma_wait3A_995 : memref<16x1024xf32, #tpu.memory_space<vmem>>) dst(%dma_wait3A_998 : memref<8192x1024xf32, #tpu.memory_space<hbm>>)
    %add3A_999 = arith.constant 96 : i32
    %add3A_1000 = arith.addi %mul3A_2, %add3A_999 : i32
    %dma_start3A_1001 = arith.constant 0 : i32
    %dma_start3A_1002 = arith.constant 0 : i32
    %dma_start3A_1003 = arith.constant 0 : i32
    %dma_start3A_1004 = tpu.memref_slice %arg10[%dma_start3A_1001, %dma_start3A_1002, %dma_start3A_1003] : memref<6x16x1024xf32, #tpu.memory_space<vmem>> -> memref<1x16x1024xf32, #tpu.memory_space<vmem>>
    %dma_start3A_1005 = tpu.memref_squeeze %dma_start3A_1004 : memref<1x16x1024xf32, #tpu.memory_space<vmem>> -> memref<16x1024xf32, #tpu.memory_space<vmem>>
    %dma_start3A_1006 = arith.constant 0 : i32
    %dma_start3A_1007 = tpu.memref_slice %arg2[%add3A_1000, %dma_start3A_1006] : memref<8192x1024xf32, #tpu.memory_space<hbm>> -> memref<16x1024xf32, #tpu.memory_space<hbm>>
    %dma_start3A_1008 = arith.constant 0 : i32
    %dma_start3A_1009 = arith.constant 0 : i32
    %dma_start3A_1010 = tpu.memref_slice %arg10[%dma_start3A_1001, %dma_start3A_1008, %dma_start3A_1009] : memref<6x16x1024xf32, #tpu.memory_space<vmem>> -> memref<1x16x1024xf32, #tpu.memory_space<vmem>>
    %dma_start3A_1011 = tpu.memref_squeeze %dma_start3A_1010 : memref<1x16x1024xf32, #tpu.memory_space<vmem>> -> memref<16x1024xf32, #tpu.memory_space<vmem>>
    %dma_start3A_1012 = arith.constant 0 : i32
    %dma_start3A_1013 = tpu.memref_slice %arg2[%add3A_1000, %dma_start3A_1012] : memref<8192x1024xf32, #tpu.memory_space<hbm>> -> memref<16x1024xf32, #tpu.memory_space<hbm>>
    tpu.enqueue_dma source(%dma_start3A_1013 : memref<16x1024xf32, #tpu.memory_space<hbm>>) target(%dma_start3A_1011 : memref<16x1024xf32, #tpu.memory_space<vmem>>) target_semaphore(%arg12 : memref<!tpu.dma_semaphore, #tpu.memory_space<semaphore_mem>>)
    %dma_wait3A_1014 = arith.constant 4 : i32
    %dma_wait3A_1015 = arith.constant 0 : i32
    %dma_wait3A_1016 = arith.constant 0 : i32
    %dma_wait3A_1017 = tpu.memref_slice %arg10[%dma_wait3A_1014, %dma_wait3A_1015, %dma_wait3A_1016] : memref<6x16x1024xf32, #tpu.memory_space<vmem>> -> memref<1x16x1024xf32, #tpu.memory_space<vmem>>
    %dma_wait3A_1018 = tpu.memref_squeeze %dma_wait3A_1017 : memref<1x16x1024xf32, #tpu.memory_space<vmem>> -> memref<16x1024xf32, #tpu.memory_space<vmem>>
    %dma_wait3A_1019 = arith.constant 0 : i32
    %dma_wait3A_1020 = tpu.memref_slice %arg2[%add3A_912, %dma_wait3A_1019] : memref<8192x1024xf32, #tpu.memory_space<hbm>> -> memref<16x1024xf32, #tpu.memory_space<hbm>>
    %dma_wait3A_1021 = arith.constant 0 : i32
    %dma_wait3A_1022 = arith.constant 0 : i32
    %dma_wait3A_1023 = tpu.memref_slice %arg10[%dma_wait3A_1014, %dma_wait3A_1021, %dma_wait3A_1022] : memref<6x16x1024xf32, #tpu.memory_space<vmem>> -> memref<1x16x1024xf32, #tpu.memory_space<vmem>>
    %dma_wait3A_1024 = tpu.memref_squeeze %dma_wait3A_1023 : memref<1x16x1024xf32, #tpu.memory_space<vmem>> -> memref<16x1024xf32, #tpu.memory_space<vmem>>
    %dma_wait3A_1025 = arith.constant 0 : i32
    %dma_wait3A_1026 = tpu.memref_slice %arg2[%add3A_912, %dma_wait3A_1025] : memref<8192x1024xf32, #tpu.memory_space<hbm>> -> memref<16x1024xf32, #tpu.memory_space<hbm>>
    tpu.wait_dma2 semaphore(%arg16 : memref<!tpu.dma_semaphore, #tpu.memory_space<semaphore_mem>>) src(%dma_wait3A_1026 : memref<16x1024xf32, #tpu.memory_space<hbm>>) dst(%dma_wait3A_1024 : memref<16x1024xf32, #tpu.memory_space<vmem>>)
    %get3A_1027 = arith.constant 4 : i32
    %get3A_1028 = arith.index_cast %get3A_1027 : i32 to index
    %get3A_1029 = arith.constant 0 : index
    %get3A_1030 = tpu.vector_load %arg9[%get3A_1028, %get3A_1029] {strides = array<i32>} : memref<16x16xi32, #tpu.memory_space<vmem>>, vector<16xi32>,
    %dma_start3A_1031 = arith.constant 4 : i32
    %dma_start3A_1032 = arith.constant 0 : i32
    %dma_start3A_1033 = arith.constant 0 : i32
    %dma_start3A_1034 = tpu.memref_slice %arg10[%dma_start3A_1031, %dma_start3A_1032, %dma_start3A_1033] : memref<6x16x1024xf32, #tpu.memory_space<vmem>> -> memref<1x16x1024xf32, #tpu.memory_space<vmem>>
    %dma_start3A_1035 = tpu.memref_squeeze %dma_start3A_1034 : memref<1x16x1024xf32, #tpu.memory_space<vmem>> -> memref<16x1024xf32, #tpu.memory_space<vmem>>
    %dma_start3A_1036 = arith.constant 0 : i32
    %dma_start3A_1037 = arith.constant 0 : i32
    %dma_start3A_1038 = tpu.memref_slice %arg5[%dma_start3A_1036, %dma_start3A_1037] : memref<8192x1024xf32, #tpu.memory_space<hbm>> -> memref<8192x1024xf32, #tpu.memory_space<hbm>>
    tpu.enqueue_indirect_dma source(%dma_start3A_1035 : memref<16x1024xf32, #tpu.memory_space<vmem>>) target(%dma_start3A_1038 : memref<8192x1024xf32, #tpu.memory_space<hbm>>) offsets(%get3A_1030 : vector<16xi32>) semaphore(%arg22 : memref<!tpu.dma_semaphore, #tpu.memory_space<semaphore_mem>>)
    %dma_wait3A_1039 = arith.constant 1 : i32
    %dma_wait3A_1040 = arith.constant 0 : i32
    %dma_wait3A_1041 = arith.constant 0 : i32
    %dma_wait3A_1042 = tpu.memref_slice %arg10[%dma_wait3A_1039, %dma_wait3A_1040, %dma_wait3A_1041] : memref<6x16x1024xf32, #tpu.memory_space<vmem>> -> memref<1x16x1024xf32, #tpu.memory_space<vmem>>
    %dma_wait3A_1043 = tpu.memref_squeeze %dma_wait3A_1042 : memref<1x16x1024xf32, #tpu.memory_space<vmem>> -> memref<16x1024xf32, #tpu.memory_space<vmem>>
    %dma_wait3A_1044 = arith.constant 0 : i32
    %dma_wait3A_1045 = arith.constant 0 : i32
    %dma_wait3A_1046 = tpu.memref_slice %arg5[%dma_wait3A_1044, %dma_wait3A_1045] : memref<8192x1024xf32, #tpu.memory_space<hbm>> -> memref<8192x1024xf32, #tpu.memory_space<hbm>>
    tpu.wait_indirect_dma semaphore(%arg19 : memref<!tpu.dma_semaphore, #tpu.memory_space<semaphore_mem>>) src(%dma_wait3A_1043 : memref<16x1024xf32, #tpu.memory_space<vmem>>) dst(%dma_wait3A_1046 : memref<8192x1024xf32, #tpu.memory_space<hbm>>)
    %add3A_1047 = arith.constant 112 : i32
    %add3A_1048 = arith.addi %mul3A_2, %add3A_1047 : i32
    %dma_start3A_1049 = arith.constant 1 : i32
    %dma_start3A_1050 = arith.constant 0 : i32
    %dma_start3A_1051 = arith.constant 0 : i32
    %dma_start3A_1052 = tpu.memref_slice %arg10[%dma_start3A_1049, %dma_start3A_1050, %dma_start3A_1051] : memref<6x16x1024xf32, #tpu.memory_space<vmem>> -> memref<1x16x1024xf32, #tpu.memory_space<vmem>>
    %dma_start3A_1053 = tpu.memref_squeeze %dma_start3A_1052 : memref<1x16x1024xf32, #tpu.memory_space<vmem>> -> memref<16x1024xf32, #tpu.memory_space<vmem>>
    %dma_start3A_1054 = arith.constant 0 : i32
    %dma_start3A_1055 = tpu.memref_slice %arg2[%add3A_1048, %dma_start3A_1054] : memref<8192x1024xf32, #tpu.memory_space<hbm>> -> memref<16x1024xf32, #tpu.memory_space<hbm>>
    %dma_start3A_1056 = arith.constant 0 : i32
    %dma_start3A_1057 = arith.constant 0 : i32
    %dma_start3A_1058 = tpu.memref_slice %arg10[%dma_start3A_1049, %dma_start3A_1056, %dma_start3A_1057] : memref<6x16x1024xf32, #tpu.memory_space<vmem>> -> memref<1x16x1024xf32, #tpu.memory_space<vmem>>
    %dma_start3A_1059 = tpu.memref_squeeze %dma_start3A_1058 : memref<1x16x1024xf32, #tpu.memory_space<vmem>> -> memref<16x1024xf32, #tpu.memory_space<vmem>>
    %dma_start3A_1060 = arith.constant 0 : i32
    %dma_start3A_1061 = tpu.memref_slice %arg2[%add3A_1048, %dma_start3A_1060] : memref<8192x1024xf32, #tpu.memory_space<hbm>> -> memref<16x1024xf32, #tpu.memory_space<hbm>>
    tpu.enqueue_dma source(%dma_start3A_1061 : memref<16x1024xf32, #tpu.memory_space<hbm>>) target(%dma_start3A_1059 : memref<16x1024xf32, #tpu.memory_space<vmem>>) target_semaphore(%arg13 : memref<!tpu.dma_semaphore, #tpu.memory_space<semaphore_mem>>)
    %dma_wait3A_1062 = arith.constant 5 : i32
    %dma_wait3A_1063 = arith.constant 0 : i32
    %dma_wait3A_1064 = arith.constant 0 : i32
    %dma_wait3A_1065 = tpu.memref_slice %arg10[%dma_wait3A_1062, %dma_wait3A_1063, %dma_wait3A_1064] : memref<6x16x1024xf32, #tpu.memory_space<vmem>> -> memref<1x16x1024xf32, #tpu.memory_space<vmem>>
    %dma_wait3A_1066 = tpu.memref_squeeze %dma_wait3A_1065 : memref<1x16x1024xf32, #tpu.memory_space<vmem>> -> memref<16x1024xf32, #tpu.memory_space<vmem>>
    %dma_wait3A_1067 = arith.constant 0 : i32
    %dma_wait3A_1068 = tpu.memref_slice %arg2[%add3A_952, %dma_wait3A_1067] : memref<8192x1024xf32, #tpu.memory_space<hbm>> -> memref<16x1024xf32, #tpu.memory_space<hbm>>
    %dma_wait3A_1069 = arith.constant 0 : i32
    %dma_wait3A_1070 = arith.constant 0 : i32
    %dma_wait3A_1071 = tpu.memref_slice %arg10[%dma_wait3A_1062, %dma_wait3A_1069, %dma_wait3A_1070] : memref<6x16x1024xf32, #tpu.memory_space<vmem>> -> memref<1x16x1024xf32, #tpu.memory_space<vmem>>
    %dma_wait3A_1072 = tpu.memref_squeeze %dma_wait3A_1071 : memref<1x16x1024xf32, #tpu.memory_space<vmem>> -> memref<16x1024xf32, #tpu.memory_space<vmem>>
    %dma_wait3A_1073 = arith.constant 0 : i32
    %dma_wait3A_1074 = tpu.memref_slice %arg2[%add3A_952, %dma_wait3A_1073] : memref<8192x1024xf32, #tpu.memory_space<hbm>> -> memref<16x1024xf32, #tpu.memory_space<hbm>>
    tpu.wait_dma2 semaphore(%arg17 : memref<!tpu.dma_semaphore, #tpu.memory_space<semaphore_mem>>) src(%dma_wait3A_1074 : memref<16x1024xf32, #tpu.memory_space<hbm>>) dst(%dma_wait3A_1072 : memref<16x1024xf32, #tpu.memory_space<vmem>>)
    %get3A_1075 = arith.constant 5 : i32
    %get3A_1076 = arith.index_cast %get3A_1075 : i32 to index
    %get3A_1077 = arith.constant 0 : index
    %get3A_1078 = tpu.vector_load %arg9[%get3A_1076, %get3A_1077] {strides = array<i32>} : memref<16x16xi32, #tpu.memory_space<vmem>>, vector<16xi32>,
    %dma_start3A_1079 = arith.constant 5 : i32
    %dma_start3A_1080 = arith.constant 0 : i32
    %dma_start3A_1081 = arith.constant 0 : i32
    %dma_start3A_1082 = tpu.memref_slice %arg10[%dma_start3A_1079, %dma_start3A_1080, %dma_start3A_1081] : memref<6x16x1024xf32, #tpu.memory_space<vmem>> -> memref<1x16x1024xf32, #tpu.memory_space<vmem>>
    %dma_start3A_1083 = tpu.memref_squeeze %dma_start3A_1082 : memref<1x16x1024xf32, #tpu.memory_space<vmem>> -> memref<16x1024xf32, #tpu.memory_space<vmem>>
    %dma_start3A_1084 = arith.constant 0 : i32
    %dma_start3A_1085 = arith.constant 0 : i32
    %dma_start3A_1086 = tpu.memref_slice %arg5[%dma_start3A_1084, %dma_start3A_1085] : memref<8192x1024xf32, #tpu.memory_space<hbm>> -> memref<8192x1024xf32, #tpu.memory_space<hbm>>
    tpu.enqueue_indirect_dma source(%dma_start3A_1083 : memref<16x1024xf32, #tpu.memory_space<vmem>>) target(%dma_start3A_1086 : memref<8192x1024xf32, #tpu.memory_space<hbm>>) offsets(%get3A_1078 : vector<16xi32>) semaphore(%arg23 : memref<!tpu.dma_semaphore, #tpu.memory_space<semaphore_mem>>)
    %dma_wait3A_1087 = arith.constant 2 : i32
    %dma_wait3A_1088 = arith.constant 0 : i32
    %dma_wait3A_1089 = arith.constant 0 : i32
    %dma_wait3A_1090 = tpu.memref_slice %arg10[%dma_wait3A_1087, %dma_wait3A_1088, %dma_wait3A_1089] : memref<6x16x1024xf32, #tpu.memory_space<vmem>> -> memref<1x16x1024xf32, #tpu.memory_space<vmem>>
    %dma_wait3A_1091 = tpu.memref_squeeze %dma_wait3A_1090 : memref<1x16x1024xf32, #tpu.memory_space<vmem>> -> memref<16x1024xf32, #tpu.memory_space<vmem>>
    %dma_wait3A_1092 = arith.constant 0 : i32
    %dma_wait3A_1093 = arith.constant 0 : i32
    %dma_wait3A_1094 = tpu.memref_slice %arg5[%dma_wait3A_1092, %dma_wait3A_1093] : memref<8192x1024xf32, #tpu.memory_space<hbm>> -> memref<8192x1024xf32, #tpu.memory_space<hbm>>
    tpu.wait_indirect_dma semaphore(%arg20 : memref<!tpu.dma_semaphore, #tpu.memory_space<semaphore_mem>>) src(%dma_wait3A_1091 : memref<16x1024xf32, #tpu.memory_space<vmem>>) dst(%dma_wait3A_1094 : memref<8192x1024xf32, #tpu.memory_space<hbm>>)
    %add3A_1095 = arith.constant 128 : i32
    %add3A_1096 = arith.addi %mul3A_2, %add3A_1095 : i32
    %dma_start3A_1097 = arith.constant 2 : i32
    %dma_start3A_1098 = arith.constant 0 : i32
    %dma_start3A_1099 = arith.constant 0 : i32
    %dma_start3A_1100 = tpu.memref_slice %arg10[%dma_start3A_1097, %dma_start3A_1098, %dma_start3A_1099] : memref<6x16x1024xf32, #tpu.memory_space<vmem>> -> memref<1x16x1024xf32, #tpu.memory_space<vmem>>
    %dma_start3A_1101 = tpu.memref_squeeze %dma_start3A_1100 : memref<1x16x1024xf32, #tpu.memory_space<vmem>> -> memref<16x1024xf32, #tpu.memory_space<vmem>>
    %dma_start3A_1102 = arith.constant 0 : i32
    %dma_start3A_1103 = tpu.memref_slice %arg2[%add3A_1096, %dma_start3A_1102] : memref<8192x1024xf32, #tpu.memory_space<hbm>> -> memref<16x1024xf32, #tpu.memory_space<hbm>>
    %dma_start3A_1104 = arith.constant 0 : i32
    %dma_start3A_1105 = arith.constant 0 : i32
    %dma_start3A_1106 = tpu.memref_slice %arg10[%dma_start3A_1097, %dma_start3A_1104, %dma_start3A_1105] : memref<6x16x1024xf32, #tpu.memory_space<vmem>> -> memref<1x16x1024xf32, #tpu.memory_space<vmem>>
    %dma_start3A_1107 = tpu.memref_squeeze %dma_start3A_1106 : memref<1x16x1024xf32, #tpu.memory_space<vmem>> -> memref<16x1024xf32, #tpu.memory_space<vmem>>
    %dma_start3A_1108 = arith.constant 0 : i32
    %dma_start3A_1109 = tpu.memref_slice %arg2[%add3A_1096, %dma_start3A_1108] : memref<8192x1024xf32, #tpu.memory_space<hbm>> -> memref<16x1024xf32, #tpu.memory_space<hbm>>
    tpu.enqueue_dma source(%dma_start3A_1109 : memref<16x1024xf32, #tpu.memory_space<hbm>>) target(%dma_start3A_1107 : memref<16x1024xf32, #tpu.memory_space<vmem>>) target_semaphore(%arg14 : memref<!tpu.dma_semaphore, #tpu.memory_space<semaphore_mem>>)
    %dma_wait3A_1110 = arith.constant 0 : i32
    %dma_wait3A_1111 = arith.constant 0 : i32
    %dma_wait3A_1112 = arith.constant 0 : i32
    %dma_wait3A_1113 = tpu.memref_slice %arg10[%dma_wait3A_1110, %dma_wait3A_1111, %dma_wait3A_1112] : memref<6x16x1024xf32, #tpu.memory_space<vmem>> -> memref<1x16x1024xf32, #tpu.memory_space<vmem>>
    %dma_wait3A_1114 = tpu.memref_squeeze %dma_wait3A_1113 : memref<1x16x1024xf32, #tpu.memory_space<vmem>> -> memref<16x1024xf32, #tpu.memory_space<vmem>>
    %dma_wait3A_1115 = arith.constant 0 : i32
    %dma_wait3A_1116 = tpu.memref_slice %arg2[%add3A_1000, %dma_wait3A_1115] : memref<8192x1024xf32, #tpu.memory_space<hbm>> -> memref<16x1024xf32, #tpu.memory_space<hbm>>
    %dma_wait3A_1117 = arith.constant 0 : i32
    %dma_wait3A_1118 = arith.constant 0 : i32
    %dma_wait3A_1119 = tpu.memref_slice %arg10[%dma_wait3A_1110, %dma_wait3A_1117, %dma_wait3A_1118] : memref<6x16x1024xf32, #tpu.memory_space<vmem>> -> memref<1x16x1024xf32, #tpu.memory_space<vmem>>
    %dma_wait3A_1120 = tpu.memref_squeeze %dma_wait3A_1119 : memref<1x16x1024xf32, #tpu.memory_space<vmem>> -> memref<16x1024xf32, #tpu.memory_space<vmem>>
    %dma_wait3A_1121 = arith.constant 0 : i32
    %dma_wait3A_1122 = tpu.memref_slice %arg2[%add3A_1000, %dma_wait3A_1121] : memref<8192x1024xf32, #tpu.memory_space<hbm>> -> memref<16x1024xf32, #tpu.memory_space<hbm>>
    tpu.wait_dma2 semaphore(%arg12 : memref<!tpu.dma_semaphore, #tpu.memory_space<semaphore_mem>>) src(%dma_wait3A_1122 : memref<16x1024xf32, #tpu.memory_space<hbm>>) dst(%dma_wait3A_1120 : memref<16x1024xf32, #tpu.memory_space<vmem>>)
    %get3A_1123 = arith.constant 6 : i32
    %get3A_1124 = arith.index_cast %get3A_1123 : i32 to index
    %get3A_1125 = arith.constant 0 : index
    %get3A_1126 = tpu.vector_load %arg9[%get3A_1124, %get3A_1125] {strides = array<i32>} : memref<16x16xi32, #tpu.memory_space<vmem>>, vector<16xi32>,
    %dma_start3A_1127 = arith.constant 0 : i32
    %dma_start3A_1128 = arith.constant 0 : i32
    %dma_start3A_1129 = arith.constant 0 : i32
    %dma_start3A_1130 = tpu.memref_slice %arg10[%dma_start3A_1127, %dma_start3A_1128, %dma_start3A_1129] : memref<6x16x1024xf32, #tpu.memory_space<vmem>> -> memref<1x16x1024xf32, #tpu.memory_space<vmem>>
    %dma_start3A_1131 = tpu.memref_squeeze %dma_start3A_1130 : memref<1x16x1024xf32, #tpu.memory_space<vmem>> -> memref<16x1024xf32, #tpu.memory_space<vmem>>
    %dma_start3A_1132 = arith.constant 0 : i32
    %dma_start3A_1133 = arith.constant 0 : i32
    %dma_start3A_1134 = tpu.memref_slice %arg5[%dma_start3A_1132, %dma_start3A_1133] : memref<8192x1024xf32, #tpu.memory_space<hbm>> -> memref<8192x1024xf32, #tpu.memory_space<hbm>>
    tpu.enqueue_indirect_dma source(%dma_start3A_1131 : memref<16x1024xf32, #tpu.memory_space<vmem>>) target(%dma_start3A_1134 : memref<8192x1024xf32, #tpu.memory_space<hbm>>) offsets(%get3A_1126 : vector<16xi32>) semaphore(%arg18 : memref<!tpu.dma_semaphore, #tpu.memory_space<semaphore_mem>>)
    %dma_wait3A_1135 = arith.constant 3 : i32
    %dma_wait3A_1136 = arith.constant 0 : i32
    %dma_wait3A_1137 = arith.constant 0 : i32
    %dma_wait3A_1138 = tpu.memref_slice %arg10[%dma_wait3A_1135, %dma_wait3A_1136, %dma_wait3A_1137] : memref<6x16x1024xf32, #tpu.memory_space<vmem>> -> memref<1x16x1024xf32, #tpu.memory_space<vmem>>
    %dma_wait3A_1139 = tpu.memref_squeeze %dma_wait3A_1138 : memref<1x16x1024xf32, #tpu.memory_space<vmem>> -> memref<16x1024xf32, #tpu.memory_space<vmem>>
    %dma_wait3A_1140 = arith.constant 0 : i32
    %dma_wait3A_1141 = arith.constant 0 : i32
    %dma_wait3A_1142 = tpu.memref_slice %arg5[%dma_wait3A_1140, %dma_wait3A_1141] : memref<8192x1024xf32, #tpu.memory_space<hbm>> -> memref<8192x1024xf32, #tpu.memory_space<hbm>>
    tpu.wait_indirect_dma semaphore(%arg21 : memref<!tpu.dma_semaphore, #tpu.memory_space<semaphore_mem>>) src(%dma_wait3A_1139 : memref<16x1024xf32, #tpu.memory_space<vmem>>) dst(%dma_wait3A_1142 : memref<8192x1024xf32, #tpu.memory_space<hbm>>)
    %add3A_1143 = arith.constant 144 : i32
    %add3A_1144 = arith.addi %mul3A_2, %add3A_1143 : i32
    %dma_start3A_1145 = arith.constant 3 : i32
    %dma_start3A_1146 = arith.constant 0 : i32
    %dma_start3A_1147 = arith.constant 0 : i32
    %dma_start3A_1148 = tpu.memref_slice %arg10[%dma_start3A_1145, %dma_start3A_1146, %dma_start3A_1147] : memref<6x16x1024xf32, #tpu.memory_space<vmem>> -> memref<1x16x1024xf32, #tpu.memory_space<vmem>>
    %dma_start3A_1149 = tpu.memref_squeeze %dma_start3A_1148 : memref<1x16x1024xf32, #tpu.memory_space<vmem>> -> memref<16x1024xf32, #tpu.memory_space<vmem>>
    %dma_start3A_1150 = arith.constant 0 : i32
    %dma_start3A_1151 = tpu.memref_slice %arg2[%add3A_1144, %dma_start3A_1150] : memref<8192x1024xf32, #tpu.memory_space<hbm>> -> memref<16x1024xf32, #tpu.memory_space<hbm>>
    %dma_start3A_1152 = arith.constant 0 : i32
    %dma_start3A_1153 = arith.constant 0 : i32
    %dma_start3A_1154 = tpu.memref_slice %arg10[%dma_start3A_1145, %dma_start3A_1152, %dma_start3A_1153] : memref<6x16x1024xf32, #tpu.memory_space<vmem>> -> memref<1x16x1024xf32, #tpu.memory_space<vmem>>
    %dma_start3A_1155 = tpu.memref_squeeze %dma_start3A_1154 : memref<1x16x1024xf32, #tpu.memory_space<vmem>> -> memref<16x1024xf32, #tpu.memory_space<vmem>>
    %dma_start3A_1156 = arith.constant 0 : i32
    %dma_start3A_1157 = tpu.memref_slice %arg2[%add3A_1144, %dma_start3A_1156] : memref<8192x1024xf32, #tpu.memory_space<hbm>> -> memref<16x1024xf32, #tpu.memory_space<hbm>>
    tpu.enqueue_dma source(%dma_start3A_1157 : memref<16x1024xf32, #tpu.memory_space<hbm>>) target(%dma_start3A_1155 : memref<16x1024xf32, #tpu.memory_space<vmem>>) target_semaphore(%arg15 : memref<!tpu.dma_semaphore, #tpu.memory_space<semaphore_mem>>)
    %dma_wait3A_1158 = arith.constant 1 : i32
    %dma_wait3A_1159 = arith.constant 0 : i32
    %dma_wait3A_1160 = arith.constant 0 : i32
    %dma_wait3A_1161 = tpu.memref_slice %arg10[%dma_wait3A_1158, %dma_wait3A_1159, %dma_wait3A_1160] : memref<6x16x1024xf32, #tpu.memory_space<vmem>> -> memref<1x16x1024xf32, #tpu.memory_space<vmem>>
    %dma_wait3A_1162 = tpu.memref_squeeze %dma_wait3A_1161 : memref<1x16x1024xf32, #tpu.memory_space<vmem>> -> memref<16x1024xf32, #tpu.memory_space<vmem>>
    %dma_wait3A_1163 = arith.constant 0 : i32
    %dma_wait3A_1164 = tpu.memref_slice %arg2[%add3A_1048, %dma_wait3A_1163] : memref<8192x1024xf32, #tpu.memory_space<hbm>> -> memref<16x1024xf32, #tpu.memory_space<hbm>>
    %dma_wait3A_1165 = arith.constant 0 : i32
    %dma_wait3A_1166 = arith.constant 0 : i32
    %dma_wait3A_1167 = tpu.memref_slice %arg10[%dma_wait3A_1158, %dma_wait3A_1165, %dma_wait3A_1166] : memref<6x16x1024xf32, #tpu.memory_space<vmem>> -> memref<1x16x1024xf32, #tpu.memory_space<vmem>>
    %dma_wait3A_1168 = tpu.memref_squeeze %dma_wait3A_1167 : memref<1x16x1024xf32, #tpu.memory_space<vmem>> -> memref<16x1024xf32, #tpu.memory_space<vmem>>
    %dma_wait3A_1169 = arith.constant 0 : i32
    %dma_wait3A_1170 = tpu.memref_slice %arg2[%add3A_1048, %dma_wait3A_1169] : memref<8192x1024xf32, #tpu.memory_space<hbm>> -> memref<16x1024xf32, #tpu.memory_space<hbm>>
    tpu.wait_dma2 semaphore(%arg13 : memref<!tpu.dma_semaphore, #tpu.memory_space<semaphore_mem>>) src(%dma_wait3A_1170 : memref<16x1024xf32, #tpu.memory_space<hbm>>) dst(%dma_wait3A_1168 : memref<16x1024xf32, #tpu.memory_space<vmem>>)
    %get3A_1171 = arith.constant 7 : i32
    %get3A_1172 = arith.index_cast %get3A_1171 : i32 to index
    %get3A_1173 = arith.constant 0 : index
    %get3A_1174 = tpu.vector_load %arg9[%get3A_1172, %get3A_1173] {strides = array<i32>} : memref<16x16xi32, #tpu.memory_space<vmem>>, vector<16xi32>,
    %dma_start3A_1175 = arith.constant 1 : i32
    %dma_start3A_1176 = arith.constant 0 : i32
    %dma_start3A_1177 = arith.constant 0 : i32
    %dma_start3A_1178 = tpu.memref_slice %arg10[%dma_start3A_1175, %dma_start3A_1176, %dma_start3A_1177] : memref<6x16x1024xf32, #tpu.memory_space<vmem>> -> memref<1x16x1024xf32, #tpu.memory_space<vmem>>
    %dma_start3A_1179 = tpu.memref_squeeze %dma_start3A_1178 : memref<1x16x1024xf32, #tpu.memory_space<vmem>> -> memref<16x1024xf32, #tpu.memory_space<vmem>>
    %dma_start3A_1180 = arith.constant 0 : i32
    %dma_start3A_1181 = arith.constant 0 : i32
    %dma_start3A_1182 = tpu.memref_slice %arg5[%dma_start3A_1180, %dma_start3A_1181] : memref<8192x1024xf32, #tpu.memory_space<hbm>> -> memref<8192x1024xf32, #tpu.memory_space<hbm>>
    tpu.enqueue_indirect_dma source(%dma_start3A_1179 : memref<16x1024xf32, #tpu.memory_space<vmem>>) target(%dma_start3A_1182 : memref<8192x1024xf32, #tpu.memory_space<hbm>>) offsets(%get3A_1174 : vector<16xi32>) semaphore(%arg19 : memref<!tpu.dma_semaphore, #tpu.memory_space<semaphore_mem>>)
    %dma_wait3A_1183 = arith.constant 4 : i32
    %dma_wait3A_1184 = arith.constant 0 : i32
    %dma_wait3A_1185 = arith.constant 0 : i32
    %dma_wait3A_1186 = tpu.memref_slice %arg10[%dma_wait3A_1183, %dma_wait3A_1184, %dma_wait3A_1185] : memref<6x16x1024xf32, #tpu.memory_space<vmem>> -> memref<1x16x1024xf32, #tpu.memory_space<vmem>>
    %dma_wait3A_1187 = tpu.memref_squeeze %dma_wait3A_1186 : memref<1x16x1024xf32, #tpu.memory_space<vmem>> -> memref<16x1024xf32, #tpu.memory_space<vmem>>
    %dma_wait3A_1188 = arith.constant 0 : i32
    %dma_wait3A_1189 = arith.constant 0 : i32
    %dma_wait3A_1190 = tpu.memref_slice %arg5[%dma_wait3A_1188, %dma_wait3A_1189] : memref<8192x1024xf32, #tpu.memory_space<hbm>> -> memref<8192x1024xf32, #tpu.memory_space<hbm>>
    tpu.wait_indirect_dma semaphore(%arg22 : memref<!tpu.dma_semaphore, #tpu.memory_space<semaphore_mem>>) src(%dma_wait3A_1187 : memref<16x1024xf32, #tpu.memory_space<vmem>>) dst(%dma_wait3A_1190 : memref<8192x1024xf32, #tpu.memory_space<hbm>>)
    %add3A_1191 = arith.constant 160 : i32
    %add3A_1192 = arith.addi %mul3A_2, %add3A_1191 : i32
    %dma_start3A_1193 = arith.constant 4 : i32
    %dma_start3A_1194 = arith.constant 0 : i32
    %dma_start3A_1195 = arith.constant 0 : i32
    %dma_start3A_1196 = tpu.memref_slice %arg10[%dma_start3A_1193, %dma_start3A_1194, %dma_start3A_1195] : memref<6x16x1024xf32, #tpu.memory_space<vmem>> -> memref<1x16x1024xf32, #tpu.memory_space<vmem>>
    %dma_start3A_1197 = tpu.memref_squeeze %dma_start3A_1196 : memref<1x16x1024xf32, #tpu.memory_space<vmem>> -> memref<16x1024xf32, #tpu.memory_space<vmem>>
    %dma_start3A_1198 = arith.constant 0 : i32
    %dma_start3A_1199 = tpu.memref_slice %arg2[%add3A_1192, %dma_start3A_1198] : memref<8192x1024xf32, #tpu.memory_space<hbm>> -> memref<16x1024xf32, #tpu.memory_space<hbm>>
    %dma_start3A_1200 = arith.constant 0 : i32
    %dma_start3A_1201 = arith.constant 0 : i32
    %dma_start3A_1202 = tpu.memref_slice %arg10[%dma_start3A_1193, %dma_start3A_1200, %dma_start3A_1201] : memref<6x16x1024xf32, #tpu.memory_space<vmem>> -> memref<1x16x1024xf32, #tpu.memory_space<vmem>>
    %dma_start3A_1203 = tpu.memref_squeeze %dma_start3A_1202 : memref<1x16x1024xf32, #tpu.memory_space<vmem>> -> memref<16x1024xf32, #tpu.memory_space<vmem>>
    %dma_start3A_1204 = arith.constant 0 : i32
    %dma_start3A_1205 = tpu.memref_slice %arg2[%add3A_1192, %dma_start3A_1204] : memref<8192x1024xf32, #tpu.memory_space<hbm>> -> memref<16x1024xf32, #tpu.memory_space<hbm>>
    tpu.enqueue_dma source(%dma_start3A_1205 : memref<16x1024xf32, #tpu.memory_space<hbm>>) target(%dma_start3A_1203 : memref<16x1024xf32, #tpu.memory_space<vmem>>) target_semaphore(%arg16 : memref<!tpu.dma_semaphore, #tpu.memory_space<semaphore_mem>>)
    %dma_wait3A_1206 = arith.constant 2 : i32
    %dma_wait3A_1207 = arith.constant 0 : i32
    %dma_wait3A_1208 = arith.constant 0 : i32
    %dma_wait3A_1209 = tpu.memref_slice %arg10[%dma_wait3A_1206, %dma_wait3A_1207, %dma_wait3A_1208] : memref<6x16x1024xf32, #tpu.memory_space<vmem>> -> memref<1x16x1024xf32, #tpu.memory_space<vmem>>
    %dma_wait3A_1210 = tpu.memref_squeeze %dma_wait3A_1209 : memref<1x16x1024xf32, #tpu.memory_space<vmem>> -> memref<16x1024xf32, #tpu.memory_space<vmem>>
    %dma_wait3A_1211 = arith.constant 0 : i32
    %dma_wait3A_1212 = tpu.memref_slice %arg2[%add3A_1096, %dma_wait3A_1211] : memref<8192x1024xf32, #tpu.memory_space<hbm>> -> memref<16x1024xf32, #tpu.memory_space<hbm>>
    %dma_wait3A_1213 = arith.constant 0 : i32
    %dma_wait3A_1214 = arith.constant 0 : i32
    %dma_wait3A_1215 = tpu.memref_slice %arg10[%dma_wait3A_1206, %dma_wait3A_1213, %dma_wait3A_1214] : memref<6x16x1024xf32, #tpu.memory_space<vmem>> -> memref<1x16x1024xf32, #tpu.memory_space<vmem>>
    %dma_wait3A_1216 = tpu.memref_squeeze %dma_wait3A_1215 : memref<1x16x1024xf32, #tpu.memory_space<vmem>> -> memref<16x1024xf32, #tpu.memory_space<vmem>>
    %dma_wait3A_1217 = arith.constant 0 : i32
    %dma_wait3A_1218 = tpu.memref_slice %arg2[%add3A_1096, %dma_wait3A_1217] : memref<8192x1024xf32, #tpu.memory_space<hbm>> -> memref<16x1024xf32, #tpu.memory_space<hbm>>
    tpu.wait_dma2 semaphore(%arg14 : memref<!tpu.dma_semaphore, #tpu.memory_space<semaphore_mem>>) src(%dma_wait3A_1218 : memref<16x1024xf32, #tpu.memory_space<hbm>>) dst(%dma_wait3A_1216 : memref<16x1024xf32, #tpu.memory_space<vmem>>)
    %get3A_1219 = arith.constant 8 : i32
    %get3A_1220 = arith.index_cast %get3A_1219 : i32 to index
    %get3A_1221 = arith.constant 0 : index
    %get3A_1222 = tpu.vector_load %arg9[%get3A_1220, %get3A_1221] {strides = array<i32>} : memref<16x16xi32, #tpu.memory_space<vmem>>, vector<16xi32>,
    %dma_start3A_1223 = arith.constant 2 : i32
    %dma_start3A_1224 = arith.constant 0 : i32
    %dma_start3A_1225 = arith.constant 0 : i32
    %dma_start3A_1226 = tpu.memref_slice %arg10[%dma_start3A_1223, %dma_start3A_1224, %dma_start3A_1225] : memref<6x16x1024xf32, #tpu.memory_space<vmem>> -> memref<1x16x1024xf32, #tpu.memory_space<vmem>>
    %dma_start3A_1227 = tpu.memref_squeeze %dma_start3A_1226 : memref<1x16x1024xf32, #tpu.memory_space<vmem>> -> memref<16x1024xf32, #tpu.memory_space<vmem>>
    %dma_start3A_1228 = arith.constant 0 : i32
    %dma_start3A_1229 = arith.constant 0 : i32
    %dma_start3A_1230 = tpu.memref_slice %arg5[%dma_start3A_1228, %dma_start3A_1229] : memref<8192x1024xf32, #tpu.memory_space<hbm>> -> memref<8192x1024xf32, #tpu.memory_space<hbm>>
    tpu.enqueue_indirect_dma source(%dma_start3A_1227 : memref<16x1024xf32, #tpu.memory_space<vmem>>) target(%dma_start3A_1230 : memref<8192x1024xf32, #tpu.memory_space<hbm>>) offsets(%get3A_1222 : vector<16xi32>) semaphore(%arg20 : memref<!tpu.dma_semaphore, #tpu.memory_space<semaphore_mem>>)
    %dma_wait3A_1231 = arith.constant 5 : i32
    %dma_wait3A_1232 = arith.constant 0 : i32
    %dma_wait3A_1233 = arith.constant 0 : i32
    %dma_wait3A_1234 = tpu.memref_slice %arg10[%dma_wait3A_1231, %dma_wait3A_1232, %dma_wait3A_1233] : memref<6x16x1024xf32, #tpu.memory_space<vmem>> -> memref<1x16x1024xf32, #tpu.memory_space<vmem>>
    %dma_wait3A_1235 = tpu.memref_squeeze %dma_wait3A_1234 : memref<1x16x1024xf32, #tpu.memory_space<vmem>> -> memref<16x1024xf32, #tpu.memory_space<vmem>>
    %dma_wait3A_1236 = arith.constant 0 : i32
    %dma_wait3A_1237 = arith.constant 0 : i32
    %dma_wait3A_1238 = tpu.memref_slice %arg5[%dma_wait3A_1236, %dma_wait3A_1237] : memref<8192x1024xf32, #tpu.memory_space<hbm>> -> memref<8192x1024xf32, #tpu.memory_space<hbm>>
    tpu.wait_indirect_dma semaphore(%arg23 : memref<!tpu.dma_semaphore, #tpu.memory_space<semaphore_mem>>) src(%dma_wait3A_1235 : memref<16x1024xf32, #tpu.memory_space<vmem>>) dst(%dma_wait3A_1238 : memref<8192x1024xf32, #tpu.memory_space<hbm>>)
    %add3A_1239 = arith.constant 176 : i32
    %add3A_1240 = arith.addi %mul3A_2, %add3A_1239 : i32
    %dma_start3A_1241 = arith.constant 5 : i32
    %dma_start3A_1242 = arith.constant 0 : i32
    %dma_start3A_1243 = arith.constant 0 : i32
    %dma_start3A_1244 = tpu.memref_slice %arg10[%dma_start3A_1241, %dma_start3A_1242, %dma_start3A_1243] : memref<6x16x1024xf32, #tpu.memory_space<vmem>> -> memref<1x16x1024xf32, #tpu.memory_space<vmem>>
    %dma_start3A_1245 = tpu.memref_squeeze %dma_start3A_1244 : memref<1x16x1024xf32, #tpu.memory_space<vmem>> -> memref<16x1024xf32, #tpu.memory_space<vmem>>
    %dma_start3A_1246 = arith.constant 0 : i32
    %dma_start3A_1247 = tpu.memref_slice %arg2[%add3A_1240, %dma_start3A_1246] : memref<8192x1024xf32, #tpu.memory_space<hbm>> -> memref<16x1024xf32, #tpu.memory_space<hbm>>
    %dma_start3A_1248 = arith.constant 0 : i32
    %dma_start3A_1249 = arith.constant 0 : i32
    %dma_start3A_1250 = tpu.memref_slice %arg10[%dma_start3A_1241, %dma_start3A_1248, %dma_start3A_1249] : memref<6x16x1024xf32, #tpu.memory_space<vmem>> -> memref<1x16x1024xf32, #tpu.memory_space<vmem>>
    %dma_start3A_1251 = tpu.memref_squeeze %dma_start3A_1250 : memref<1x16x1024xf32, #tpu.memory_space<vmem>> -> memref<16x1024xf32, #tpu.memory_space<vmem>>
    %dma_start3A_1252 = arith.constant 0 : i32
    %dma_start3A_1253 = tpu.memref_slice %arg2[%add3A_1240, %dma_start3A_1252] : memref<8192x1024xf32, #tpu.memory_space<hbm>> -> memref<16x1024xf32, #tpu.memory_space<hbm>>
    tpu.enqueue_dma source(%dma_start3A_1253 : memref<16x1024xf32, #tpu.memory_space<hbm>>) target(%dma_start3A_1251 : memref<16x1024xf32, #tpu.memory_space<vmem>>) target_semaphore(%arg17 : memref<!tpu.dma_semaphore, #tpu.memory_space<semaphore_mem>>)
    %dma_wait3A_1254 = arith.constant 3 : i32
    %dma_wait3A_1255 = arith.constant 0 : i32
    %dma_wait3A_1256 = arith.constant 0 : i32
    %dma_wait3A_1257 = tpu.memref_slice %arg10[%dma_wait3A_1254, %dma_wait3A_1255, %dma_wait3A_1256] : memref<6x16x1024xf32, #tpu.memory_space<vmem>> -> memref<1x16x1024xf32, #tpu.memory_space<vmem>>
    %dma_wait3A_1258 = tpu.memref_squeeze %dma_wait3A_1257 : memref<1x16x1024xf32, #tpu.memory_space<vmem>> -> memref<16x1024xf32, #tpu.memory_space<vmem>>
    %dma_wait3A_1259 = arith.constant 0 : i32
    %dma_wait3A_1260 = tpu.memref_slice %arg2[%add3A_1144, %dma_wait3A_1259] : memref<8192x1024xf32, #tpu.memory_space<hbm>> -> memref<16x1024xf32, #tpu.memory_space<hbm>>
    %dma_wait3A_1261 = arith.constant 0 : i32
    %dma_wait3A_1262 = arith.constant 0 : i32
    %dma_wait3A_1263 = tpu.memref_slice %arg10[%dma_wait3A_1254, %dma_wait3A_1261, %dma_wait3A_1262] : memref<6x16x1024xf32, #tpu.memory_space<vmem>> -> memref<1x16x1024xf32, #tpu.memory_space<vmem>>
    %dma_wait3A_1264 = tpu.memref_squeeze %dma_wait3A_1263 : memref<1x16x1024xf32, #tpu.memory_space<vmem>> -> memref<16x1024xf32, #tpu.memory_space<vmem>>
    %dma_wait3A_1265 = arith.constant 0 : i32
    %dma_wait3A_1266 = tpu.memref_slice %arg2[%add3A_1144, %dma_wait3A_1265] : memref<8192x1024xf32, #tpu.memory_space<hbm>> -> memref<16x1024xf32, #tpu.memory_space<hbm>>
    tpu.wait_dma2 semaphore(%arg15 : memref<!tpu.dma_semaphore, #tpu.memory_space<semaphore_mem>>) src(%dma_wait3A_1266 : memref<16x1024xf32, #tpu.memory_space<hbm>>) dst(%dma_wait3A_1264 : memref<16x1024xf32, #tpu.memory_space<vmem>>)
    %get3A_1267 = arith.constant 9 : i32
    %get3A_1268 = arith.index_cast %get3A_1267 : i32 to index
    %get3A_1269 = arith.constant 0 : index
    %get3A_1270 = tpu.vector_load %arg9[%get3A_1268, %get3A_1269] {strides = array<i32>} : memref<16x16xi32, #tpu.memory_space<vmem>>, vector<16xi32>,
    %dma_start3A_1271 = arith.constant 3 : i32
    %dma_start3A_1272 = arith.constant 0 : i32
    %dma_start3A_1273 = arith.constant 0 : i32
    %dma_start3A_1274 = tpu.memref_slice %arg10[%dma_start3A_1271, %dma_start3A_1272, %dma_start3A_1273] : memref<6x16x1024xf32, #tpu.memory_space<vmem>> -> memref<1x16x1024xf32, #tpu.memory_space<vmem>>
    %dma_start3A_1275 = tpu.memref_squeeze %dma_start3A_1274 : memref<1x16x1024xf32, #tpu.memory_space<vmem>> -> memref<16x1024xf32, #tpu.memory_space<vmem>>
    %dma_start3A_1276 = arith.constant 0 : i32
    %dma_start3A_1277 = arith.constant 0 : i32
    %dma_start3A_1278 = tpu.memref_slice %arg5[%dma_start3A_1276, %dma_start3A_1277] : memref<8192x1024xf32, #tpu.memory_space<hbm>> -> memref<8192x1024xf32, #tpu.memory_space<hbm>>
    tpu.enqueue_indirect_dma source(%dma_start3A_1275 : memref<16x1024xf32, #tpu.memory_space<vmem>>) target(%dma_start3A_1278 : memref<8192x1024xf32, #tpu.memory_space<hbm>>) offsets(%get3A_1270 : vector<16xi32>) semaphore(%arg21 : memref<!tpu.dma_semaphore, #tpu.memory_space<semaphore_mem>>)
    %dma_wait3A_1279 = arith.constant 0 : i32
    %dma_wait3A_1280 = arith.constant 0 : i32
    %dma_wait3A_1281 = arith.constant 0 : i32
    %dma_wait3A_1282 = tpu.memref_slice %arg10[%dma_wait3A_1279, %dma_wait3A_1280, %dma_wait3A_1281] : memref<6x16x1024xf32, #tpu.memory_space<vmem>> -> memref<1x16x1024xf32, #tpu.memory_space<vmem>>
    %dma_wait3A_1283 = tpu.memref_squeeze %dma_wait3A_1282 : memref<1x16x1024xf32, #tpu.memory_space<vmem>> -> memref<16x1024xf32, #tpu.memory_space<vmem>>
    %dma_wait3A_1284 = arith.constant 0 : i32
    %dma_wait3A_1285 = arith.constant 0 : i32
    %dma_wait3A_1286 = tpu.memref_slice %arg5[%dma_wait3A_1284, %dma_wait3A_1285] : memref<8192x1024xf32, #tpu.memory_space<hbm>> -> memref<8192x1024xf32, #tpu.memory_space<hbm>>
    tpu.wait_indirect_dma semaphore(%arg18 : memref<!tpu.dma_semaphore, #tpu.memory_space<semaphore_mem>>) src(%dma_wait3A_1283 : memref<16x1024xf32, #tpu.memory_space<vmem>>) dst(%dma_wait3A_1286 : memref<8192x1024xf32, #tpu.memory_space<hbm>>)
    %add3A_1287 = arith.constant 192 : i32
    %add3A_1288 = arith.addi %mul3A_2, %add3A_1287 : i32
    %dma_start3A_1289 = arith.constant 0 : i32
    %dma_start3A_1290 = arith.constant 0 : i32
    %dma_start3A_1291 = arith.constant 0 : i32
    %dma_start3A_1292 = tpu.memref_slice %arg10[%dma_start3A_1289, %dma_start3A_1290, %dma_start3A_1291] : memref<6x16x1024xf32, #tpu.memory_space<vmem>> -> memref<1x16x1024xf32, #tpu.memory_space<vmem>>
    %dma_start3A_1293 = tpu.memref_squeeze %dma_start3A_1292 : memref<1x16x1024xf32, #tpu.memory_space<vmem>> -> memref<16x1024xf32, #tpu.memory_space<vmem>>
    %dma_start3A_1294 = arith.constant 0 : i32
    %dma_start3A_1295 = tpu.memref_slice %arg2[%add3A_1288, %dma_start3A_1294] : memref<8192x1024xf32, #tpu.memory_space<hbm>> -> memref<16x1024xf32, #tpu.memory_space<hbm>>
    %dma_start3A_1296 = arith.constant 0 : i32
    %dma_start3A_1297 = arith.constant 0 : i32
    %dma_start3A_1298 = tpu.memref_slice %arg10[%dma_start3A_1289, %dma_start3A_1296, %dma_start3A_1297] : memref<6x16x1024xf32, #tpu.memory_space<vmem>> -> memref<1x16x1024xf32, #tpu.memory_space<vmem>>
    %dma_start3A_1299 = tpu.memref_squeeze %dma_start3A_1298 : memref<1x16x1024xf32, #tpu.memory_space<vmem>> -> memref<16x1024xf32, #tpu.memory_space<vmem>>
    %dma_start3A_1300 = arith.constant 0 : i32
    %dma_start3A_1301 = tpu.memref_slice %arg2[%add3A_1288, %dma_start3A_1300] : memref<8192x1024xf32, #tpu.memory_space<hbm>> -> memref<16x1024xf32, #tpu.memory_space<hbm>>
    tpu.enqueue_dma source(%dma_start3A_1301 : memref<16x1024xf32, #tpu.memory_space<hbm>>) target(%dma_start3A_1299 : memref<16x1024xf32, #tpu.memory_space<vmem>>) target_semaphore(%arg12 : memref<!tpu.dma_semaphore, #tpu.memory_space<semaphore_mem>>)
    %dma_wait3A_1302 = arith.constant 4 : i32
    %dma_wait3A_1303 = arith.constant 0 : i32
    %dma_wait3A_1304 = arith.constant 0 : i32
    %dma_wait3A_1305 = tpu.memref_slice %arg10[%dma_wait3A_1302, %dma_wait3A_1303, %dma_wait3A_1304] : memref<6x16x1024xf32, #tpu.memory_space<vmem>> -> memref<1x16x1024xf32, #tpu.memory_space<vmem>>
    %dma_wait3A_1306 = tpu.memref_squeeze %dma_wait3A_1305 : memref<1x16x1024xf32, #tpu.memory_space<vmem>> -> memref<16x1024xf32, #tpu.memory_space<vmem>>
    %dma_wait3A_1307 = arith.constant 0 : i32
    %dma_wait3A_1308 = tpu.memref_slice %arg2[%add3A_1192, %dma_wait3A_1307] : memref<8192x1024xf32, #tpu.memory_space<hbm>> -> memref<16x1024xf32, #tpu.memory_space<hbm>>
    %dma_wait3A_1309 = arith.constant 0 : i32
    %dma_wait3A_1310 = arith.constant 0 : i32
    %dma_wait3A_1311 = tpu.memref_slice %arg10[%dma_wait3A_1302, %dma_wait3A_1309, %dma_wait3A_1310] : memref<6x16x1024xf32, #tpu.memory_space<vmem>> -> memref<1x16x1024xf32, #tpu.memory_space<vmem>>
    %dma_wait3A_1312 = tpu.memref_squeeze %dma_wait3A_1311 : memref<1x16x1024xf32, #tpu.memory_space<vmem>> -> memref<16x1024xf32, #tpu.memory_space<vmem>>
    %dma_wait3A_1313 = arith.constant 0 : i32
    %dma_wait3A_1314 = tpu.memref_slice %arg2[%add3A_1192, %dma_wait3A_1313] : memref<8192x1024xf32, #tpu.memory_space<hbm>> -> memref<16x1024xf32, #tpu.memory_space<hbm>>
    tpu.wait_dma2 semaphore(%arg16 : memref<!tpu.dma_semaphore, #tpu.memory_space<semaphore_mem>>) src(%dma_wait3A_1314 : memref<16x1024xf32, #tpu.memory_space<hbm>>) dst(%dma_wait3A_1312 : memref<16x1024xf32, #tpu.memory_space<vmem>>)
    %get3A_1315 = arith.constant 10 : i32
    %get3A_1316 = arith.index_cast %get3A_1315 : i32 to index
    %get3A_1317 = arith.constant 0 : index
    %get3A_1318 = tpu.vector_load %arg9[%get3A_1316, %get3A_1317] {strides = array<i32>} : memref<16x16xi32, #tpu.memory_space<vmem>>, vector<16xi32>,
    %dma_start3A_1319 = arith.constant 4 : i32
    %dma_start3A_1320 = arith.constant 0 : i32
    %dma_start3A_1321 = arith.constant 0 : i32
    %dma_start3A_1322 = tpu.memref_slice %arg10[%dma_start3A_1319, %dma_start3A_1320, %dma_start3A_1321] : memref<6x16x1024xf32, #tpu.memory_space<vmem>> -> memref<1x16x1024xf32, #tpu.memory_space<vmem>>
    %dma_start3A_1323 = tpu.memref_squeeze %dma_start3A_1322 : memref<1x16x1024xf32, #tpu.memory_space<vmem>> -> memref<16x1024xf32, #tpu.memory_space<vmem>>
    %dma_start3A_1324 = arith.constant 0 : i32
    %dma_start3A_1325 = arith.constant 0 : i32
    %dma_start3A_1326 = tpu.memref_slice %arg5[%dma_start3A_1324, %dma_start3A_1325] : memref<8192x1024xf32, #tpu.memory_space<hbm>> -> memref<8192x1024xf32, #tpu.memory_space<hbm>>
    tpu.enqueue_indirect_dma source(%dma_start3A_1323 : memref<16x1024xf32, #tpu.memory_space<vmem>>) target(%dma_start3A_1326 : memref<8192x1024xf32, #tpu.memory_space<hbm>>) offsets(%get3A_1318 : vector<16xi32>) semaphore(%arg22 : memref<!tpu.dma_semaphore, #tpu.memory_space<semaphore_mem>>)
    %dma_wait3A_1327 = arith.constant 1 : i32
    %dma_wait3A_1328 = arith.constant 0 : i32
    %dma_wait3A_1329 = arith.constant 0 : i32
    %dma_wait3A_1330 = tpu.memref_slice %arg10[%dma_wait3A_1327, %dma_wait3A_1328, %dma_wait3A_1329] : memref<6x16x1024xf32, #tpu.memory_space<vmem>> -> memref<1x16x1024xf32, #tpu.memory_space<vmem>>
    %dma_wait3A_1331 = tpu.memref_squeeze %dma_wait3A_1330 : memref<1x16x1024xf32, #tpu.memory_space<vmem>> -> memref<16x1024xf32, #tpu.memory_space<vmem>>
    %dma_wait3A_1332 = arith.constant 0 : i32
    %dma_wait3A_1333 = arith.constant 0 : i32
    %dma_wait3A_1334 = tpu.memref_slice %arg5[%dma_wait3A_1332, %dma_wait3A_1333] : memref<8192x1024xf32, #tpu.memory_space<hbm>> -> memref<8192x1024xf32, #tpu.memory_space<hbm>>
    tpu.wait_indirect_dma semaphore(%arg19 : memref<!tpu.dma_semaphore, #tpu.memory_space<semaphore_mem>>) src(%dma_wait3A_1331 : memref<16x1024xf32, #tpu.memory_space<vmem>>) dst(%dma_wait3A_1334 : memref<8192x1024xf32, #tpu.memory_space<hbm>>)
    %add3A_1335 = arith.constant 208 : i32
    %add3A_1336 = arith.addi %mul3A_2, %add3A_1335 : i32
    %dma_start3A_1337 = arith.constant 1 : i32
    %dma_start3A_1338 = arith.constant 0 : i32
    %dma_start3A_1339 = arith.constant 0 : i32
    %dma_start3A_1340 = tpu.memref_slice %arg10[%dma_start3A_1337, %dma_start3A_1338, %dma_start3A_1339] : memref<6x16x1024xf32, #tpu.memory_space<vmem>> -> memref<1x16x1024xf32, #tpu.memory_space<vmem>>
    %dma_start3A_1341 = tpu.memref_squeeze %dma_start3A_1340 : memref<1x16x1024xf32, #tpu.memory_space<vmem>> -> memref<16x1024xf32, #tpu.memory_space<vmem>>
    %dma_start3A_1342 = arith.constant 0 : i32
    %dma_start3A_1343 = tpu.memref_slice %arg2[%add3A_1336, %dma_start3A_1342] : memref<8192x1024xf32, #tpu.memory_space<hbm>> -> memref<16x1024xf32, #tpu.memory_space<hbm>>
    %dma_start3A_1344 = arith.constant 0 : i32
    %dma_start3A_1345 = arith.constant 0 : i32
    %dma_start3A_1346 = tpu.memref_slice %arg10[%dma_start3A_1337, %dma_start3A_1344, %dma_start3A_1345] : memref<6x16x1024xf32, #tpu.memory_space<vmem>> -> memref<1x16x1024xf32, #tpu.memory_space<vmem>>
    %dma_start3A_1347 = tpu.memref_squeeze %dma_start3A_1346 : memref<1x16x1024xf32, #tpu.memory_space<vmem>> -> memref<16x1024xf32, #tpu.memory_space<vmem>>
    %dma_start3A_1348 = arith.constant 0 : i32
    %dma_start3A_1349 = tpu.memref_slice %arg2[%add3A_1336, %dma_start3A_1348] : memref<8192x1024xf32, #tpu.memory_space<hbm>> -> memref<16x1024xf32, #tpu.memory_space<hbm>>
    tpu.enqueue_dma source(%dma_start3A_1349 : memref<16x1024xf32, #tpu.memory_space<hbm>>) target(%dma_start3A_1347 : memref<16x1024xf32, #tpu.memory_space<vmem>>) target_semaphore(%arg13 : memref<!tpu.dma_semaphore, #tpu.memory_space<semaphore_mem>>)
    %dma_wait3A_1350 = arith.constant 5 : i32
    %dma_wait3A_1351 = arith.constant 0 : i32
    %dma_wait3A_1352 = arith.constant 0 : i32
    %dma_wait3A_1353 = tpu.memref_slice %arg10[%dma_wait3A_1350, %dma_wait3A_1351, %dma_wait3A_1352] : memref<6x16x1024xf32, #tpu.memory_space<vmem>> -> memref<1x16x1024xf32, #tpu.memory_space<vmem>>
    %dma_wait3A_1354 = tpu.memref_squeeze %dma_wait3A_1353 : memref<1x16x1024xf32, #tpu.memory_space<vmem>> -> memref<16x1024xf32, #tpu.memory_space<vmem>>
    %dma_wait3A_1355 = arith.constant 0 : i32
    %dma_wait3A_1356 = tpu.memref_slice %arg2[%add3A_1240, %dma_wait3A_1355] : memref<8192x1024xf32, #tpu.memory_space<hbm>> -> memref<16x1024xf32, #tpu.memory_space<hbm>>
    %dma_wait3A_1357 = arith.constant 0 : i32
    %dma_wait3A_1358 = arith.constant 0 : i32
    %dma_wait3A_1359 = tpu.memref_slice %arg10[%dma_wait3A_1350, %dma_wait3A_1357, %dma_wait3A_1358] : memref<6x16x1024xf32, #tpu.memory_space<vmem>> -> memref<1x16x1024xf32, #tpu.memory_space<vmem>>
    %dma_wait3A_1360 = tpu.memref_squeeze %dma_wait3A_1359 : memref<1x16x1024xf32, #tpu.memory_space<vmem>> -> memref<16x1024xf32, #tpu.memory_space<vmem>>
    %dma_wait3A_1361 = arith.constant 0 : i32
    %dma_wait3A_1362 = tpu.memref_slice %arg2[%add3A_1240, %dma_wait3A_1361] : memref<8192x1024xf32, #tpu.memory_space<hbm>> -> memref<16x1024xf32, #tpu.memory_space<hbm>>
    tpu.wait_dma2 semaphore(%arg17 : memref<!tpu.dma_semaphore, #tpu.memory_space<semaphore_mem>>) src(%dma_wait3A_1362 : memref<16x1024xf32, #tpu.memory_space<hbm>>) dst(%dma_wait3A_1360 : memref<16x1024xf32, #tpu.memory_space<vmem>>)
    %get3A_1363 = arith.constant 11 : i32
    %get3A_1364 = arith.index_cast %get3A_1363 : i32 to index
    %get3A_1365 = arith.constant 0 : index
    %get3A_1366 = tpu.vector_load %arg9[%get3A_1364, %get3A_1365] {strides = array<i32>} : memref<16x16xi32, #tpu.memory_space<vmem>>, vector<16xi32>,
    %dma_start3A_1367 = arith.constant 5 : i32
    %dma_start3A_1368 = arith.constant 0 : i32
    %dma_start3A_1369 = arith.constant 0 : i32
    %dma_start3A_1370 = tpu.memref_slice %arg10[%dma_start3A_1367, %dma_start3A_1368, %dma_start3A_1369] : memref<6x16x1024xf32, #tpu.memory_space<vmem>> -> memref<1x16x1024xf32, #tpu.memory_space<vmem>>
    %dma_start3A_1371 = tpu.memref_squeeze %dma_start3A_1370 : memref<1x16x1024xf32, #tpu.memory_space<vmem>> -> memref<16x1024xf32, #tpu.memory_space<vmem>>
    %dma_start3A_1372 = arith.constant 0 : i32
    %dma_start3A_1373 = arith.constant 0 : i32
    %dma_start3A_1374 = tpu.memref_slice %arg5[%dma_start3A_1372, %dma_start3A_1373] : memref<8192x1024xf32, #tpu.memory_space<hbm>> -> memref<8192x1024xf32, #tpu.memory_space<hbm>>
    tpu.enqueue_indirect_dma source(%dma_start3A_1371 : memref<16x1024xf32, #tpu.memory_space<vmem>>) target(%dma_start3A_1374 : memref<8192x1024xf32, #tpu.memory_space<hbm>>) offsets(%get3A_1366 : vector<16xi32>) semaphore(%arg23 : memref<!tpu.dma_semaphore, #tpu.memory_space<semaphore_mem>>)
    %dma_wait3A_1375 = arith.constant 2 : i32
    %dma_wait3A_1376 = arith.constant 0 : i32
    %dma_wait3A_1377 = arith.constant 0 : i32
    %dma_wait3A_1378 = tpu.memref_slice %arg10[%dma_wait3A_1375, %dma_wait3A_1376, %dma_wait3A_1377] : memref<6x16x1024xf32, #tpu.memory_space<vmem>> -> memref<1x16x1024xf32, #tpu.memory_space<vmem>>
    %dma_wait3A_1379 = tpu.memref_squeeze %dma_wait3A_1378 : memref<1x16x1024xf32, #tpu.memory_space<vmem>> -> memref<16x1024xf32, #tpu.memory_space<vmem>>
    %dma_wait3A_1380 = arith.constant 0 : i32
    %dma_wait3A_1381 = arith.constant 0 : i32
    %dma_wait3A_1382 = tpu.memref_slice %arg5[%dma_wait3A_1380, %dma_wait3A_1381] : memref<8192x1024xf32, #tpu.memory_space<hbm>> -> memref<8192x1024xf32, #tpu.memory_space<hbm>>
    tpu.wait_indirect_dma semaphore(%arg20 : memref<!tpu.dma_semaphore, #tpu.memory_space<semaphore_mem>>) src(%dma_wait3A_1379 : memref<16x1024xf32, #tpu.memory_space<vmem>>) dst(%dma_wait3A_1382 : memref<8192x1024xf32, #tpu.memory_space<hbm>>)
    %add3A_1383 = arith.constant 224 : i32
    %add3A_1384 = arith.addi %mul3A_2, %add3A_1383 : i32
    %dma_start3A_1385 = arith.constant 2 : i32
    %dma_start3A_1386 = arith.constant 0 : i32
    %dma_start3A_1387 = arith.constant 0 : i32
    %dma_start3A_1388 = tpu.memref_slice %arg10[%dma_start3A_1385, %dma_start3A_1386, %dma_start3A_1387] : memref<6x16x1024xf32, #tpu.memory_space<vmem>> -> memref<1x16x1024xf32, #tpu.memory_space<vmem>>
    %dma_start3A_1389 = tpu.memref_squeeze %dma_start3A_1388 : memref<1x16x1024xf32, #tpu.memory_space<vmem>> -> memref<16x1024xf32, #tpu.memory_space<vmem>>
    %dma_start3A_1390 = arith.constant 0 : i32
    %dma_start3A_1391 = tpu.memref_slice %arg2[%add3A_1384, %dma_start3A_1390] : memref<8192x1024xf32, #tpu.memory_space<hbm>> -> memref<16x1024xf32, #tpu.memory_space<hbm>>
    %dma_start3A_1392 = arith.constant 0 : i32
    %dma_start3A_1393 = arith.constant 0 : i32
    %dma_start3A_1394 = tpu.memref_slice %arg10[%dma_start3A_1385, %dma_start3A_1392, %dma_start3A_1393] : memref<6x16x1024xf32, #tpu.memory_space<vmem>> -> memref<1x16x1024xf32, #tpu.memory_space<vmem>>
    %dma_start3A_1395 = tpu.memref_squeeze %dma_start3A_1394 : memref<1x16x1024xf32, #tpu.memory_space<vmem>> -> memref<16x1024xf32, #tpu.memory_space<vmem>>
    %dma_start3A_1396 = arith.constant 0 : i32
    %dma_start3A_1397 = tpu.memref_slice %arg2[%add3A_1384, %dma_start3A_1396] : memref<8192x1024xf32, #tpu.memory_space<hbm>> -> memref<16x1024xf32, #tpu.memory_space<hbm>>
    tpu.enqueue_dma source(%dma_start3A_1397 : memref<16x1024xf32, #tpu.memory_space<hbm>>) target(%dma_start3A_1395 : memref<16x1024xf32, #tpu.memory_space<vmem>>) target_semaphore(%arg14 : memref<!tpu.dma_semaphore, #tpu.memory_space<semaphore_mem>>)
    %dma_wait3A_1398 = arith.constant 0 : i32
    %dma_wait3A_1399 = arith.constant 0 : i32
    %dma_wait3A_1400 = arith.constant 0 : i32
    %dma_wait3A_1401 = tpu.memref_slice %arg10[%dma_wait3A_1398, %dma_wait3A_1399, %dma_wait3A_1400] : memref<6x16x1024xf32, #tpu.memory_space<vmem>> -> memref<1x16x1024xf32, #tpu.memory_space<vmem>>
    %dma_wait3A_1402 = tpu.memref_squeeze %dma_wait3A_1401 : memref<1x16x1024xf32, #tpu.memory_space<vmem>> -> memref<16x1024xf32, #tpu.memory_space<vmem>>
    %dma_wait3A_1403 = arith.constant 0 : i32
    %dma_wait3A_1404 = tpu.memref_slice %arg2[%add3A_1288, %dma_wait3A_1403] : memref<8192x1024xf32, #tpu.memory_space<hbm>> -> memref<16x1024xf32, #tpu.memory_space<hbm>>
    %dma_wait3A_1405 = arith.constant 0 : i32
    %dma_wait3A_1406 = arith.constant 0 : i32
    %dma_wait3A_1407 = tpu.memref_slice %arg10[%dma_wait3A_1398, %dma_wait3A_1405, %dma_wait3A_1406] : memref<6x16x1024xf32, #tpu.memory_space<vmem>> -> memref<1x16x1024xf32, #tpu.memory_space<vmem>>
    %dma_wait3A_1408 = tpu.memref_squeeze %dma_wait3A_1407 : memref<1x16x1024xf32, #tpu.memory_space<vmem>> -> memref<16x1024xf32, #tpu.memory_space<vmem>>
    %dma_wait3A_1409 = arith.constant 0 : i32
    %dma_wait3A_1410 = tpu.memref_slice %arg2[%add3A_1288, %dma_wait3A_1409] : memref<8192x1024xf32, #tpu.memory_space<hbm>> -> memref<16x1024xf32, #tpu.memory_space<hbm>>
    tpu.wait_dma2 semaphore(%arg12 : memref<!tpu.dma_semaphore, #tpu.memory_space<semaphore_mem>>) src(%dma_wait3A_1410 : memref<16x1024xf32, #tpu.memory_space<hbm>>) dst(%dma_wait3A_1408 : memref<16x1024xf32, #tpu.memory_space<vmem>>)
    %get3A_1411 = arith.constant 12 : i32
    %get3A_1412 = arith.index_cast %get3A_1411 : i32 to index
    %get3A_1413 = arith.constant 0 : index
    %get3A_1414 = tpu.vector_load %arg9[%get3A_1412, %get3A_1413] {strides = array<i32>} : memref<16x16xi32, #tpu.memory_space<vmem>>, vector<16xi32>,
    %dma_start3A_1415 = arith.constant 0 : i32
    %dma_start3A_1416 = arith.constant 0 : i32
    %dma_start3A_1417 = arith.constant 0 : i32
    %dma_start3A_1418 = tpu.memref_slice %arg10[%dma_start3A_1415, %dma_start3A_1416, %dma_start3A_1417] : memref<6x16x1024xf32, #tpu.memory_space<vmem>> -> memref<1x16x1024xf32, #tpu.memory_space<vmem>>
    %dma_start3A_1419 = tpu.memref_squeeze %dma_start3A_1418 : memref<1x16x1024xf32, #tpu.memory_space<vmem>> -> memref<16x1024xf32, #tpu.memory_space<vmem>>
    %dma_start3A_1420 = arith.constant 0 : i32
    %dma_start3A_1421 = arith.constant 0 : i32
    %dma_start3A_1422 = tpu.memref_slice %arg5[%dma_start3A_1420, %dma_start3A_1421] : memref<8192x1024xf32, #tpu.memory_space<hbm>> -> memref<8192x1024xf32, #tpu.memory_space<hbm>>
    tpu.enqueue_indirect_dma source(%dma_start3A_1419 : memref<16x1024xf32, #tpu.memory_space<vmem>>) target(%dma_start3A_1422 : memref<8192x1024xf32, #tpu.memory_space<hbm>>) offsets(%get3A_1414 : vector<16xi32>) semaphore(%arg18 : memref<!tpu.dma_semaphore, #tpu.memory_space<semaphore_mem>>)
    %dma_wait3A_1423 = arith.constant 3 : i32
    %dma_wait3A_1424 = arith.constant 0 : i32
    %dma_wait3A_1425 = arith.constant 0 : i32
    %dma_wait3A_1426 = tpu.memref_slice %arg10[%dma_wait3A_1423, %dma_wait3A_1424, %dma_wait3A_1425] : memref<6x16x1024xf32, #tpu.memory_space<vmem>> -> memref<1x16x1024xf32, #tpu.memory_space<vmem>>
    %dma_wait3A_1427 = tpu.memref_squeeze %dma_wait3A_1426 : memref<1x16x1024xf32, #tpu.memory_space<vmem>> -> memref<16x1024xf32, #tpu.memory_space<vmem>>
    %dma_wait3A_1428 = arith.constant 0 : i32
    %dma_wait3A_1429 = arith.constant 0 : i32
    %dma_wait3A_1430 = tpu.memref_slice %arg5[%dma_wait3A_1428, %dma_wait3A_1429] : memref<8192x1024xf32, #tpu.memory_space<hbm>> -> memref<8192x1024xf32, #tpu.memory_space<hbm>>
    tpu.wait_indirect_dma semaphore(%arg21 : memref<!tpu.dma_semaphore, #tpu.memory_space<semaphore_mem>>) src(%dma_wait3A_1427 : memref<16x1024xf32, #tpu.memory_space<vmem>>) dst(%dma_wait3A_1430 : memref<8192x1024xf32, #tpu.memory_space<hbm>>)
    %add3A_1431 = arith.constant 240 : i32
    %add3A_1432 = arith.addi %mul3A_2, %add3A_1431 : i32
    %dma_start3A_1433 = arith.constant 3 : i32
    %dma_start3A_1434 = arith.constant 0 : i32
    %dma_start3A_1435 = arith.constant 0 : i32
    %dma_start3A_1436 = tpu.memref_slice %arg10[%dma_start3A_1433, %dma_start3A_1434, %dma_start3A_1435] : memref<6x16x1024xf32, #tpu.memory_space<vmem>> -> memref<1x16x1024xf32, #tpu.memory_space<vmem>>
    %dma_start3A_1437 = tpu.memref_squeeze %dma_start3A_1436 : memref<1x16x1024xf32, #tpu.memory_space<vmem>> -> memref<16x1024xf32, #tpu.memory_space<vmem>>
    %dma_start3A_1438 = arith.constant 0 : i32
    %dma_start3A_1439 = tpu.memref_slice %arg2[%add3A_1432, %dma_start3A_1438] : memref<8192x1024xf32, #tpu.memory_space<hbm>> -> memref<16x1024xf32, #tpu.memory_space<hbm>>
    %dma_start3A_1440 = arith.constant 0 : i32
    %dma_start3A_1441 = arith.constant 0 : i32
    %dma_start3A_1442 = tpu.memref_slice %arg10[%dma_start3A_1433, %dma_start3A_1440, %dma_start3A_1441] : memref<6x16x1024xf32, #tpu.memory_space<vmem>> -> memref<1x16x1024xf32, #tpu.memory_space<vmem>>
    %dma_start3A_1443 = tpu.memref_squeeze %dma_start3A_1442 : memref<1x16x1024xf32, #tpu.memory_space<vmem>> -> memref<16x1024xf32, #tpu.memory_space<vmem>>
    %dma_start3A_1444 = arith.constant 0 : i32
    %dma_start3A_1445 = tpu.memref_slice %arg2[%add3A_1432, %dma_start3A_1444] : memref<8192x1024xf32, #tpu.memory_space<hbm>> -> memref<16x1024xf32, #tpu.memory_space<hbm>>
    tpu.enqueue_dma source(%dma_start3A_1445 : memref<16x1024xf32, #tpu.memory_space<hbm>>) target(%dma_start3A_1443 : memref<16x1024xf32, #tpu.memory_space<vmem>>) target_semaphore(%arg15 : memref<!tpu.dma_semaphore, #tpu.memory_space<semaphore_mem>>)
    %dma_wait3A_1446 = arith.constant 1 : i32
    %dma_wait3A_1447 = arith.constant 0 : i32
    %dma_wait3A_1448 = arith.constant 0 : i32
    %dma_wait3A_1449 = tpu.memref_slice %arg10[%dma_wait3A_1446, %dma_wait3A_1447, %dma_wait3A_1448] : memref<6x16x1024xf32, #tpu.memory_space<vmem>> -> memref<1x16x1024xf32, #tpu.memory_space<vmem>>
    %dma_wait3A_1450 = tpu.memref_squeeze %dma_wait3A_1449 : memref<1x16x1024xf32, #tpu.memory_space<vmem>> -> memref<16x1024xf32, #tpu.memory_space<vmem>>
    %dma_wait3A_1451 = arith.constant 0 : i32
    %dma_wait3A_1452 = tpu.memref_slice %arg2[%add3A_1336, %dma_wait3A_1451] : memref<8192x1024xf32, #tpu.memory_space<hbm>> -> memref<16x1024xf32, #tpu.memory_space<hbm>>
    %dma_wait3A_1453 = arith.constant 0 : i32
    %dma_wait3A_1454 = arith.constant 0 : i32
    %dma_wait3A_1455 = tpu.memref_slice %arg10[%dma_wait3A_1446, %dma_wait3A_1453, %dma_wait3A_1454] : memref<6x16x1024xf32, #tpu.memory_space<vmem>> -> memref<1x16x1024xf32, #tpu.memory_space<vmem>>
    %dma_wait3A_1456 = tpu.memref_squeeze %dma_wait3A_1455 : memref<1x16x1024xf32, #tpu.memory_space<vmem>> -> memref<16x1024xf32, #tpu.memory_space<vmem>>
    %dma_wait3A_1457 = arith.constant 0 : i32
    %dma_wait3A_1458 = tpu.memref_slice %arg2[%add3A_1336, %dma_wait3A_1457] : memref<8192x1024xf32, #tpu.memory_space<hbm>> -> memref<16x1024xf32, #tpu.memory_space<hbm>>
    tpu.wait_dma2 semaphore(%arg13 : memref<!tpu.dma_semaphore, #tpu.memory_space<semaphore_mem>>) src(%dma_wait3A_1458 : memref<16x1024xf32, #tpu.memory_space<hbm>>) dst(%dma_wait3A_1456 : memref<16x1024xf32, #tpu.memory_space<vmem>>)
    %get3A_1459 = arith.constant 13 : i32
    %get3A_1460 = arith.index_cast %get3A_1459 : i32 to index
    %get3A_1461 = arith.constant 0 : index
    %get3A_1462 = tpu.vector_load %arg9[%get3A_1460, %get3A_1461] {strides = array<i32>} : memref<16x16xi32, #tpu.memory_space<vmem>>, vector<16xi32>,
    %dma_start3A_1463 = arith.constant 1 : i32
    %dma_start3A_1464 = arith.constant 0 : i32
    %dma_start3A_1465 = arith.constant 0 : i32
    %dma_start3A_1466 = tpu.memref_slice %arg10[%dma_start3A_1463, %dma_start3A_1464, %dma_start3A_1465] : memref<6x16x1024xf32, #tpu.memory_space<vmem>> -> memref<1x16x1024xf32, #tpu.memory_space<vmem>>
    %dma_start3A_1467 = tpu.memref_squeeze %dma_start3A_1466 : memref<1x16x1024xf32, #tpu.memory_space<vmem>> -> memref<16x1024xf32, #tpu.memory_space<vmem>>
    %dma_start3A_1468 = arith.constant 0 : i32
    %dma_start3A_1469 = arith.constant 0 : i32
    %dma_start3A_1470 = tpu.memref_slice %arg5[%dma_start3A_1468, %dma_start3A_1469] : memref<8192x1024xf32, #tpu.memory_space<hbm>> -> memref<8192x1024xf32, #tpu.memory_space<hbm>>
    tpu.enqueue_indirect_dma source(%dma_start3A_1467 : memref<16x1024xf32, #tpu.memory_space<vmem>>) target(%dma_start3A_1470 : memref<8192x1024xf32, #tpu.memory_space<hbm>>) offsets(%get3A_1462 : vector<16xi32>) semaphore(%arg19 : memref<!tpu.dma_semaphore, #tpu.memory_space<semaphore_mem>>)
    %dma_wait3A_1471 = arith.constant 2 : i32
    %dma_wait3A_1472 = arith.constant 0 : i32
    %dma_wait3A_1473 = arith.constant 0 : i32
    %dma_wait3A_1474 = tpu.memref_slice %arg10[%dma_wait3A_1471, %dma_wait3A_1472, %dma_wait3A_1473] : memref<6x16x1024xf32, #tpu.memory_space<vmem>> -> memref<1x16x1024xf32, #tpu.memory_space<vmem>>
    %dma_wait3A_1475 = tpu.memref_squeeze %dma_wait3A_1474 : memref<1x16x1024xf32, #tpu.memory_space<vmem>> -> memref<16x1024xf32, #tpu.memory_space<vmem>>
    %dma_wait3A_1476 = arith.constant 0 : i32
    %dma_wait3A_1477 = tpu.memref_slice %arg2[%add3A_1384, %dma_wait3A_1476] : memref<8192x1024xf32, #tpu.memory_space<hbm>> -> memref<16x1024xf32, #tpu.memory_space<hbm>>
    %dma_wait3A_1478 = arith.constant 0 : i32
    %dma_wait3A_1479 = arith.constant 0 : i32
    %dma_wait3A_1480 = tpu.memref_slice %arg10[%dma_wait3A_1471, %dma_wait3A_1478, %dma_wait3A_1479] : memref<6x16x1024xf32, #tpu.memory_space<vmem>> -> memref<1x16x1024xf32, #tpu.memory_space<vmem>>
    %dma_wait3A_1481 = tpu.memref_squeeze %dma_wait3A_1480 : memref<1x16x1024xf32, #tpu.memory_space<vmem>> -> memref<16x1024xf32, #tpu.memory_space<vmem>>
    %dma_wait3A_1482 = arith.constant 0 : i32
    %dma_wait3A_1483 = tpu.memref_slice %arg2[%add3A_1384, %dma_wait3A_1482] : memref<8192x1024xf32, #tpu.memory_space<hbm>> -> memref<16x1024xf32, #tpu.memory_space<hbm>>
    tpu.wait_dma2 semaphore(%arg14 : memref<!tpu.dma_semaphore, #tpu.memory_space<semaphore_mem>>) src(%dma_wait3A_1483 : memref<16x1024xf32, #tpu.memory_space<hbm>>) dst(%dma_wait3A_1481 : memref<16x1024xf32, #tpu.memory_space<vmem>>)
    %get3A_1484 = arith.constant 14 : i32
    %get3A_1485 = arith.index_cast %get3A_1484 : i32 to index
    %get3A_1486 = arith.constant 0 : index
    %get3A_1487 = tpu.vector_load %arg9[%get3A_1485, %get3A_1486] {strides = array<i32>} : memref<16x16xi32, #tpu.memory_space<vmem>>, vector<16xi32>,
    %dma_start3A_1488 = arith.constant 2 : i32
    %dma_start3A_1489 = arith.constant 0 : i32
    %dma_start3A_1490 = arith.constant 0 : i32
    %dma_start3A_1491 = tpu.memref_slice %arg10[%dma_start3A_1488, %dma_start3A_1489, %dma_start3A_1490] : memref<6x16x1024xf32, #tpu.memory_space<vmem>> -> memref<1x16x1024xf32, #tpu.memory_space<vmem>>
    %dma_start3A_1492 = tpu.memref_squeeze %dma_start3A_1491 : memref<1x16x1024xf32, #tpu.memory_space<vmem>> -> memref<16x1024xf32, #tpu.memory_space<vmem>>
    %dma_start3A_1493 = arith.constant 0 : i32
    %dma_start3A_1494 = arith.constant 0 : i32
    %dma_start3A_1495 = tpu.memref_slice %arg5[%dma_start3A_1493, %dma_start3A_1494] : memref<8192x1024xf32, #tpu.memory_space<hbm>> -> memref<8192x1024xf32, #tpu.memory_space<hbm>>
    tpu.enqueue_indirect_dma source(%dma_start3A_1492 : memref<16x1024xf32, #tpu.memory_space<vmem>>) target(%dma_start3A_1495 : memref<8192x1024xf32, #tpu.memory_space<hbm>>) offsets(%get3A_1487 : vector<16xi32>) semaphore(%arg20 : memref<!tpu.dma_semaphore, #tpu.memory_space<semaphore_mem>>)
    %dma_wait3A_1496 = arith.constant 3 : i32
    %dma_wait3A_1497 = arith.constant 0 : i32
    %dma_wait3A_1498 = arith.constant 0 : i32
    %dma_wait3A_1499 = tpu.memref_slice %arg10[%dma_wait3A_1496, %dma_wait3A_1497, %dma_wait3A_1498] : memref<6x16x1024xf32, #tpu.memory_space<vmem>> -> memref<1x16x1024xf32, #tpu.memory_space<vmem>>
    %dma_wait3A_1500 = tpu.memref_squeeze %dma_wait3A_1499 : memref<1x16x1024xf32, #tpu.memory_space<vmem>> -> memref<16x1024xf32, #tpu.memory_space<vmem>>
    %dma_wait3A_1501 = arith.constant 0 : i32
    %dma_wait3A_1502 = tpu.memref_slice %arg2[%add3A_1432, %dma_wait3A_1501] : memref<8192x1024xf32, #tpu.memory_space<hbm>> -> memref<16x1024xf32, #tpu.memory_space<hbm>>
    %dma_wait3A_1503 = arith.constant 0 : i32
    %dma_wait3A_1504 = arith.constant 0 : i32
    %dma_wait3A_1505 = tpu.memref_slice %arg10[%dma_wait3A_1496, %dma_wait3A_1503, %dma_wait3A_1504] : memref<6x16x1024xf32, #tpu.memory_space<vmem>> -> memref<1x16x1024xf32, #tpu.memory_space<vmem>>
    %dma_wait3A_1506 = tpu.memref_squeeze %dma_wait3A_1505 : memref<1x16x1024xf32, #tpu.memory_space<vmem>> -> memref<16x1024xf32, #tpu.memory_space<vmem>>
    %dma_wait3A_1507 = arith.constant 0 : i32
    %dma_wait3A_1508 = tpu.memref_slice %arg2[%add3A_1432, %dma_wait3A_1507] : memref<8192x1024xf32, #tpu.memory_space<hbm>> -> memref<16x1024xf32, #tpu.memory_space<hbm>>
    tpu.wait_dma2 semaphore(%arg15 : memref<!tpu.dma_semaphore, #tpu.memory_space<semaphore_mem>>) src(%dma_wait3A_1508 : memref<16x1024xf32, #tpu.memory_space<hbm>>) dst(%dma_wait3A_1506 : memref<16x1024xf32, #tpu.memory_space<vmem>>)
    %get3A_1509 = arith.constant 15 : i32
    %get3A_1510 = arith.index_cast %get3A_1509 : i32 to index
    %get3A_1511 = arith.constant 0 : index
    %get3A_1512 = tpu.vector_load %arg9[%get3A_1510, %get3A_1511] {strides = array<i32>} : memref<16x16xi32, #tpu.memory_space<vmem>>, vector<16xi32>,
    %dma_start3A_1513 = arith.constant 3 : i32
    %dma_start3A_1514 = arith.constant 0 : i32
    %dma_start3A_1515 = arith.constant 0 : i32
    %dma_start3A_1516 = tpu.memref_slice %arg10[%dma_start3A_1513, %dma_start3A_1514, %dma_start3A_1515] : memref<6x16x1024xf32, #tpu.memory_space<vmem>> -> memref<1x16x1024xf32, #tpu.memory_space<vmem>>
    %dma_start3A_1517 = tpu.memref_squeeze %dma_start3A_1516 : memref<1x16x1024xf32, #tpu.memory_space<vmem>> -> memref<16x1024xf32, #tpu.memory_space<vmem>>
    %dma_start3A_1518 = arith.constant 0 : i32
    %dma_start3A_1519 = arith.constant 0 : i32
    %dma_start3A_1520 = tpu.memref_slice %arg5[%dma_start3A_1518, %dma_start3A_1519] : memref<8192x1024xf32, #tpu.memory_space<hbm>> -> memref<8192x1024xf32, #tpu.memory_space<hbm>>
    tpu.enqueue_indirect_dma source(%dma_start3A_1517 : memref<16x1024xf32, #tpu.memory_space<vmem>>) target(%dma_start3A_1520 : memref<8192x1024xf32, #tpu.memory_space<hbm>>) offsets(%get3A_1512 : vector<16xi32>) semaphore(%arg21 : memref<!tpu.dma_semaphore, #tpu.memory_space<semaphore_mem>>)
    %dma_wait3A_1521 = arith.constant 4 : i32
    %dma_wait3A_1522 = arith.constant 0 : i32
    %dma_wait3A_1523 = arith.constant 0 : i32
    %dma_wait3A_1524 = tpu.memref_slice %arg10[%dma_wait3A_1521, %dma_wait3A_1522, %dma_wait3A_1523] : memref<6x16x1024xf32, #tpu.memory_space<vmem>> -> memref<1x16x1024xf32, #tpu.memory_space<vmem>>
    %dma_wait3A_1525 = tpu.memref_squeeze %dma_wait3A_1524 : memref<1x16x1024xf32, #tpu.memory_space<vmem>> -> memref<16x1024xf32, #tpu.memory_space<vmem>>
    %dma_wait3A_1526 = arith.constant 0 : i32
    %dma_wait3A_1527 = arith.constant 0 : i32
    %dma_wait3A_1528 = tpu.memref_slice %arg5[%dma_wait3A_1526, %dma_wait3A_1527] : memref<8192x1024xf32, #tpu.memory_space<hbm>> -> memref<8192x1024xf32, #tpu.memory_space<hbm>>
    tpu.wait_indirect_dma semaphore(%arg22 : memref<!tpu.dma_semaphore, #tpu.memory_space<semaphore_mem>>) src(%dma_wait3A_1525 : memref<16x1024xf32, #tpu.memory_space<vmem>>) dst(%dma_wait3A_1528 : memref<8192x1024xf32, #tpu.memory_space<hbm>>)
    %dma_wait3A_1529 = arith.constant 5 : i32
    %dma_wait3A_1530 = arith.constant 0 : i32
    %dma_wait3A_1531 = arith.constant 0 : i32
    %dma_wait3A_1532 = tpu.memref_slice %arg10[%dma_wait3A_1529, %dma_wait3A_1530, %dma_wait3A_1531] : memref<6x16x1024xf32, #tpu.memory_space<vmem>> -> memref<1x16x1024xf32, #tpu.memory_space<vmem>>
    %dma_wait3A_1533 = tpu.memref_squeeze %dma_wait3A_1532 : memref<1x16x1024xf32, #tpu.memory_space<vmem>> -> memref<16x1024xf32, #tpu.memory_space<vmem>>
    %dma_wait3A_1534 = arith.constant 0 : i32
    %dma_wait3A_1535 = arith.constant 0 : i32
    %dma_wait3A_1536 = tpu.memref_slice %arg5[%dma_wait3A_1534, %dma_wait3A_1535] : memref<8192x1024xf32, #tpu.memory_space<hbm>> -> memref<8192x1024xf32, #tpu.memory_space<hbm>>
    tpu.wait_indirect_dma semaphore(%arg23 : memref<!tpu.dma_semaphore, #tpu.memory_space<semaphore_mem>>) src(%dma_wait3A_1533 : memref<16x1024xf32, #tpu.memory_space<vmem>>) dst(%dma_wait3A_1536 : memref<8192x1024xf32, #tpu.memory_space<hbm>>)
    %dma_wait3A_1537 = arith.constant 0 : i32
    %dma_wait3A_1538 = arith.constant 0 : i32
    %dma_wait3A_1539 = arith.constant 0 : i32
    %dma_wait3A_1540 = tpu.memref_slice %arg10[%dma_wait3A_1537, %dma_wait3A_1538, %dma_wait3A_1539] : memref<6x16x1024xf32, #tpu.memory_space<vmem>> -> memref<1x16x1024xf32, #tpu.memory_space<vmem>>
    %dma_wait3A_1541 = tpu.memref_squeeze %dma_wait3A_1540 : memref<1x16x1024xf32, #tpu.memory_space<vmem>> -> memref<16x1024xf32, #tpu.memory_space<vmem>>
    %dma_wait3A_1542 = arith.constant 0 : i32
    %dma_wait3A_1543 = arith.constant 0 : i32
    %dma_wait3A_1544 = tpu.memref_slice %arg5[%dma_wait3A_1542, %dma_wait3A_1543] : memref<8192x1024xf32, #tpu.memory_space<hbm>> -> memref<8192x1024xf32, #tpu.memory_space<hbm>>
    tpu.wait_indirect_dma semaphore(%arg18 : memref<!tpu.dma_semaphore, #tpu.memory_space<semaphore_mem>>) src(%dma_wait3A_1541 : memref<16x1024xf32, #tpu.memory_space<vmem>>) dst(%dma_wait3A_1544 : memref<8192x1024xf32, #tpu.memory_space<hbm>>)
    %dma_wait3A_1545 = arith.constant 1 : i32
    %dma_wait3A_1546 = arith.constant 0 : i32
    %dma_wait3A_1547 = arith.constant 0 : i32
    %dma_wait3A_1548 = tpu.memref_slice %arg10[%dma_wait3A_1545, %dma_wait3A_1546, %dma_wait3A_1547] : memref<6x16x1024xf32, #tpu.memory_space<vmem>> -> memref<1x16x1024xf32, #tpu.memory_space<vmem>>
    %dma_wait3A_1549 = tpu.memref_squeeze %dma_wait3A_1548 : memref<1x16x1024xf32, #tpu.memory_space<vmem>> -> memref<16x1024xf32, #tpu.memory_space<vmem>>
    %dma_wait3A_1550 = arith.constant 0 : i32
    %dma_wait3A_1551 = arith.constant 0 : i32
    %dma_wait3A_1552 = tpu.memref_slice %arg5[%dma_wait3A_1550, %dma_wait3A_1551] : memref<8192x1024xf32, #tpu.memory_space<hbm>> -> memref<8192x1024xf32, #tpu.memory_space<hbm>>
    tpu.wait_indirect_dma semaphore(%arg19 : memref<!tpu.dma_semaphore, #tpu.memory_space<semaphore_mem>>) src(%dma_wait3A_1549 : memref<16x1024xf32, #tpu.memory_space<vmem>>) dst(%dma_wait3A_1552 : memref<8192x1024xf32, #tpu.memory_space<hbm>>)
    %dma_wait3A_1553 = arith.constant 2 : i32
    %dma_wait3A_1554 = arith.constant 0 : i32
    %dma_wait3A_1555 = arith.constant 0 : i32
    %dma_wait3A_1556 = tpu.memref_slice %arg10[%dma_wait3A_1553, %dma_wait3A_1554, %dma_wait3A_1555] : memref<6x16x1024xf32, #tpu.memory_space<vmem>> -> memref<1x16x1024xf32, #tpu.memory_space<vmem>>
    %dma_wait3A_1557 = tpu.memref_squeeze %dma_wait3A_1556 : memref<1x16x1024xf32, #tpu.memory_space<vmem>> -> memref<16x1024xf32, #tpu.memory_space<vmem>>
    %dma_wait3A_1558 = arith.constant 0 : i32
    %dma_wait3A_1559 = arith.constant 0 : i32
    %dma_wait3A_1560 = tpu.memref_slice %arg5[%dma_wait3A_1558, %dma_wait3A_1559] : memref<8192x1024xf32, #tpu.memory_space<hbm>> -> memref<8192x1024xf32, #tpu.memory_space<hbm>>
    tpu.wait_indirect_dma semaphore(%arg20 : memref<!tpu.dma_semaphore, #tpu.memory_space<semaphore_mem>>) src(%dma_wait3A_1557 : memref<16x1024xf32, #tpu.memory_space<vmem>>) dst(%dma_wait3A_1560 : memref<8192x1024xf32, #tpu.memory_space<hbm>>)
    %dma_wait3A_1561 = arith.constant 3 : i32
    %dma_wait3A_1562 = arith.constant 0 : i32
    %dma_wait3A_1563 = arith.constant 0 : i32
    %dma_wait3A_1564 = tpu.memref_slice %arg10[%dma_wait3A_1561, %dma_wait3A_1562, %dma_wait3A_1563] : memref<6x16x1024xf32, #tpu.memory_space<vmem>> -> memref<1x16x1024xf32, #tpu.memory_space<vmem>>
    %dma_wait3A_1565 = tpu.memref_squeeze %dma_wait3A_1564 : memref<1x16x1024xf32, #tpu.memory_space<vmem>> -> memref<16x1024xf32, #tpu.memory_space<vmem>>
    %dma_wait3A_1566 = arith.constant 0 : i32
    %dma_wait3A_1567 = arith.constant 0 : i32
    %dma_wait3A_1568 = tpu.memref_slice %arg5[%dma_wait3A_1566, %dma_wait3A_1567] : memref<8192x1024xf32, #tpu.memory_space<hbm>> -> memref<8192x1024xf32, #tpu.memory_space<hbm>>
    tpu.wait_indirect_dma semaphore(%arg21 : memref<!tpu.dma_semaphore, #tpu.memory_space<semaphore_mem>>) src(%dma_wait3A_1565 : memref<16x1024xf32, #tpu.memory_space<vmem>>) dst(%dma_wait3A_1568 : memref<8192x1024xf32, #tpu.memory_space<hbm>>)
    return
  }
}

#map = affine_map<(d0, d1) -> (0)>
#map1 = affine_map<(d0, d1) -> (0, 0)>
module attributes {stable_mosaic.version = 14 : i64} {
  func.func @_sc_count_body(%arg0: i32, %arg1: i32, %arg2: memref<8192xi32, #tpu.memory_space<hbm>>, %arg3: memref<32x16xi32, #tpu.memory_space<hbm>>, %arg4: memref<256xi32, #tpu.memory_space<vmem>>, %arg5: memref<16xi32, #tpu.memory_space<vmem>>, %arg6: memref<8x16xi32, #tpu.memory_space<vmem>>) attributes {dimension_semantics = [#tpu.dimension_semantics<core_parallel>, #tpu.dimension_semantics<subcore_parallel>], iteration_bounds = array<i64: 2, 16>, scalar_prefetch = 0 : i64, scratch_operands = 3 : i64, tpu.core_type = #tpu.core_type<sc_vector_subcore>, window_params = [{transform_indices = #map}, {transform_indices = #map1}]} {
    %mul3A = arith.constant 2 : i32
    %mul3A_0 = arith.muli %arg1, %mul3A : i32
    %add3A = arith.addi %mul3A_0, %arg0 : i32
    %mul3A_1 = arith.constant 256 : i32
    %mul3A_2 = arith.muli %add3A, %mul3A_1 : i32
    "tpu.region"() ({
      %run_scoped3A = tpu.sem_alloc : memref<!tpu.dma_semaphore, #tpu.memory_space<semaphore_mem>>
      %dma_start3A = tpu.memref_slice %arg2[%mul3A_2] : memref<8192xi32, #tpu.memory_space<hbm>> -> memref<256xi32, #tpu.memory_space<hbm>>
      %dma_start3A_210 = tpu.memref_slice %arg2[%mul3A_2] : memref<8192xi32, #tpu.memory_space<hbm>> -> memref<256xi32, #tpu.memory_space<hbm>>
      tpu.enqueue_dma source(%dma_start3A_210 : memref<256xi32, #tpu.memory_space<hbm>>) target(%arg4 : memref<256xi32, #tpu.memory_space<vmem>>) target_semaphore(%run_scoped3A : memref<!tpu.dma_semaphore, #tpu.memory_space<semaphore_mem>>)
      %dma_wait3A = tpu.memref_slice %arg2[%mul3A_2] : memref<8192xi32, #tpu.memory_space<hbm>> -> memref<256xi32, #tpu.memory_space<hbm>>
      %dma_wait3A_211 = tpu.memref_slice %arg2[%mul3A_2] : memref<8192xi32, #tpu.memory_space<hbm>> -> memref<256xi32, #tpu.memory_space<hbm>>
      tpu.wait_dma2 semaphore(%run_scoped3A : memref<!tpu.dma_semaphore, #tpu.memory_space<semaphore_mem>>) src(%dma_wait3A_211 : memref<256xi32, #tpu.memory_space<hbm>>) dst(%arg4 : memref<256xi32, #tpu.memory_space<vmem>>)
      tpu.yield
    }) : () -> ()
    %iota3A = tpu.iota {dimensions = array<i32: 0>} : vector<16xi32>
    %broadcast_in_dim3A = arith.constant 1 : i32
    %broadcast_in_dim3A_3 = vector.broadcast %broadcast_in_dim3A : i32 to vector<16xi32>
    %broadcast_in_dim3A_4 = arith.constant 0 : i32
    %broadcast_in_dim3A_5 = vector.broadcast %broadcast_in_dim3A_4 : i32 to vector<16xi32>
    %swap3A = arith.constant 0 : i32
    %swap3A_6 = arith.index_cast %swap3A : i32 to index
    %swap3A_7 = arith.constant 0 : index
    %swap3A_8 = tpu.vector_load %arg6[%swap3A_6, %swap3A_7] {strides = array<i32>} : memref<8x16xi32, #tpu.memory_space<vmem>>, vector<16xi32>,
    tpu.vector_store %arg6[%swap3A_6, %swap3A_7], %broadcast_in_dim3A_5 {strides = array<i32>} : memref<8x16xi32, #tpu.memory_space<vmem>>, vector<16xi32>,
    %broadcast_in_dim3A_9 = arith.constant 0 : i32
    %broadcast_in_dim3A_10 = vector.broadcast %broadcast_in_dim3A_9 : i32 to vector<16xi32>
    %swap3A_11 = arith.constant 1 : i32
    %swap3A_12 = arith.index_cast %swap3A_11 : i32 to index
    %swap3A_13 = arith.constant 0 : index
    %swap3A_14 = tpu.vector_load %arg6[%swap3A_12, %swap3A_13] {strides = array<i32>} : memref<8x16xi32, #tpu.memory_space<vmem>>, vector<16xi32>,
    tpu.vector_store %arg6[%swap3A_12, %swap3A_13], %broadcast_in_dim3A_10 {strides = array<i32>} : memref<8x16xi32, #tpu.memory_space<vmem>>, vector<16xi32>,
    %broadcast_in_dim3A_15 = arith.constant 0 : i32
    %broadcast_in_dim3A_16 = vector.broadcast %broadcast_in_dim3A_15 : i32 to vector<16xi32>
    %swap3A_17 = arith.constant 2 : i32
    %swap3A_18 = arith.index_cast %swap3A_17 : i32 to index
    %swap3A_19 = arith.constant 0 : index
    %swap3A_20 = tpu.vector_load %arg6[%swap3A_18, %swap3A_19] {strides = array<i32>} : memref<8x16xi32, #tpu.memory_space<vmem>>, vector<16xi32>,
    tpu.vector_store %arg6[%swap3A_18, %swap3A_19], %broadcast_in_dim3A_16 {strides = array<i32>} : memref<8x16xi32, #tpu.memory_space<vmem>>, vector<16xi32>,
    %broadcast_in_dim3A_21 = arith.constant 0 : i32
    %broadcast_in_dim3A_22 = vector.broadcast %broadcast_in_dim3A_21 : i32 to vector<16xi32>
    %swap3A_23 = arith.constant 3 : i32
    %swap3A_24 = arith.index_cast %swap3A_23 : i32 to index
    %swap3A_25 = arith.constant 0 : index
    %swap3A_26 = tpu.vector_load %arg6[%swap3A_24, %swap3A_25] {strides = array<i32>} : memref<8x16xi32, #tpu.memory_space<vmem>>, vector<16xi32>,
    tpu.vector_store %arg6[%swap3A_24, %swap3A_25], %broadcast_in_dim3A_22 {strides = array<i32>} : memref<8x16xi32, #tpu.memory_space<vmem>>, vector<16xi32>,
    %broadcast_in_dim3A_27 = arith.constant 0 : i32
    %broadcast_in_dim3A_28 = vector.broadcast %broadcast_in_dim3A_27 : i32 to vector<16xi32>
    %swap3A_29 = arith.constant 4 : i32
    %swap3A_30 = arith.index_cast %swap3A_29 : i32 to index
    %swap3A_31 = arith.constant 0 : index
    %swap3A_32 = tpu.vector_load %arg6[%swap3A_30, %swap3A_31] {strides = array<i32>} : memref<8x16xi32, #tpu.memory_space<vmem>>, vector<16xi32>,
    tpu.vector_store %arg6[%swap3A_30, %swap3A_31], %broadcast_in_dim3A_28 {strides = array<i32>} : memref<8x16xi32, #tpu.memory_space<vmem>>, vector<16xi32>,
    %broadcast_in_dim3A_33 = arith.constant 0 : i32
    %broadcast_in_dim3A_34 = vector.broadcast %broadcast_in_dim3A_33 : i32 to vector<16xi32>
    %swap3A_35 = arith.constant 5 : i32
    %swap3A_36 = arith.index_cast %swap3A_35 : i32 to index
    %swap3A_37 = arith.constant 0 : index
    %swap3A_38 = tpu.vector_load %arg6[%swap3A_36, %swap3A_37] {strides = array<i32>} : memref<8x16xi32, #tpu.memory_space<vmem>>, vector<16xi32>,
    tpu.vector_store %arg6[%swap3A_36, %swap3A_37], %broadcast_in_dim3A_34 {strides = array<i32>} : memref<8x16xi32, #tpu.memory_space<vmem>>, vector<16xi32>,
    %broadcast_in_dim3A_39 = arith.constant 0 : i32
    %broadcast_in_dim3A_40 = vector.broadcast %broadcast_in_dim3A_39 : i32 to vector<16xi32>
    %swap3A_41 = arith.constant 6 : i32
    %swap3A_42 = arith.index_cast %swap3A_41 : i32 to index
    %swap3A_43 = arith.constant 0 : index
    %swap3A_44 = tpu.vector_load %arg6[%swap3A_42, %swap3A_43] {strides = array<i32>} : memref<8x16xi32, #tpu.memory_space<vmem>>, vector<16xi32>,
    tpu.vector_store %arg6[%swap3A_42, %swap3A_43], %broadcast_in_dim3A_40 {strides = array<i32>} : memref<8x16xi32, #tpu.memory_space<vmem>>, vector<16xi32>,
    %broadcast_in_dim3A_45 = arith.constant 0 : i32
    %broadcast_in_dim3A_46 = vector.broadcast %broadcast_in_dim3A_45 : i32 to vector<16xi32>
    %swap3A_47 = arith.constant 7 : i32
    %swap3A_48 = arith.index_cast %swap3A_47 : i32 to index
    %swap3A_49 = arith.constant 0 : index
    %swap3A_50 = tpu.vector_load %arg6[%swap3A_48, %swap3A_49] {strides = array<i32>} : memref<8x16xi32, #tpu.memory_space<vmem>>, vector<16xi32>,
    tpu.vector_store %arg6[%swap3A_48, %swap3A_49], %broadcast_in_dim3A_46 {strides = array<i32>} : memref<8x16xi32, #tpu.memory_space<vmem>>, vector<16xi32>,
    %get3A = arith.constant 0 : index
    %get3A_51 = tpu.vector_load %arg4[%get3A] {strides = array<i32>} : memref<256xi32, #tpu.memory_space<vmem>>, vector<16xi32>,
    tpu.vector_store_idx %arg6[%get3A_51, %iota3A], %broadcast_in_dim3A_3 {add = true} : memref<8x16xi32, #tpu.memory_space<vmem>>[vector<16xi32>, vector<16xi32>], vector<16xi32>,
    %get3A_52 = arith.constant 16 : index
    %get3A_53 = tpu.vector_load %arg4[%get3A_52] {strides = array<i32>} : memref<256xi32, #tpu.memory_space<vmem>>, vector<16xi32>,
    tpu.vector_store_idx %arg6[%get3A_53, %iota3A], %broadcast_in_dim3A_3 {add = true} : memref<8x16xi32, #tpu.memory_space<vmem>>[vector<16xi32>, vector<16xi32>], vector<16xi32>,
    %get3A_54 = arith.constant 32 : index
    %get3A_55 = tpu.vector_load %arg4[%get3A_54] {strides = array<i32>} : memref<256xi32, #tpu.memory_space<vmem>>, vector<16xi32>,
    tpu.vector_store_idx %arg6[%get3A_55, %iota3A], %broadcast_in_dim3A_3 {add = true} : memref<8x16xi32, #tpu.memory_space<vmem>>[vector<16xi32>, vector<16xi32>], vector<16xi32>,
    %get3A_56 = arith.constant 48 : index
    %get3A_57 = tpu.vector_load %arg4[%get3A_56] {strides = array<i32>} : memref<256xi32, #tpu.memory_space<vmem>>, vector<16xi32>,
    tpu.vector_store_idx %arg6[%get3A_57, %iota3A], %broadcast_in_dim3A_3 {add = true} : memref<8x16xi32, #tpu.memory_space<vmem>>[vector<16xi32>, vector<16xi32>], vector<16xi32>,
    %get3A_58 = arith.constant 64 : index
    %get3A_59 = tpu.vector_load %arg4[%get3A_58] {strides = array<i32>} : memref<256xi32, #tpu.memory_space<vmem>>, vector<16xi32>,
    tpu.vector_store_idx %arg6[%get3A_59, %iota3A], %broadcast_in_dim3A_3 {add = true} : memref<8x16xi32, #tpu.memory_space<vmem>>[vector<16xi32>, vector<16xi32>], vector<16xi32>,
    %get3A_60 = arith.constant 80 : index
    %get3A_61 = tpu.vector_load %arg4[%get3A_60] {strides = array<i32>} : memref<256xi32, #tpu.memory_space<vmem>>, vector<16xi32>,
    tpu.vector_store_idx %arg6[%get3A_61, %iota3A], %broadcast_in_dim3A_3 {add = true} : memref<8x16xi32, #tpu.memory_space<vmem>>[vector<16xi32>, vector<16xi32>], vector<16xi32>,
    %get3A_62 = arith.constant 96 : index
    %get3A_63 = tpu.vector_load %arg4[%get3A_62] {strides = array<i32>} : memref<256xi32, #tpu.memory_space<vmem>>, vector<16xi32>,
    tpu.vector_store_idx %arg6[%get3A_63, %iota3A], %broadcast_in_dim3A_3 {add = true} : memref<8x16xi32, #tpu.memory_space<vmem>>[vector<16xi32>, vector<16xi32>], vector<16xi32>,
    %get3A_64 = arith.constant 112 : index
    %get3A_65 = tpu.vector_load %arg4[%get3A_64] {strides = array<i32>} : memref<256xi32, #tpu.memory_space<vmem>>, vector<16xi32>,
    tpu.vector_store_idx %arg6[%get3A_65, %iota3A], %broadcast_in_dim3A_3 {add = true} : memref<8x16xi32, #tpu.memory_space<vmem>>[vector<16xi32>, vector<16xi32>], vector<16xi32>,
    %get3A_66 = arith.constant 128 : index
    %get3A_67 = tpu.vector_load %arg4[%get3A_66] {strides = array<i32>} : memref<256xi32, #tpu.memory_space<vmem>>, vector<16xi32>,
    tpu.vector_store_idx %arg6[%get3A_67, %iota3A], %broadcast_in_dim3A_3 {add = true} : memref<8x16xi32, #tpu.memory_space<vmem>>[vector<16xi32>, vector<16xi32>], vector<16xi32>,
    %get3A_68 = arith.constant 144 : index
    %get3A_69 = tpu.vector_load %arg4[%get3A_68] {strides = array<i32>} : memref<256xi32, #tpu.memory_space<vmem>>, vector<16xi32>,
    tpu.vector_store_idx %arg6[%get3A_69, %iota3A], %broadcast_in_dim3A_3 {add = true} : memref<8x16xi32, #tpu.memory_space<vmem>>[vector<16xi32>, vector<16xi32>], vector<16xi32>,
    %get3A_70 = arith.constant 160 : index
    %get3A_71 = tpu.vector_load %arg4[%get3A_70] {strides = array<i32>} : memref<256xi32, #tpu.memory_space<vmem>>, vector<16xi32>,
    tpu.vector_store_idx %arg6[%get3A_71, %iota3A], %broadcast_in_dim3A_3 {add = true} : memref<8x16xi32, #tpu.memory_space<vmem>>[vector<16xi32>, vector<16xi32>], vector<16xi32>,
    %get3A_72 = arith.constant 176 : index
    %get3A_73 = tpu.vector_load %arg4[%get3A_72] {strides = array<i32>} : memref<256xi32, #tpu.memory_space<vmem>>, vector<16xi32>,
    tpu.vector_store_idx %arg6[%get3A_73, %iota3A], %broadcast_in_dim3A_3 {add = true} : memref<8x16xi32, #tpu.memory_space<vmem>>[vector<16xi32>, vector<16xi32>], vector<16xi32>,
    %get3A_74 = arith.constant 192 : index
    %get3A_75 = tpu.vector_load %arg4[%get3A_74] {strides = array<i32>} : memref<256xi32, #tpu.memory_space<vmem>>, vector<16xi32>,
    tpu.vector_store_idx %arg6[%get3A_75, %iota3A], %broadcast_in_dim3A_3 {add = true} : memref<8x16xi32, #tpu.memory_space<vmem>>[vector<16xi32>, vector<16xi32>], vector<16xi32>,
    %get3A_76 = arith.constant 208 : index
    %get3A_77 = tpu.vector_load %arg4[%get3A_76] {strides = array<i32>} : memref<256xi32, #tpu.memory_space<vmem>>, vector<16xi32>,
    tpu.vector_store_idx %arg6[%get3A_77, %iota3A], %broadcast_in_dim3A_3 {add = true} : memref<8x16xi32, #tpu.memory_space<vmem>>[vector<16xi32>, vector<16xi32>], vector<16xi32>,
    %get3A_78 = arith.constant 224 : index
    %get3A_79 = tpu.vector_load %arg4[%get3A_78] {strides = array<i32>} : memref<256xi32, #tpu.memory_space<vmem>>, vector<16xi32>,
    tpu.vector_store_idx %arg6[%get3A_79, %iota3A], %broadcast_in_dim3A_3 {add = true} : memref<8x16xi32, #tpu.memory_space<vmem>>[vector<16xi32>, vector<16xi32>], vector<16xi32>,
    %get3A_80 = arith.constant 240 : index
    %get3A_81 = tpu.vector_load %arg4[%get3A_80] {strides = array<i32>} : memref<256xi32, #tpu.memory_space<vmem>>, vector<16xi32>,
    tpu.vector_store_idx %arg6[%get3A_81, %iota3A], %broadcast_in_dim3A_3 {add = true} : memref<8x16xi32, #tpu.memory_space<vmem>>[vector<16xi32>, vector<16xi32>], vector<16xi32>,
    %broadcast_in_dim3A_82 = arith.constant 0 : i32
    %broadcast_in_dim3A_83 = vector.broadcast %broadcast_in_dim3A_82 : i32 to vector<16xi32>
    %eq3A = arith.constant 0 : i32
    %eq3A_84 = vector.broadcast %eq3A : i32 to vector<16xi32>
    %eq3A_85 = arith.cmpi eq, %iota3A, %eq3A_84 : vector<16xi32>
    %get3A_86 = arith.constant 0 : i32
    %get3A_87 = arith.index_cast %get3A_86 : i32 to index
    %get3A_88 = arith.constant 0 : index
    %get3A_89 = tpu.vector_load %arg6[%get3A_87, %get3A_88] {strides = array<i32>} : memref<8x16xi32, #tpu.memory_space<vmem>>, vector<16xi32>,
    %reduce_sum3A = arith.constant true
    %reduce_sum3A_90 = vector.broadcast %reduce_sum3A : i1 to vector<16xi1>
    %reduce_sum3A_91 = tpu.scan <sum>, %get3A_89 masked %reduce_sum3A_90 : vector<16xi32>, vector<16xi1> -> vector<16xi32>
    %reduce_sum3A_92 = vector.extract %reduce_sum3A_91[15] : i32 from vector<16xi32>
    %jit3A = arith.constant 0 : i32
    %broadcast_in_dim3A_93 = vector.broadcast %reduce_sum3A_92 : i32 to vector<16xi32>
    %broadcast_in_dim3A_94 = vector.broadcast %jit3A : i32 to vector<16xi32>
    %select_n3A = arith.select %eq3A_85, %broadcast_in_dim3A_93, %broadcast_in_dim3A_94 : vector<16xi1>, vector<16xi32>
    %add3A_95 = arith.addi %broadcast_in_dim3A_83, %select_n3A : vector<16xi32>
    %eq3A_96 = arith.constant 1 : i32
    %eq3A_97 = vector.broadcast %eq3A_96 : i32 to vector<16xi32>
    %eq3A_98 = arith.cmpi eq, %iota3A, %eq3A_97 : vector<16xi32>
    %get3A_99 = arith.constant 1 : i32
    %get3A_100 = arith.index_cast %get3A_99 : i32 to index
    %get3A_101 = arith.constant 0 : index
    %get3A_102 = tpu.vector_load %arg6[%get3A_100, %get3A_101] {strides = array<i32>} : memref<8x16xi32, #tpu.memory_space<vmem>>, vector<16xi32>,
    %reduce_sum3A_103 = arith.constant true
    %reduce_sum3A_104 = vector.broadcast %reduce_sum3A_103 : i1 to vector<16xi1>
    %reduce_sum3A_105 = tpu.scan <sum>, %get3A_102 masked %reduce_sum3A_104 : vector<16xi32>, vector<16xi1> -> vector<16xi32>
    %reduce_sum3A_106 = vector.extract %reduce_sum3A_105[15] : i32 from vector<16xi32>
    %jit3A_107 = arith.constant 0 : i32
    %broadcast_in_dim3A_108 = vector.broadcast %reduce_sum3A_106 : i32 to vector<16xi32>
    %broadcast_in_dim3A_109 = vector.broadcast %jit3A_107 : i32 to vector<16xi32>
    %select_n3A_110 = arith.select %eq3A_98, %broadcast_in_dim3A_108, %broadcast_in_dim3A_109 : vector<16xi1>, vector<16xi32>
    %add3A_111 = arith.addi %add3A_95, %select_n3A_110 : vector<16xi32>
    %eq3A_112 = arith.constant 2 : i32
    %eq3A_113 = vector.broadcast %eq3A_112 : i32 to vector<16xi32>
    %eq3A_114 = arith.cmpi eq, %iota3A, %eq3A_113 : vector<16xi32>
    %get3A_115 = arith.constant 2 : i32
    %get3A_116 = arith.index_cast %get3A_115 : i32 to index
    %get3A_117 = arith.constant 0 : index
    %get3A_118 = tpu.vector_load %arg6[%get3A_116, %get3A_117] {strides = array<i32>} : memref<8x16xi32, #tpu.memory_space<vmem>>, vector<16xi32>,
    %reduce_sum3A_119 = arith.constant true
    %reduce_sum3A_120 = vector.broadcast %reduce_sum3A_119 : i1 to vector<16xi1>
    %reduce_sum3A_121 = tpu.scan <sum>, %get3A_118 masked %reduce_sum3A_120 : vector<16xi32>, vector<16xi1> -> vector<16xi32>
    %reduce_sum3A_122 = vector.extract %reduce_sum3A_121[15] : i32 from vector<16xi32>
    %jit3A_123 = arith.constant 0 : i32
    %broadcast_in_dim3A_124 = vector.broadcast %reduce_sum3A_122 : i32 to vector<16xi32>
    %broadcast_in_dim3A_125 = vector.broadcast %jit3A_123 : i32 to vector<16xi32>
    %select_n3A_126 = arith.select %eq3A_114, %broadcast_in_dim3A_124, %broadcast_in_dim3A_125 : vector<16xi1>, vector<16xi32>
    %add3A_127 = arith.addi %add3A_111, %select_n3A_126 : vector<16xi32>
    %eq3A_128 = arith.constant 3 : i32
    %eq3A_129 = vector.broadcast %eq3A_128 : i32 to vector<16xi32>
    %eq3A_130 = arith.cmpi eq, %iota3A, %eq3A_129 : vector<16xi32>
    %get3A_131 = arith.constant 3 : i32
    %get3A_132 = arith.index_cast %get3A_131 : i32 to index
    %get3A_133 = arith.constant 0 : index
    %get3A_134 = tpu.vector_load %arg6[%get3A_132, %get3A_133] {strides = array<i32>} : memref<8x16xi32, #tpu.memory_space<vmem>>, vector<16xi32>,
    %reduce_sum3A_135 = arith.constant true
    %reduce_sum3A_136 = vector.broadcast %reduce_sum3A_135 : i1 to vector<16xi1>
    %reduce_sum3A_137 = tpu.scan <sum>, %get3A_134 masked %reduce_sum3A_136 : vector<16xi32>, vector<16xi1> -> vector<16xi32>
    %reduce_sum3A_138 = vector.extract %reduce_sum3A_137[15] : i32 from vector<16xi32>
    %jit3A_139 = arith.constant 0 : i32
    %broadcast_in_dim3A_140 = vector.broadcast %reduce_sum3A_138 : i32 to vector<16xi32>
    %broadcast_in_dim3A_141 = vector.broadcast %jit3A_139 : i32 to vector<16xi32>
    %select_n3A_142 = arith.select %eq3A_130, %broadcast_in_dim3A_140, %broadcast_in_dim3A_141 : vector<16xi1>, vector<16xi32>
    %add3A_143 = arith.addi %add3A_127, %select_n3A_142 : vector<16xi32>
    %eq3A_144 = arith.constant 4 : i32
    %eq3A_145 = vector.broadcast %eq3A_144 : i32 to vector<16xi32>
    %eq3A_146 = arith.cmpi eq, %iota3A, %eq3A_145 : vector<16xi32>
    %get3A_147 = arith.constant 4 : i32
    %get3A_148 = arith.index_cast %get3A_147 : i32 to index
    %get3A_149 = arith.constant 0 : index
    %get3A_150 = tpu.vector_load %arg6[%get3A_148, %get3A_149] {strides = array<i32>} : memref<8x16xi32, #tpu.memory_space<vmem>>, vector<16xi32>,
    %reduce_sum3A_151 = arith.constant true
    %reduce_sum3A_152 = vector.broadcast %reduce_sum3A_151 : i1 to vector<16xi1>
    %reduce_sum3A_153 = tpu.scan <sum>, %get3A_150 masked %reduce_sum3A_152 : vector<16xi32>, vector<16xi1> -> vector<16xi32>
    %reduce_sum3A_154 = vector.extract %reduce_sum3A_153[15] : i32 from vector<16xi32>
    %jit3A_155 = arith.constant 0 : i32
    %broadcast_in_dim3A_156 = vector.broadcast %reduce_sum3A_154 : i32 to vector<16xi32>
    %broadcast_in_dim3A_157 = vector.broadcast %jit3A_155 : i32 to vector<16xi32>
    %select_n3A_158 = arith.select %eq3A_146, %broadcast_in_dim3A_156, %broadcast_in_dim3A_157 : vector<16xi1>, vector<16xi32>
    %add3A_159 = arith.addi %add3A_143, %select_n3A_158 : vector<16xi32>
    %eq3A_160 = arith.constant 5 : i32
    %eq3A_161 = vector.broadcast %eq3A_160 : i32 to vector<16xi32>
    %eq3A_162 = arith.cmpi eq, %iota3A, %eq3A_161 : vector<16xi32>
    %get3A_163 = arith.constant 5 : i32
    %get3A_164 = arith.index_cast %get3A_163 : i32 to index
    %get3A_165 = arith.constant 0 : index
    %get3A_166 = tpu.vector_load %arg6[%get3A_164, %get3A_165] {strides = array<i32>} : memref<8x16xi32, #tpu.memory_space<vmem>>, vector<16xi32>,
    %reduce_sum3A_167 = arith.constant true
    %reduce_sum3A_168 = vector.broadcast %reduce_sum3A_167 : i1 to vector<16xi1>
    %reduce_sum3A_169 = tpu.scan <sum>, %get3A_166 masked %reduce_sum3A_168 : vector<16xi32>, vector<16xi1> -> vector<16xi32>
    %reduce_sum3A_170 = vector.extract %reduce_sum3A_169[15] : i32 from vector<16xi32>
    %jit3A_171 = arith.constant 0 : i32
    %broadcast_in_dim3A_172 = vector.broadcast %reduce_sum3A_170 : i32 to vector<16xi32>
    %broadcast_in_dim3A_173 = vector.broadcast %jit3A_171 : i32 to vector<16xi32>
    %select_n3A_174 = arith.select %eq3A_162, %broadcast_in_dim3A_172, %broadcast_in_dim3A_173 : vector<16xi1>, vector<16xi32>
    %add3A_175 = arith.addi %add3A_159, %select_n3A_174 : vector<16xi32>
    %eq3A_176 = arith.constant 6 : i32
    %eq3A_177 = vector.broadcast %eq3A_176 : i32 to vector<16xi32>
    %eq3A_178 = arith.cmpi eq, %iota3A, %eq3A_177 : vector<16xi32>
    %get3A_179 = arith.constant 6 : i32
    %get3A_180 = arith.index_cast %get3A_179 : i32 to index
    %get3A_181 = arith.constant 0 : index
    %get3A_182 = tpu.vector_load %arg6[%get3A_180, %get3A_181] {strides = array<i32>} : memref<8x16xi32, #tpu.memory_space<vmem>>, vector<16xi32>,
    %reduce_sum3A_183 = arith.constant true
    %reduce_sum3A_184 = vector.broadcast %reduce_sum3A_183 : i1 to vector<16xi1>
    %reduce_sum3A_185 = tpu.scan <sum>, %get3A_182 masked %reduce_sum3A_184 : vector<16xi32>, vector<16xi1> -> vector<16xi32>
    %reduce_sum3A_186 = vector.extract %reduce_sum3A_185[15] : i32 from vector<16xi32>
    %jit3A_187 = arith.constant 0 : i32
    %broadcast_in_dim3A_188 = vector.broadcast %reduce_sum3A_186 : i32 to vector<16xi32>
    %broadcast_in_dim3A_189 = vector.broadcast %jit3A_187 : i32 to vector<16xi32>
    %select_n3A_190 = arith.select %eq3A_178, %broadcast_in_dim3A_188, %broadcast_in_dim3A_189 : vector<16xi1>, vector<16xi32>
    %add3A_191 = arith.addi %add3A_175, %select_n3A_190 : vector<16xi32>
    %eq3A_192 = arith.constant 7 : i32
    %eq3A_193 = vector.broadcast %eq3A_192 : i32 to vector<16xi32>
    %eq3A_194 = arith.cmpi eq, %iota3A, %eq3A_193 : vector<16xi32>
    %get3A_195 = arith.constant 7 : i32
    %get3A_196 = arith.index_cast %get3A_195 : i32 to index
    %get3A_197 = arith.constant 0 : index
    %get3A_198 = tpu.vector_load %arg6[%get3A_196, %get3A_197] {strides = array<i32>} : memref<8x16xi32, #tpu.memory_space<vmem>>, vector<16xi32>,
    %reduce_sum3A_199 = arith.constant true
    %reduce_sum3A_200 = vector.broadcast %reduce_sum3A_199 : i1 to vector<16xi1>
    %reduce_sum3A_201 = tpu.scan <sum>, %get3A_198 masked %reduce_sum3A_200 : vector<16xi32>, vector<16xi1> -> vector<16xi32>
    %reduce_sum3A_202 = vector.extract %reduce_sum3A_201[15] : i32 from vector<16xi32>
    %jit3A_203 = arith.constant 0 : i32
    %broadcast_in_dim3A_204 = vector.broadcast %reduce_sum3A_202 : i32 to vector<16xi32>
    %broadcast_in_dim3A_205 = vector.broadcast %jit3A_203 : i32 to vector<16xi32>
    %select_n3A_206 = arith.select %eq3A_194, %broadcast_in_dim3A_204, %broadcast_in_dim3A_205 : vector<16xi1>, vector<16xi32>
    %add3A_207 = arith.addi %add3A_191, %select_n3A_206 : vector<16xi32>
    %swap3A_208 = arith.constant 0 : index
    %swap3A_209 = tpu.vector_load %arg5[%swap3A_208] {strides = array<i32>} : memref<16xi32, #tpu.memory_space<vmem>>, vector<16xi32>,
    tpu.vector_store %arg5[%swap3A_208], %add3A_207 {strides = array<i32>} : memref<16xi32, #tpu.memory_space<vmem>>, vector<16xi32>,
    "tpu.region"() ({
      %run_scoped3A = tpu.sem_alloc : memref<!tpu.dma_semaphore, #tpu.memory_space<semaphore_mem>>
      %dma_start3A = arith.constant 0 : i32
      %dma_start3A_210 = tpu.memref_slice %arg3[%add3A, %dma_start3A] : memref<32x16xi32, #tpu.memory_space<hbm>> -> memref<1x16xi32, #tpu.memory_space<hbm>>
      %dma_start3A_211 = tpu.memref_squeeze %dma_start3A_210 : memref<1x16xi32, #tpu.memory_space<hbm>> -> memref<16xi32, #tpu.memory_space<hbm>>
      %dma_start3A_212 = arith.constant 0 : i32
      %dma_start3A_213 = tpu.memref_slice %arg3[%add3A, %dma_start3A_212] : memref<32x16xi32, #tpu.memory_space<hbm>> -> memref<1x16xi32, #tpu.memory_space<hbm>>
      %dma_start3A_214 = tpu.memref_squeeze %dma_start3A_213 : memref<1x16xi32, #tpu.memory_space<hbm>> -> memref<16xi32, #tpu.memory_space<hbm>>
      tpu.enqueue_dma source(%arg5 : memref<16xi32, #tpu.memory_space<vmem>>) target(%dma_start3A_214 : memref<16xi32, #tpu.memory_space<hbm>>) target_semaphore(%run_scoped3A : memref<!tpu.dma_semaphore, #tpu.memory_space<semaphore_mem>>)
      %dma_wait3A = arith.constant 0 : i32
      %dma_wait3A_215 = tpu.memref_slice %arg3[%add3A, %dma_wait3A] : memref<32x16xi32, #tpu.memory_space<hbm>> -> memref<1x16xi32, #tpu.memory_space<hbm>>
      %dma_wait3A_216 = tpu.memref_squeeze %dma_wait3A_215 : memref<1x16xi32, #tpu.memory_space<hbm>> -> memref<16xi32, #tpu.memory_space<hbm>>
      %dma_wait3A_217 = arith.constant 0 : i32
      %dma_wait3A_218 = tpu.memref_slice %arg3[%add3A, %dma_wait3A_217] : memref<32x16xi32, #tpu.memory_space<hbm>> -> memref<1x16xi32, #tpu.memory_space<hbm>>
      %dma_wait3A_219 = tpu.memref_squeeze %dma_wait3A_218 : memref<1x16xi32, #tpu.memory_space<hbm>> -> memref<16xi32, #tpu.memory_space<hbm>>
      tpu.wait_dma2 semaphore(%run_scoped3A : memref<!tpu.dma_semaphore, #tpu.memory_space<semaphore_mem>>) src(%arg5 : memref<16xi32, #tpu.memory_space<vmem>>) dst(%dma_wait3A_219 : memref<16xi32, #tpu.memory_space<hbm>>)
      tpu.yield
    }) : () -> ()
    return
  }
}

module attributes {stable_mosaic.version = 14 : i64} {
  func.func @_gmm_body(%arg0: i32, %arg1: memref<24xi32, #tpu.memory_space<smem>>, %arg2: memref<24xi32, #tpu.memory_space<smem>>, %arg3: memref<24xi32, #tpu.memory_space<smem>>, %arg4: memref<24xi32, #tpu.memory_space<smem>>, %arg5: memref<24xi32, #tpu.memory_space<smem>>, %arg6: memref<512x1024xf32, #tpu.memory_space<vmem>>, %arg7: memref<1x1024x1024xf32, #tpu.memory_space<vmem>>, %arg8: memref<1x1x1024xf32, #tpu.memory_space<vmem>>, %arg9: memref<512x1024xf32, #tpu.memory_space<vmem>>, %arg10: memref<1024x1024xbf16, #tpu.memory_space<vmem>>) attributes {dimension_semantics = [#tpu.dimension_semantics<arbitrary>], iteration_bounds = array<i64: 24>, scalar_prefetch = 5 : i64, scratch_operands = 1 : i64, tpu.core_type = #tpu.core_type<tc>, window_params = [{transform_indices = @transform_0, window_bounds = array<i64: 512, 1024>}, {transform_indices = @transform_1, window_bounds = array<i64: 1, 1024, 1024>}, {transform_indices = @transform_2, window_bounds = array<i64: 1, 1, 1024>}, {transform_indices = @transform_3, window_bounds = array<i64: 512, 1024>}]} {
    %get3A = arith.index_cast %arg0 : i32 to index
    %get3A_0 = memref.load %arg3[%get3A] : memref<24xi32, #tpu.memory_space<smem>>
    %get3A_1 = arith.index_cast %arg0 : i32 to index
    %get3A_2 = memref.load %arg4[%get3A_1] : memref<24xi32, #tpu.memory_space<smem>>
    %get3A_3 = arith.index_cast %arg0 : i32 to index
    %get3A_4 = memref.load %arg1[%get3A_3] : memref<24xi32, #tpu.memory_space<smem>>
    %sub3A = arith.constant 1 : i32
    %sub3A_5 = arith.subi %arg0, %sub3A : i32
    %max3A = arith.constant 0 : i32
    %max3A_6 = arith.maxsi %sub3A_5, %max3A : i32
    %get3A_7 = arith.index_cast %max3A_6 : i32 to index
    %get3A_8 = memref.load %arg2[%get3A_7] : memref<24xi32, #tpu.memory_space<smem>>
    %eq3A = arith.constant 0 : i32
    %eq3A_9 = arith.cmpi eq, %arg0, %eq3A : i32
    %get3A_10 = arith.index_cast %arg0 : i32 to index
    %get3A_11 = memref.load %arg2[%get3A_10] : memref<24xi32, #tpu.memory_space<smem>>
    %ne3A = arith.cmpi ne, %get3A_11, %get3A_8 : i32
    %or3A = arith.ori %eq3A_9, %ne3A : i1
    %convert_element_type3A = arith.extui %or3A : i1 to i32
    %cond3A = arith.constant 0 : i32
    %cond3A_12 = arith.cmpi ne, %convert_element_type3A, %cond3A : i32
    scf.if %cond3A_12 {
      %get3A_34 = arith.constant 0 : index
      %get3A_35 = arith.constant 0 : index
      %get3A_36 = arith.constant 0 : index
      %get3A_37 = vector.load %arg7[%get3A_34, %get3A_35, %get3A_36] : memref<1x1024x1024xf32, #tpu.memory_space<vmem>>, vector<1x1024x1024xf32>
      %get3A_38 = vector.shape_cast %get3A_37 : vector<1x1024x1024xf32> to vector<1024x1024xf32>
      %convert_element_type3A_39 = arith.truncf %get3A_38 : vector<1024x1024xf32> to vector<1024x1024xbf16>
      %swap3A = arith.constant 0 : index
      %swap3A_40 = arith.constant 0 : index
      %swap3A_41 = vector.load %arg10[%swap3A, %swap3A_40] : memref<1024x1024xbf16, #tpu.memory_space<vmem>>, vector<1024x1024xbf16>
      tpu.vector_store %arg10[%swap3A, %swap3A_40], %convert_element_type3A_39 {strides = array<i32>} : memref<1024x1024xbf16, #tpu.memory_space<vmem>>, vector<1024x1024xbf16>,
    } else {
    }
    %mul3A = arith.constant 512 : i32
    %mul3A_13 = arith.muli %get3A_4, %mul3A : i32
    %le3A = arith.cmpi sle, %get3A_0, %mul3A_13 : i32
    %add3A = arith.constant 1 : i32
    %add3A_14 = arith.addi %get3A_4, %add3A : i32
    %mul3A_15 = arith.constant 512 : i32
    %mul3A_16 = arith.muli %add3A_14, %mul3A_15 : i32
    %ge3A = arith.cmpi sge, %get3A_2, %mul3A_16 : i32
    %and3A = arith.andi %le3A, %ge3A : i1
    %get3A_17 = arith.index_cast %arg0 : i32 to index
    %get3A_18 = memref.load %arg5[%get3A_17] : memref<24xi32, #tpu.memory_space<smem>>
    %eq3A_19 = arith.constant 1 : i32
    %eq3A_20 = arith.cmpi eq, %get3A_18, %eq3A_19 : i32
    %and3A_21 = arith.andi %eq3A_20, %and3A : i1
    %convert_element_type3A_22 = arith.extui %and3A_21 : i1 to i32
    %cond3A_23 = arith.constant 0 : i32
    %cond3A_24 = arith.cmpi ne, %convert_element_type3A_22, %cond3A_23 : i32
    scf.if %cond3A_24 {
      %get3A_34 = arith.constant 0 : index
      %get3A_35 = arith.constant 0 : index
      %get3A_36 = vector.load %arg6[%get3A_34, %get3A_35] : memref<512x1024xf32, #tpu.memory_space<vmem>>, vector<512x1024xf32>
      %convert_element_type3A_37 = arith.truncf %get3A_36 : vector<512x1024xf32> to vector<512x1024xbf16>
      %get3A_38 = arith.constant 0 : index
      %get3A_39 = arith.constant 0 : index
      %get3A_40 = vector.load %arg10[%get3A_38, %get3A_39] : memref<1024x1024xbf16, #tpu.memory_space<vmem>>, vector<1024x1024xbf16>
      %dot_general3A = arith.constant dense<0.000000e+00> : vector<512x1024xf32>
      %dot_general3A_41 = tpu.matmul %convert_element_type3A_37, %get3A_40, %dot_general3A {dimension_numbers = #tpu.dot_dimension_numbers<[1], [0], [0], [1], [0, 0, 1, 1], [], []>, transpose_lhs_hint = false} : vector<512x1024xbf16>, vector<1024x1024xbf16>, vector<512x1024xf32> -> vector<512x1024xf32>
      %get3A_42 = arith.constant 0 : index
      %get3A_43 = arith.constant 0 : index
      %get3A_44 = arith.constant 0 : index
      %get3A_45 = vector.load %arg8[%get3A_42, %get3A_43, %get3A_44] : memref<1x1x1024xf32, #tpu.memory_space<vmem>>, vector<1x1x1024xf32>
      %get3A_46 = vector.shape_cast %get3A_45 : vector<1x1x1024xf32> to vector<1x1024xf32>
      %add3A_47 = vector.broadcast %get3A_46 : vector<1x1024xf32> to vector<512x1024xf32>
      %add3A_48 = arith.addf %dot_general3A_41, %add3A_47 : vector<512x1024xf32>
      %swap3A = arith.constant 0 : index
      %swap3A_49 = arith.constant 0 : index
      %swap3A_50 = vector.load %arg9[%swap3A, %swap3A_49] : memref<512x1024xf32, #tpu.memory_space<vmem>>, vector<512x1024xf32>
      tpu.vector_store %arg9[%swap3A, %swap3A_49], %add3A_48 {strides = array<i32>} : memref<512x1024xf32, #tpu.memory_space<vmem>>, vector<512x1024xf32>,
    } else {
    }
    %get3A_25 = arith.index_cast %arg0 : i32 to index
    %get3A_26 = memref.load %arg5[%get3A_25] : memref<24xi32, #tpu.memory_space<smem>>
    %eq3A_27 = arith.constant 1 : i32
    %eq3A_28 = arith.cmpi eq, %get3A_26, %eq3A_27 : i32
    %not3A = arith.constant true
    %not3A_29 = arith.xori %and3A, %not3A : i1
    %and3A_30 = arith.andi %eq3A_28, %not3A_29 : i1
    %convert_element_type3A_31 = arith.extui %and3A_30 : i1 to i32
    %cond3A_32 = arith.constant 0 : i32
    %cond3A_33 = arith.cmpi ne, %convert_element_type3A_31, %cond3A_32 : i32
    scf.if %cond3A_33 {
      %mul3A_34 = arith.constant 512 : i32
      %mul3A_35 = arith.muli %get3A_4, %mul3A_34 : i32
      %iota3A = tpu.iota {dimensions = array<i32: 0>} : vector<512x1xi32>
      %add3A_36 = vector.broadcast %mul3A_35 : i32 to vector<512x1xi32>
      %add3A_37 = arith.addi %add3A_36, %iota3A : vector<512x1xi32>
      %ge3A_38 = vector.broadcast %get3A_0 : i32 to vector<512x1xi32>
      %ge3A_39 = arith.cmpi sge, %add3A_37, %ge3A_38 : vector<512x1xi32>
      %lt3A = vector.broadcast %get3A_2 : i32 to vector<512x1xi32>
      %lt3A_40 = arith.cmpi slt, %add3A_37, %lt3A : vector<512x1xi32>
      %and3A_41 = arith.andi %ge3A_39, %lt3A_40 : vector<512x1xi1>
      %get3A_42 = arith.constant 0 : index
      %get3A_43 = arith.constant 0 : index
      %get3A_44 = vector.load %arg6[%get3A_42, %get3A_43] : memref<512x1024xf32, #tpu.memory_space<vmem>>, vector<512x1024xf32>
      %convert_element_type3A_45 = arith.truncf %get3A_44 : vector<512x1024xf32> to vector<512x1024xbf16>
      %get3A_46 = arith.constant 0 : index
      %get3A_47 = arith.constant 0 : index
      %get3A_48 = vector.load %arg10[%get3A_46, %get3A_47] : memref<1024x1024xbf16, #tpu.memory_space<vmem>>, vector<1024x1024xbf16>
      %dot_general3A = arith.constant dense<0.000000e+00> : vector<512x1024xf32>
      %dot_general3A_49 = tpu.matmul %convert_element_type3A_45, %get3A_48, %dot_general3A {dimension_numbers = #tpu.dot_dimension_numbers<[1], [0], [0], [1], [0, 0, 1, 1], [], []>, transpose_lhs_hint = false} : vector<512x1024xbf16>, vector<1024x1024xbf16>, vector<512x1024xf32> -> vector<512x1024xf32>
      %get3A_50 = arith.constant 0 : index
      %get3A_51 = arith.constant 0 : index
      %get3A_52 = arith.constant 0 : index
      %get3A_53 = vector.load %arg8[%get3A_50, %get3A_51, %get3A_52] : memref<1x1x1024xf32, #tpu.memory_space<vmem>>, vector<1x1x1024xf32>
      %get3A_54 = vector.shape_cast %get3A_53 : vector<1x1x1024xf32> to vector<1x1024xf32>
      %add3A_55 = vector.broadcast %get3A_54 : vector<1x1024xf32> to vector<512x1024xf32>
      %add3A_56 = arith.addf %dot_general3A_49, %add3A_55 : vector<512x1024xf32>
      %get3A_57 = arith.constant 0 : index
      %get3A_58 = arith.constant 0 : index
      %get3A_59 = vector.load %arg9[%get3A_57, %get3A_58] : memref<512x1024xf32, #tpu.memory_space<vmem>>, vector<512x1024xf32>
      %broadcast_in_dim3A = vector.shape_cast %and3A_41 : vector<512x1xi1> to vector<512x1xi1>
      %broadcast_in_dim3A_60 = vector.broadcast %broadcast_in_dim3A : vector<512x1xi1> to vector<512x1024xi1>
      %select_n3A = arith.select %broadcast_in_dim3A_60, %add3A_56, %get3A_59 : vector<512x1024xi1>, vector<512x1024xf32>
      %swap3A = arith.constant 0 : index
      %swap3A_61 = arith.constant 0 : index
      %swap3A_62 = vector.load %arg9[%swap3A, %swap3A_61] : memref<512x1024xf32, #tpu.memory_space<vmem>>, vector<512x1024xf32>
      tpu.vector_store %arg9[%swap3A, %swap3A_61], %select_n3A {strides = array<i32>} : memref<512x1024xf32, #tpu.memory_space<vmem>>, vector<512x1024xf32>,
    } else {
    }
    return
  }
  func.func @transform_0(%arg0: i32, %arg1: memref<24xi32, #tpu.memory_space<smem>>, %arg2: memref<24xi32, #tpu.memory_space<smem>>, %arg3: memref<24xi32, #tpu.memory_space<smem>>, %arg4: memref<24xi32, #tpu.memory_space<smem>>, %arg5: memref<24xi32, #tpu.memory_space<smem>>) -> (i32, i32) {
    %get3A = arith.index_cast %arg0 : i32 to index
    %get3A_0 = memref.load %arg1[%get3A] : memref<24xi32, #tpu.memory_space<smem>>
    %c0_i32 = arith.constant 0 : i32
    %c0_i32_1 = arith.constant 0 : i32
    return %get3A_0, %c0_i32 : i32, i32
  }
  func.func @transform_1(%arg0: i32, %arg1: memref<24xi32, #tpu.memory_space<smem>>, %arg2: memref<24xi32, #tpu.memory_space<smem>>, %arg3: memref<24xi32, #tpu.memory_space<smem>>, %arg4: memref<24xi32, #tpu.memory_space<smem>>, %arg5: memref<24xi32, #tpu.memory_space<smem>>) -> (i32, i32, i32) {
    %get3A = arith.index_cast %arg0 : i32 to index
    %get3A_0 = memref.load %arg2[%get3A] : memref<24xi32, #tpu.memory_space<smem>>
    %c0_i32 = arith.constant 0 : i32
    %c0_i32_1 = arith.constant 0 : i32
    %c0_i32_2 = arith.constant 0 : i32
    return %get3A_0, %c0_i32, %c0_i32_1 : i32, i32, i32
  }
  func.func @transform_2(%arg0: i32, %arg1: memref<24xi32, #tpu.memory_space<smem>>, %arg2: memref<24xi32, #tpu.memory_space<smem>>, %arg3: memref<24xi32, #tpu.memory_space<smem>>, %arg4: memref<24xi32, #tpu.memory_space<smem>>, %arg5: memref<24xi32, #tpu.memory_space<smem>>) -> (i32, i32, i32) {
    %get3A = arith.index_cast %arg0 : i32 to index
    %get3A_0 = memref.load %arg2[%get3A] : memref<24xi32, #tpu.memory_space<smem>>
    %c0_i32 = arith.constant 0 : i32
    %c0_i32_1 = arith.constant 0 : i32
    %c0_i32_2 = arith.constant 0 : i32
    return %get3A_0, %c0_i32, %c0_i32_1 : i32, i32, i32
  }
  func.func @transform_3(%arg0: i32, %arg1: memref<24xi32, #tpu.memory_space<smem>>, %arg2: memref<24xi32, #tpu.memory_space<smem>>, %arg3: memref<24xi32, #tpu.memory_space<smem>>, %arg4: memref<24xi32, #tpu.memory_space<smem>>, %arg5: memref<24xi32, #tpu.memory_space<smem>>) -> (i32, i32) {
    %get3A = arith.index_cast %arg0 : i32 to index
    %get3A_0 = memref.load %arg1[%get3A] : memref<24xi32, #tpu.memory_space<smem>>
    %c0_i32 = arith.constant 0 : i32
    %c0_i32_1 = arith.constant 0 : i32
    return %get3A_0, %c0_i32 : i32, i32
  }
}

</mosaic_0001>

<sc_bundles>
// kernel: kernel.12.cloned.1.call-start
scs
__scs_entry_jumppad:
0x0: {  	(pc) =	sbr.rel $0x88, $3  }
0x1: {  	(tag) =	ssettag $0x0;
	lr =	simm.s32 $0x1  }
0x2: {  	[smem:$0x3F9D] =	sst lr;
	_ =	strace $0xD0000000  }
0x3: {  	_ = 	snop  }
0x4: {  	_ = 	snop  }
0x5: {  	_ = 	snop  }
0x6: {  	_ = 	snop  }
0x7: {  	_ = 	snop  }
__scs_overlays_trampoline_lowered:
0x8: {  	[smem:$0x3FAC] =	sst s0  }
0x9: {  	[smem:$0x3FAD] =	sst s1  }
0xa: {  	[smem:$0x3FAE] =	sst s2  }
0xb: {  	[smem:$0x3FAF] =	sst s3  }
0xc: {  	[smem:$0x3FB0] =	sst s4  }
0xd: {  	[smem:$0x3FB1] =	sst s5  }
0xe: {  	[smem:$0x3FB2] =	sst s6  }
0xf: {  	[smem:$0x3FB3] =	sst s7  }
0x10: {  	[smem:$0x3FB4] =	sst s8  }
0x11: {  	[smem:$0x3FB5] =	sst s9;
	s0 =	simm.s32 @!p0 $0x0  }
0x12: {  	s1 =	sld [smem:$0x3F9B];
	s0 =	simm.s32 @p0 $0x1  }
0x13: {  	[smem:$0x3FB6] =	sst s0;
	s0 =	simm.s32 @!p1 $0x0  }
0x14: {  	s2 =	sld [smem:$0x3F9A];
	s0 =	simm.s32 @p1 $0x1  }
0x15: {  	[smem:$0x3FB7] =	sst s0;
	s0 =	simm.s32 @!p2 $0x0  }
0x16: {  	s3 =	sld [smem:$0x3FDB];
	s0 =	simm.s32 @p2 $0x1  }
0x17: {  	s4 =	simm.s32 $0x1BF5;
	[smem:$0x3FB9] =	sst s0  }
0x18: {  	s0 =	sld [smem:$0x3F9C];
	_ =	swait.ge [sflag:s4], $0x0  }
0x19: {  	s7 =	sld [smem:$0x3F9D]  }
0x1a: {  	s8 =	sadd.s32 $0xFFFFE003, lr  }
0x1b: {  	s9 =	sadd.s32 $0xFFFFFEF7, lr;
	s5 =	simm.s32 $0xFFFFFFFF;
	p2 =	slt.u32 s8, $0xFFFFF086  }
0x1c: {  	p1 =	slt.u32 s9, $0xF7A;
	s5 =	simm.s32 @!p2 $0x0  }
0x1d: {  	s5 =	simm.s32 @p1 $0x1;
	p0 =	seq.s32 s7, s2  }
0x1e: {  	s7 =	smul.u32 @!p0 $0xF7A, s2;
	p2 =	seq.s32 @!p0 s5, $0x0  }
0x1f: {  	s9 =	smul.u32 $0xF7A, s1;
	s8 =	simm.s32 @!p0 $0x1BF5;
	p2 =	por !p2, p0  }
0x20: {  	[sflag:s8] =	ssyncset.s32 @!p0 $0xFFFFF086;
	s6 =	sadd.s32 @!p0 s3, s7;
	s7 =	simm.s32 @!p0 $0x108  }
0x21: {  	s3 =	sadd.s32 s3, s9;
	s6 =	sadd.s32 @!p0 $0x88, s6;
	s7 =	simm.s32 @p2 $0x1082  }
0x22: {  	[simem:s7], [sflag:s8] =	dma.local @!p0 [hbm:s6], $0xF7A  }
0x23: {  	s9 =	sor.u32 $0xD0000000, s2;
	s6 =	simm.s32 $0x108;
	_ =	swait.ge @!p0 [sflag:s8], $0x0  }
0x24: {  	s3 =	sadd.s32 $0x88, s3;
	s6 =	simm.s32 @!p1 $0x1082;
	[sflag:s4] =	ssyncset.s32 $0xFFFFF086  }
0x25: {  	[simem:s6], [sflag:s4] =	dma.local [hbm:s3], $0xF7A  }
0x26: {  	[smem:$0x3F9D] =	sst s1;
	(tag) =	ssettag s2;
	_ =	strace s9  }
0x27: {  	s1 =	sld [smem:$0x3FAD]  }
0x28: {  	s2 =	sld [smem:$0x3FAE]  }
0x29: {  	s4 =	sld [smem:$0x3FB0]  }
0x2a: {  	p0 =	seq.s32 s5, $0x0;
	s5 =	sld [smem:$0x3FB1]  }
0x2b: {  	s6 =	sld [smem:$0x3FB2]  }
0x2c: {  	s7 =	sld [smem:$0x3FB3]  }
0x2d: {  	s3 =	simm.s32 $0x108;
	s8 =	sld [smem:$0x3FB4]  }
0x2e: {  	s3 =	simm.s32 @!p0 $0x1082;
	s9 =	sld [smem:$0x3FB5]  }
0x2f: {  	lr =	sadd.s32 s0, s3;
	s0 =	sld [smem:$0x3FAC]  }
0x30: {  	s3 =	sld [smem:$0x3FAF]  }
0x31: {  	[smem:$0x3FB8] =	sst s10  }
0x32: {  	s10 =	sld [smem:$0x3FB6];
	_ =	sdelay $0x3  }
0x33: {  	p0 =	seq.s32 s10, $0x1;
	s10 =	sld [smem:$0x3FB8];
	_ =	sdelay $0x3  }
0x34: {  	[smem:$0x3FB8] =	sst s10  }
0x35: {  	s10 =	sld [smem:$0x3FB7];
	_ =	sdelay $0x3  }
0x36: {  	p1 =	seq.s32 s10, $0x1;
	s10 =	sld [smem:$0x3FB8];
	_ =	sdelay $0x3  }
0x37: {  	[smem:$0x3FB8] =	sst s10  }
0x38: {  	s10 =	sld [smem:$0x3FB9]  }
0x39: {  	_ = 	snop;
	(pc) =	sbr.ind lr, $3  }
0x3a: {  	_ = 	snop  }
0x3b: {  	_ = 	snop  }
0x3c: {  	p2 =	seq.s32 s10, $0x1;
	s10 =	sld [smem:$0x3FB8]  }
0x3d: {  	_ =	shalt  }
0x3e: {  	_ =	shalt  }
0x3f: {  	_ =	shalt  }
0x40: {  	_ =	shalt  }
0x41: {  	_ =	shalt  }
0x42: {  	_ =	shalt  }
0x43: {  	_ =	shalt  }
0x44: {  	_ =	shalt  }
0x45: {  	_ =	shalt  }
0x46: {  	_ =	shalt  }
0x47: {  	_ =	shalt  }
0x48: {  	_ =	shalt  }
0x49: {  	_ =	shalt  }
0x4a: {  	_ =	shalt  }
0x4b: {  	_ =	shalt  }
0x4c: {  	_ =	shalt  }
0x4d: {  	_ =	shalt  }
0x4e: {  	_ =	shalt  }
0x4f: {  	_ =	shalt  }
0x50: {  	_ =	shalt  }
0x51: {  	_ =	shalt  }
0x52: {  	_ =	shalt  }
0x53: {  	_ =	shalt  }
0x54: {  	_ =	shalt  }
0x55: {  	_ =	shalt  }
0x56: {  	_ =	shalt  }
0x57: {  	_ =	shalt  }
0x58: {  	_ =	shalt  }
0x59: {  	_ =	shalt  }
0x5a: {  	_ =	shalt  }
0x5b: {  	_ =	shalt  }
0x5c: {  	_ =	shalt  }
0x5d: {  	_ =	shalt  }
0x5e: {  	_ =	shalt  }
0x5f: {  	_ =	shalt  }
0x60: {  	_ =	shalt  }
0x61: {  	_ =	shalt  }
0x62: {  	_ =	shalt  }
0x63: {  	_ =	shalt  }
0x64: {  	_ =	shalt  }
0x65: {  	_ =	shalt  }
0x66: {  	_ =	shalt  }
0x67: {  	_ =	shalt  }
0x68: {  	_ =	shalt  }
0x69: {  	_ =	shalt  }
0x6a: {  	_ =	shalt  }
0x6b: {  	_ =	shalt  }
0x6c: {  	_ =	shalt  }
0x6d: {  	_ =	shalt  }
0x6e: {  	_ =	shalt  }
0x6f: {  	_ =	shalt  }
0x70: {  	_ =	shalt  }
0x71: {  	_ =	shalt  }
0x72: {  	_ =	shalt  }
0x73: {  	_ =	shalt  }
0x74: {  	_ =	shalt  }
0x75: {  	_ =	shalt  }
0x76: {  	_ =	shalt  }
0x77: {  	_ =	shalt  }
0x78: {  	_ =	shalt  }
0x79: {  	_ =	shalt  }
0x7a: {  	_ =	shalt  }
0x7b: {  	_ =	shalt  }
0x7c: {  	_ =	shalt  }
0x7d: {  	_ =	shalt  }
0x7e: {  	_ =	shalt  }
0x7f: {  	_ =	shalt  }
0x80: {  	_ =	shalt  }
0x81: {  	_ =	shalt  }
0x82: {  	_ =	shalt  }
0x83: {  	_ =	shalt  }
0x84: {  	_ =	shalt  }
0x85: {  	_ =	shalt  }
0x86: {  	_ =	shalt  }
0x87: {  	_ =	shalt  }
.Lfunc_end0:
.L_simem_size_0:
called_computation.2_lowered:
.L_overlay_start_0:
0x88: {  	s2 =	sld [smem:$0x3FD9]  }
0x89: {  	s3 =	sld [smem:$0x3FFE];
	_ =	sdelay $0x1  }
0x8a: {  	s1 =	srdreg.scid  }
0x8b: {  	s0 =	sand.u32 $0x1, s1  }
0x8c: {  	s17 =	sshll.u32 s0, $0xA;
	s2 =	sadd.s32 s3, s2  }
0x8d: {  	s2 =	sadd.s32 s2, s17  }
0x8e: {  	[smem:$0x3FC4] =	sst s2  }
0x8f: {  	_ = 	snop  }
0x90: {  	s2 =	sld [smem:$0x3FD0];
	(tm) =	ssettm $0x1  }
0x91: {  	s18 =	sld [smem:$0x3FFB];
	_ =	sdelay $0x3  }
0x92: {  	_ =	strace s18  }
0x93: {  	s3 =	sld [smem:$0x3FFC];
	_ =	sdelay $0x3  }
0x94: {  	_ =	strace s3  }
0x95: {  	s3 =	sld [smem:$0x3FFD];
	_ =	sdelay $0x3  }
0x96: {  	_ =	strace s3  }
0x97: {  	_ =	strace $0x8FFFFFFF  }
0x98: {  	s19 =	sld [smem:$0x3FDB];
	_ =	sdelay $0x1  }
0x99: {  	s4 =	simm.s32 $_scs_section_size  }
0x9a: {  	s5 =	simm.s32 $_size__tile_overlayer_lowered;
	s6 =	simm.s32 $_tile_overlayer_lowered  }
0x9b: {  	s22 =	simm.s32 $0x1BFF;
	s21 =	sshll.u32 s6, $0x1;
	s3 =	sadd.s32 s4, s19  }
0x9c: {  	s7 =	simm.s32 $0x0;
	s20 =	sshll.u32 s5, $0x1;
	s5 =	sadd.s32 s21, s3  }
0x9d: {  	[timem:s7], [sflag:s22] =	dma.local [hbm:s5], s20  }
0x9e: {  	_ =	swait.ge [sflag:s22], s20  }
0x9f: {  	s4 =	ssub.s32 $0x0, s20;
	[sflag:s22] =	ssyncset.done $0x0  }
0xa0: {  	[sflag:s22] =	ssyncadd.s32 s4;
	_ =	sdelay $0x1  }
0xa1: {  	s23 =	simm.s32 $0x1B8B  }
0xa2: {  	_ =	swait.ge [sflag:s23], $0x1  }
0xa3: {  	[sflag:s23] =	ssyncset.done $0x0  }
0xa4: {  	s25 =	simm.s32 $0x1B8E;
	s24 =	sld [smem:$0x3FFE];
	[sflag:s23] =	ssyncadd.s32 $0xFFFFFFFF  }
0xa5: {  	s26 =	simm.s32 $execute0_lowered;
	[smem:$0x3FD2] =	sst s25  }
0xa6: {  	s5 =	sshll.u32 s26, $0x1;
	_ =	strace $0x8000004C;
	[dreg:$0x1] =	wrdreg $0xFFFFFFFF  }
0xa7: {  	s28 =	simm.s32 $_size_execute0_lowered;
	s3 =	sadd.s32 s3, s5;
	[dreg:$0x0] =	wrdreg $0x0  }
0xa8: {  	s5 =	sshll.u32 s28, $0x1;
	[dreg:$0x2] =	wrdreg s3  }
0xa9: {  	[dreg:$0x3] =	wrdreg s5  }
0xaa: {  	[dreg:$0x4] =	wrdreg $0xC0  }
0xab: {  	_ =	task [dreg:s7], $0x5FFFF  }
0xac: {  	[dreg:$0x1] =	wrdreg $0xFFFFFFFF  }
0xad: {  	[dreg:$0x0] =	wrdreg $0x60  }
0xae: {  	[dreg:$0x2] =	wrdreg s24  }
0xaf: {  	[dreg:$0x3] =	wrdreg s2  }
0xb0: {  	[dreg:$0x4] =	wrdreg $0x9  }
0xb1: {  	_ =	task.clear_ibuf [dreg:s7], $0x5FFFF;
	_ =	strace $0x9000004C  }
0xb2: {  	s29 =	simm.s32 $0x9;
	_ =	strace $0x8000004E  }
0xb3: {  	_ =	swait.ge [sflag:s29], $0x1  }
0xb4: {  	[sflag:s29] =	ssyncadd.s32 $0xFFFFFFFF  }
0xb5: {  	_ =	strace $0x9000004E  }
0xb6: {  	_ =	sfence  }
0xb7: {  	s30 =	sld [smem:$0x0];
	_ =	sdelay $0x2  }
0xb8: {  	s31 =	sshll.u32 s1, $0xD;
	s1 =	sshrl.u32 s1, $0x2  }
0xb9: {  	s3 =	sand.u32 $0x4000, s31;
	s1 =	sadd.s32 s1, s30  }
0xba: {  	s0 =	sor.u32 s3, s0;
	s1 =	sshll.u32 s1, $0x11  }
0xbb: {  	s0 =	sor.u32 s1, s0  }
0xbc: {  	s0 =	sadd.s32 $0x8F2B, s0  }
0xbd: {  	[sflag:s0] =	ssyncadd.remote.s32 $0x1  }
0xbe: {  	_ =	sfence.sel $0xFFFF  }
0xbf: {  	[dreg:$0x0] =	wrdreg $0xFFFFFFFF;
	(pc) =	sbr.abs _section_cstart, $3  }
0xc0: {  	[dreg:$0x1] =	wrdreg $0xFFFFFFFF  }
0xc1: {  	_ =	task.clear_ibuf [dreg:s7], $0x2FFFF;
	_ =	strace $0x9FFFFFFF  }
0xc2: {  	(tm) =	ssettm $0x7FFFFFFF  }
0xc3: {  	_ =	shalt  }
tec
execute0_lowered:
.L_overlay_start_1:
0x0: {  	(tag) =	ssettag $0x1  }
0x1: {  	s0 =	srdreg.scid;
	s2 =	stileid.u32  }
0x2: {  	s1 =	rddreg [dreg:$0x0];
	s0 =	sand.u32 $0x1, s0;
	s2 =	sshll.u32 s2, $0x1  }
0x3: {  	s3 =	rddreg [dreg:$0x1];
	s4 =	sor.u32 s0, s2  }
0x4: {  	s2 =	simm.s32 $0x0;
	s5 =	sshll.u32 s4, $0x8;
	s4 =	sshll.u32 s4, $0xF  }
0x5: {  	[smem:$0x7FF] =	sst s2;
	s5 =	sadd.s32 s5, s1;
	s8 =	sadd.s32 s3, s4  }
0x6: {  	_ =	strace $0x8000004D;
	s5 =	sadd.s32 $0x200, s5;
	[dreg:$0x13] =	wrdreg s8  }
0x7: {  	s3 =	sadd.s32 $0x800, s8;
	[dreg:$0x3] =	wrdreg s5  }
0x8: {  	s30 =	simm.s32 $0x1;
	s12 =	sadd.s32 $0x1000, s8;
	[dreg:$0x4] =	wrdreg s3  }
0x9: {  	s29 =	simm.s32 $0x8;
	s13 =	sadd.s32 $0x1800, s8;
	[dreg:$0x5] =	wrdreg s12  }
0xa: {  	s31 =	simm.s32 $0x9;
	s14 =	sadd.s32 $0x2000, s8;
	[dreg:$0x6] =	wrdreg s13  }
0xb: {  	s28 =	simm.s32 $0x8800;
	s15 =	sadd.s32 $0x2800, s8;
	[dreg:$0x7] =	wrdreg s14  }
0xc: {  	s10 =	simm.s32 $0xC800;
	s16 =	sadd.s32 $0x3000, s8;
	[dreg:$0x8] =	wrdreg s15  }
0xd: {  	s11 =	simm.s32 $0x10800;
	s17 =	sadd.s32 $0x3800, s8;
	[dreg:$0x9] =	wrdreg s16  }
0xe: {  	s6 =	sadd.s32 $0x2400, s1;
	s18 =	sadd.s32 $0x4000, s8;
	[dreg:$0xa] =	wrdreg s17  }
0xf: {  	s7 =	sadd.s32 $0x2500, s1;
	s19 =	sadd.s32 $0x4800, s8;
	[dreg:$0xb] =	wrdreg s18  }
0x10: {  	s0 =	ssub.s32 $0x2, s0;
	s20 =	sadd.s32 $0x5000, s8;
	[dreg:$0xc] =	wrdreg s19  }
0x11: {  	s21 =	sshrl.u32 s0, $0x1;
	s22 =	sadd.s32 $0x5800, s8;
	[dreg:$0xd] =	wrdreg s20  }
0x12: {  	s4 =	sadd.s32 $0x2200, s1;
	s23 =	sadd.s32 $0x6000, s8;
	[dreg:$0xe] =	wrdreg s22  }
0x13: {  	s0 =	ssub.s32 s0, s21;
	s24 =	sadd.s32 $0x6800, s8;
	[dreg:$0xf] =	wrdreg s23  }
0x14: {  	s21 =	simm.s32 $0x14800;
	s25 =	sadd.s32 $0x7000, s8;
	[dreg:$0x10] =	wrdreg s24  }
0x15: {  	s26 =	sadd.s32 $0x7800, s8;
	s8 =	smax.u32 s0, $0x1;
	[dreg:$0x11] =	wrdreg s25  }
0x16: {  	s5 =	sadd.s32 $0x2300, s1;
	[dreg:$0x12] =	wrdreg s26;
	s20 =	simm.s32 $0x2  }
0x17: {  	s22 =	simm.s32 $0x3;
	s24 =	simm.s32 $0x4;
	s25 =	simm.s32 $0x7  }
0x18: {  	v2 =	vlaneseq.u32;
	s1 =	simm.s32 $0xA;
	s18 =	simm.s32 $0x800;
	s26 =	simm.s32 $0x4800  }
0x19: {  	vm0 =	vmmov $0xffff;
	v1 =	vshrl.u32 v2, $0x3;
	s23 =	simm.s32 $0x11000;
	s14 =	simm.s32 $0x12000;
	s15 =	simm.s32 $0x12800  }
0x1a: {  	v0 =	vand.u32 $0x7, v2;
	v2 =	vor.u32 $0x8, v2;
	v1 =	vmul.u32 $0x8, v1;
	s16 =	simm.s32 $0x13000;
	s17 =	simm.s32 $0x13800;
	s19 =	simm.s32 $0x14000  }
.LBB2_1:
0x1b: {  	s12 =	rddreg [dreg:$0x3];
	s9 =	simm.s32 $0xD  }
0x1c: {  	[tilespmem:s2], [sflag:$0xD] =	stream.linear.gather [hbm4b:s12+s2], $0x800, $0x38;
	[tilespmem:$0x18800] =	vst v63  }
0x1d: {  	_ =	swait.ge [sflag:s9], $0x800  }
0x1e: {  	[sflag:s9] =	ssyncset.done $0x0  }
0x1f: {  	[sflag:s9] =	ssyncadd.s32 $0xFFFFF800  }
0x20: {  	v3 =	vld [tilespmem:$0x0];
	_ =	sdelay $0x4  }
0x21: {  	v4 =	vshll.u32 v3, $0x3  }
0x22: {  	v3 =	vand.u32 $0x7, v3;
	v4 =	vand.u32 $0xFFFFFFC0, v4  }
0x23: {  	v3 =	vor.u32 v3, v4  }
0x24: {  	v4 =	vperm.xlane v3, v0;
	_ =	sdelay $0x1  }
0x25: {  	v4 =	vadd.s32 v1, v4;
	_ =	sdelay $0x4  }
0x26: {  	[tilespmem:s18], [sflag:$0x1] =	stream.indirect_vreg.gather [hbm4b:s4+s2], $0x80, v4, vm0, $0xb8;
	[tilespmem:$0x18800] =	vst v63  }
0x27: {  	s0 =	simm.s32 $0x1000;
	v3 =	vperm.xlane v3, v2  }
0x28: {  	[tilespmem:s0], [sflag:$0x1] =	stream.indirect_vreg.gather [hbm4b:s5+s2], $0x80, v4, vm0, $0xb8;
	[tilespmem:$0x18800] =	vst v63  }
0x29: {  	s12 =	simm.s32 $0x1800;
	v3 =	vadd.s32 v1, v3  }
0x2a: {  	[tilespmem:s12], [sflag:$0x1] =	stream.indirect_vreg.gather [hbm4b:s6+s2], $0x80, v4, vm0, $0xb8;
	[tilespmem:$0x18800] =	vst v63  }
0x2b: {  	s13 =	simm.s32 $0x2000  }
0x2c: {  	[tilespmem:s13], [sflag:$0x1] =	stream.indirect_vreg.gather [hbm4b:s7+s2], $0x80, v4, vm0, $0xb8;
	[tilespmem:$0x18800] =	vst v63  }
0x2d: {  	s9 =	simm.s32 $0x2800  }
0x2e: {  	[tilespmem:s9], [sflag:$0x1] =	stream.indirect_vreg.gather [hbm4b:s4+s2], $0x80, v3, vm0, $0xb8;
	[tilespmem:$0x18800] =	vst v63  }
0x2f: {  	s12 =	simm.s32 $0x3000  }
0x30: {  	[tilespmem:s12], [sflag:$0x1] =	stream.indirect_vreg.gather [hbm4b:s5+s2], $0x80, v3, vm0, $0xb8;
	[tilespmem:$0x18800] =	vst v63  }
0x31: {  	s13 =	simm.s32 $0x3800  }
0x32: {  	[tilespmem:s13], [sflag:$0x1] =	stream.indirect_vreg.gather [hbm4b:s6+s2], $0x80, v3, vm0, $0xb8;
	[tilespmem:$0x18800] =	vst v63  }
0x33: {  	s9 =	simm.s32 $0x4000  }
0x34: {  	[tilespmem:s9], [sflag:$0x1] =	stream.indirect_vreg.gather [hbm4b:s7+s2], $0x80, v3, vm0, $0xb8;
	[tilespmem:$0x18800] =	vst v63  }
0x35: {  	v3 =	vld [tilespmem:$0x80];
	_ =	sdelay $0x4  }
0x36: {  	v49 =	vshll.u32 v3, $0x3  }
0x37: {  	v3 =	vand.u32 $0x7, v3;
	v4 =	vand.u32 $0xFFFFFFC0, v49  }
0x38: {  	v3 =	vor.u32 v3, v4  }
0x39: {  	v4 =	vperm.xlane v3, v0;
	_ =	sdelay $0x1  }
0x3a: {  	v4 =	vadd.s32 v1, v4;
	_ =	sdelay $0x4  }
0x3b: {  	[tilespmem:s26], [sflag:$0x2] =	stream.indirect_vreg.gather [hbm4b:s4+s2], $0x80, v4, vm0, $0xb8;
	[tilespmem:$0x18800] =	vst v63  }
0x3c: {  	s12 =	simm.s32 $0x5000;
	v3 =	vperm.xlane v3, v2  }
0x3d: {  	[tilespmem:s12], [sflag:$0x2] =	stream.indirect_vreg.gather [hbm4b:s5+s2], $0x80, v4, vm0, $0xb8;
	[tilespmem:$0x18800] =	vst v63  }
0x3e: {  	s13 =	simm.s32 $0x5800;
	v3 =	vadd.s32 v1, v3  }
0x3f: {  	[tilespmem:s13], [sflag:$0x2] =	stream.indirect_vreg.gather [hbm4b:s6+s2], $0x80, v4, vm0, $0xb8;
	[tilespmem:$0x18800] =	vst v63  }
0x40: {  	s12 =	simm.s32 $0x6000  }
0x41: {  	[tilespmem:s12], [sflag:$0x2] =	stream.indirect_vreg.gather [hbm4b:s7+s2], $0x80, v4, vm0, $0xb8;
	[tilespmem:$0x18800] =	vst v63  }
0x42: {  	s13 =	simm.s32 $0x6800  }
0x43: {  	[tilespmem:s13], [sflag:$0x2] =	stream.indirect_vreg.gather [hbm4b:s4+s2], $0x80, v3, vm0, $0xb8;
	[tilespmem:$0x18800] =	vst v63  }
0x44: {  	s12 =	simm.s32 $0x7000  }
0x45: {  	[tilespmem:s12], [sflag:$0x2] =	stream.indirect_vreg.gather [hbm4b:s5+s2], $0x80, v3, vm0, $0xb8;
	[tilespmem:$0x18800] =	vst v63  }
0x46: {  	s13 =	simm.s32 $0x7800  }
0x47: {  	[tilespmem:s13], [sflag:$0x2] =	stream.indirect_vreg.gather [hbm4b:s6+s2], $0x80, v3, vm0, $0xb8;
	[tilespmem:$0x18800] =	vst v63  }
0x48: {  	s12 =	simm.s32 $0x8000  }
0x49: {  	[tilespmem:s12], [sflag:$0x2] =	stream.indirect_vreg.gather [hbm4b:s7+s2], $0x80, v3, vm0, $0xb8;
	[tilespmem:$0x18800] =	vst v63  }
0x4a: {  	v3 =	vld [tilespmem:$0x100];
	_ =	sdelay $0x4  }
0x4b: {  	v50 =	vshll.u32 v3, $0x3  }
0x4c: {  	v3 =	vand.u32 $0x7, v3;
	v4 =	vand.u32 $0xFFFFFFC0, v50  }
0x4d: {  	v3 =	vor.u32 v3, v4  }
0x4e: {  	v4 =	vperm.xlane v3, v0;
	_ =	sdelay $0x1  }
0x4f: {  	v4 =	vadd.s32 v1, v4;
	_ =	sdelay $0x4  }
0x50: {  	[tilespmem:s28], [sflag:$0x3] =	stream.indirect_vreg.gather [hbm4b:s4+s2], $0x80, v4, vm0, $0xb8;
	[tilespmem:$0x18800] =	vst v63  }
0x51: {  	s13 =	simm.s32 $0x9000;
	v3 =	vperm.xlane v3, v2  }
0x52: {  	[tilespmem:s13], [sflag:$0x3] =	stream.indirect_vreg.gather [hbm4b:s5+s2], $0x80, v4, vm0, $0xb8;
	[tilespmem:$0x18800] =	vst v63  }
0x53: {  	s12 =	simm.s32 $0x9800;
	v3 =	vadd.s32 v1, v3  }
0x54: {  	[tilespmem:s12], [sflag:$0x3] =	stream.indirect_vreg.gather [hbm4b:s6+s2], $0x80, v4, vm0, $0xb8;
	[tilespmem:$0x18800] =	vst v63  }
0x55: {  	s13 =	simm.s32 $0xA000  }
0x56: {  	[tilespmem:s13], [sflag:$0x3] =	stream.indirect_vreg.gather [hbm4b:s7+s2], $0x80, v4, vm0, $0xb8;
	[tilespmem:$0x18800] =	vst v63  }
0x57: {  	s12 =	simm.s32 $0xA800  }
0x58: {  	[tilespmem:s12], [sflag:$0x3] =	stream.indirect_vreg.gather [hbm4b:s4+s2], $0x80, v3, vm0, $0xb8;
	[tilespmem:$0x18800] =	vst v63  }
0x59: {  	s13 =	simm.s32 $0xB000  }
0x5a: {  	[tilespmem:s13], [sflag:$0x3] =	stream.indirect_vreg.gather [hbm4b:s5+s2], $0x80, v3, vm0, $0xb8;
	[tilespmem:$0x18800] =	vst v63  }
0x5b: {  	s12 =	simm.s32 $0xB800  }
0x5c: {  	[tilespmem:s12], [sflag:$0x3] =	stream.indirect_vreg.gather [hbm4b:s6+s2], $0x80, v3, vm0, $0xb8;
	[tilespmem:$0x18800] =	vst v63  }
0x5d: {  	s13 =	simm.s32 $0xC000  }
0x5e: {  	[tilespmem:s13], [sflag:$0x3] =	stream.indirect_vreg.gather [hbm4b:s7+s2], $0x80, v3, vm0, $0xb8;
	[tilespmem:$0x18800] =	vst v63  }
0x5f: {  	_ =	swait.ge [sflag:s30], $0x4000  }
0x60: {  	[sflag:s30] =	ssyncset.done $0x0  }
0x61: {  	s0 =	rddreg [dreg:$0x13];
	[sflag:s30] =	ssyncadd.s32 $0xFFFFC000  }
0x62: {  	[hbm4b:s0+s2] =	stream.linear.scatter [tilespmem:s18], [sflag:$0x7], $0x4000, $0x38;
	[tilespmem:$0x18800] =	vst v63  }
0x63: {  	v3 =	vld [tilespmem:$0x180];
	_ =	sdelay $0x4  }
0x64: {  	v51 =	vshll.u32 v3, $0x3  }
0x65: {  	v3 =	vand.u32 $0x7, v3;
	v4 =	vand.u32 $0xFFFFFFC0, v51  }
0x66: {  	v3 =	vor.u32 v3, v4  }
0x67: {  	v4 =	vperm.xlane v3, v0;
	_ =	sdelay $0x1  }
0x68: {  	v4 =	vadd.s32 v1, v4;
	_ =	sdelay $0x4  }
0x69: {  	[tilespmem:s10], [sflag:$0x4] =	stream.indirect_vreg.gather [hbm4b:s4+s2], $0x80, v4, vm0, $0xb8;
	[tilespmem:$0x18800] =	vst v63  }
0x6a: {  	s12 =	simm.s32 $0xD000;
	v3 =	vperm.xlane v3, v2  }
0x6b: {  	[tilespmem:s12], [sflag:$0x4] =	stream.indirect_vreg.gather [hbm4b:s5+s2], $0x80, v4, vm0, $0xb8;
	[tilespmem:$0x18800] =	vst v63  }
0x6c: {  	s13 =	simm.s32 $0xD800;
	v3 =	vadd.s32 v1, v3  }
0x6d: {  	[tilespmem:s13], [sflag:$0x4] =	stream.indirect_vreg.gather [hbm4b:s6+s2], $0x80, v4, vm0, $0xb8;
	[tilespmem:$0x18800] =	vst v63  }
0x6e: {  	s12 =	simm.s32 $0xE000  }
0x6f: {  	[tilespmem:s12], [sflag:$0x4] =	stream.indirect_vreg.gather [hbm4b:s7+s2], $0x80, v4, vm0, $0xb8;
	[tilespmem:$0x18800] =	vst v63  }
0x70: {  	s13 =	simm.s32 $0xE800  }
0x71: {  	[tilespmem:s13], [sflag:$0x4] =	stream.indirect_vreg.gather [hbm4b:s4+s2], $0x80, v3, vm0, $0xb8;
	[tilespmem:$0x18800] =	vst v63  }
0x72: {  	s12 =	simm.s32 $0xF000  }
0x73: {  	[tilespmem:s12], [sflag:$0x4] =	stream.indirect_vreg.gather [hbm4b:s5+s2], $0x80, v3, vm0, $0xb8;
	[tilespmem:$0x18800] =	vst v63  }
0x74: {  	s13 =	simm.s32 $0xF800  }
0x75: {  	[tilespmem:s13], [sflag:$0x4] =	stream.indirect_vreg.gather [hbm4b:s6+s2], $0x80, v3, vm0, $0xb8;
	[tilespmem:$0x18800] =	vst v63  }
0x76: {  	s12 =	simm.s32 $0x10000  }
0x77: {  	[tilespmem:s12], [sflag:$0x4] =	stream.indirect_vreg.gather [hbm4b:s7+s2], $0x80, v3, vm0, $0xb8;
	[tilespmem:$0x18800] =	vst v63  }
0x78: {  	_ =	swait.ge [sflag:s20], $0x4000  }
0x79: {  	[sflag:s20] =	ssyncset.done $0x0  }
0x7a: {  	s13 =	rddreg [dreg:$0x4];
	[sflag:s20] =	ssyncadd.s32 $0xFFFFC000  }
0x7b: {  	[hbm4b:s13+s2] =	stream.linear.scatter [tilespmem:s26], [sflag:$0x8], $0x4000, $0x38;
	[tilespmem:$0x18800] =	vst v63  }
0x7c: {  	v3 =	vld [tilespmem:$0x200];
	_ =	sdelay $0x4  }
0x7d: {  	v52 =	vshll.u32 v3, $0x3  }
0x7e: {  	v3 =	vand.u32 $0x7, v3;
	v4 =	vand.u32 $0xFFFFFFC0, v52  }
0x7f: {  	v3 =	vor.u32 v3, v4  }
0x80: {  	v4 =	vperm.xlane v3, v0;
	_ =	sdelay $0x1  }
0x81: {  	v4 =	vadd.s32 v1, v4;
	_ =	sdelay $0x4  }
0x82: {  	[tilespmem:s11], [sflag:$0x5] =	stream.indirect_vreg.gather [hbm4b:s4+s2], $0x80, v4, vm0, $0xb8;
	[tilespmem:$0x18800] =	vst v63  }
0x83: {  	v3 =	vperm.xlane v3, v2  }
0x84: {  	[tilespmem:s23], [sflag:$0x5] =	stream.indirect_vreg.gather [hbm4b:s5+s2], $0x80, v4, vm0, $0xb8;
	[tilespmem:$0x18800] =	vst v63  }
0x85: {  	s13 =	simm.s32 $0x11800;
	v3 =	vadd.s32 v1, v3  }
0x86: {  	[tilespmem:s13], [sflag:$0x5] =	stream.indirect_vreg.gather [hbm4b:s6+s2], $0x80, v4, vm0, $0xb8;
	[tilespmem:$0x18800] =	vst v63  }
0x87: {  	_ = 	snop  }
0x88: {  	[tilespmem:s14], [sflag:$0x5] =	stream.indirect_vreg.gather [hbm4b:s7+s2], $0x80, v4, vm0, $0xb8;
	[tilespmem:$0x18800] =	vst v63  }
0x89: {  	_ = 	snop  }
0x8a: {  	[tilespmem:s15], [sflag:$0x5] =	stream.indirect_vreg.gather [hbm4b:s4+s2], $0x80, v3, vm0, $0xb8;
	[tilespmem:$0x18800] =	vst v63  }
0x8b: {  	_ = 	snop  }
0x8c: {  	[tilespmem:s16], [sflag:$0x5] =	stream.indirect_vreg.gather [hbm4b:s5+s2], $0x80, v3, vm0, $0xb8;
	[tilespmem:$0x18800] =	vst v63  }
0x8d: {  	_ = 	snop  }
0x8e: {  	[tilespmem:s17], [sflag:$0x5] =	stream.indirect_vreg.gather [hbm4b:s6+s2], $0x80, v3, vm0, $0xb8;
	[tilespmem:$0x18800] =	vst v63  }
0x8f: {  	_ = 	snop  }
0x90: {  	[tilespmem:s19], [sflag:$0x5] =	stream.indirect_vreg.gather [hbm4b:s7+s2], $0x80, v3, vm0, $0xb8;
	[tilespmem:$0x18800] =	vst v63  }
0x91: {  	_ =	swait.ge [sflag:s22], $0x4000  }
0x92: {  	[sflag:s22] =	ssyncset.done $0x0  }
0x93: {  	s0 =	rddreg [dreg:$0x5];
	[sflag:s22] =	ssyncadd.s32 $0xFFFFC000  }
0x94: {  	[hbm4b:s0+s2] =	stream.linear.scatter [tilespmem:s28], [sflag:$0x9], $0x4000, $0x38;
	[tilespmem:$0x18800] =	vst v63  }
0x95: {  	v3 =	vld [tilespmem:$0x280];
	_ =	sdelay $0x4  }
0x96: {  	v53 =	vshll.u32 v3, $0x3  }
0x97: {  	v3 =	vand.u32 $0x7, v3;
	v4 =	vand.u32 $0xFFFFFFC0, v53  }
0x98: {  	v3 =	vor.u32 v3, v4  }
0x99: {  	v4 =	vperm.xlane v3, v0;
	_ =	sdelay $0x1  }
0x9a: {  	v4 =	vadd.s32 v1, v4;
	_ =	sdelay $0x4  }
0x9b: {  	[tilespmem:s21], [sflag:$0x6] =	stream.indirect_vreg.gather [hbm4b:s4+s2], $0x80, v4, vm0, $0xb8;
	[tilespmem:$0x18800] =	vst v63  }
0x9c: {  	s12 =	simm.s32 $0x15000;
	v3 =	vperm.xlane v3, v2  }
0x9d: {  	[tilespmem:s12], [sflag:$0x6] =	stream.indirect_vreg.gather [hbm4b:s5+s2], $0x80, v4, vm0, $0xb8;
	[tilespmem:$0x18800] =	vst v63  }
0x9e: {  	v3 =	vadd.s32 v1, v3;
	s12 =	simm.s32 $0x15800  }
0x9f: {  	[tilespmem:s12], [sflag:$0x6] =	stream.indirect_vreg.gather [hbm4b:s6+s2], $0x80, v4, vm0, $0xb8;
	[tilespmem:$0x18800] =	vst v63  }
0xa0: {  	s12 =	simm.s32 $0x16000  }
0xa1: {  	[tilespmem:s12], [sflag:$0x6] =	stream.indirect_vreg.gather [hbm4b:s7+s2], $0x80, v4, vm0, $0xb8;
	[tilespmem:$0x18800] =	vst v63  }
0xa2: {  	s12 =	simm.s32 $0x16800  }
0xa3: {  	[tilespmem:s12], [sflag:$0x6] =	stream.indirect_vreg.gather [hbm4b:s4+s2], $0x80, v3, vm0, $0xb8;
	[tilespmem:$0x18800] =	vst v63  }
0xa4: {  	s12 =	simm.s32 $0x17000  }
0xa5: {  	[tilespmem:s12], [sflag:$0x6] =	stream.indirect_vreg.gather [hbm4b:s5+s2], $0x80, v3, vm0, $0xb8;
	[tilespmem:$0x18800] =	vst v63  }
0xa6: {  	s12 =	simm.s32 $0x17800  }
0xa7: {  	[tilespmem:s12], [sflag:$0x6] =	stream.indirect_vreg.gather [hbm4b:s6+s2], $0x80, v3, vm0, $0xb8;
	[tilespmem:$0x18800] =	vst v63  }
0xa8: {  	s12 =	simm.s32 $0x18000  }
0xa9: {  	[tilespmem:s12], [sflag:$0x6] =	stream.indirect_vreg.gather [hbm4b:s7+s2], $0x80, v3, vm0, $0xb8;
	[tilespmem:$0x18800] =	vst v63  }
0xaa: {  	_ =	swait.ge [sflag:s24], $0x4000  }
0xab: {  	[sflag:s24] =	ssyncset.done $0x0  }
0xac: {  	s0 =	rddreg [dreg:$0x6];
	[sflag:s24] =	ssyncadd.s32 $0xFFFFC000  }
0xad: {  	[hbm4b:s0+s2] =	stream.linear.scatter [tilespmem:s10], [sflag:$0xA], $0x4000, $0x38;
	[tilespmem:$0x18800] =	vst v63  }
0xae: {  	_ =	swait.ge [sflag:s25], $0x4000  }
0xaf: {  	[sflag:s25] =	ssyncset.done $0x0  }
0xb0: {  	[sflag:s25] =	ssyncadd.s32 $0xFFFFC000  }
0xb1: {  	v3 =	vld [tilespmem:$0x300];
	_ =	sdelay $0x4  }
0xb2: {  	v54 =	vshll.u32 v3, $0x3  }
0xb3: {  	v3 =	vand.u32 $0x7, v3;
	v4 =	vand.u32 $0xFFFFFFC0, v54  }
0xb4: {  	v3 =	vor.u32 v3, v4  }
0xb5: {  	v4 =	vperm.xlane v3, v0;
	_ =	sdelay $0x1  }
0xb6: {  	v4 =	vadd.s32 v1, v4;
	_ =	sdelay $0x4  }
0xb7: {  	[tilespmem:s18], [sflag:$0x1] =	stream.indirect_vreg.gather [hbm4b:s4+s2], $0x80, v4, vm0, $0xb8;
	[tilespmem:$0x18800] =	vst v63  }
0xb8: {  	s3 =	simm.s32 $0x1000;
	v3 =	vperm.xlane v3, v2  }
0xb9: {  	[tilespmem:s3], [sflag:$0x1] =	stream.indirect_vreg.gather [hbm4b:s5+s2], $0x80, v4, vm0, $0xb8;
	[tilespmem:$0x18800] =	vst v63  }
0xba: {  	v3 =	vadd.s32 v1, v3;
	s3 =	simm.s32 $0x1800  }
0xbb: {  	[tilespmem:s3], [sflag:$0x1] =	stream.indirect_vreg.gather [hbm4b:s6+s2], $0x80, v4, vm0, $0xb8;
	[tilespmem:$0x18800] =	vst v63  }
0xbc: {  	s12 =	simm.s32 $0x2000  }
0xbd: {  	[tilespmem:s12], [sflag:$0x1] =	stream.indirect_vreg.gather [hbm4b:s7+s2], $0x80, v4, vm0, $0xb8;
	[tilespmem:$0x18800] =	vst v63  }
0xbe: {  	s3 =	simm.s32 $0x2800  }
0xbf: {  	[tilespmem:s3], [sflag:$0x1] =	stream.indirect_vreg.gather [hbm4b:s4+s2], $0x80, v3, vm0, $0xb8;
	[tilespmem:$0x18800] =	vst v63  }
0xc0: {  	s12 =	simm.s32 $0x3000  }
0xc1: {  	[tilespmem:s12], [sflag:$0x1] =	stream.indirect_vreg.gather [hbm4b:s5+s2], $0x80, v3, vm0, $0xb8;
	[tilespmem:$0x18800] =	vst v63  }
0xc2: {  	s3 =	simm.s32 $0x3800  }
0xc3: {  	[tilespmem:s3], [sflag:$0x1] =	stream.indirect_vreg.gather [hbm4b:s6+s2], $0x80, v3, vm0, $0xb8;
	[tilespmem:$0x18800] =	vst v63  }
0xc4: {  	s9 =	simm.s32 $0x4000;
	s0 =	simm.s32 $0x5  }
0xc5: {  	[tilespmem:s9], [sflag:$0x1] =	stream.indirect_vreg.gather [hbm4b:s7+s2], $0x80, v3, vm0, $0xb8;
	[tilespmem:$0x18800] =	vst v63  }
0xc6: {  	_ =	swait.ge [sflag:s0], $0x4000  }
0xc7: {  	[sflag:s0] =	ssyncset.done $0x0  }
0xc8: {  	s9 =	rddreg [dreg:$0x7];
	[sflag:s0] =	ssyncadd.s32 $0xFFFFC000  }
0xc9: {  	[hbm4b:s9+s2] =	stream.linear.scatter [tilespmem:s11], [sflag:$0xB], $0x4000, $0x38;
	[tilespmem:$0x18800] =	vst v63  }
0xca: {  	_ =	swait.ge [sflag:s29], $0x4000  }
0xcb: {  	[sflag:s29] =	ssyncset.done $0x0  }
0xcc: {  	[sflag:s29] =	ssyncadd.s32 $0xFFFFC000  }
0xcd: {  	v3 =	vld [tilespmem:$0x380];
	_ =	sdelay $0x4  }
0xce: {  	v55 =	vshll.u32 v3, $0x3  }
0xcf: {  	v3 =	vand.u32 $0x7, v3;
	v4 =	vand.u32 $0xFFFFFFC0, v55  }
0xd0: {  	v3 =	vor.u32 v3, v4  }
0xd1: {  	v4 =	vperm.xlane v3, v0;
	_ =	sdelay $0x1  }
0xd2: {  	v4 =	vadd.s32 v1, v4;
	_ =	sdelay $0x4  }
0xd3: {  	[tilespmem:s26], [sflag:$0x2] =	stream.indirect_vreg.gather [hbm4b:s4+s2], $0x80, v4, vm0, $0xb8;
	[tilespmem:$0x18800] =	vst v63  }
0xd4: {  	s12 =	simm.s32 $0x5000;
	v3 =	vperm.xlane v3, v2  }
0xd5: {  	[tilespmem:s12], [sflag:$0x2] =	stream.indirect_vreg.gather [hbm4b:s5+s2], $0x80, v4, vm0, $0xb8;
	[tilespmem:$0x18800] =	vst v63  }
0xd6: {  	s9 =	simm.s32 $0x5800;
	v3 =	vadd.s32 v1, v3  }
0xd7: {  	[tilespmem:s9], [sflag:$0x2] =	stream.indirect_vreg.gather [hbm4b:s6+s2], $0x80, v4, vm0, $0xb8;
	[tilespmem:$0x18800] =	vst v63  }
0xd8: {  	s12 =	simm.s32 $0x6000  }
0xd9: {  	[tilespmem:s12], [sflag:$0x2] =	stream.indirect_vreg.gather [hbm4b:s7+s2], $0x80, v4, vm0, $0xb8;
	[tilespmem:$0x18800] =	vst v63  }
0xda: {  	s9 =	simm.s32 $0x6800  }
0xdb: {  	[tilespmem:s9], [sflag:$0x2] =	stream.indirect_vreg.gather [hbm4b:s4+s2], $0x80, v3, vm0, $0xb8;
	[tilespmem:$0x18800] =	vst v63  }
0xdc: {  	s12 =	simm.s32 $0x7000  }
0xdd: {  	[tilespmem:s12], [sflag:$0x2] =	stream.indirect_vreg.gather [hbm4b:s5+s2], $0x80, v3, vm0, $0xb8;
	[tilespmem:$0x18800] =	vst v63  }
0xde: {  	s9 =	simm.s32 $0x7800  }
0xdf: {  	[tilespmem:s9], [sflag:$0x2] =	stream.indirect_vreg.gather [hbm4b:s6+s2], $0x80, v3, vm0, $0xb8;
	[tilespmem:$0x18800] =	vst v63  }
0xe0: {  	s12 =	simm.s32 $0x8000;
	s9 =	simm.s32 $0x6  }
0xe1: {  	[tilespmem:s12], [sflag:$0x2] =	stream.indirect_vreg.gather [hbm4b:s7+s2], $0x80, v3, vm0, $0xb8;
	[tilespmem:$0x18800] =	vst v63  }
0xe2: {  	_ =	swait.ge [sflag:s9], $0x4000  }
0xe3: {  	[sflag:s9] =	ssyncset.done $0x0  }
0xe4: {  	s3 =	rddreg [dreg:$0x8];
	[sflag:s9] =	ssyncadd.s32 $0xFFFFC000  }
0xe5: {  	[hbm4b:s3+s2] =	stream.linear.scatter [tilespmem:s21], [sflag:$0xC], $0x4000, $0x38;
	[tilespmem:$0x18800] =	vst v63  }
0xe6: {  	_ =	swait.ge [sflag:s31], $0x4000  }
0xe7: {  	[sflag:s31] =	ssyncset.done $0x0  }
0xe8: {  	[sflag:s31] =	ssyncadd.s32 $0xFFFFC000  }
0xe9: {  	v3 =	vld [tilespmem:$0x400];
	_ =	sdelay $0x4  }
0xea: {  	v56 =	vshll.u32 v3, $0x3  }
0xeb: {  	v3 =	vand.u32 $0x7, v3;
	v4 =	vand.u32 $0xFFFFFFC0, v56  }
0xec: {  	v3 =	vor.u32 v3, v4  }
0xed: {  	v4 =	vperm.xlane v3, v0;
	_ =	sdelay $0x1  }
0xee: {  	v4 =	vadd.s32 v1, v4;
	_ =	sdelay $0x4  }
0xef: {  	[tilespmem:s28], [sflag:$0x3] =	stream.indirect_vreg.gather [hbm4b:s4+s2], $0x80, v4, vm0, $0xb8;
	[tilespmem:$0x18800] =	vst v63  }
0xf0: {  	s12 =	simm.s32 $0x9000;
	v3 =	vperm.xlane v3, v2  }
0xf1: {  	[tilespmem:s12], [sflag:$0x3] =	stream.indirect_vreg.gather [hbm4b:s5+s2], $0x80, v4, vm0, $0xb8;
	[tilespmem:$0x18800] =	vst v63  }
0xf2: {  	v3 =	vadd.s32 v1, v3;
	s12 =	simm.s32 $0x9800  }
0xf3: {  	[tilespmem:s12], [sflag:$0x3] =	stream.indirect_vreg.gather [hbm4b:s6+s2], $0x80, v4, vm0, $0xb8;
	[tilespmem:$0x18800] =	vst v63  }
0xf4: {  	s12 =	simm.s32 $0xA000  }
0xf5: {  	[tilespmem:s12], [sflag:$0x3] =	stream.indirect_vreg.gather [hbm4b:s7+s2], $0x80, v4, vm0, $0xb8;
	[tilespmem:$0x18800] =	vst v63  }
0xf6: {  	s12 =	simm.s32 $0xA800  }
0xf7: {  	[tilespmem:s12], [sflag:$0x3] =	stream.indirect_vreg.gather [hbm4b:s4+s2], $0x80, v3, vm0, $0xb8;
	[tilespmem:$0x18800] =	vst v63  }
0xf8: {  	s12 =	simm.s32 $0xB000  }
0xf9: {  	[tilespmem:s12], [sflag:$0x3] =	stream.indirect_vreg.gather [hbm4b:s5+s2], $0x80, v3, vm0, $0xb8;
	[tilespmem:$0x18800] =	vst v63  }
0xfa: {  	s12 =	simm.s32 $0xB800  }
0xfb: {  	[tilespmem:s12], [sflag:$0x3] =	stream.indirect_vreg.gather [hbm4b:s6+s2], $0x80, v3, vm0, $0xb8;
	[tilespmem:$0x18800] =	vst v63  }
0xfc: {  	s12 =	simm.s32 $0xC000  }
0xfd: {  	[tilespmem:s12], [sflag:$0x3] =	stream.indirect_vreg.gather [hbm4b:s7+s2], $0x80, v3, vm0, $0xb8;
	[tilespmem:$0x18800] =	vst v63  }
0xfe: {  	_ =	swait.ge [sflag:s30], $0x4000  }
0xff: {  	[sflag:s30] =	ssyncset.done $0x0  }
0x100: {  	s3 =	rddreg [dreg:$0x9];
	[sflag:s30] =	ssyncadd.s32 $0xFFFFC000  }
0x101: {  	[hbm4b:s3+s2] =	stream.linear.scatter [tilespmem:s18], [sflag:$0x7], $0x4000, $0x38;
	[tilespmem:$0x18800] =	vst v63  }
0x102: {  	_ =	swait.ge [sflag:s1], $0x4000  }
0x103: {  	[sflag:s1] =	ssyncset.done $0x0  }
0x104: {  	[sflag:s1] =	ssyncadd.s32 $0xFFFFC000  }
0x105: {  	v3 =	vld [tilespmem:$0x480];
	_ =	sdelay $0x4  }
0x106: {  	v57 =	vshll.u32 v3, $0x3  }
0x107: {  	v3 =	vand.u32 $0x7, v3;
	v4 =	vand.u32 $0xFFFFFFC0, v57  }
0x108: {  	v3 =	vor.u32 v3, v4  }
0x109: {  	v4 =	vperm.xlane v3, v0;
	_ =	sdelay $0x1  }
0x10a: {  	v4 =	vadd.s32 v1, v4;
	_ =	sdelay $0x4  }
0x10b: {  	[tilespmem:s10], [sflag:$0x4] =	stream.indirect_vreg.gather [hbm4b:s4+s2], $0x80, v4, vm0, $0xb8;
	[tilespmem:$0x18800] =	vst v63  }
0x10c: {  	s12 =	simm.s32 $0xD000;
	v3 =	vperm.xlane v3, v2  }
0x10d: {  	[tilespmem:s12], [sflag:$0x4] =	stream.indirect_vreg.gather [hbm4b:s5+s2], $0x80, v4, vm0, $0xb8;
	[tilespmem:$0x18800] =	vst v63  }
0x10e: {  	v3 =	vadd.s32 v1, v3;
	s12 =	simm.s32 $0xD800  }
0x10f: {  	[tilespmem:s12], [sflag:$0x4] =	stream.indirect_vreg.gather [hbm4b:s6+s2], $0x80, v4, vm0, $0xb8;
	[tilespmem:$0x18800] =	vst v63  }
0x110: {  	s12 =	simm.s32 $0xE000  }
0x111: {  	[tilespmem:s12], [sflag:$0x4] =	stream.indirect_vreg.gather [hbm4b:s7+s2], $0x80, v4, vm0, $0xb8;
	[tilespmem:$0x18800] =	vst v63  }
0x112: {  	s12 =	simm.s32 $0xE800  }
0x113: {  	[tilespmem:s12], [sflag:$0x4] =	stream.indirect_vreg.gather [hbm4b:s4+s2], $0x80, v3, vm0, $0xb8;
	[tilespmem:$0x18800] =	vst v63  }
0x114: {  	s12 =	simm.s32 $0xF000  }
0x115: {  	[tilespmem:s12], [sflag:$0x4] =	stream.indirect_vreg.gather [hbm4b:s5+s2], $0x80, v3, vm0, $0xb8;
	[tilespmem:$0x18800] =	vst v63  }
0x116: {  	s12 =	simm.s32 $0xF800  }
0x117: {  	[tilespmem:s12], [sflag:$0x4] =	stream.indirect_vreg.gather [hbm4b:s6+s2], $0x80, v3, vm0, $0xb8;
	[tilespmem:$0x18800] =	vst v63  }
0x118: {  	s12 =	simm.s32 $0x10000  }
0x119: {  	[tilespmem:s12], [sflag:$0x4] =	stream.indirect_vreg.gather [hbm4b:s7+s2], $0x80, v3, vm0, $0xb8;
	[tilespmem:$0x18800] =	vst v63  }
0x11a: {  	_ =	swait.ge [sflag:s20], $0x4000  }
0x11b: {  	[sflag:s20] =	ssyncset.done $0x0  }
0x11c: {  	s3 =	rddreg [dreg:$0xa];
	[sflag:s20] =	ssyncadd.s32 $0xFFFFC000  }
0x11d: {  	[hbm4b:s3+s2] =	stream.linear.scatter [tilespmem:s26], [sflag:$0x8], $0x4000, $0x38;
	[tilespmem:$0x18800] =	vst v63  }
0x11e: {  	s3 =	simm.s32 $0xB  }
0x11f: {  	_ =	swait.ge [sflag:s3], $0x4000  }
0x120: {  	[sflag:s3] =	ssyncset.done $0x0  }
0x121: {  	[sflag:s3] =	ssyncadd.s32 $0xFFFFC000  }
0x122: {  	v3 =	vld [tilespmem:$0x500];
	_ =	sdelay $0x4  }
0x123: {  	v58 =	vshll.u32 v3, $0x3  }
0x124: {  	v3 =	vand.u32 $0x7, v3;
	v4 =	vand.u32 $0xFFFFFFC0, v58  }
0x125: {  	v3 =	vor.u32 v3, v4  }
0x126: {  	v4 =	vperm.xlane v3, v0;
	_ =	sdelay $0x1  }
0x127: {  	v4 =	vadd.s32 v1, v4;
	_ =	sdelay $0x4  }
0x128: {  	[tilespmem:s11], [sflag:$0x5] =	stream.indirect_vreg.gather [hbm4b:s4+s2], $0x80, v4, vm0, $0xb8;
	[tilespmem:$0x18800] =	vst v63  }
0x129: {  	v3 =	vperm.xlane v3, v2  }
0x12a: {  	[tilespmem:s23], [sflag:$0x5] =	stream.indirect_vreg.gather [hbm4b:s5+s2], $0x80, v4, vm0, $0xb8;
	[tilespmem:$0x18800] =	vst v63  }
0x12b: {  	v3 =	vadd.s32 v1, v3  }
0x12c: {  	[tilespmem:s13], [sflag:$0x5] =	stream.indirect_vreg.gather [hbm4b:s6+s2], $0x80, v4, vm0, $0xb8;
	[tilespmem:$0x18800] =	vst v63  }
0x12d: {  	_ = 	snop  }
0x12e: {  	[tilespmem:s14], [sflag:$0x5] =	stream.indirect_vreg.gather [hbm4b:s7+s2], $0x80, v4, vm0, $0xb8;
	[tilespmem:$0x18800] =	vst v63  }
0x12f: {  	_ = 	snop  }
0x130: {  	[tilespmem:s15], [sflag:$0x5] =	stream.indirect_vreg.gather [hbm4b:s4+s2], $0x80, v3, vm0, $0xb8;
	[tilespmem:$0x18800] =	vst v63  }
0x131: {  	_ = 	snop  }
0x132: {  	[tilespmem:s16], [sflag:$0x5] =	stream.indirect_vreg.gather [hbm4b:s5+s2], $0x80, v3, vm0, $0xb8;
	[tilespmem:$0x18800] =	vst v63  }
0x133: {  	_ = 	snop  }
0x134: {  	[tilespmem:s17], [sflag:$0x5] =	stream.indirect_vreg.gather [hbm4b:s6+s2], $0x80, v3, vm0, $0xb8;
	[tilespmem:$0x18800] =	vst v63  }
0x135: {  	_ = 	snop  }
0x136: {  	[tilespmem:s19], [sflag:$0x5] =	stream.indirect_vreg.gather [hbm4b:s7+s2], $0x80, v3, vm0, $0xb8;
	[tilespmem:$0x18800] =	vst v63  }
0x137: {  	_ =	swait.ge [sflag:s22], $0x4000  }
0x138: {  	[sflag:s22] =	ssyncset.done $0x0  }
0x139: {  	s13 =	rddreg [dreg:$0xb];
	[sflag:s22] =	ssyncadd.s32 $0xFFFFC000  }
0x13a: {  	[hbm4b:s13+s2] =	stream.linear.scatter [tilespmem:s28], [sflag:$0x9], $0x4000, $0x38;
	[tilespmem:$0x18800] =	vst v63  }
0x13b: {  	s13 =	simm.s32 $0xC  }
0x13c: {  	_ =	swait.ge [sflag:s13], $0x4000  }
0x13d: {  	[sflag:s13] =	ssyncset.done $0x0  }
0x13e: {  	[sflag:s13] =	ssyncadd.s32 $0xFFFFC000  }
0x13f: {  	v3 =	vld [tilespmem:$0x580];
	_ =	sdelay $0x4  }
0x140: {  	v59 =	vshll.u32 v3, $0x3  }
0x141: {  	v3 =	vand.u32 $0x7, v3;
	v4 =	vand.u32 $0xFFFFFFC0, v59  }
0x142: {  	v3 =	vor.u32 v3, v4  }
0x143: {  	v4 =	vperm.xlane v3, v0;
	_ =	sdelay $0x1  }
0x144: {  	v4 =	vadd.s32 v1, v4;
	_ =	sdelay $0x4  }
0x145: {  	[tilespmem:s21], [sflag:$0x6] =	stream.indirect_vreg.gather [hbm4b:s4+s2], $0x80, v4, vm0, $0xb8;
	[tilespmem:$0x18800] =	vst v63  }
0x146: {  	s12 =	simm.s32 $0x15000;
	v3 =	vperm.xlane v3, v2  }
0x147: {  	[tilespmem:s12], [sflag:$0x6] =	stream.indirect_vreg.gather [hbm4b:s5+s2], $0x80, v4, vm0, $0xb8;
	[tilespmem:$0x18800] =	vst v63  }
0x148: {  	v3 =	vadd.s32 v1, v3;
	s12 =	simm.s32 $0x15800  }
0x149: {  	[tilespmem:s12], [sflag:$0x6] =	stream.indirect_vreg.gather [hbm4b:s6+s2], $0x80, v4, vm0, $0xb8;
	[tilespmem:$0x18800] =	vst v63  }
0x14a: {  	s12 =	simm.s32 $0x16000  }
0x14b: {  	[tilespmem:s12], [sflag:$0x6] =	stream.indirect_vreg.gather [hbm4b:s7+s2], $0x80, v4, vm0, $0xb8;
	[tilespmem:$0x18800] =	vst v63  }
0x14c: {  	s12 =	simm.s32 $0x16800  }
0x14d: {  	[tilespmem:s12], [sflag:$0x6] =	stream.indirect_vreg.gather [hbm4b:s4+s2], $0x80, v3, vm0, $0xb8;
	[tilespmem:$0x18800] =	vst v63  }
0x14e: {  	s12 =	simm.s32 $0x17000  }
0x14f: {  	[tilespmem:s12], [sflag:$0x6] =	stream.indirect_vreg.gather [hbm4b:s5+s2], $0x80, v3, vm0, $0xb8;
	[tilespmem:$0x18800] =	vst v63  }
0x150: {  	s12 =	simm.s32 $0x17800  }
0x151: {  	[tilespmem:s12], [sflag:$0x6] =	stream.indirect_vreg.gather [hbm4b:s6+s2], $0x80, v3, vm0, $0xb8;
	[tilespmem:$0x18800] =	vst v63  }
0x152: {  	s12 =	simm.s32 $0x18000  }
0x153: {  	[tilespmem:s12], [sflag:$0x6] =	stream.indirect_vreg.gather [hbm4b:s7+s2], $0x80, v3, vm0, $0xb8;
	[tilespmem:$0x18800] =	vst v63  }
0x154: {  	_ =	swait.ge [sflag:s24], $0x4000  }
0x155: {  	[sflag:s24] =	ssyncset.done $0x0  }
0x156: {  	s12 =	rddreg [dreg:$0xc];
	[sflag:s24] =	ssyncadd.s32 $0xFFFFC000  }
0x157: {  	[hbm4b:s12+s2] =	stream.linear.scatter [tilespmem:s10], [sflag:$0xA], $0x4000, $0x38;
	[tilespmem:$0x18800] =	vst v63  }
0x158: {  	_ =	swait.ge [sflag:s25], $0x4000  }
0x159: {  	[sflag:s25] =	ssyncset.done $0x0  }
0x15a: {  	[sflag:s25] =	ssyncadd.s32 $0xFFFFC000  }
0x15b: {  	v3 =	vld [tilespmem:$0x600];
	_ =	sdelay $0x4  }
0x15c: {  	v60 =	vshll.u32 v3, $0x3  }
0x15d: {  	v3 =	vand.u32 $0x7, v3;
	v4 =	vand.u32 $0xFFFFFFC0, v60  }
0x15e: {  	v3 =	vor.u32 v3, v4  }
0x15f: {  	v4 =	vperm.xlane v3, v0;
	_ =	sdelay $0x1  }
0x160: {  	v4 =	vadd.s32 v1, v4;
	_ =	sdelay $0x4  }
0x161: {  	[tilespmem:s18], [sflag:$0x1] =	stream.indirect_vreg.gather [hbm4b:s4+s2], $0x80, v4, vm0, $0xb8;
	[tilespmem:$0x18800] =	vst v63  }
0x162: {  	s12 =	simm.s32 $0x1000;
	v3 =	vperm.xlane v3, v2  }
0x163: {  	[tilespmem:s12], [sflag:$0x1] =	stream.indirect_vreg.gather [hbm4b:s5+s2], $0x80, v4, vm0, $0xb8;
	[tilespmem:$0x18800] =	vst v63  }
0x164: {  	v3 =	vadd.s32 v1, v3;
	s12 =	simm.s32 $0x1800  }
0x165: {  	[tilespmem:s12], [sflag:$0x1] =	stream.indirect_vreg.gather [hbm4b:s6+s2], $0x80, v4, vm0, $0xb8;
	[tilespmem:$0x18800] =	vst v63  }
0x166: {  	s12 =	simm.s32 $0x2000  }
0x167: {  	[tilespmem:s12], [sflag:$0x1] =	stream.indirect_vreg.gather [hbm4b:s7+s2], $0x80, v4, vm0, $0xb8;
	[tilespmem:$0x18800] =	vst v63  }
0x168: {  	s12 =	simm.s32 $0x2800  }
0x169: {  	[tilespmem:s12], [sflag:$0x1] =	stream.indirect_vreg.gather [hbm4b:s4+s2], $0x80, v3, vm0, $0xb8;
	[tilespmem:$0x18800] =	vst v63  }
0x16a: {  	s12 =	simm.s32 $0x3000  }
0x16b: {  	[tilespmem:s12], [sflag:$0x1] =	stream.indirect_vreg.gather [hbm4b:s5+s2], $0x80, v3, vm0, $0xb8;
	[tilespmem:$0x18800] =	vst v63  }
0x16c: {  	s12 =	simm.s32 $0x3800  }
0x16d: {  	[tilespmem:s12], [sflag:$0x1] =	stream.indirect_vreg.gather [hbm4b:s6+s2], $0x80, v3, vm0, $0xb8;
	[tilespmem:$0x18800] =	vst v63  }
0x16e: {  	s12 =	simm.s32 $0x4000  }
0x16f: {  	[tilespmem:s12], [sflag:$0x1] =	stream.indirect_vreg.gather [hbm4b:s7+s2], $0x80, v3, vm0, $0xb8;
	[tilespmem:$0x18800] =	vst v63  }
0x170: {  	_ =	swait.ge [sflag:s0], $0x4000  }
0x171: {  	[sflag:s0] =	ssyncset.done $0x0  }
0x172: {  	s12 =	rddreg [dreg:$0xd];
	[sflag:s0] =	ssyncadd.s32 $0xFFFFC000  }
0x173: {  	[hbm4b:s12+s2] =	stream.linear.scatter [tilespmem:s11], [sflag:$0xB], $0x4000, $0x38;
	[tilespmem:$0x18800] =	vst v63  }
0x174: {  	_ =	swait.ge [sflag:s29], $0x4000  }
0x175: {  	[sflag:s29] =	ssyncset.done $0x0  }
0x176: {  	[sflag:s29] =	ssyncadd.s32 $0xFFFFC000  }
0x177: {  	v3 =	vld [tilespmem:$0x680];
	_ =	sdelay $0x4  }
0x178: {  	v61 =	vshll.u32 v3, $0x3  }
0x179: {  	v3 =	vand.u32 $0x7, v3;
	v4 =	vand.u32 $0xFFFFFFC0, v61  }
0x17a: {  	v3 =	vor.u32 v3, v4  }
0x17b: {  	v4 =	vperm.xlane v3, v0;
	_ =	sdelay $0x1  }
0x17c: {  	v4 =	vadd.s32 v1, v4;
	_ =	sdelay $0x4  }
0x17d: {  	[tilespmem:s26], [sflag:$0x2] =	stream.indirect_vreg.gather [hbm4b:s4+s2], $0x80, v4, vm0, $0xb8;
	[tilespmem:$0x18800] =	vst v63  }
0x17e: {  	s12 =	simm.s32 $0x5000;
	v3 =	vperm.xlane v3, v2  }
0x17f: {  	[tilespmem:s12], [sflag:$0x2] =	stream.indirect_vreg.gather [hbm4b:s5+s2], $0x80, v4, vm0, $0xb8;
	[tilespmem:$0x18800] =	vst v63  }
0x180: {  	v3 =	vadd.s32 v1, v3;
	s12 =	simm.s32 $0x5800  }
0x181: {  	[tilespmem:s12], [sflag:$0x2] =	stream.indirect_vreg.gather [hbm4b:s6+s2], $0x80, v4, vm0, $0xb8;
	[tilespmem:$0x18800] =	vst v63  }
0x182: {  	s12 =	simm.s32 $0x6000  }
0x183: {  	[tilespmem:s12], [sflag:$0x2] =	stream.indirect_vreg.gather [hbm4b:s7+s2], $0x80, v4, vm0, $0xb8;
	[tilespmem:$0x18800] =	vst v63  }
0x184: {  	s12 =	simm.s32 $0x6800  }
0x185: {  	[tilespmem:s12], [sflag:$0x2] =	stream.indirect_vreg.gather [hbm4b:s4+s2], $0x80, v3, vm0, $0xb8;
	[tilespmem:$0x18800] =	vst v63  }
0x186: {  	s12 =	simm.s32 $0x7000  }
0x187: {  	[tilespmem:s12], [sflag:$0x2] =	stream.indirect_vreg.gather [hbm4b:s5+s2], $0x80, v3, vm0, $0xb8;
	[tilespmem:$0x18800] =	vst v63  }
0x188: {  	s12 =	simm.s32 $0x7800  }
0x189: {  	[tilespmem:s12], [sflag:$0x2] =	stream.indirect_vreg.gather [hbm4b:s6+s2], $0x80, v3, vm0, $0xb8;
	[tilespmem:$0x18800] =	vst v63  }
0x18a: {  	s12 =	simm.s32 $0x8000  }
0x18b: {  	[tilespmem:s12], [sflag:$0x2] =	stream.indirect_vreg.gather [hbm4b:s7+s2], $0x80, v3, vm0, $0xb8;
	[tilespmem:$0x18800] =	vst v63  }
0x18c: {  	_ =	swait.ge [sflag:s9], $0x4000  }
0x18d: {  	[sflag:s9] =	ssyncset.done $0x0  }
0x18e: {  	s0 =	rddreg [dreg:$0xe];
	[sflag:s9] =	ssyncadd.s32 $0xFFFFC000  }
0x18f: {  	[hbm4b:s0+s2] =	stream.linear.scatter [tilespmem:s21], [sflag:$0xC], $0x4000, $0x38;
	[tilespmem:$0x18800] =	vst v63  }
0x190: {  	_ =	swait.ge [sflag:s31], $0x4000  }
0x191: {  	[sflag:s31] =	ssyncset.done $0x0  }
0x192: {  	[sflag:s31] =	ssyncadd.s32 $0xFFFFC000  }
0x193: {  	v3 =	vld [tilespmem:$0x700];
	_ =	sdelay $0x4  }
0x194: {  	v62 =	vshll.u32 v3, $0x3  }
0x195: {  	v3 =	vand.u32 $0x7, v3;
	v4 =	vand.u32 $0xFFFFFFC0, v62  }
0x196: {  	v3 =	vor.u32 v3, v4  }
0x197: {  	v4 =	vperm.xlane v3, v0;
	_ =	sdelay $0x1  }
0x198: {  	v4 =	vadd.s32 v1, v4;
	_ =	sdelay $0x4  }
0x199: {  	[tilespmem:s28], [sflag:$0x3] =	stream.indirect_vreg.gather [hbm4b:s4+s2], $0x80, v4, vm0, $0xb8;
	[tilespmem:$0x18800] =	vst v63  }
0x19a: {  	s12 =	simm.s32 $0x9000;
	v3 =	vperm.xlane v3, v2  }
0x19b: {  	[tilespmem:s12], [sflag:$0x3] =	stream.indirect_vreg.gather [hbm4b:s5+s2], $0x80, v4, vm0, $0xb8;
	[tilespmem:$0x18800] =	vst v63  }
0x19c: {  	s9 =	simm.s32 $0x9800;
	v3 =	vadd.s32 v1, v3  }
0x19d: {  	[tilespmem:s9], [sflag:$0x3] =	stream.indirect_vreg.gather [hbm4b:s6+s2], $0x80, v4, vm0, $0xb8;
	[tilespmem:$0x18800] =	vst v63  }
0x19e: {  	s12 =	simm.s32 $0xA000  }
0x19f: {  	[tilespmem:s12], [sflag:$0x3] =	stream.indirect_vreg.gather [hbm4b:s7+s2], $0x80, v4, vm0, $0xb8;
	[tilespmem:$0x18800] =	vst v63  }
0x1a0: {  	s9 =	simm.s32 $0xA800  }
0x1a1: {  	[tilespmem:s9], [sflag:$0x3] =	stream.indirect_vreg.gather [hbm4b:s4+s2], $0x80, v3, vm0, $0xb8;
	[tilespmem:$0x18800] =	vst v63  }
0x1a2: {  	s12 =	simm.s32 $0xB000  }
0x1a3: {  	[tilespmem:s12], [sflag:$0x3] =	stream.indirect_vreg.gather [hbm4b:s5+s2], $0x80, v3, vm0, $0xb8;
	[tilespmem:$0x18800] =	vst v63  }
0x1a4: {  	s9 =	simm.s32 $0xB800  }
0x1a5: {  	[tilespmem:s9], [sflag:$0x3] =	stream.indirect_vreg.gather [hbm4b:s6+s2], $0x80, v3, vm0, $0xb8;
	[tilespmem:$0x18800] =	vst v63  }
0x1a6: {  	s12 =	simm.s32 $0xC000  }
0x1a7: {  	[tilespmem:s12], [sflag:$0x3] =	stream.indirect_vreg.gather [hbm4b:s7+s2], $0x80, v3, vm0, $0xb8;
	[tilespmem:$0x18800] =	vst v63  }
0x1a8: {  	_ =	swait.ge [sflag:s30], $0x4000  }
0x1a9: {  	[sflag:s30] =	ssyncset.done $0x0  }
0x1aa: {  	s9 =	rddreg [dreg:$0xf];
	[sflag:s30] =	ssyncadd.s32 $0xFFFFC000  }
0x1ab: {  	[hbm4b:s9+s2] =	stream.linear.scatter [tilespmem:s18], [sflag:$0x7], $0x4000, $0x38;
	[tilespmem:$0x18800] =	vst v63  }
0x1ac: {  	_ =	swait.ge [sflag:s1], $0x4000  }
0x1ad: {  	[sflag:s1] =	ssyncset.done $0x0  }
0x1ae: {  	[sflag:s1] =	ssyncadd.s32 $0xFFFFC000  }
0x1af: {  	v3 =	vld [tilespmem:$0x780];
	_ =	sdelay $0x4  }
0x1b0: {  	v63 =	vshll.u32 v3, $0x3  }
0x1b1: {  	v3 =	vand.u32 $0x7, v3;
	v4 =	vand.u32 $0xFFFFFFC0, v63  }
0x1b2: {  	v3 =	vor.u32 v3, v4  }
0x1b3: {  	v4 =	vperm.xlane v3, v0;
	_ =	sdelay $0x1  }
0x1b4: {  	v4 =	vadd.s32 v1, v4;
	_ =	sdelay $0x4  }
0x1b5: {  	[tilespmem:s10], [sflag:$0x4] =	stream.indirect_vreg.gather [hbm4b:s4+s2], $0x80, v4, vm0, $0xb8;
	[tilespmem:$0x18800] =	vst v63  }
0x1b6: {  	s12 =	simm.s32 $0xD000;
	v3 =	vperm.xlane v3, v2  }
0x1b7: {  	[tilespmem:s12], [sflag:$0x4] =	stream.indirect_vreg.gather [hbm4b:s5+s2], $0x80, v4, vm0, $0xb8;
	[tilespmem:$0x18800] =	vst v63  }
0x1b8: {  	s9 =	simm.s32 $0xD800;
	v3 =	vadd.s32 v1, v3  }
0x1b9: {  	[tilespmem:s9], [sflag:$0x4] =	stream.indirect_vreg.gather [hbm4b:s6+s2], $0x80, v4, vm0, $0xb8;
	[tilespmem:$0x18800] =	vst v63  }
0x1ba: {  	s12 =	simm.s32 $0xE000  }
0x1bb: {  	[tilespmem:s12], [sflag:$0x4] =	stream.indirect_vreg.gather [hbm4b:s7+s2], $0x80, v4, vm0, $0xb8;
	[tilespmem:$0x18800] =	vst v63  }
0x1bc: {  	s9 =	simm.s32 $0xE800  }
0x1bd: {  	[tilespmem:s9], [sflag:$0x4] =	stream.indirect_vreg.gather [hbm4b:s4+s2], $0x80, v3, vm0, $0xb8;
	[tilespmem:$0x18800] =	vst v63  }
0x1be: {  	s12 =	simm.s32 $0xF000  }
0x1bf: {  	[tilespmem:s12], [sflag:$0x4] =	stream.indirect_vreg.gather [hbm4b:s5+s2], $0x80, v3, vm0, $0xb8;
	[tilespmem:$0x18800] =	vst v63  }
0x1c0: {  	s9 =	simm.s32 $0xF800  }
0x1c1: {  	[tilespmem:s9], [sflag:$0x4] =	stream.indirect_vreg.gather [hbm4b:s6+s2], $0x80, v3, vm0, $0xb8;
	[tilespmem:$0x18800] =	vst v63  }
0x1c2: {  	s12 =	simm.s32 $0x10000  }
0x1c3: {  	[tilespmem:s12], [sflag:$0x4] =	stream.indirect_vreg.gather [hbm4b:s7+s2], $0x80, v3, vm0, $0xb8;
	[tilespmem:$0x18800] =	vst v63  }
0x1c4: {  	_ =	swait.ge [sflag:s20], $0x4000  }
0x1c5: {  	[sflag:s20] =	ssyncset.done $0x0  }
0x1c6: {  	s9 =	rddreg [dreg:$0x10];
	[sflag:s20] =	ssyncadd.s32 $0xFFFFC000  }
0x1c7: {  	[hbm4b:s9+s2] =	stream.linear.scatter [tilespmem:s26], [sflag:$0x8], $0x4000, $0x38;
	[tilespmem:$0x18800] =	vst v63  }
0x1c8: {  	_ =	swait.ge [sflag:s22], $0x4000  }
0x1c9: {  	[sflag:s22] =	ssyncset.done $0x0  }
0x1ca: {  	s0 =	rddreg [dreg:$0x11];
	[sflag:s22] =	ssyncadd.s32 $0xFFFFC000  }
0x1cb: {  	[hbm4b:s0+s2] =	stream.linear.scatter [tilespmem:s28], [sflag:$0x9], $0x4000, $0x38;
	[tilespmem:$0x18800] =	vst v63  }
0x1cc: {  	_ =	swait.ge [sflag:s24], $0x4000  }
0x1cd: {  	[sflag:s24] =	ssyncset.done $0x0  }
0x1ce: {  	s9 =	rddreg [dreg:$0x12];
	[sflag:s24] =	ssyncadd.s32 $0xFFFFC000  }
0x1cf: {  	[hbm4b:s9+s2] =	stream.linear.scatter [tilespmem:s10], [sflag:$0xA], $0x4000, $0x38;
	[tilespmem:$0x18800] =	vst v63  }
0x1d0: {  	_ =	swait.ge [sflag:s3], $0x4000  }
0x1d1: {  	[sflag:s3] =	ssyncset.done $0x0  }
0x1d2: {  	[sflag:s3] =	ssyncadd.s32 $0xFFFFC000  }
0x1d3: {  	_ =	swait.ge [sflag:s13], $0x4000  }
0x1d4: {  	[sflag:s13] =	ssyncset.done $0x0  }
0x1d5: {  	[sflag:s13] =	ssyncadd.s32 $0xFFFFC000  }
0x1d6: {  	_ =	swait.ge [sflag:s25], $0x4000  }
0x1d7: {  	[sflag:s25] =	ssyncset.done $0x0  }
0x1d8: {  	[sflag:s25] =	ssyncadd.s32 $0xFFFFC000  }
0x1d9: {  	_ =	swait.ge [sflag:s29], $0x4000  }
0x1da: {  	[sflag:s29] =	ssyncset.done $0x0  }
0x1db: {  	[sflag:s29] =	ssyncadd.s32 $0xFFFFC000  }
0x1dc: {  	p0 =	sne.s32 s8, $0x1;
	_ =	swait.ge [sflag:s31], $0x4000  }
.Ltmp0:
0x1dd: {  	[sflag:s31] =	ssyncset.done $0x0;
	(pc) =	sbr.rel @p0 .LBB2_1-.Ltmp0, $4  }
0x1de: {  	[sflag:s31] =	ssyncadd.s32 $0xFFFFC000  }
0x1df: {  	_ =	swait.ge [sflag:s1], $0x4000  }
0x1e0: {  	[sflag:s1] =	ssyncset.done $0x0  }
0x1e1: {  	s8 =	sadd.s32 $0xFFFFFFFF, s8;
	[sflag:s1] =	ssyncadd.s32 $0xFFFFC000  }
0x1e2: {  	_ =	sfence.sel $0x180000  }
0x1e3: {  	[bflag:$0x0] =	sbarrier.arrive $0xFFFF  }
0x1e4: {  	_ =	strace $0x9000004D  }
0x1e5: {  	s0 =	stileid.u32;
	[bflag:$0x2] =	sbarrier.arrive $0xFFFF  }
0x1e6: {  	p0 =	sne.s32 s0, $0x0;
	s0 =	rddreg [dreg:$0x2]  }
0x1e7: {  	s0 =	sadd.s32 @!p0 $0x100000, s0  }
0x1e8: {  	[sflag:s0] =	ssyncadd.tile.s32 @!p0 $0x1;
	_ =	shalt  }
.Lfunc_end2:
_tile_overlayer_lowered:
.L_overlay_start_2:
0x1e9: {  	(tag) =	ssettag $0x2  }
0x1ea: {  	s0 =	rddreg [dreg:$0x0];
	s2 =	stileid.u32  }
0x1eb: {  	s1 =	rddreg [dreg:$0x1];
	p0 =	sne.s32 s2, $0x0  }
0x1ec: {  	s3 =	rddreg [dreg:$0x2];
	[bflag:$0x3] =	sbarrier.arrive $0xFFFF;
	s2 =	simm.s32 @!p0 $0x1C0D  }
0x1ed: {  	[timem:s3], [sflag:s2] =	dma.local @!p0 [hbm:s0], s1  }
0x1ee: {  	s0 =	simm.s32 @!p0 $0xD  }
0x1ef: {  	_ =	swait.ge @!p0 [sflag:s0], s1  }
0x1f0: {  	s1 =	ssub.s32 @!p0 $0x0, s1;
	[sflag:s0] =	ssyncset.done @!p0 $0x0  }
0x1f1: {  	[sflag:s0] =	ssyncadd.s32 @!p0 s1  }
0x1f2: {  	[bflag:$0x3] =	sbarrier.arrive $0xFFFF  }
0x1f3: {  	_ =	shalt  }

// kernel: kernel.6.cloned.1.call-start
scs
__scs_entry_jumppad:
0x0: {  	(pc) =	sbr.rel $0x88, $3  }
0x1: {  	(tag) =	ssettag $0x0;
	lr =	simm.s32 $0x1  }
0x2: {  	[smem:$0x3F9D] =	sst lr;
	_ =	strace $0xD0000000  }
0x3: {  	_ = 	snop  }
0x4: {  	_ = 	snop  }
0x5: {  	_ = 	snop  }
0x6: {  	_ = 	snop  }
0x7: {  	_ = 	snop  }
__scs_overlays_trampoline_lowered:
0x8: {  	[smem:$0x3FAC] =	sst s0  }
0x9: {  	[smem:$0x3FAD] =	sst s1  }
0xa: {  	[smem:$0x3FAE] =	sst s2  }
0xb: {  	[smem:$0x3FAF] =	sst s3  }
0xc: {  	[smem:$0x3FB0] =	sst s4  }
0xd: {  	[smem:$0x3FB1] =	sst s5  }
0xe: {  	[smem:$0x3FB2] =	sst s6  }
0xf: {  	[smem:$0x3FB3] =	sst s7  }
0x10: {  	[smem:$0x3FB4] =	sst s8  }
0x11: {  	[smem:$0x3FB5] =	sst s9;
	s0 =	simm.s32 @!p0 $0x0  }
0x12: {  	s1 =	sld [smem:$0x3F9B];
	s0 =	simm.s32 @p0 $0x1  }
0x13: {  	[smem:$0x3FB6] =	sst s0;
	s0 =	simm.s32 @!p1 $0x0  }
0x14: {  	s2 =	sld [smem:$0x3F9A];
	s0 =	simm.s32 @p1 $0x1  }
0x15: {  	[smem:$0x3FB7] =	sst s0;
	s0 =	simm.s32 @!p2 $0x0  }
0x16: {  	s3 =	sld [smem:$0x3FDB];
	s0 =	simm.s32 @p2 $0x1  }
0x17: {  	s4 =	simm.s32 $0x1BF5;
	[smem:$0x3FB9] =	sst s0  }
0x18: {  	s0 =	sld [smem:$0x3F9C];
	_ =	swait.ge [sflag:s4], $0x0  }
0x19: {  	s7 =	sld [smem:$0x3F9D]  }
0x1a: {  	s8 =	sadd.s32 $0xFFFFE003, lr  }
0x1b: {  	s9 =	sadd.s32 $0xFFFFFEF7, lr;
	s5 =	simm.s32 $0xFFFFFFFF;
	p2 =	slt.u32 s8, $0xFFFFF086  }
0x1c: {  	p1 =	slt.u32 s9, $0xF7A;
	s5 =	simm.s32 @!p2 $0x0  }
0x1d: {  	s5 =	simm.s32 @p1 $0x1;
	p0 =	seq.s32 s7, s2  }
0x1e: {  	s7 =	smul.u32 @!p0 $0xF7A, s2;
	p2 =	seq.s32 @!p0 s5, $0x0  }
0x1f: {  	s9 =	smul.u32 $0xF7A, s1;
	s8 =	simm.s32 @!p0 $0x1BF5;
	p2 =	por !p2, p0  }
0x20: {  	[sflag:s8] =	ssyncset.s32 @!p0 $0xFFFFF086;
	s6 =	sadd.s32 @!p0 s3, s7;
	s7 =	simm.s32 @!p0 $0x108  }
0x21: {  	s3 =	sadd.s32 s3, s9;
	s6 =	sadd.s32 @!p0 $0x88, s6;
	s7 =	simm.s32 @p2 $0x1082  }
0x22: {  	[simem:s7], [sflag:s8] =	dma.local @!p0 [hbm:s6], $0xF7A  }
0x23: {  	s9 =	sor.u32 $0xD0000000, s2;
	s6 =	simm.s32 $0x108;
	_ =	swait.ge @!p0 [sflag:s8], $0x0  }
0x24: {  	s3 =	sadd.s32 $0x88, s3;
	s6 =	simm.s32 @!p1 $0x1082;
	[sflag:s4] =	ssyncset.s32 $0xFFFFF086  }
0x25: {  	[simem:s6], [sflag:s4] =	dma.local [hbm:s3], $0xF7A  }
0x26: {  	[smem:$0x3F9D] =	sst s1;
	(tag) =	ssettag s2;
	_ =	strace s9  }
0x27: {  	s1 =	sld [smem:$0x3FAD]  }
0x28: {  	s2 =	sld [smem:$0x3FAE]  }
0x29: {  	s4 =	sld [smem:$0x3FB0]  }
0x2a: {  	p0 =	seq.s32 s5, $0x0;
	s5 =	sld [smem:$0x3FB1]  }
0x2b: {  	s6 =	sld [smem:$0x3FB2]  }
0x2c: {  	s7 =	sld [smem:$0x3FB3]  }
0x2d: {  	s3 =	simm.s32 $0x108;
	s8 =	sld [smem:$0x3FB4]  }
0x2e: {  	s3 =	simm.s32 @!p0 $0x1082;
	s9 =	sld [smem:$0x3FB5]  }
0x2f: {  	lr =	sadd.s32 s0, s3;
	s0 =	sld [smem:$0x3FAC]  }
0x30: {  	s3 =	sld [smem:$0x3FAF]  }
0x31: {  	[smem:$0x3FB8] =	sst s10  }
0x32: {  	s10 =	sld [smem:$0x3FB6];
	_ =	sdelay $0x3  }
0x33: {  	p0 =	seq.s32 s10, $0x1;
	s10 =	sld [smem:$0x3FB8];
	_ =	sdelay $0x3  }
0x34: {  	[smem:$0x3FB8] =	sst s10  }
0x35: {  	s10 =	sld [smem:$0x3FB7];
	_ =	sdelay $0x3  }
0x36: {  	p1 =	seq.s32 s10, $0x1;
	s10 =	sld [smem:$0x3FB8];
	_ =	sdelay $0x3  }
0x37: {  	[smem:$0x3FB8] =	sst s10  }
0x38: {  	s10 =	sld [smem:$0x3FB9]  }
0x39: {  	_ = 	snop;
	(pc) =	sbr.ind lr, $3  }
0x3a: {  	_ = 	snop  }
0x3b: {  	_ = 	snop  }
0x3c: {  	p2 =	seq.s32 s10, $0x1;
	s10 =	sld [smem:$0x3FB8]  }
0x3d: {  	_ =	shalt  }
0x3e: {  	_ =	shalt  }
0x3f: {  	_ =	shalt  }
0x40: {  	_ =	shalt  }
0x41: {  	_ =	shalt  }
0x42: {  	_ =	shalt  }
0x43: {  	_ =	shalt  }
0x44: {  	_ =	shalt  }
0x45: {  	_ =	shalt  }
0x46: {  	_ =	shalt  }
0x47: {  	_ =	shalt  }
0x48: {  	_ =	shalt  }
0x49: {  	_ =	shalt  }
0x4a: {  	_ =	shalt  }
0x4b: {  	_ =	shalt  }
0x4c: {  	_ =	shalt  }
0x4d: {  	_ =	shalt  }
0x4e: {  	_ =	shalt  }
0x4f: {  	_ =	shalt  }
0x50: {  	_ =	shalt  }
0x51: {  	_ =	shalt  }
0x52: {  	_ =	shalt  }
0x53: {  	_ =	shalt  }
0x54: {  	_ =	shalt  }
0x55: {  	_ =	shalt  }
0x56: {  	_ =	shalt  }
0x57: {  	_ =	shalt  }
0x58: {  	_ =	shalt  }
0x59: {  	_ =	shalt  }
0x5a: {  	_ =	shalt  }
0x5b: {  	_ =	shalt  }
0x5c: {  	_ =	shalt  }
0x5d: {  	_ =	shalt  }
0x5e: {  	_ =	shalt  }
0x5f: {  	_ =	shalt  }
0x60: {  	_ =	shalt  }
0x61: {  	_ =	shalt  }
0x62: {  	_ =	shalt  }
0x63: {  	_ =	shalt  }
0x64: {  	_ =	shalt  }
0x65: {  	_ =	shalt  }
0x66: {  	_ =	shalt  }
0x67: {  	_ =	shalt  }
0x68: {  	_ =	shalt  }
0x69: {  	_ =	shalt  }
0x6a: {  	_ =	shalt  }
0x6b: {  	_ =	shalt  }
0x6c: {  	_ =	shalt  }
0x6d: {  	_ =	shalt  }
0x6e: {  	_ =	shalt  }
0x6f: {  	_ =	shalt  }
0x70: {  	_ =	shalt  }
0x71: {  	_ =	shalt  }
0x72: {  	_ =	shalt  }
0x73: {  	_ =	shalt  }
0x74: {  	_ =	shalt  }
0x75: {  	_ =	shalt  }
0x76: {  	_ =	shalt  }
0x77: {  	_ =	shalt  }
0x78: {  	_ =	shalt  }
0x79: {  	_ =	shalt  }
0x7a: {  	_ =	shalt  }
0x7b: {  	_ =	shalt  }
0x7c: {  	_ =	shalt  }
0x7d: {  	_ =	shalt  }
0x7e: {  	_ =	shalt  }
0x7f: {  	_ =	shalt  }
0x80: {  	_ =	shalt  }
0x81: {  	_ =	shalt  }
0x82: {  	_ =	shalt  }
0x83: {  	_ =	shalt  }
0x84: {  	_ =	shalt  }
0x85: {  	_ =	shalt  }
0x86: {  	_ =	shalt  }
0x87: {  	_ =	shalt  }
.Lfunc_end0:
.L_simem_size_0:
called_computation_lowered:
.L_overlay_start_0:
0x88: {  	s2 =	sld [smem:$0x3FD9]  }
0x89: {  	s3 =	sld [smem:$0x3FFE];
	_ =	sdelay $0x1  }
0x8a: {  	s1 =	srdreg.scid  }
0x8b: {  	s0 =	sand.u32 $0x1, s1  }
0x8c: {  	s17 =	sshll.u32 s0, $0xA;
	s2 =	sadd.s32 s3, s2  }
0x8d: {  	s2 =	sadd.s32 s2, s17  }
0x8e: {  	[smem:$0x3FC4] =	sst s2  }
0x8f: {  	_ = 	snop  }
0x90: {  	s2 =	sld [smem:$0x3FC6];
	(tm) =	ssettm $0x1  }
0x91: {  	s18 =	sld [smem:$0x3FFB];
	_ =	sdelay $0x3  }
0x92: {  	_ =	strace s18  }
0x93: {  	s3 =	sld [smem:$0x3FFC];
	_ =	sdelay $0x3  }
0x94: {  	_ =	strace s3  }
0x95: {  	s3 =	sld [smem:$0x3FFD];
	_ =	sdelay $0x3  }
0x96: {  	_ =	strace s3  }
0x97: {  	_ =	strace $0x8FFFFFFF  }
0x98: {  	s19 =	sld [smem:$0x3FDB];
	_ =	sdelay $0x1  }
0x99: {  	s4 =	simm.s32 $_scs_section_size  }
0x9a: {  	s5 =	simm.s32 $_size__tile_overlayer_lowered;
	s6 =	simm.s32 $_tile_overlayer_lowered  }
0x9b: {  	s22 =	simm.s32 $0x1BFF;
	s21 =	sshll.u32 s6, $0x1;
	s3 =	sadd.s32 s4, s19  }
0x9c: {  	s7 =	simm.s32 $0x0;
	s20 =	sshll.u32 s5, $0x1;
	s5 =	sadd.s32 s21, s3  }
0x9d: {  	[timem:s7], [sflag:s22] =	dma.local [hbm:s5], s20  }
0x9e: {  	_ =	swait.ge [sflag:s22], s20  }
0x9f: {  	s4 =	ssub.s32 $0x0, s20;
	[sflag:s22] =	ssyncset.done $0x0  }
0xa0: {  	[sflag:s22] =	ssyncadd.s32 s4;
	_ =	sdelay $0x1  }
0xa1: {  	s23 =	simm.s32 $0x1B8B  }
0xa2: {  	_ =	swait.ge [sflag:s23], $0x1  }
0xa3: {  	[sflag:s23] =	ssyncset.done $0x0  }
0xa4: {  	s25 =	simm.s32 $0x1B8E;
	s24 =	sld [smem:$0x3FFE];
	[sflag:s23] =	ssyncadd.s32 $0xFFFFFFFF  }
0xa5: {  	s26 =	simm.s32 $execute0_lowered;
	[smem:$0x3FD2] =	sst s25  }
0xa6: {  	s5 =	sshll.u32 s26, $0x1;
	_ =	strace $0x80000046;
	[dreg:$0x1] =	wrdreg $0xFFFFFFFF  }
0xa7: {  	s28 =	simm.s32 $_size_execute0_lowered;
	s3 =	sadd.s32 s3, s5;
	[dreg:$0x0] =	wrdreg $0x0  }
0xa8: {  	s5 =	sshll.u32 s28, $0x1;
	[dreg:$0x2] =	wrdreg s3  }
0xa9: {  	[dreg:$0x3] =	wrdreg s5  }
0xaa: {  	[dreg:$0x4] =	wrdreg $0xC0  }
0xab: {  	_ =	task [dreg:s7], $0x5FFFF  }
0xac: {  	[dreg:$0x1] =	wrdreg $0xFFFFFFFF  }
0xad: {  	[dreg:$0x0] =	wrdreg $0x60  }
0xae: {  	[dreg:$0x2] =	wrdreg s2  }
0xaf: {  	[dreg:$0x3] =	wrdreg s24  }
0xb0: {  	[dreg:$0x4] =	wrdreg $0x9  }
0xb1: {  	_ =	task.clear_ibuf [dreg:s7], $0x5FFFF;
	_ =	strace $0x90000046  }
0xb2: {  	s29 =	simm.s32 $0x9;
	_ =	strace $0x80000048  }
0xb3: {  	_ =	swait.ge [sflag:s29], $0x1  }
0xb4: {  	[sflag:s29] =	ssyncadd.s32 $0xFFFFFFFF  }
0xb5: {  	_ =	strace $0x90000048  }
0xb6: {  	_ =	sfence  }
0xb7: {  	s30 =	sld [smem:$0x0];
	_ =	sdelay $0x2  }
0xb8: {  	s31 =	sshll.u32 s1, $0xD;
	s1 =	sshrl.u32 s1, $0x2  }
0xb9: {  	s3 =	sand.u32 $0x4000, s31;
	s1 =	sadd.s32 s1, s30  }
0xba: {  	s0 =	sor.u32 s3, s0;
	s1 =	sshll.u32 s1, $0x11  }
0xbb: {  	s0 =	sor.u32 s1, s0  }
0xbc: {  	s0 =	sadd.s32 $0x8F2B, s0  }
0xbd: {  	[sflag:s0] =	ssyncadd.remote.s32 $0x1  }
0xbe: {  	_ =	sfence.sel $0xFFFF  }
0xbf: {  	[dreg:$0x0] =	wrdreg $0xFFFFFFFF;
	(pc) =	sbr.abs _section_cstart, $3  }
0xc0: {  	[dreg:$0x1] =	wrdreg $0xFFFFFFFF  }
0xc1: {  	_ =	task.clear_ibuf [dreg:s7], $0x2FFFF;
	_ =	strace $0x9FFFFFFF  }
0xc2: {  	(tm) =	ssettm $0x7FFFFFFF  }
0xc3: {  	_ =	shalt  }
tec
execute0_lowered:
.L_overlay_start_1:
0x0: {  	(tag) =	ssettag $0x1  }
0x1: {  	s3 =	rddreg [dreg:$0x0]  }
0x2: {  	s4 =	rddreg [dreg:$0x1]  }
0x3: {  	s0 =	rddreg [dreg:$0x2];
	s5 =	srdreg.scid  }
0x4: {  	s2 =	simm.s32 $0x0;
	s1 =	stileid.u32;
	s5 =	sand.u32 $0x1, s5  }
0x5: {  	[smem:$0x7FF] =	sst s2;
	s7 =	sshll.u32 s1, $0x1;
	s6 =	ssub.s32 $0x2, s5  }
0x6: {  	v0 =	vimm.s32 $0x0;
	v1 =	vlaneseq.u32;
	_ =	strace $0x80000047;
	s5 =	sor.u32 s5, s7;
	s8 =	sshrl.u32 s6, $0x1  }
0x7: {  	v2 =	vimm.s32 $0x1;
	vm0 =	vmmov $0x1;
	vm1 =	vcmask $0x704;
	s7 =	sshll.u32 s5, $0x5;
	s5 =	sshll.u32 s5, $0x4;
	s6 =	ssub.s32 s6, s8  }
0x8: {  	vm2 =	vcmask $0xB08;
	vm3 =	vcmask $0xF0C;
	vm4 =	vcmask $0x1310;
	s3 =	sadd.s32 s3, s7;
	s4 =	sadd.s32 s4, s5;
	s7 =	simm.s32 $0x180  }
0x9: {  	vm5 =	vcmask $0x1714;
	vm6 =	vcmask $0x1B18;
	vm7 =	vcmask $0x1F1C;
	s8 =	simm.s32 $0x100;
	s5 =	smax.u32 s6, $0x1;
	s6 =	simm.s32 $0x1  }
.LBB2_1:
0xa: {  	[tilespmem:s2], [sflag:$0x1] =	stream.linear.gather [hbm4b:s3+s2], $0x100, $0x38;
	[tilespmem:$0x580] =	vst v63  }
0xb: {  	_ =	swait.ge [sflag:s6], $0x100  }
0xc: {  	[sflag:s6] =	ssyncset.done $0x0  }
0xd: {  	[sflag:s6] =	ssyncadd.s32 $0xFFFFFF00  }
0xe: {  	v3 =	vld [tilespmem:$0x0];
	_ =	sdelay $0x2  }
0xf: {  	[tilespmem:$0x180] =	vst v0  }
0x10: {  	[tilespmem:$0x200] =	vst v0  }
0x11: {  	[tilespmem:$0x280] =	vst v0;
	v3 =	vshll.u32 v3, $0x7  }
0x12: {  	[tilespmem:$0x300] =	vst v0;
	v3 =	vor.u32 v1, v3  }
0x13: {  	[tilespmem:$0x380] =	vst v0  }
0x14: {  	[tilespmem:$0x400] =	vst v0  }
0x15: {  	[tilespmem:$0x480] =	vst v0  }
0x16: {  	[tilespmem:$0x500] =	vst v0  }
0x17: {  	[tilespmem:v3+s7+$0x0] =	vst.idx.add.s32.msk $0xffff, v2  }
0x18: {  	v3 =	vld [tilespmem:$0x10];
	_ =	sdelay $0x4  }
0x19: {  	v3 =	vshll.u32 v3, $0x7  }
0x1a: {  	v3 =	vor.u32 v1, v3;
	_ =	sdelay $0x4  }
0x1b: {  	[tilespmem:v3+s7+$0x0] =	vst.idx.add.s32.msk $0xffff, v2  }
0x1c: {  	v3 =	vld [tilespmem:$0x20];
	_ =	sdelay $0x4  }
0x1d: {  	v3 =	vshll.u32 v3, $0x7  }
0x1e: {  	v3 =	vor.u32 v1, v3;
	_ =	sdelay $0x4  }
0x1f: {  	[tilespmem:v3+s7+$0x0] =	vst.idx.add.s32.msk $0xffff, v2  }
0x20: {  	v3 =	vld [tilespmem:$0x30];
	_ =	sdelay $0x4  }
0x21: {  	v3 =	vshll.u32 v3, $0x7  }
0x22: {  	v3 =	vor.u32 v1, v3;
	_ =	sdelay $0x4  }
0x23: {  	[tilespmem:v3+s7+$0x0] =	vst.idx.add.s32.msk $0xffff, v2  }
0x24: {  	v3 =	vld [tilespmem:$0x40];
	_ =	sdelay $0x4  }
0x25: {  	v3 =	vshll.u32 v3, $0x7  }
0x26: {  	v3 =	vor.u32 v1, v3;
	_ =	sdelay $0x4  }
0x27: {  	[tilespmem:v3+s7+$0x0] =	vst.idx.add.s32.msk $0xffff, v2  }
0x28: {  	v3 =	vld [tilespmem:$0x50];
	_ =	sdelay $0x4  }
0x29: {  	v3 =	vshll.u32 v3, $0x7  }
0x2a: {  	v3 =	vor.u32 v1, v3;
	_ =	sdelay $0x4  }
0x2b: {  	[tilespmem:v3+s7+$0x0] =	vst.idx.add.s32.msk $0xffff, v2  }
0x2c: {  	v3 =	vld [tilespmem:$0x60];
	_ =	sdelay $0x4  }
0x2d: {  	v3 =	vshll.u32 v3, $0x7  }
0x2e: {  	v3 =	vor.u32 v1, v3;
	_ =	sdelay $0x4  }
0x2f: {  	[tilespmem:v3+s7+$0x0] =	vst.idx.add.s32.msk $0xffff, v2  }
0x30: {  	v3 =	vld [tilespmem:$0x70];
	_ =	sdelay $0x4  }
0x31: {  	v3 =	vshll.u32 v3, $0x7  }
0x32: {  	v3 =	vor.u32 v1, v3;
	_ =	sdelay $0x4  }
0x33: {  	[tilespmem:v3+s7+$0x0] =	vst.idx.add.s32.msk $0xffff, v2  }
0x34: {  	v3 =	vld [tilespmem:$0x80];
	_ =	sdelay $0x4  }
0x35: {  	v3 =	vshll.u32 v3, $0x7  }
0x36: {  	v3 =	vor.u32 v1, v3;
	_ =	sdelay $0x4  }
0x37: {  	[tilespmem:v3+s7+$0x0] =	vst.idx.add.s32.msk $0xffff, v2  }
0x38: {  	v3 =	vld [tilespmem:$0x90];
	_ =	sdelay $0x4  }
0x39: {  	v3 =	vshll.u32 v3, $0x7  }
0x3a: {  	v3 =	vor.u32 v1, v3;
	_ =	sdelay $0x4  }
0x3b: {  	[tilespmem:v3+s7+$0x0] =	vst.idx.add.s32.msk $0xffff, v2  }
0x3c: {  	v3 =	vld [tilespmem:$0xA0];
	_ =	sdelay $0x4  }
0x3d: {  	v3 =	vshll.u32 v3, $0x7  }
0x3e: {  	v3 =	vor.u32 v1, v3;
	_ =	sdelay $0x4  }
0x3f: {  	[tilespmem:v3+s7+$0x0] =	vst.idx.add.s32.msk $0xffff, v2  }
0x40: {  	v3 =	vld [tilespmem:$0xB0];
	_ =	sdelay $0x4  }
0x41: {  	v3 =	vshll.u32 v3, $0x7  }
0x42: {  	v3 =	vor.u32 v1, v3;
	_ =	sdelay $0x4  }
0x43: {  	[tilespmem:v3+s7+$0x0] =	vst.idx.add.s32.msk $0xffff, v2  }
0x44: {  	v3 =	vld [tilespmem:$0xC0];
	_ =	sdelay $0x4  }
0x45: {  	v3 =	vshll.u32 v3, $0x7  }
0x46: {  	v3 =	vor.u32 v1, v3;
	_ =	sdelay $0x4  }
0x47: {  	[tilespmem:v3+s7+$0x0] =	vst.idx.add.s32.msk $0xffff, v2  }
0x48: {  	v3 =	vld [tilespmem:$0xD0];
	_ =	sdelay $0x4  }
0x49: {  	v3 =	vshll.u32 v3, $0x7  }
0x4a: {  	v3 =	vor.u32 v1, v3;
	_ =	sdelay $0x4  }
0x4b: {  	[tilespmem:v3+s7+$0x0] =	vst.idx.add.s32.msk $0xffff, v2  }
0x4c: {  	v3 =	vld [tilespmem:$0xE0];
	_ =	sdelay $0x4  }
0x4d: {  	v3 =	vshll.u32 v3, $0x7  }
0x4e: {  	v3 =	vor.u32 v1, v3;
	_ =	sdelay $0x4  }
0x4f: {  	[tilespmem:v3+s7+$0x0] =	vst.idx.add.s32.msk $0xffff, v2  }
0x50: {  	v3 =	vld [tilespmem:$0xF0];
	_ =	sdelay $0x4  }
0x51: {  	v3 =	vshll.u32 v3, $0x7  }
0x52: {  	v3 =	vor.u32 v1, v3;
	_ =	sdelay $0x4  }
0x53: {  	[tilespmem:v3+s7+$0x0] =	vst.idx.add.s32.msk $0xffff, v2  }
0x54: {  	v3 =	vld [tilespmem:$0x180]  }
0x55: {  	v4 =	vld [tilespmem:$0x200]  }
0x56: {  	v5 =	vld [tilespmem:$0x280]  }
0x57: {  	v6 =	vld [tilespmem:$0x300]  }
0x58: {  	v7 =	vld [tilespmem:$0x380]  }
0x59: {  	(xrf0) =	vadd.scan.msk.s32 $0xffff, v3;
	v3 =	vld [tilespmem:$0x400]  }
0x5a: {  	v48 =	vld [tilespmem:$0x480];
	(xrf0) =	vadd.scan.msk.s32 $0xffff, v4  }
0x5b: {  	v49 =	vld [tilespmem:$0x500];
	(xrf0) =	vadd.scan.msk.s32 $0xffff, v5  }
0x5c: {  	(xrf0) =	vadd.scan.msk.s32 $0xffff, v6  }
0x5d: {  	(xrf0) =	vadd.scan.msk.s32 $0xffff, v7  }
0x5e: {  	(xrf0) =	vadd.scan.msk.s32 $0xffff, v3  }
0x5f: {  	v3, _, _ =	vpop (xrf0);
	(xrf0) =	vadd.scan.msk.s32 $0xffff, v48  }
0x60: {  	v50, _, _ =	vpop (xrf0);
	(xrf0) =	vadd.scan.msk.s32 $0xffff, v49  }
0x61: {  	v3 =	vbroadcast v3, $0xF;
	v51, _, _ =	vpop (xrf0);
	v4 =	vbroadcast v50, $0xF  }
0x62: {  	v6, _, _ =	vpop (xrf0);
	v5 =	vbroadcast v51, $0xF  }
0x63: {  	v3 =	vnsel vm0, $0x0, v3;
	v7, _, _ =	vpop (xrf0);
	v4 =	vnsel vm1, $0x0, v4;
	v6 =	vbroadcast v6, $0xF  }
0x64: {  	v8, _, _ =	vpop (xrf0);
	v3 =	vadd.s32 v3, v4;
	v52 =	vnsel vm2, $0x0, v5;
	v53 =	vbroadcast v7, $0xF  }
0x65: {  	v54, _, _ =	vpop (xrf0);
	v3 =	vadd.s32 v52, v3;
	v55 =	vnsel vm3, $0x0, v6;
	v56 =	vbroadcast v8, $0xF  }
0x66: {  	v3 =	vadd.s32 v55, v3;
	v57 =	vnsel vm4, $0x0, v53;
	v58 =	vbroadcast v54, $0xF;
	v59, _, _ =	vpop (xrf0)  }
0x67: {  	v3 =	vadd.s32 v57, v3;
	v60 =	vnsel vm5, $0x0, v56;
	v61 =	vbroadcast v59, $0xF  }
0x68: {  	v3 =	vadd.s32 v60, v3;
	v62 =	vnsel vm6, $0x0, v58  }
0x69: {  	v3 =	vadd.s32 v62, v3;
	v63 =	vnsel vm7, $0x0, v61  }
0x6a: {  	p0 =	sne.s32 s5, $0x1;
	v3 =	vadd.s32 v63, v3  }
.Ltmp0:
0x6b: {  	[tilespmem:$0x100] =	vst v3;
	(pc) =	sbr.rel @p0 .LBB2_1-.Ltmp0, $4  }
0x6c: {  	[hbm4b:s4+s2] =	stream.linear.scatter [tilespmem:s8], [sflag:$0x1], $0x80, $0x38;
	[tilespmem:$0x580] =	vst v63  }
0x6d: {  	_ =	swait.ge [sflag:s6], $0x80  }
0x6e: {  	[sflag:s6] =	ssyncset.done $0x0  }
0x6f: {  	s5 =	sadd.s32 $0xFFFFFFFF, s5;
	[sflag:s6] =	ssyncadd.s32 $0xFFFFFF80  }
0x70: {  	_ =	sfence.sel $0x180000  }
0x71: {  	[bflag:$0x0] =	sbarrier.arrive $0xFFFF  }
0x72: {  	p0 =	sne.s32 s1, $0x0;
	_ =	strace $0x90000047  }
0x73: {  	s0 =	sadd.s32 @!p0 $0x100000, s0;
	[bflag:$0x2] =	sbarrier.arrive $0xFFFF  }
0x74: {  	[sflag:s0] =	ssyncadd.tile.s32 @!p0 $0x1;
	_ =	shalt  }
.Lfunc_end2:
_tile_overlayer_lowered:
.L_overlay_start_2:
0x75: {  	(tag) =	ssettag $0x2  }
0x76: {  	s0 =	rddreg [dreg:$0x0];
	s2 =	stileid.u32  }
0x77: {  	s1 =	rddreg [dreg:$0x1];
	p0 =	sne.s32 s2, $0x0  }
0x78: {  	s3 =	rddreg [dreg:$0x2];
	[bflag:$0x3] =	sbarrier.arrive $0xFFFF;
	s2 =	simm.s32 @!p0 $0x1C01  }
0x79: {  	[timem:s3], [sflag:s2] =	dma.local @!p0 [hbm:s0], s1  }
0x7a: {  	s0 =	simm.s32 @!p0 $0x1  }
0x7b: {  	_ =	swait.ge @!p0 [sflag:s0], s1  }
0x7c: {  	s1 =	ssub.s32 @!p0 $0x0, s1;
	[sflag:s0] =	ssyncset.done @!p0 $0x0  }
0x7d: {  	[sflag:s0] =	ssyncadd.s32 @!p0 s1  }
0x7e: {  	[bflag:$0x3] =	sbarrier.arrive $0xFFFF  }
0x7f: {  	_ =	shalt  }

// kernel: kernel.9.cloned.1.call-start
scs
__scs_entry_jumppad:
0x0: {  	(pc) =	sbr.rel $0x88, $3  }
0x1: {  	(tag) =	ssettag $0x0;
	lr =	simm.s32 $0x1  }
0x2: {  	[smem:$0x3F9D] =	sst lr;
	_ =	strace $0xD0000000  }
0x3: {  	_ = 	snop  }
0x4: {  	_ = 	snop  }
0x5: {  	_ = 	snop  }
0x6: {  	_ = 	snop  }
0x7: {  	_ = 	snop  }
__scs_overlays_trampoline_lowered:
0x8: {  	[smem:$0x3FAC] =	sst s0  }
0x9: {  	[smem:$0x3FAD] =	sst s1  }
0xa: {  	[smem:$0x3FAE] =	sst s2  }
0xb: {  	[smem:$0x3FAF] =	sst s3  }
0xc: {  	[smem:$0x3FB0] =	sst s4  }
0xd: {  	[smem:$0x3FB1] =	sst s5  }
0xe: {  	[smem:$0x3FB2] =	sst s6  }
0xf: {  	[smem:$0x3FB3] =	sst s7  }
0x10: {  	[smem:$0x3FB4] =	sst s8  }
0x11: {  	[smem:$0x3FB5] =	sst s9;
	s0 =	simm.s32 @!p0 $0x0  }
0x12: {  	s1 =	sld [smem:$0x3F9B];
	s0 =	simm.s32 @p0 $0x1  }
0x13: {  	[smem:$0x3FB6] =	sst s0;
	s0 =	simm.s32 @!p1 $0x0  }
0x14: {  	s2 =	sld [smem:$0x3F9A];
	s0 =	simm.s32 @p1 $0x1  }
0x15: {  	[smem:$0x3FB7] =	sst s0;
	s0 =	simm.s32 @!p2 $0x0  }
0x16: {  	s3 =	sld [smem:$0x3FDB];
	s0 =	simm.s32 @p2 $0x1  }
0x17: {  	s4 =	simm.s32 $0x1BF5;
	[smem:$0x3FB9] =	sst s0  }
0x18: {  	s0 =	sld [smem:$0x3F9C];
	_ =	swait.ge [sflag:s4], $0x0  }
0x19: {  	s7 =	sld [smem:$0x3F9D]  }
0x1a: {  	s8 =	sadd.s32 $0xFFFFE003, lr  }
0x1b: {  	s9 =	sadd.s32 $0xFFFFFEF7, lr;
	s5 =	simm.s32 $0xFFFFFFFF;
	p2 =	slt.u32 s8, $0xFFFFF086  }
0x1c: {  	p1 =	slt.u32 s9, $0xF7A;
	s5 =	simm.s32 @!p2 $0x0  }
0x1d: {  	s5 =	simm.s32 @p1 $0x1;
	p0 =	seq.s32 s7, s2  }
0x1e: {  	s7 =	smul.u32 @!p0 $0xF7A, s2;
	p2 =	seq.s32 @!p0 s5, $0x0  }
0x1f: {  	s9 =	smul.u32 $0xF7A, s1;
	s8 =	simm.s32 @!p0 $0x1BF5;
	p2 =	por !p2, p0  }
0x20: {  	[sflag:s8] =	ssyncset.s32 @!p0 $0xFFFFF086;
	s6 =	sadd.s32 @!p0 s3, s7;
	s7 =	simm.s32 @!p0 $0x108  }
0x21: {  	s3 =	sadd.s32 s3, s9;
	s6 =	sadd.s32 @!p0 $0x88, s6;
	s7 =	simm.s32 @p2 $0x1082  }
0x22: {  	[simem:s7], [sflag:s8] =	dma.local @!p0 [hbm:s6], $0xF7A  }
0x23: {  	s9 =	sor.u32 $0xD0000000, s2;
	s6 =	simm.s32 $0x108;
	_ =	swait.ge @!p0 [sflag:s8], $0x0  }
0x24: {  	s3 =	sadd.s32 $0x88, s3;
	s6 =	simm.s32 @!p1 $0x1082;
	[sflag:s4] =	ssyncset.s32 $0xFFFFF086  }
0x25: {  	[simem:s6], [sflag:s4] =	dma.local [hbm:s3], $0xF7A  }
0x26: {  	[smem:$0x3F9D] =	sst s1;
	(tag) =	ssettag s2;
	_ =	strace s9  }
0x27: {  	s1 =	sld [smem:$0x3FAD]  }
0x28: {  	s2 =	sld [smem:$0x3FAE]  }
0x29: {  	s4 =	sld [smem:$0x3FB0]  }
0x2a: {  	p0 =	seq.s32 s5, $0x0;
	s5 =	sld [smem:$0x3FB1]  }
0x2b: {  	s6 =	sld [smem:$0x3FB2]  }
0x2c: {  	s7 =	sld [smem:$0x3FB3]  }
0x2d: {  	s3 =	simm.s32 $0x108;
	s8 =	sld [smem:$0x3FB4]  }
0x2e: {  	s3 =	simm.s32 @!p0 $0x1082;
	s9 =	sld [smem:$0x3FB5]  }
0x2f: {  	lr =	sadd.s32 s0, s3;
	s0 =	sld [smem:$0x3FAC]  }
0x30: {  	s3 =	sld [smem:$0x3FAF]  }
0x31: {  	[smem:$0x3FB8] =	sst s10  }
0x32: {  	s10 =	sld [smem:$0x3FB6];
	_ =	sdelay $0x3  }
0x33: {  	p0 =	seq.s32 s10, $0x1;
	s10 =	sld [smem:$0x3FB8];
	_ =	sdelay $0x3  }
0x34: {  	[smem:$0x3FB8] =	sst s10  }
0x35: {  	s10 =	sld [smem:$0x3FB7];
	_ =	sdelay $0x3  }
0x36: {  	p1 =	seq.s32 s10, $0x1;
	s10 =	sld [smem:$0x3FB8];
	_ =	sdelay $0x3  }
0x37: {  	[smem:$0x3FB8] =	sst s10  }
0x38: {  	s10 =	sld [smem:$0x3FB9]  }
0x39: {  	_ = 	snop;
	(pc) =	sbr.ind lr, $3  }
0x3a: {  	_ = 	snop  }
0x3b: {  	_ = 	snop  }
0x3c: {  	p2 =	seq.s32 s10, $0x1;
	s10 =	sld [smem:$0x3FB8]  }
0x3d: {  	_ =	shalt  }
0x3e: {  	_ =	shalt  }
0x3f: {  	_ =	shalt  }
0x40: {  	_ =	shalt  }
0x41: {  	_ =	shalt  }
0x42: {  	_ =	shalt  }
0x43: {  	_ =	shalt  }
0x44: {  	_ =	shalt  }
0x45: {  	_ =	shalt  }
0x46: {  	_ =	shalt  }
0x47: {  	_ =	shalt  }
0x48: {  	_ =	shalt  }
0x49: {  	_ =	shalt  }
0x4a: {  	_ =	shalt  }
0x4b: {  	_ =	shalt  }
0x4c: {  	_ =	shalt  }
0x4d: {  	_ =	shalt  }
0x4e: {  	_ =	shalt  }
0x4f: {  	_ =	shalt  }
0x50: {  	_ =	shalt  }
0x51: {  	_ =	shalt  }
0x52: {  	_ =	shalt  }
0x53: {  	_ =	shalt  }
0x54: {  	_ =	shalt  }
0x55: {  	_ =	shalt  }
0x56: {  	_ =	shalt  }
0x57: {  	_ =	shalt  }
0x58: {  	_ =	shalt  }
0x59: {  	_ =	shalt  }
0x5a: {  	_ =	shalt  }
0x5b: {  	_ =	shalt  }
0x5c: {  	_ =	shalt  }
0x5d: {  	_ =	shalt  }
0x5e: {  	_ =	shalt  }
0x5f: {  	_ =	shalt  }
0x60: {  	_ =	shalt  }
0x61: {  	_ =	shalt  }
0x62: {  	_ =	shalt  }
0x63: {  	_ =	shalt  }
0x64: {  	_ =	shalt  }
0x65: {  	_ =	shalt  }
0x66: {  	_ =	shalt  }
0x67: {  	_ =	shalt  }
0x68: {  	_ =	shalt  }
0x69: {  	_ =	shalt  }
0x6a: {  	_ =	shalt  }
0x6b: {  	_ =	shalt  }
0x6c: {  	_ =	shalt  }
0x6d: {  	_ =	shalt  }
0x6e: {  	_ =	shalt  }
0x6f: {  	_ =	shalt  }
0x70: {  	_ =	shalt  }
0x71: {  	_ =	shalt  }
0x72: {  	_ =	shalt  }
0x73: {  	_ =	shalt  }
0x74: {  	_ =	shalt  }
0x75: {  	_ =	shalt  }
0x76: {  	_ =	shalt  }
0x77: {  	_ =	shalt  }
0x78: {  	_ =	shalt  }
0x79: {  	_ =	shalt  }
0x7a: {  	_ =	shalt  }
0x7b: {  	_ =	shalt  }
0x7c: {  	_ =	shalt  }
0x7d: {  	_ =	shalt  }
0x7e: {  	_ =	shalt  }
0x7f: {  	_ =	shalt  }
0x80: {  	_ =	shalt  }
0x81: {  	_ =	shalt  }
0x82: {  	_ =	shalt  }
0x83: {  	_ =	shalt  }
0x84: {  	_ =	shalt  }
0x85: {  	_ =	shalt  }
0x86: {  	_ =	shalt  }
0x87: {  	_ =	shalt  }
.Lfunc_end0:
.L_simem_size_0:
called_computation.1_lowered:
.L_overlay_start_0:
0x88: {  	s2 =	sld [smem:$0x3FD9]  }
0x89: {  	s3 =	sld [smem:$0x3FFE];
	_ =	sdelay $0x1  }
0x8a: {  	s1 =	srdreg.scid  }
0x8b: {  	s0 =	sand.u32 $0x1, s1  }
0x8c: {  	s17 =	sshll.u32 s0, $0xA;
	s2 =	sadd.s32 s3, s2  }
0x8d: {  	s2 =	sadd.s32 s2, s17  }
0x8e: {  	[smem:$0x3FC4] =	sst s2  }
0x8f: {  	_ = 	snop  }
0x90: {  	s2 =	sld [smem:$0x3FC9]  }
0x91: {  	s18 =	sld [smem:$0x3FC6]  }
0x92: {  	s4 =	sld [smem:$0x3FD0];
	(tm) =	ssettm $0x1  }
0x93: {  	s5 =	sld [smem:$0x3FFB];
	_ =	sdelay $0x3  }
0x94: {  	_ =	strace s5  }
0x95: {  	s5 =	sld [smem:$0x3FFC];
	_ =	sdelay $0x3  }
0x96: {  	_ =	strace s5  }
0x97: {  	s5 =	sld [smem:$0x3FFD];
	_ =	sdelay $0x3  }
0x98: {  	_ =	strace s5  }
0x99: {  	_ =	strace $0x8FFFFFFF  }
0x9a: {  	s19 =	sld [smem:$0x3FDB];
	_ =	sdelay $0x1  }
0x9b: {  	s6 =	simm.s32 $_scs_section_size  }
0x9c: {  	s7 =	simm.s32 $_size__tile_overlayer_lowered;
	s8 =	simm.s32 $_tile_overlayer_lowered  }
0x9d: {  	s22 =	simm.s32 $0x1BFF;
	s21 =	sshll.u32 s8, $0x1;
	s5 =	sadd.s32 s6, s19  }
0x9e: {  	s9 =	simm.s32 $0x0;
	s20 =	sshll.u32 s7, $0x1;
	s7 =	sadd.s32 s21, s5  }
0x9f: {  	[timem:s9], [sflag:s22] =	dma.local [hbm:s7], s20  }
0xa0: {  	_ =	swait.ge [sflag:s22], s20  }
0xa1: {  	s6 =	ssub.s32 $0x0, s20;
	[sflag:s22] =	ssyncset.done $0x0  }
0xa2: {  	[sflag:s22] =	ssyncadd.s32 s6;
	_ =	sdelay $0x1  }
0xa3: {  	s23 =	simm.s32 $0x1B8B  }
0xa4: {  	_ =	swait.ge [sflag:s23], $0x1  }
0xa5: {  	[sflag:s23] =	ssyncset.done $0x0  }
0xa6: {  	s25 =	simm.s32 $0x1B8E;
	s24 =	sld [smem:$0x3FFE];
	[sflag:s23] =	ssyncadd.s32 $0xFFFFFFFF  }
0xa7: {  	s26 =	simm.s32 $execute0_lowered;
	[smem:$0x3FD2] =	sst s25  }
0xa8: {  	s7 =	sshll.u32 s26, $0x1;
	_ =	strace $0x80000049;
	[dreg:$0x1] =	wrdreg $0xFFFFFFFF  }
0xa9: {  	s28 =	simm.s32 $_size_execute0_lowered;
	s5 =	sadd.s32 s5, s7;
	[dreg:$0x0] =	wrdreg $0x0  }
0xaa: {  	s7 =	sshll.u32 s28, $0x1;
	[dreg:$0x2] =	wrdreg s5  }
0xab: {  	[dreg:$0x3] =	wrdreg s7  }
0xac: {  	[dreg:$0x4] =	wrdreg $0xC0  }
0xad: {  	_ =	task [dreg:s9], $0x5FFFF  }
0xae: {  	[dreg:$0x1] =	wrdreg $0xFFFFFFFF  }
0xaf: {  	[dreg:$0x0] =	wrdreg $0x60  }
0xb0: {  	[dreg:$0x2] =	wrdreg s2  }
0xb1: {  	[dreg:$0x3] =	wrdreg s18  }
0xb2: {  	[dreg:$0x4] =	wrdreg s24  }
0xb3: {  	[dreg:$0x5] =	wrdreg s4  }
0xb4: {  	[dreg:$0x6] =	wrdreg $0x9  }
0xb5: {  	_ =	task.clear_ibuf [dreg:s9], $0x7FFFF;
	_ =	strace $0x90000049  }
0xb6: {  	s29 =	simm.s32 $0x9;
	_ =	strace $0x8000004B  }
0xb7: {  	_ =	swait.ge [sflag:s29], $0x1  }
0xb8: {  	[sflag:s29] =	ssyncadd.s32 $0xFFFFFFFF  }
0xb9: {  	_ =	strace $0x9000004B  }
0xba: {  	_ =	sfence  }
0xbb: {  	s30 =	sld [smem:$0x0];
	_ =	sdelay $0x2  }
0xbc: {  	s31 =	sshll.u32 s1, $0xD;
	s1 =	sshrl.u32 s1, $0x2  }
0xbd: {  	s3 =	sand.u32 $0x4000, s31;
	s1 =	sadd.s32 s1, s30  }
0xbe: {  	s0 =	sor.u32 s3, s0;
	s1 =	sshll.u32 s1, $0x11  }
0xbf: {  	s0 =	sor.u32 s1, s0  }
0xc0: {  	s0 =	sadd.s32 $0x8F2B, s0  }
0xc1: {  	[sflag:s0] =	ssyncadd.remote.s32 $0x1  }
0xc2: {  	_ =	sfence.sel $0xFFFF  }
0xc3: {  	[dreg:$0x0] =	wrdreg $0xFFFFFFFF;
	(pc) =	sbr.abs _section_cstart, $3  }
0xc4: {  	[dreg:$0x1] =	wrdreg $0xFFFFFFFF  }
0xc5: {  	_ =	task.clear_ibuf [dreg:s9], $0x2FFFF;
	_ =	strace $0x9FFFFFFF  }
0xc6: {  	(tm) =	ssettm $0x7FFFFFFF  }
0xc7: {  	_ =	shalt  }
tec
execute0_lowered:
.L_overlay_start_1:
0x0: {  	(tag) =	ssettag $0x1  }
0x1: {  	s0 =	srdreg.scid;
	s3 =	stileid.u32  }
0x2: {  	s10 =	sand.u32 $0x1, s0;
	s30 =	sshll.u32 s3, $0x1  }
0x3: {  	s1 =	rddreg [dreg:$0x0];
	s0 =	sor.u32 s10, s30  }
0x4: {  	s2 =	rddreg [dreg:$0x1];
	v6 =	vmov s0  }
0x5: {  	s8 =	rddreg [dreg:$0x2];
	s4 =	simm.s32 $0x0;
	v0 =	vimm.s32 $0x0;
	vm0 =	veq.s32 v6, $0x1F  }
0x6: {  	[smem:$0x7FF] =	sst s4;
	v0 =	vsel vm0, $0xFFFFFFFF, v0  }
0x7: {  	s11 =	rddreg [dreg:$0x3];
	_ =	strace $0x8000004A;
	vm0 =	vgt.u32 v6, $0x1D;
	[tilespmem:$0x1FEF0] =	vst v0;
	v0 =	vimm.s32 $0x0  }
0x8: {  	v0 =	vsel vm0, $0xFFFFFFFF, v0  }
0x9: {  	vm0 =	vgt.u32 v6, $0x1C;
	[tilespmem:$0x1FF00] =	vst v0;
	v0 =	vimm.s32 $0x0  }
0xa: {  	v0 =	vsel vm0, $0xFFFFFFFF, v0  }
0xb: {  	vm0 =	vgt.u32 v6, $0x1B;
	[tilespmem:$0x1FF10] =	vst v0;
	v0 =	vimm.s32 $0x0  }
0xc: {  	v0 =	vsel vm0, $0xFFFFFFFF, v0  }
0xd: {  	vm0 =	vgt.u32 v6, $0x1A;
	[tilespmem:$0x1FF20] =	vst v0;
	v0 =	vimm.s32 $0x0  }
0xe: {  	s29 =	simm.s32 $0x100;
	v0 =	vsel vm0, $0xFFFFFFFF, v0  }
0xf: {  	[dreg:$0x16] =	wrdreg s29;
	s30 =	simm.s32 $0x1100;
	s7 =	sshll.u32 s0, $0x5;
	vm0 =	vgt.u32 v6, $0x19;
	[tilespmem:$0x1FF30] =	vst v0;
	v0 =	vimm.s32 $0x0  }
0x10: {  	s6 =	sshll.u32 s0, $0xF;
	[dreg:$0x17] =	wrdreg s30;
	s2 =	sadd.s32 s2, s7;
	v0 =	vsel vm0, $0xFFFFFFFF, v0  }
0x11: {  	s9 =	sadd.s32 s1, s6;
	[dreg:$0x7] =	wrdreg s2;
	vm0 =	vgt.u32 v6, $0x18;
	[tilespmem:$0x1FF40] =	vst v0;
	v0 =	vimm.s32 $0x0  }
0x12: {  	s3 =	sshll.u32 s0, $0x8;
	s6 =	sadd.s32 $0x800, s9;
	[dreg:$0x18] =	wrdreg s9;
	v0 =	vsel vm0, $0xFFFFFFFF, v0  }
0x13: {  	s1 =	sadd.s32 s3, s8;
	s5 =	sadd.s32 $0x1000, s9;
	[dreg:$0x5] =	wrdreg s6;
	vm0 =	vgt.u32 v6, $0x17;
	[tilespmem:$0x1FF50] =	vst v0;
	v0 =	vimm.s32 $0x0  }
0x14: {  	s1 =	sadd.s32 $0x200, s1;
	[dreg:$0x6] =	wrdreg s5;
	v0 =	vsel vm0, $0xFFFFFFFF, v0  }
0x15: {  	s12 =	sadd.s32 $0x1800, s9;
	[dreg:$0x8] =	wrdreg s1;
	vm0 =	vgt.u32 v6, $0x16;
	[tilespmem:$0x1FF60] =	vst v0;
	v0 =	vimm.s32 $0x0  }
0x16: {  	v1 =	vimm.s32 $0x0;
	s13 =	sadd.s32 $0x2000, s9;
	[dreg:$0x9] =	wrdreg s12;
	v0 =	vsel vm0, $0xFFFFFFFF, v0  }
0x17: {  	v2 =	vimm.s32 $0x0;
	s14 =	sadd.s32 $0x2800, s9;
	[dreg:$0xa] =	wrdreg s13;
	vm0 =	vgt.u32 v6, $0x15;
	[tilespmem:$0x1FF70] =	vst v0;
	v0 =	vimm.s32 $0x0  }
0x18: {  	v7 =	vimm.s32 $0x0;
	vm15 =	vmmov $0xffff;
	s28 =	simm.s32 $0x5;
	s15 =	sadd.s32 $0x3000, s9;
	[dreg:$0xb] =	wrdreg s14;
	v0 =	vsel vm0, $0xFFFFFFFF, v0  }
0x19: {  	s31 =	simm.s32 $0x18900;
	vm1 =	vgt.u32 v6, $0xD;
	s16 =	sadd.s32 $0x3800, s9;
	[dreg:$0xc] =	wrdreg s15;
	vm0 =	vgt.u32 v6, $0x14;
	[tilespmem:$0x1FF80] =	vst v0;
	v0 =	vimm.s32 $0x0  }
0x1a: {  	s20 =	ssub.s32 $0x2, s10;
	vm2 =	vgt.u32 v6, $0xC;
	vm3 =	vgt.u32 v6, $0xB;
	s17 =	sadd.s32 $0x4000, s9;
	[dreg:$0xd] =	wrdreg s16;
	v0 =	vsel vm0, $0xFFFFFFFF, v0  }
0x1b: {  	s22 =	sshrl.u32 s20, $0x1;
	vm4 =	vgt.u32 v6, $0xA;
	s18 =	sadd.s32 $0x4800, s9;
	[dreg:$0xe] =	wrdreg s17;
	vm0 =	vgt.u32 v6, $0x13;
	[tilespmem:$0x1FF90] =	vst v0;
	v0 =	vimm.s32 $0x0  }
0x1c: {  	s7 =	sadd.s32 $0x200, s11;
	vm5 =	vgt.u32 v6, $0x9;
	vm6 =	vgt.u32 v6, $0x8;
	s19 =	sadd.s32 $0x5000, s9;
	[dreg:$0xf] =	wrdreg s18;
	v0 =	vsel vm0, $0xFFFFFFFF, v0  }
0x1d: {  	s8 =	sadd.s32 $0x300, s11;
	vm7 =	vgt.u32 v6, $0x7;
	s21 =	sadd.s32 $0x5800, s9;
	[dreg:$0x10] =	wrdreg s19;
	vm0 =	vgt.u32 v6, $0x12;
	[tilespmem:$0x1FFA0] =	vst v0;
	v0 =	vimm.s32 $0x0  }
0x1e: {  	vm8 =	vgt.u32 v6, $0x6;
	vm9 =	vgt.u32 v6, $0x5;
	s23 =	sadd.s32 $0x6000, s9;
	s2 =	ssub.s32 s20, s22;
	[dreg:$0x11] =	wrdreg s21;
	v0 =	vsel vm0, $0xFFFFFFFF, v0  }
0x1f: {  	vm10 =	vgt.u32 v6, $0x4;
	s24 =	sadd.s32 $0x6800, s9;
	s25 =	sadd.s32 $0x7000, s9;
	[dreg:$0x12] =	wrdreg s23;
	vm0 =	vgt.u32 v6, $0x11;
	[tilespmem:$0x1FFB0] =	vst v0;
	v0 =	vimm.s32 $0x0  }
0x20: {  	vm11 =	vgt.u32 v6, $0x3;
	vm12 =	vgt.u32 v6, $0x2;
	s26 =	sadd.s32 $0x7800, s9;
	s22 =	simm.s32 $0x9900;
	[dreg:$0x13] =	wrdreg s24;
	v0 =	vsel vm0, $0xFFFFFFFF, v0  }
0x21: {  	vm13 =	vgt.u32 v6, $0x1;
	s20 =	simm.s32 $0x10100;
	s6 =	sadd.s32 $0x100, s11;
	[dreg:$0x14] =	wrdreg s25;
	vm0 =	vgt.u32 v6, $0x10;
	[tilespmem:$0x1FFC0] =	vst v0;
	v0 =	vimm.s32 $0x0  }
0x22: {  	vm14 =	veq.s32 v6, $0x0;
	[dreg:$0x15] =	wrdreg s26;
	s2 =	smax.u32 s2, $0x1;
	s14 =	simm.s32 $0x19900;
	v0 =	vsel vm0, $0xFFFFFFFF, v0;
	vm0 =	vgt.u32 v6, $0xF  }
0x23: {  	s24 =	simm.s32 $0x1;
	s17 =	simm.s32 $0xD900;
	s25 =	simm.s32 $0x3;
	[tilespmem:$0x1FFD0] =	vst v0;
	v0 =	vlaneseq.u32;
	v1 =	vsel vm0, $0xFFFFFFFF, v1;
	vm0 =	vgt.u32 v6, $0xE  }
0x24: {  	s26 =	simm.s32 $0x7;
	s19 =	simm.s32 $0x8;
	s18 =	simm.s32 $0x6;
	[tilespmem:$0x1FFE0] =	vst v1;
	v1 =	vimm.s32 $0x1;
	v4 =	vshrl.u32 v0, $0x3;
	v7 =	vsel vm0, $0xFFFFFFFF, v7  }
0x25: {  	s23 =	simm.s32 $0x5900;
	s16 =	simm.s32 $0xF900;
	s21 =	simm.s32 $0x10900;
	v3 =	vand.u32 $0x7, v0;
	v5 =	vor.u32 $0x8, v0;
	v4 =	vmul.u32 $0x8, v4;
	[tilespmem:$0x1FFF0] =	vst v7  }
.LBB2_1:
0x26: {  	[dreg:$0x19] =	wrdreg s2  }
0x27: {  	s30 =	rddreg [dreg:$0x18];
	s0 =	simm.s32 $0x1900  }
0x28: {  	[tilespmem:s0], [sflag:$0x1] =	stream.linear.gather [hbm4b:s30+s4], $0x4000, $0x38;
	[tilespmem:$0x19D00] =	vst v63  }
0x29: {  	s29 =	rddreg [dreg:$0x5];
	s1 =	simm.s32 $0x5900  }
0x2a: {  	[tilespmem:s1], [sflag:$0x2] =	stream.linear.gather [hbm4b:s29+s4], $0x4000, $0x38;
	[tilespmem:$0x19D00] =	vst v63  }
0x2b: {  	s15 =	rddreg [dreg:$0x6];
	s3 =	simm.s32 $0x9900  }
0x2c: {  	[tilespmem:s3], [sflag:$0x3] =	stream.linear.gather [hbm4b:s15+s4], $0x4000, $0x38;
	[tilespmem:$0x19D00] =	vst v63  }
0x2d: {  	s2 =	rddreg [dreg:$0x7];
	s5 =	simm.s32 $0xD  }
0x2e: {  	[tilespmem:s4], [sflag:$0xD] =	stream.linear.gather [hbm4b:s2+s4], $0x100, $0x38;
	[tilespmem:$0x19D00] =	vst v63  }
0x2f: {  	_ =	swait.ge [sflag:s5], $0x100  }
0x30: {  	[sflag:s5] =	ssyncset.done $0x0  }
0x31: {  	s9 =	rddreg [dreg:$0x16];
	[sflag:s5] =	ssyncadd.s32 $0xFFFFFF00  }
0x32: {  	s10 =	rddreg [dreg:$0x2]  }
0x33: {  	[tilespmem:s9], [sflag:$0xD] =	stream.linear.gather [hbm4b:s10+s4], $0x1000, $0x38;
	[tilespmem:$0x19D00] =	vst v63  }
0x34: {  	_ =	swait.ge [sflag:s5], $0x1000  }
0x35: {  	[sflag:s5] =	ssyncset.done $0x0  }
0x36: {  	[sflag:s5] =	ssyncadd.s32 $0xFFFFF000  }
0x37: {  	v25 =	vld [tilespmem:$0x100]  }
0x38: {  	v26 =	vld [tilespmem:$0x180]  }
0x39: {  	v27 =	vld [tilespmem:$0x200]  }
0x3a: {  	v28 =	vld [tilespmem:$0x280]  }
0x3b: {  	v29 =	vld [tilespmem:$0x300]  }
0x3c: {  	v30 =	vld [tilespmem:$0x380]  }
0x3d: {  	v31 =	vld [tilespmem:$0x400]  }
0x3e: {  	v32 =	vld [tilespmem:$0x480]  }
0x3f: {  	v33 =	vld [tilespmem:$0x500]  }
0x40: {  	v34 =	vld [tilespmem:$0x580]  }
0x41: {  	v35 =	vld [tilespmem:$0x600]  }
0x42: {  	v36 =	vld [tilespmem:$0x680]  }
0x43: {  	v37 =	vld [tilespmem:$0x700]  }
0x44: {  	v24 =	vld [tilespmem:$0x780]  }
0x45: {  	v23 =	vld [tilespmem:$0x800]  }
0x46: {  	v22 =	vld [tilespmem:$0x880]  }
0x47: {  	v21 =	vld [tilespmem:$0x900]  }
0x48: {  	v19 =	vld [tilespmem:$0x980]  }
0x49: {  	v18 =	vld [tilespmem:$0xA00]  }
0x4a: {  	v17 =	vld [tilespmem:$0xA80]  }
0x4b: {  	v16 =	vld [tilespmem:$0xB00]  }
0x4c: {  	v15 =	vld [tilespmem:$0xB80]  }
0x4d: {  	v8 =	vld [tilespmem:$0x0]  }
0x4e: {  	v14 =	vld [tilespmem:$0xC00]  }
0x4f: {  	v13 =	vld [tilespmem:$0xC80]  }
0x50: {  	v10 =	vld [tilespmem:$0xD00];
	[tilespmem:$0x19900] =	vst v2  }
0x51: {  	v6 =	vld [tilespmem:$0xD80];
	[tilespmem:$0x19980] =	vst v2  }
0x52: {  	v7 =	vld [tilespmem:$0xE00];
	[tilespmem:$0x19A00] =	vst v2;
	v8 =	vshll.u32 v8, $0x7  }
0x53: {  	v11 =	vld [tilespmem:$0xE80];
	[tilespmem:$0x19A80] =	vst v2;
	v38 =	vor.u32 v0, v8  }
0x54: {  	v12 =	vld [tilespmem:$0xF00];
	[tilespmem:$0x19B00] =	vst v2  }
0x55: {  	[tilespmem:$0x19B80] =	vst v2;
	v9 =	vld [tilespmem:$0x1000]  }
0x56: {  	[tilespmem:$0x19C00] =	vst v2;
	v20 =	vld [tilespmem:$0x1080]  }
0x57: {  	[tilespmem:$0x19C80] =	vst v2;
	v8 =	vld [tilespmem:$0xF80]  }
0x58: {  	[tilespmem:v38+s14+$0x0] =	vst.idx.add.s32.msk $0xffff, v1  }
0x59: {  	v38 =	vld [tilespmem:$0x10];
	_ =	sdelay $0x4  }
0x5a: {  	v38 =	vshll.u32 v38, $0x7  }
0x5b: {  	v38 =	vor.u32 v0, v38;
	_ =	sdelay $0x4  }
0x5c: {  	[tilespmem:v38+s14+$0x0] =	vst.idx.add.s32.msk $0xffff, v1  }
0x5d: {  	v38 =	vld [tilespmem:$0x20];
	_ =	sdelay $0x4  }
0x5e: {  	v38 =	vshll.u32 v38, $0x7  }
0x5f: {  	v38 =	vor.u32 v0, v38;
	_ =	sdelay $0x4  }
0x60: {  	[tilespmem:v38+s14+$0x0] =	vst.idx.add.s32.msk $0xffff, v1  }
0x61: {  	v38 =	vld [tilespmem:$0x30];
	_ =	sdelay $0x4  }
0x62: {  	v38 =	vshll.u32 v38, $0x7  }
0x63: {  	v38 =	vor.u32 v0, v38;
	_ =	sdelay $0x4  }
0x64: {  	[tilespmem:v38+s14+$0x0] =	vst.idx.add.s32.msk $0xffff, v1  }
0x65: {  	v38 =	vld [tilespmem:$0x40];
	_ =	sdelay $0x4  }
0x66: {  	v38 =	vshll.u32 v38, $0x7  }
0x67: {  	v38 =	vor.u32 v0, v38;
	_ =	sdelay $0x4  }
0x68: {  	[tilespmem:v38+s14+$0x0] =	vst.idx.add.s32.msk $0xffff, v1  }
0x69: {  	v38 =	vld [tilespmem:$0x50];
	_ =	sdelay $0x4  }
0x6a: {  	v38 =	vshll.u32 v38, $0x7  }
0x6b: {  	v38 =	vor.u32 v0, v38;
	_ =	sdelay $0x4  }
0x6c: {  	[tilespmem:v38+s14+$0x0] =	vst.idx.add.s32.msk $0xffff, v1  }
0x6d: {  	v38 =	vld [tilespmem:$0x60];
	_ =	sdelay $0x4  }
0x6e: {  	v38 =	vshll.u32 v38, $0x7  }
0x6f: {  	v38 =	vor.u32 v0, v38;
	_ =	sdelay $0x4  }
0x70: {  	[tilespmem:v38+s14+$0x0] =	vst.idx.add.s32.msk $0xffff, v1  }
0x71: {  	v38 =	vld [tilespmem:$0x70];
	_ =	sdelay $0x4  }
0x72: {  	v38 =	vshll.u32 v38, $0x7  }
0x73: {  	v38 =	vor.u32 v0, v38;
	_ =	sdelay $0x4  }
0x74: {  	[tilespmem:v38+s14+$0x0] =	vst.idx.add.s32.msk $0xffff, v1  }
0x75: {  	v38 =	vld [tilespmem:$0x80];
	_ =	sdelay $0x4  }
0x76: {  	v38 =	vshll.u32 v38, $0x7  }
0x77: {  	v38 =	vor.u32 v0, v38;
	_ =	sdelay $0x4  }
0x78: {  	[tilespmem:v38+s14+$0x0] =	vst.idx.add.s32.msk $0xffff, v1  }
0x79: {  	v38 =	vld [tilespmem:$0x90];
	_ =	sdelay $0x4  }
0x7a: {  	v38 =	vshll.u32 v38, $0x7  }
0x7b: {  	v38 =	vor.u32 v0, v38;
	_ =	sdelay $0x4  }
0x7c: {  	[tilespmem:v38+s14+$0x0] =	vst.idx.add.s32.msk $0xffff, v1  }
0x7d: {  	v38 =	vld [tilespmem:$0xA0];
	_ =	sdelay $0x4  }
0x7e: {  	v38 =	vshll.u32 v38, $0x7  }
0x7f: {  	v38 =	vor.u32 v0, v38;
	_ =	sdelay $0x4  }
0x80: {  	[tilespmem:v38+s14+$0x0] =	vst.idx.add.s32.msk $0xffff, v1  }
0x81: {  	v38 =	vld [tilespmem:$0xB0];
	_ =	sdelay $0x4  }
0x82: {  	v38 =	vshll.u32 v38, $0x7  }
0x83: {  	v38 =	vor.u32 v0, v38;
	_ =	sdelay $0x4  }
0x84: {  	[tilespmem:v38+s14+$0x0] =	vst.idx.add.s32.msk $0xffff, v1  }
0x85: {  	v38 =	vld [tilespmem:$0xC0];
	_ =	sdelay $0x4  }
0x86: {  	v39 =	vadd.s32 v25, v26;
	v38 =	vshll.u32 v38, $0x7  }
0x87: {  	v39 =	vadd.s32 v27, v39;
	v38 =	vor.u32 v0, v38  }
0x88: {  	v39 =	vadd.s32 v28, v39  }
0x89: {  	v39 =	vadd.s32 v29, v39  }
0x8a: {  	v39 =	vadd.s32 v30, v39  }
0x8b: {  	v39 =	vadd.s32 v31, v39  }
0x8c: {  	v25 =	vsel vm14, $0x0, v25;
	v39 =	vadd.s32 v32, v39;
	[tilespmem:v38+s14+$0x0] =	vst.idx.add.s32.msk $0xffff, v1  }
0x8d: {  	v26 =	vnsel vm13, $0x0, v26;
	v51 =	vnsel vm12, $0x0, v27;
	v52 =	vadd.s32 v33, v39;
	v38 =	vld [tilespmem:$0xD0]  }
0x8e: {  	v53 =	vnsel vm11, $0x0, v28;
	v54 =	vnsel vm10, $0x0, v29;
	v27 =	vadd.s32 v34, v52  }
0x8f: {  	v55 =	vnsel vm9, $0x0, v30;
	v25 =	vadd.s32 v25, v26;
	v27 =	vadd.s32 v35, v27  }
0x90: {  	v56 =	vnsel vm8, $0x0, v31;
	v25 =	vadd.s32 v51, v25;
	v27 =	vadd.s32 v36, v27  }
0x91: {  	v58 =	vnsel vm7, $0x0, v32;
	v25 =	vadd.s32 v53, v25;
	v27 =	vadd.s32 v37, v27  }
0x92: {  	v25 =	vadd.s32 v54, v25;
	v27 =	vadd.s32 v24, v27;
	v38 =	vshll.u32 v38, $0x7  }
0x93: {  	v25 =	vadd.s32 v55, v25;
	v27 =	vadd.s32 v23, v27;
	v38 =	vor.u32 v0, v38  }
0x94: {  	v59 =	vnsel vm6, $0x0, v33;
	v25 =	vadd.s32 v56, v25;
	v27 =	vadd.s32 v22, v27  }
0x95: {  	v40 =	vld [tilespmem:$0x1FFC0];
	v60 =	vnsel vm5, $0x0, v34;
	v25 =	vadd.s32 v58, v25;
	v27 =	vadd.s32 v21, v27  }
0x96: {  	v61 =	vnsel vm4, $0x0, v35;
	v25 =	vadd.s32 v59, v25;
	v34 =	vld [tilespmem:$0x1FFF0];
	v62 =	vadd.s32 v19, v27  }
0x97: {  	v32 =	vnsel vm3, $0x0, v36;
	v25 =	vadd.s32 v60, v25;
	v36 =	vld [tilespmem:$0x1FFE0];
	v26 =	vadd.s32 v18, v62  }
0x98: {  	v25 =	vadd.s32 v61, v25;
	v26 =	vadd.s32 v17, v26;
	[tilespmem:v38+s14+$0x0] =	vst.idx.add.s32.msk $0xffff, v1  }
0x99: {  	v33 =	vnsel vm2, $0x0, v37;
	v25 =	vadd.s32 v32, v25;
	v26 =	vadd.s32 v16, v26;
	v38 =	vld [tilespmem:$0x1FFD0]  }
0x9a: {  	v25 =	vadd.s32 v33, v25;
	v24 =	vnsel vm1, $0x0, v24;
	v35 =	vadd.s32 v15, v26;
	v57 =	vld [tilespmem:$0xE0]  }
0x9b: {  	v43 =	vld [tilespmem:$0x1FFB0];
	v24 =	vadd.s32 v24, v25;
	vm0 =	vnez.u8 v34;
	v37 =	vadd.s32 v14, v35  }
0x9c: {  	v45 =	vld [tilespmem:$0x1FFA0];
	v23 =	vnsel vm0, $0x0, v23;
	vm0 =	vnez.u8 v36;
	v39 =	vadd.s32 v13, v37  }
0x9d: {  	v47 =	vld [tilespmem:$0x1FF90];
	v23 =	vadd.s32 v23, v24;
	v22 =	vnsel vm0, $0x0, v22;
	v41 =	vadd.s32 v10, v39  }
0x9e: {  	v49 =	vld [tilespmem:$0x1FF80];
	v22 =	vadd.s32 v22, v23;
	v44 =	vadd.s32 v6, v41;
	vm0 =	vnez.u8 v38  }
0x9f: {  	v53 =	vld [tilespmem:$0x1FF70];
	v63 =	vshll.u32 v57, $0x7;
	v21 =	vnsel vm0, $0x0, v21;
	vm0 =	vnez.u8 v40  }
0xa0: {  	v54 =	vld [tilespmem:$0x1FF60];
	v21 =	vadd.s32 v21, v22;
	v19 =	vnsel vm0, $0x0, v19;
	vm0 =	vnez.u8 v43  }
0xa1: {  	v56 =	vld [tilespmem:$0x1FF50];
	v19 =	vadd.s32 v19, v21;
	v18 =	vnsel vm0, $0x0, v18;
	vm0 =	vnez.u8 v45  }
0xa2: {  	v57 =	vld [tilespmem:$0x1FF40];
	v18 =	vadd.s32 v18, v19;
	v17 =	vnsel vm0, $0x0, v17;
	vm0 =	vnez.u8 v47  }
0xa3: {  	v58 =	vld [tilespmem:$0x1FF30];
	v17 =	vadd.s32 v17, v18;
	v16 =	vnsel vm0, $0x0, v16;
	vm0 =	vnez.u8 v49  }
0xa4: {  	v16 =	vadd.s32 v16, v17;
	v15 =	vnsel vm0, $0x0, v15;
	vm0 =	vnez.u8 v53  }
0xa5: {  	v15 =	vadd.s32 v15, v16;
	v14 =	vnsel vm0, $0x0, v14;
	vm0 =	vnez.u8 v54  }
0xa6: {  	v14 =	vadd.s32 v14, v15;
	v13 =	vnsel vm0, $0x0, v13;
	vm0 =	vnez.u8 v56  }
0xa7: {  	v13 =	vadd.s32 v13, v14;
	v10 =	vnsel vm0, $0x0, v10;
	vm0 =	vnez.u8 v57  }
0xa8: {  	v10 =	vadd.s32 v10, v13;
	v6 =	vnsel vm0, $0x0, v6;
	vm0 =	vnez.u8 v58  }
0xa9: {  	v46 =	vadd.s32 v7, v44;
	v6 =	vadd.s32 v6, v10;
	v7 =	vnsel vm0, $0x0, v7  }
0xaa: {  	v6 =	vadd.s32 v7, v6;
	v7 =	vld [tilespmem:$0x1FF20];
	_ =	sdelay $0x4  }
0xab: {  	vm0 =	vnez.u8 v7  }
0xac: {  	v7 =	vnsel vm0, $0x0, v11  }
0xad: {  	v27 =	vor.u32 v0, v63;
	v6 =	vadd.s32 v7, v6;
	v7 =	vld [tilespmem:$0x1FF10];
	_ =	sdelay $0x4  }
0xae: {  	[tilespmem:v27+s14+$0x0] =	vst.idx.add.s32.msk $0xffff, v1;
	vm0 =	vnez.u8 v7  }
0xaf: {  	v42 =	vld [tilespmem:$0xF0];
	v7 =	vnsel vm0, $0x0, v12  }
0xb0: {  	v6 =	vadd.s32 v7, v6;
	v7 =	vld [tilespmem:$0x1FF00];
	_ =	sdelay $0x1  }
0xb1: {  	v48 =	vadd.s32 v11, v46  }
0xb2: {  	v50 =	vadd.s32 v12, v48  }
0xb3: {  	v51 =	vadd.s32 v8, v50;
	v52 =	vshll.u32 v42, $0x7  }
0xb4: {  	v16 =	vadd.s32 v9, v51;
	v17 =	vor.u32 v0, v52;
	vm0 =	vnez.u8 v7  }
0xb5: {  	v55 =	vadd.s32 v20, v16;
	v7 =	vnsel vm0, $0x0, v8  }
0xb6: {  	(xrf0) =	vadd.scan.msk.s32 $0xffff, v55;
	v6 =	vadd.s32 v7, v6;
	v7 =	vld [tilespmem:$0x1FEF0];
	_ =	sdelay $0x2  }
0xb7: {  	[tilespmem:v17+s14+$0x0] =	vst.idx.add.s32.msk $0xffff, v1  }
0xb8: {  	v59 =	vld [tilespmem:$0x19900]  }
0xb9: {  	vm0 =	vnez.u8 v7  }
0xba: {  	v60, _, _ =	vpop (xrf0);
	v61 =	vld [tilespmem:$0x19980];
	v7 =	vnsel vm0, $0x0, v9  }
0xbb: {  	v6 =	vadd.s32 v7, v6;
	v7 =	vsub.s32 v60, v55  }
0xbc: {  	vm0 =	vmmov $0x1;
	v6 =	vadd.s32 v7, v6;
	v7 =	vld [tilespmem:$0x19A00]  }
0xbd: {  	(xrf0) =	vadd.scan.msk.s32 $0xffff, v59;
	v62 =	vnsel vm0, $0x0, v6  }
0xbe: {  	v63 =	vld [tilespmem:$0x19A80];
	vm0 =	vcmask $0x308;
	(xrf0) =	vadd.scan.msk.s32 $0xffff, v62  }
0xbf: {  	v27 =	vsel vm0, $0x0, v6;
	(xrf0) =	vadd.scan.msk.s32 $0xffff, v61  }
0xc0: {  	v28 =	vld [tilespmem:$0x19B00];
	vm0 =	vcmask $0x70C;
	(xrf0) =	vadd.scan.msk.s32 $0xffff, v27  }
0xc1: {  	v29 =	vsel vm0, $0x0, v6;
	(xrf0) =	vadd.scan.msk.s32 $0xffff, v7  }
0xc2: {  	v30 =	vld [tilespmem:$0x19B80];
	vm0 =	vcmask $0xB10;
	(xrf0) =	vadd.scan.msk.s32 $0xffff, v29  }
0xc3: {  	v31, _, _ =	vpop (xrf0);
	v32 =	vsel vm0, $0x0, v6;
	(xrf0) =	vadd.scan.msk.s32 $0xffff, v63  }
0xc4: {  	v34 =	vld [tilespmem:$0x19C00];
	vm0 =	vcmask $0xF14;
	v33, _, _ =	vpop (xrf0);
	(xrf0) =	vadd.scan.msk.s32 $0xffff, v32  }
0xc5: {  	v36 =	vsel vm0, $0x0, v6;
	v35, _, _ =	vpop (xrf0);
	(xrf0) =	vadd.scan.msk.s32 $0xffff, v28  }
0xc6: {  	v38 =	vld [tilespmem:$0x19C80];
	vm0 =	vcmask $0x1318;
	v37, _, _ =	vpop (xrf0);
	(xrf0) =	vadd.scan.msk.s32 $0xffff, v36  }
0xc7: {  	v40 =	vsel vm0, $0x0, v6;
	v39, _, _ =	vpop (xrf0);
	(xrf0) =	vadd.scan.msk.s32 $0xffff, v30  }
0xc8: {  	vm0 =	vcmask $0x171C;
	v41, _, _ =	vpop (xrf0);
	(xrf0) =	vadd.scan.msk.s32 $0xffff, v40  }
0xc9: {  	v49 =	vld [tilespmem:$0x0];
	v43 =	vsel vm0, $0x0, v6;
	vm0 =	vcmask $0x1B20;
	v42, _, _ =	vpop (xrf0);
	(xrf0) =	vadd.scan.msk.s32 $0xffff, v34  }
0xca: {  	v6 =	vsel vm0, $0x0, v6;
	v44, _, _ =	vpop (xrf0);
	(xrf0) =	vadd.scan.msk.s32 $0xffff, v43  }
0xcb: {  	v15 =	vbroadcast v33, $0xF;
	v45, _, _ =	vpop (xrf0);
	(xrf0) =	vadd.scan.msk.s32 $0xffff, v38  }
0xcc: {  	v46, _, _ =	vpop (xrf0);
	(xrf0) =	vadd.scan.msk.s32 $0xffff, v6  }
0xcd: {  	v10 =	vsub.s32 v15, v59;
	v47 =	vbroadcast v37, $0xF;
	v48 =	vbroadcast v41, $0xF;
	v6, _, _ =	vpop (xrf0)  }
0xce: {  	v60 =	vshll.u32 v49, $0x7;
	v10 =	vadd.s32 v31, v10;
	v50, _, _ =	vpop (xrf0)  }
0xcf: {  	v9 =	vsub.s32 v47, v61;
	v51 =	vbroadcast v44, $0xF;
	v7 =	vsub.s32 v48, v7;
	v52, _, _ =	vpop (xrf0)  }
0xd0: {  	[tilespmem:$0x19900] =	vst v10;
	v9 =	vadd.s32 v35, v9;
	v7 =	vadd.s32 v39, v7;
	v53 =	vbroadcast v46, $0xF;
	v54, _, _ =	vpop (xrf0)  }
0xd1: {  	[tilespmem:$0x19980] =	vst v9;
	v8 =	vsub.s32 v51, v63;
	v63 =	vor.u32 v0, v60;
	v57 =	vbroadcast v50, $0xF;
	v55, _, _ =	vpop (xrf0)  }
0xd2: {  	[tilespmem:$0x19A00] =	vst v7;
	v8 =	vadd.s32 v42, v8;
	v56 =	vsub.s32 v53, v28;
	v58 =	vbroadcast v54, $0xF;
	v59, _, _ =	vpop (xrf0)  }
0xd3: {  	[tilespmem:$0x19A80] =	vst v8;
	v7 =	vadd.s32 v45, v56;
	v61 =	vsub.s32 v57, v30;
	v62 =	vbroadcast v59, $0xF  }
0xd4: {  	[tilespmem:$0x19B00] =	vst v7;
	v6 =	vadd.s32 v6, v61;
	v7 =	vsub.s32 v58, v34  }
0xd5: {  	[tilespmem:$0x19B80] =	vst v6;
	v6 =	vadd.s32 v52, v7;
	v7 =	vsub.s32 v62, v38  }
0xd6: {  	[tilespmem:$0x19C00] =	vst v6;
	v6 =	vadd.s32 v55, v7  }
0xd7: {  	[tilespmem:$0x19C80] =	vst v6  }
0xd8: {  	v6 =	vld.idx.msk [tilespmem:v63+s14+$0x0], $0xffff  }
0xd9: {  	[tilespmem:v63+s14+$0x0] =	vst.idx.add.s32.msk $0xffff, v1  }
0xda: {  	v7 =	vld [tilespmem:$0x10];
	_ =	sdelay $0x4  }
0xdb: {  	v7 =	vshll.u32 v7, $0x7  }
0xdc: {  	v7 =	vor.u32 v0, v7;
	_ =	sdelay $0x3  }
0xdd: {  	[tilespmem:$0x1100] =	vst v6  }
0xde: {  	v6 =	vld.idx.msk [tilespmem:v7+s14+$0x0], $0xffff  }
0xdf: {  	[tilespmem:v7+s14+$0x0] =	vst.idx.add.s32.msk $0xffff, v1  }
0xe0: {  	v7 =	vld [tilespmem:$0x20];
	_ =	sdelay $0x4  }
0xe1: {  	v7 =	vshll.u32 v7, $0x7  }
0xe2: {  	v7 =	vor.u32 v0, v7;
	_ =	sdelay $0x3  }
0xe3: {  	[tilespmem:$0x1180] =	vst v6  }
0xe4: {  	v6 =	vld.idx.msk [tilespmem:v7+s14+$0x0], $0xffff  }
0xe5: {  	[tilespmem:v7+s14+$0x0] =	vst.idx.add.s32.msk $0xffff, v1  }
0xe6: {  	v7 =	vld [tilespmem:$0x30];
	_ =	sdelay $0x4  }
0xe7: {  	v7 =	vshll.u32 v7, $0x7  }
0xe8: {  	v7 =	vor.u32 v0, v7;
	_ =	sdelay $0x3  }
0xe9: {  	[tilespmem:$0x1200] =	vst v6  }
0xea: {  	v6 =	vld.idx.msk [tilespmem:v7+s14+$0x0], $0xffff  }
0xeb: {  	[tilespmem:v7+s14+$0x0] =	vst.idx.add.s32.msk $0xffff, v1  }
0xec: {  	v7 =	vld [tilespmem:$0x40];
	_ =	sdelay $0x4  }
0xed: {  	v7 =	vshll.u32 v7, $0x7  }
0xee: {  	v7 =	vor.u32 v0, v7;
	_ =	sdelay $0x3  }
0xef: {  	[tilespmem:$0x1280] =	vst v6  }
0xf0: {  	v6 =	vld.idx.msk [tilespmem:v7+s14+$0x0], $0xffff  }
0xf1: {  	[tilespmem:v7+s14+$0x0] =	vst.idx.add.s32.msk $0xffff, v1  }
0xf2: {  	v7 =	vld [tilespmem:$0x50];
	_ =	sdelay $0x4  }
0xf3: {  	v7 =	vshll.u32 v7, $0x7  }
0xf4: {  	v7 =	vor.u32 v0, v7;
	_ =	sdelay $0x3  }
0xf5: {  	[tilespmem:$0x1300] =	vst v6  }
0xf6: {  	v6 =	vld.idx.msk [tilespmem:v7+s14+$0x0], $0xffff  }
0xf7: {  	[tilespmem:v7+s14+$0x0] =	vst.idx.add.s32.msk $0xffff, v1  }
0xf8: {  	v7 =	vld [tilespmem:$0x60];
	_ =	sdelay $0x4  }
0xf9: {  	v7 =	vshll.u32 v7, $0x7  }
0xfa: {  	v7 =	vor.u32 v0, v7;
	_ =	sdelay $0x3  }
0xfb: {  	[tilespmem:$0x1380] =	vst v6  }
0xfc: {  	v6 =	vld.idx.msk [tilespmem:v7+s14+$0x0], $0xffff  }
0xfd: {  	[tilespmem:v7+s14+$0x0] =	vst.idx.add.s32.msk $0xffff, v1  }
0xfe: {  	v7 =	vld [tilespmem:$0x70];
	_ =	sdelay $0x4  }
0xff: {  	v7 =	vshll.u32 v7, $0x7  }
0x100: {  	v7 =	vor.u32 v0, v7;
	_ =	sdelay $0x3  }
0x101: {  	[tilespmem:$0x1400] =	vst v6  }
0x102: {  	v6 =	vld.idx.msk [tilespmem:v7+s14+$0x0], $0xffff  }
0x103: {  	[tilespmem:v7+s14+$0x0] =	vst.idx.add.s32.msk $0xffff, v1  }
0x104: {  	v7 =	vld [tilespmem:$0x80];
	_ =	sdelay $0x4  }
0x105: {  	v7 =	vshll.u32 v7, $0x7  }
0x106: {  	v7 =	vor.u32 v0, v7;
	_ =	sdelay $0x3  }
0x107: {  	[tilespmem:$0x1480] =	vst v6  }
0x108: {  	v6 =	vld.idx.msk [tilespmem:v7+s14+$0x0], $0xffff  }
0x109: {  	[tilespmem:v7+s14+$0x0] =	vst.idx.add.s32.msk $0xffff, v1  }
0x10a: {  	v7 =	vld [tilespmem:$0x90];
	_ =	sdelay $0x4  }
0x10b: {  	v7 =	vshll.u32 v7, $0x7  }
0x10c: {  	v7 =	vor.u32 v0, v7;
	_ =	sdelay $0x3  }
0x10d: {  	[tilespmem:$0x1500] =	vst v6  }
0x10e: {  	v6 =	vld.idx.msk [tilespmem:v7+s14+$0x0], $0xffff  }
0x10f: {  	[tilespmem:v7+s14+$0x0] =	vst.idx.add.s32.msk $0xffff, v1  }
0x110: {  	v7 =	vld [tilespmem:$0xA0];
	_ =	sdelay $0x4  }
0x111: {  	v7 =	vshll.u32 v7, $0x7  }
0x112: {  	v7 =	vor.u32 v0, v7;
	_ =	sdelay $0x3  }
0x113: {  	[tilespmem:$0x1580] =	vst v6  }
0x114: {  	v6 =	vld.idx.msk [tilespmem:v7+s14+$0x0], $0xffff  }
0x115: {  	[tilespmem:v7+s14+$0x0] =	vst.idx.add.s32.msk $0xffff, v1  }
0x116: {  	v7 =	vld [tilespmem:$0xB0];
	_ =	sdelay $0x4  }
0x117: {  	v7 =	vshll.u32 v7, $0x7  }
0x118: {  	v7 =	vor.u32 v0, v7;
	_ =	sdelay $0x3  }
0x119: {  	[tilespmem:$0x1600] =	vst v6  }
0x11a: {  	v6 =	vld.idx.msk [tilespmem:v7+s14+$0x0], $0xffff  }
0x11b: {  	[tilespmem:v7+s14+$0x0] =	vst.idx.add.s32.msk $0xffff, v1  }
0x11c: {  	v7 =	vld [tilespmem:$0xC0];
	_ =	sdelay $0x4  }
0x11d: {  	v7 =	vshll.u32 v7, $0x7  }
0x11e: {  	v7 =	vor.u32 v0, v7;
	_ =	sdelay $0x3  }
0x11f: {  	[tilespmem:$0x1680] =	vst v6  }
0x120: {  	v6 =	vld.idx.msk [tilespmem:v7+s14+$0x0], $0xffff  }
0x121: {  	[tilespmem:v7+s14+$0x0] =	vst.idx.add.s32.msk $0xffff, v1  }
0x122: {  	v7 =	vld [tilespmem:$0xD0];
	_ =	sdelay $0x4  }
0x123: {  	v7 =	vshll.u32 v7, $0x7  }
0x124: {  	v7 =	vor.u32 v0, v7;
	_ =	sdelay $0x3  }
0x125: {  	[tilespmem:$0x1700] =	vst v6  }
0x126: {  	v6 =	vld.idx.msk [tilespmem:v7+s14+$0x0], $0xffff  }
0x127: {  	[tilespmem:v7+s14+$0x0] =	vst.idx.add.s32.msk $0xffff, v1  }
0x128: {  	v7 =	vld [tilespmem:$0xE0];
	_ =	sdelay $0x4  }
0x129: {  	v7 =	vshll.u32 v7, $0x7  }
0x12a: {  	v7 =	vor.u32 v0, v7;
	_ =	sdelay $0x3  }
0x12b: {  	[tilespmem:$0x1780] =	vst v6  }
0x12c: {  	v6 =	vld.idx.msk [tilespmem:v7+s14+$0x0], $0xffff  }
0x12d: {  	[tilespmem:v7+s14+$0x0] =	vst.idx.add.s32.msk $0xffff, v1  }
0x12e: {  	v7 =	vld [tilespmem:$0xF0];
	_ =	sdelay $0x4  }
0x12f: {  	v7 =	vshll.u32 v7, $0x7  }
0x130: {  	v7 =	vor.u32 v0, v7;
	_ =	sdelay $0x3  }
0x131: {  	[tilespmem:$0x1800] =	vst v6  }
0x132: {  	v6 =	vld.idx.msk [tilespmem:v7+s14+$0x0], $0xffff;
	_ =	sdelay $0x3  }
0x133: {  	s12 =	rddreg [dreg:$0x8];
	[tilespmem:v7+s14+$0x0] =	vst.idx.add.s32.msk $0xffff, v1  }
0x134: {  	s13 =	rddreg [dreg:$0x17];
	[tilespmem:$0x1880] =	vst v6  }
0x135: {  	[hbm4b:s12+s4] =	stream.linear.scatter [tilespmem:s13], [sflag:$0xD], $0x800, $0x38;
	[tilespmem:$0x19D00] =	vst v63  }
0x136: {  	_ =	swait.ge [sflag:s5], $0x800  }
0x137: {  	[sflag:s5] =	ssyncset.done $0x0  }
0x138: {  	[sflag:s5] =	ssyncadd.s32 $0xFFFFF800  }
0x139: {  	_ =	swait.ge [sflag:s24], $0x4000  }
0x13a: {  	[sflag:s24] =	ssyncset.done $0x0  }
0x13b: {  	[sflag:s24] =	ssyncadd.s32 $0xFFFFC000  }
0x13c: {  	v6 =	vld [tilespmem:$0x1100];
	_ =	sdelay $0x4  }
0x13d: {  	v7 =	vshll.u32 v6, $0x3  }
0x13e: {  	v6 =	vand.u32 $0x7, v6;
	v7 =	vand.u32 $0xFFFFFFC0, v7  }
0x13f: {  	v6 =	vor.u32 v6, v7  }
0x140: {  	v7 =	vperm.xlane v6, v3;
	_ =	sdelay $0x1  }
0x141: {  	v7 =	vadd.s32 v4, v7;
	_ =	sdelay $0x3  }
0x142: {  	s3 =	simm.s32 $0x1900  }
0x143: {  	[hbm4b:s11+s4] =	stream.indirect_vreg.scatter [tilespmem:s3], [sflag:$0x7], $0x80, v7, vm15, $0xb8;
	[tilespmem:$0x19D00] =	vst v63  }
0x144: {  	s15 =	simm.s32 $0x2100;
	v6 =	vperm.xlane v6, v5  }
0x145: {  	[hbm4b:s6+s4] =	stream.indirect_vreg.scatter [tilespmem:s15], [sflag:$0x7], $0x80, v7, vm15, $0xb8;
	[tilespmem:$0x19D00] =	vst v63  }
0x146: {  	s29 =	simm.s32 $0x2900;
	v6 =	vadd.s32 v4, v6  }
0x147: {  	[hbm4b:s7+s4] =	stream.indirect_vreg.scatter [tilespmem:s29], [sflag:$0x7], $0x80, v7, vm15, $0xb8;
	[tilespmem:$0x19D00] =	vst v63  }
0x148: {  	s30 =	simm.s32 $0x3100  }
0x149: {  	[hbm4b:s8+s4] =	stream.indirect_vreg.scatter [tilespmem:s30], [sflag:$0x7], $0x80, v7, vm15, $0xb8;
	[tilespmem:$0x19D00] =	vst v63  }
0x14a: {  	s1 =	simm.s32 $0x3900  }
0x14b: {  	[hbm4b:s11+s4] =	stream.indirect_vreg.scatter [tilespmem:s1], [sflag:$0x7], $0x80, v6, vm15, $0xb8;
	[tilespmem:$0x19D00] =	vst v63  }
0x14c: {  	s2 =	simm.s32 $0x4100  }
0x14d: {  	[hbm4b:s6+s4] =	stream.indirect_vreg.scatter [tilespmem:s2], [sflag:$0x7], $0x80, v6, vm15, $0xb8;
	[tilespmem:$0x19D00] =	vst v63  }
0x14e: {  	s5 =	simm.s32 $0x4900  }
0x14f: {  	[hbm4b:s7+s4] =	stream.indirect_vreg.scatter [tilespmem:s5], [sflag:$0x7], $0x80, v6, vm15, $0xb8;
	[tilespmem:$0x19D00] =	vst v63  }
0x150: {  	s10 =	simm.s32 $0x5100  }
0x151: {  	[hbm4b:s8+s4] =	stream.indirect_vreg.scatter [tilespmem:s10], [sflag:$0x7], $0x80, v6, vm15, $0xb8;
	[tilespmem:$0x19D00] =	vst v63  }
0x152: {  	s9 =	rddreg [dreg:$0x9];
	s2 =	simm.s32 $0x2  }
0x153: {  	[tilespmem:s17], [sflag:$0x4] =	stream.linear.gather [hbm4b:s9+s4], $0x4000, $0x38;
	[tilespmem:$0x19D00] =	vst v63  }
0x154: {  	_ =	swait.ge [sflag:s2], $0x4000  }
0x155: {  	[sflag:s2] =	ssyncset.done $0x0  }
0x156: {  	[sflag:s2] =	ssyncadd.s32 $0xFFFFC000  }
0x157: {  	v6 =	vld [tilespmem:$0x1180];
	_ =	sdelay $0x4  }
0x158: {  	v7 =	vshll.u32 v6, $0x3  }
0x159: {  	v6 =	vand.u32 $0x7, v6;
	v7 =	vand.u32 $0xFFFFFFC0, v7  }
0x15a: {  	v6 =	vor.u32 v6, v7  }
0x15b: {  	v7 =	vperm.xlane v6, v3;
	_ =	sdelay $0x1  }
0x15c: {  	v7 =	vadd.s32 v4, v7;
	_ =	sdelay $0x3  }
0x15d: {  	s0 =	simm.s32 $0x5900  }
0x15e: {  	[hbm4b:s11+s4] =	stream.indirect_vreg.scatter [tilespmem:s0], [sflag:$0x8], $0x80, v7, vm15, $0xb8;
	[tilespmem:$0x19D00] =	vst v63  }
0x15f: {  	s1 =	simm.s32 $0x6100;
	v6 =	vperm.xlane v6, v5  }
0x160: {  	[hbm4b:s6+s4] =	stream.indirect_vreg.scatter [tilespmem:s1], [sflag:$0x8], $0x80, v7, vm15, $0xb8;
	[tilespmem:$0x19D00] =	vst v63  }
0x161: {  	s12 =	simm.s32 $0x6900;
	v6 =	vadd.s32 v4, v6  }
0x162: {  	[hbm4b:s7+s4] =	stream.indirect_vreg.scatter [tilespmem:s12], [sflag:$0x8], $0x80, v7, vm15, $0xb8;
	[tilespmem:$0x19D00] =	vst v63  }
0x163: {  	s13 =	simm.s32 $0x7100  }
0x164: {  	[hbm4b:s8+s4] =	stream.indirect_vreg.scatter [tilespmem:s13], [sflag:$0x8], $0x80, v7, vm15, $0xb8;
	[tilespmem:$0x19D00] =	vst v63  }
0x165: {  	s15 =	simm.s32 $0x7900  }
0x166: {  	[hbm4b:s11+s4] =	stream.indirect_vreg.scatter [tilespmem:s15], [sflag:$0x8], $0x80, v6, vm15, $0xb8;
	[tilespmem:$0x19D00] =	vst v63  }
0x167: {  	s29 =	simm.s32 $0x8100  }
0x168: {  	[hbm4b:s6+s4] =	stream.indirect_vreg.scatter [tilespmem:s29], [sflag:$0x8], $0x80, v6, vm15, $0xb8;
	[tilespmem:$0x19D00] =	vst v63  }
0x169: {  	s30 =	simm.s32 $0x8900  }
0x16a: {  	[hbm4b:s7+s4] =	stream.indirect_vreg.scatter [tilespmem:s30], [sflag:$0x8], $0x80, v6, vm15, $0xb8;
	[tilespmem:$0x19D00] =	vst v63  }
0x16b: {  	s10 =	simm.s32 $0x9100  }
0x16c: {  	[hbm4b:s8+s4] =	stream.indirect_vreg.scatter [tilespmem:s10], [sflag:$0x8], $0x80, v6, vm15, $0xb8;
	[tilespmem:$0x19D00] =	vst v63  }
0x16d: {  	s9 =	rddreg [dreg:$0xa];
	s15 =	simm.s32 $0x11900  }
0x16e: {  	[tilespmem:s15], [sflag:$0x5] =	stream.linear.gather [hbm4b:s9+s4], $0x4000, $0x38;
	[tilespmem:$0x19D00] =	vst v63  }
0x16f: {  	_ =	swait.ge [sflag:s25], $0x4000  }
0x170: {  	[sflag:s25] =	ssyncset.done $0x0  }
0x171: {  	[sflag:s25] =	ssyncadd.s32 $0xFFFFC000  }
0x172: {  	v6 =	vld [tilespmem:$0x1200];
	_ =	sdelay $0x4  }
0x173: {  	v7 =	vshll.u32 v6, $0x3  }
0x174: {  	v6 =	vand.u32 $0x7, v6;
	v7 =	vand.u32 $0xFFFFFFC0, v7  }
0x175: {  	v6 =	vor.u32 v6, v7  }
0x176: {  	v7 =	vperm.xlane v6, v3;
	_ =	sdelay $0x1  }
0x177: {  	v7 =	vadd.s32 v4, v7;
	_ =	sdelay $0x3  }
0x178: {  	s1 =	simm.s32 $0x9900  }
0x179: {  	[hbm4b:s11+s4] =	stream.indirect_vreg.scatter [tilespmem:s1], [sflag:$0x9], $0x80, v7, vm15, $0xb8;
	[tilespmem:$0x19D00] =	vst v63  }
0x17a: {  	s9 =	simm.s32 $0xA100;
	v6 =	vperm.xlane v6, v5  }
0x17b: {  	[hbm4b:s6+s4] =	stream.indirect_vreg.scatter [tilespmem:s9], [sflag:$0x9], $0x80, v7, vm15, $0xb8;
	[tilespmem:$0x19D00] =	vst v63  }
0x17c: {  	s12 =	simm.s32 $0xA900;
	v6 =	vadd.s32 v4, v6  }
0x17d: {  	[hbm4b:s7+s4] =	stream.indirect_vreg.scatter [tilespmem:s12], [sflag:$0x9], $0x80, v7, vm15, $0xb8;
	[tilespmem:$0x19D00] =	vst v63  }
0x17e: {  	s13 =	simm.s32 $0xB100  }
0x17f: {  	[hbm4b:s8+s4] =	stream.indirect_vreg.scatter [tilespmem:s13], [sflag:$0x9], $0x80, v7, vm15, $0xb8;
	[tilespmem:$0x19D00] =	vst v63  }
0x180: {  	s29 =	simm.s32 $0xB900  }
0x181: {  	[hbm4b:s11+s4] =	stream.indirect_vreg.scatter [tilespmem:s29], [sflag:$0x9], $0x80, v6, vm15, $0xb8;
	[tilespmem:$0x19D00] =	vst v63  }
0x182: {  	s30 =	simm.s32 $0xC100  }
0x183: {  	[hbm4b:s6+s4] =	stream.indirect_vreg.scatter [tilespmem:s30], [sflag:$0x9], $0x80, v6, vm15, $0xb8;
	[tilespmem:$0x19D00] =	vst v63  }
0x184: {  	s10 =	simm.s32 $0xC900  }
0x185: {  	[hbm4b:s7+s4] =	stream.indirect_vreg.scatter [tilespmem:s10], [sflag:$0x9], $0x80, v6, vm15, $0xb8;
	[tilespmem:$0x19D00] =	vst v63  }
0x186: {  	s13 =	simm.s32 $0xD100  }
0x187: {  	[hbm4b:s8+s4] =	stream.indirect_vreg.scatter [tilespmem:s13], [sflag:$0x9], $0x80, v6, vm15, $0xb8;
	[tilespmem:$0x19D00] =	vst v63  }
0x188: {  	s9 =	simm.s32 $0x4;
	s12 =	rddreg [dreg:$0xb];
	s10 =	simm.s32 $0x15900  }
0x189: {  	[tilespmem:s10], [sflag:$0x6] =	stream.linear.gather [hbm4b:s12+s4], $0x4000, $0x38;
	[tilespmem:$0x19D00] =	vst v63  }
0x18a: {  	_ =	swait.ge [sflag:s9], $0x4000  }
0x18b: {  	[sflag:s9] =	ssyncset.done $0x0  }
0x18c: {  	[sflag:s9] =	ssyncadd.s32 $0xFFFFC000  }
0x18d: {  	v6 =	vld [tilespmem:$0x1280];
	_ =	sdelay $0x4  }
0x18e: {  	v7 =	vshll.u32 v6, $0x3  }
0x18f: {  	v6 =	vand.u32 $0x7, v6;
	v7 =	vand.u32 $0xFFFFFFC0, v7  }
0x190: {  	v6 =	vor.u32 v6, v7  }
0x191: {  	v7 =	vperm.xlane v6, v3;
	_ =	sdelay $0x1  }
0x192: {  	v7 =	vadd.s32 v4, v7;
	_ =	sdelay $0x4  }
0x193: {  	[hbm4b:s11+s4] =	stream.indirect_vreg.scatter [tilespmem:s17], [sflag:$0xA], $0x80, v7, vm15, $0xb8;
	[tilespmem:$0x19D00] =	vst v63  }
0x194: {  	s12 =	simm.s32 $0xE100;
	v6 =	vperm.xlane v6, v5  }
0x195: {  	[hbm4b:s6+s4] =	stream.indirect_vreg.scatter [tilespmem:s12], [sflag:$0xA], $0x80, v7, vm15, $0xb8;
	[tilespmem:$0x19D00] =	vst v63  }
0x196: {  	s29 =	simm.s32 $0xE900;
	v6 =	vadd.s32 v4, v6  }
0x197: {  	[hbm4b:s7+s4] =	stream.indirect_vreg.scatter [tilespmem:s29], [sflag:$0xA], $0x80, v7, vm15, $0xb8;
	[tilespmem:$0x19D00] =	vst v63  }
0x198: {  	s30 =	simm.s32 $0xF100  }
0x199: {  	[hbm4b:s8+s4] =	stream.indirect_vreg.scatter [tilespmem:s30], [sflag:$0xA], $0x80, v7, vm15, $0xb8;
	[tilespmem:$0x19D00] =	vst v63  }
0x19a: {  	s29 =	simm.s32 $0xF900  }
0x19b: {  	[hbm4b:s11+s4] =	stream.indirect_vreg.scatter [tilespmem:s29], [sflag:$0xA], $0x80, v6, vm15, $0xb8;
	[tilespmem:$0x19D00] =	vst v63  }
0x19c: {  	s30 =	simm.s32 $0x10100  }
0x19d: {  	[hbm4b:s6+s4] =	stream.indirect_vreg.scatter [tilespmem:s30], [sflag:$0xA], $0x80, v6, vm15, $0xb8;
	[tilespmem:$0x19D00] =	vst v63  }
0x19e: {  	s29 =	simm.s32 $0x10900  }
0x19f: {  	[hbm4b:s7+s4] =	stream.indirect_vreg.scatter [tilespmem:s29], [sflag:$0xA], $0x80, v6, vm15, $0xb8;
	[tilespmem:$0x19D00] =	vst v63  }
0x1a0: {  	s30 =	simm.s32 $0x11100  }
0x1a1: {  	[hbm4b:s8+s4] =	stream.indirect_vreg.scatter [tilespmem:s30], [sflag:$0xA], $0x80, v6, vm15, $0xb8;
	[tilespmem:$0x19D00] =	vst v63  }
0x1a2: {  	_ =	swait.ge [sflag:s26], $0x4000  }
0x1a3: {  	[sflag:s26] =	ssyncset.done $0x0  }
0x1a4: {  	s12 =	rddreg [dreg:$0xc];
	[sflag:s26] =	ssyncadd.s32 $0xFFFFC000  }
0x1a5: {  	[tilespmem:s3], [sflag:$0x1] =	stream.linear.gather [hbm4b:s12+s4], $0x4000, $0x38;
	[tilespmem:$0x19D00] =	vst v63  }
0x1a6: {  	_ =	swait.ge [sflag:s28], $0x4000  }
0x1a7: {  	[sflag:s28] =	ssyncset.done $0x0  }
0x1a8: {  	[sflag:s28] =	ssyncadd.s32 $0xFFFFC000  }
0x1a9: {  	v6 =	vld [tilespmem:$0x1300];
	_ =	sdelay $0x4  }
0x1aa: {  	v7 =	vshll.u32 v6, $0x3  }
0x1ab: {  	v6 =	vand.u32 $0x7, v6;
	v7 =	vand.u32 $0xFFFFFFC0, v7  }
0x1ac: {  	v6 =	vor.u32 v6, v7  }
0x1ad: {  	v7 =	vperm.xlane v6, v3;
	_ =	sdelay $0x1  }
0x1ae: {  	v7 =	vadd.s32 v4, v7;
	_ =	sdelay $0x4  }
0x1af: {  	[hbm4b:s11+s4] =	stream.indirect_vreg.scatter [tilespmem:s15], [sflag:$0xB], $0x80, v7, vm15, $0xb8;
	[tilespmem:$0x19D00] =	vst v63  }
0x1b0: {  	s30 =	simm.s32 $0x12100;
	v6 =	vperm.xlane v6, v5  }
0x1b1: {  	[hbm4b:s6+s4] =	stream.indirect_vreg.scatter [tilespmem:s30], [sflag:$0xB], $0x80, v7, vm15, $0xb8;
	[tilespmem:$0x19D00] =	vst v63  }
0x1b2: {  	s29 =	simm.s32 $0x12900;
	v6 =	vadd.s32 v4, v6  }
0x1b3: {  	[hbm4b:s7+s4] =	stream.indirect_vreg.scatter [tilespmem:s29], [sflag:$0xB], $0x80, v7, vm15, $0xb8;
	[tilespmem:$0x19D00] =	vst v63  }
0x1b4: {  	s30 =	simm.s32 $0x13100  }
0x1b5: {  	[hbm4b:s8+s4] =	stream.indirect_vreg.scatter [tilespmem:s30], [sflag:$0xB], $0x80, v7, vm15, $0xb8;
	[tilespmem:$0x19D00] =	vst v63  }
0x1b6: {  	s29 =	simm.s32 $0x13900  }
0x1b7: {  	[hbm4b:s11+s4] =	stream.indirect_vreg.scatter [tilespmem:s29], [sflag:$0xB], $0x80, v6, vm15, $0xb8;
	[tilespmem:$0x19D00] =	vst v63  }
0x1b8: {  	s30 =	simm.s32 $0x14100  }
0x1b9: {  	[hbm4b:s6+s4] =	stream.indirect_vreg.scatter [tilespmem:s30], [sflag:$0xB], $0x80, v6, vm15, $0xb8;
	[tilespmem:$0x19D00] =	vst v63  }
0x1ba: {  	s29 =	simm.s32 $0x14900  }
0x1bb: {  	[hbm4b:s7+s4] =	stream.indirect_vreg.scatter [tilespmem:s29], [sflag:$0xB], $0x80, v6, vm15, $0xb8;
	[tilespmem:$0x19D00] =	vst v63  }
0x1bc: {  	s30 =	simm.s32 $0x15100  }
0x1bd: {  	[hbm4b:s8+s4] =	stream.indirect_vreg.scatter [tilespmem:s30], [sflag:$0xB], $0x80, v6, vm15, $0xb8;
	[tilespmem:$0x19D00] =	vst v63  }
0x1be: {  	_ =	swait.ge [sflag:s19], $0x4000  }
0x1bf: {  	[sflag:s19] =	ssyncset.done $0x0  }
0x1c0: {  	s12 =	rddreg [dreg:$0xd];
	[sflag:s19] =	ssyncadd.s32 $0xFFFFC000  }
0x1c1: {  	[tilespmem:s0], [sflag:$0x2] =	stream.linear.gather [hbm4b:s12+s4], $0x4000, $0x38;
	[tilespmem:$0x19D00] =	vst v63  }
0x1c2: {  	_ =	swait.ge [sflag:s18], $0x4000  }
0x1c3: {  	[sflag:s18] =	ssyncset.done $0x0  }
0x1c4: {  	[sflag:s18] =	ssyncadd.s32 $0xFFFFC000  }
0x1c5: {  	v6 =	vld [tilespmem:$0x1380];
	_ =	sdelay $0x4  }
0x1c6: {  	v7 =	vshll.u32 v6, $0x3  }
0x1c7: {  	v6 =	vand.u32 $0x7, v6;
	v7 =	vand.u32 $0xFFFFFFC0, v7  }
0x1c8: {  	v6 =	vor.u32 v6, v7  }
0x1c9: {  	v7 =	vperm.xlane v6, v3;
	_ =	sdelay $0x1  }
0x1ca: {  	v7 =	vadd.s32 v4, v7;
	_ =	sdelay $0x4  }
0x1cb: {  	[hbm4b:s11+s4] =	stream.indirect_vreg.scatter [tilespmem:s10], [sflag:$0xC], $0x80, v7, vm15, $0xb8;
	[tilespmem:$0x19D00] =	vst v63  }
0x1cc: {  	s30 =	simm.s32 $0x16100;
	v6 =	vperm.xlane v6, v5  }
0x1cd: {  	[hbm4b:s6+s4] =	stream.indirect_vreg.scatter [tilespmem:s30], [sflag:$0xC], $0x80, v7, vm15, $0xb8;
	[tilespmem:$0x19D00] =	vst v63  }
0x1ce: {  	s29 =	simm.s32 $0x16900;
	v6 =	vadd.s32 v4, v6  }
0x1cf: {  	[hbm4b:s7+s4] =	stream.indirect_vreg.scatter [tilespmem:s29], [sflag:$0xC], $0x80, v7, vm15, $0xb8;
	[tilespmem:$0x19D00] =	vst v63  }
0x1d0: {  	s30 =	simm.s32 $0x17100  }
0x1d1: {  	[hbm4b:s8+s4] =	stream.indirect_vreg.scatter [tilespmem:s30], [sflag:$0xC], $0x80, v7, vm15, $0xb8;
	[tilespmem:$0x19D00] =	vst v63  }
0x1d2: {  	s29 =	simm.s32 $0x17900  }
0x1d3: {  	[hbm4b:s11+s4] =	stream.indirect_vreg.scatter [tilespmem:s29], [sflag:$0xC], $0x80, v6, vm15, $0xb8;
	[tilespmem:$0x19D00] =	vst v63  }
0x1d4: {  	s30 =	simm.s32 $0x18100  }
0x1d5: {  	[hbm4b:s6+s4] =	stream.indirect_vreg.scatter [tilespmem:s30], [sflag:$0xC], $0x80, v6, vm15, $0xb8;
	[tilespmem:$0x19D00] =	vst v63  }
0x1d6: {  	_ = 	snop  }
0x1d7: {  	[hbm4b:s7+s4] =	stream.indirect_vreg.scatter [tilespmem:s31], [sflag:$0xC], $0x80, v6, vm15, $0xb8;
	[tilespmem:$0x19D00] =	vst v63  }
0x1d8: {  	s0 =	simm.s32 $0x9;
	s29 =	simm.s32 $0x19100  }
0x1d9: {  	[hbm4b:s8+s4] =	stream.indirect_vreg.scatter [tilespmem:s29], [sflag:$0xC], $0x80, v6, vm15, $0xb8;
	[tilespmem:$0x19D00] =	vst v63  }
0x1da: {  	_ =	swait.ge [sflag:s0], $0x4000  }
0x1db: {  	[sflag:s0] =	ssyncset.done $0x0  }
0x1dc: {  	s30 =	rddreg [dreg:$0xe];
	[sflag:s0] =	ssyncadd.s32 $0xFFFFC000  }
0x1dd: {  	[tilespmem:s1], [sflag:$0x3] =	stream.linear.gather [hbm4b:s30+s4], $0x4000, $0x38;
	[tilespmem:$0x19D00] =	vst v63  }
0x1de: {  	_ =	swait.ge [sflag:s24], $0x4000  }
0x1df: {  	[sflag:s24] =	ssyncset.done $0x0  }
0x1e0: {  	[sflag:s24] =	ssyncadd.s32 $0xFFFFC000  }
0x1e1: {  	v6 =	vld [tilespmem:$0x1400];
	_ =	sdelay $0x4  }
0x1e2: {  	v7 =	vshll.u32 v6, $0x3  }
0x1e3: {  	v6 =	vand.u32 $0x7, v6;
	v7 =	vand.u32 $0xFFFFFFC0, v7  }
0x1e4: {  	v6 =	vor.u32 v6, v7  }
0x1e5: {  	v7 =	vperm.xlane v6, v3;
	_ =	sdelay $0x1  }
0x1e6: {  	v7 =	vadd.s32 v4, v7;
	_ =	sdelay $0x3  }
0x1e7: {  	s3 =	simm.s32 $0x1900  }
0x1e8: {  	[hbm4b:s11+s4] =	stream.indirect_vreg.scatter [tilespmem:s3], [sflag:$0x7], $0x80, v7, vm15, $0xb8;
	[tilespmem:$0x19D00] =	vst v63  }
0x1e9: {  	v6 =	vperm.xlane v6, v5;
	s3 =	simm.s32 $0x2100  }
0x1ea: {  	[hbm4b:s6+s4] =	stream.indirect_vreg.scatter [tilespmem:s3], [sflag:$0x7], $0x80, v7, vm15, $0xb8;
	[tilespmem:$0x19D00] =	vst v63  }
0x1eb: {  	s29 =	simm.s32 $0x2900;
	v6 =	vadd.s32 v4, v6  }
0x1ec: {  	[hbm4b:s7+s4] =	stream.indirect_vreg.scatter [tilespmem:s29], [sflag:$0x7], $0x80, v7, vm15, $0xb8;
	[tilespmem:$0x19D00] =	vst v63  }
0x1ed: {  	s3 =	simm.s32 $0x3100  }
0x1ee: {  	[hbm4b:s8+s4] =	stream.indirect_vreg.scatter [tilespmem:s3], [sflag:$0x7], $0x80, v7, vm15, $0xb8;
	[tilespmem:$0x19D00] =	vst v63  }
0x1ef: {  	s29 =	simm.s32 $0x3900  }
0x1f0: {  	[hbm4b:s11+s4] =	stream.indirect_vreg.scatter [tilespmem:s29], [sflag:$0x7], $0x80, v6, vm15, $0xb8;
	[tilespmem:$0x19D00] =	vst v63  }
0x1f1: {  	s3 =	simm.s32 $0x4100  }
0x1f2: {  	[hbm4b:s6+s4] =	stream.indirect_vreg.scatter [tilespmem:s3], [sflag:$0x7], $0x80, v6, vm15, $0xb8;
	[tilespmem:$0x19D00] =	vst v63  }
0x1f3: {  	s29 =	simm.s32 $0x4900  }
0x1f4: {  	[hbm4b:s7+s4] =	stream.indirect_vreg.scatter [tilespmem:s29], [sflag:$0x7], $0x80, v6, vm15, $0xb8;
	[tilespmem:$0x19D00] =	vst v63  }
0x1f5: {  	s5 =	simm.s32 $0x5100;
	s3 =	simm.s32 $0xA  }
0x1f6: {  	[hbm4b:s8+s4] =	stream.indirect_vreg.scatter [tilespmem:s5], [sflag:$0x7], $0x80, v6, vm15, $0xb8;
	[tilespmem:$0x19D00] =	vst v63  }
0x1f7: {  	_ =	swait.ge [sflag:s3], $0x4000  }
0x1f8: {  	[sflag:s3] =	ssyncset.done $0x0  }
0x1f9: {  	s1 =	rddreg [dreg:$0xf];
	[sflag:s3] =	ssyncadd.s32 $0xFFFFC000  }
0x1fa: {  	[tilespmem:s17], [sflag:$0x4] =	stream.linear.gather [hbm4b:s1+s4], $0x4000, $0x38;
	[tilespmem:$0x19D00] =	vst v63  }
0x1fb: {  	_ =	swait.ge [sflag:s2], $0x4000  }
0x1fc: {  	[sflag:s2] =	ssyncset.done $0x0  }
0x1fd: {  	[sflag:s2] =	ssyncadd.s32 $0xFFFFC000  }
0x1fe: {  	v6 =	vld [tilespmem:$0x1480];
	_ =	sdelay $0x4  }
0x1ff: {  	v7 =	vshll.u32 v6, $0x3  }
0x200: {  	v6 =	vand.u32 $0x7, v6;
	v7 =	vand.u32 $0xFFFFFFC0, v7  }
0x201: {  	v6 =	vor.u32 v6, v7  }
0x202: {  	v7 =	vperm.xlane v6, v3;
	_ =	sdelay $0x1  }
0x203: {  	v7 =	vadd.s32 v4, v7;
	_ =	sdelay $0x3  }
0x204: {  	s12 =	simm.s32 $0x5900  }
0x205: {  	[hbm4b:s11+s4] =	stream.indirect_vreg.scatter [tilespmem:s12], [sflag:$0x8], $0x80, v7, vm15, $0xb8;
	[tilespmem:$0x19D00] =	vst v63  }
0x206: {  	s5 =	simm.s32 $0x6100;
	v6 =	vperm.xlane v6, v5  }
0x207: {  	[hbm4b:s6+s4] =	stream.indirect_vreg.scatter [tilespmem:s5], [sflag:$0x8], $0x80, v7, vm15, $0xb8;
	[tilespmem:$0x19D00] =	vst v63  }
0x208: {  	v6 =	vadd.s32 v4, v6;
	s12 =	simm.s32 $0x6900  }
0x209: {  	[hbm4b:s7+s4] =	stream.indirect_vreg.scatter [tilespmem:s12], [sflag:$0x8], $0x80, v7, vm15, $0xb8;
	[tilespmem:$0x19D00] =	vst v63  }
0x20a: {  	s29 =	simm.s32 $0x7100  }
0x20b: {  	[hbm4b:s8+s4] =	stream.indirect_vreg.scatter [tilespmem:s29], [sflag:$0x8], $0x80, v7, vm15, $0xb8;
	[tilespmem:$0x19D00] =	vst v63  }
0x20c: {  	s5 =	simm.s32 $0x7900  }
0x20d: {  	[hbm4b:s11+s4] =	stream.indirect_vreg.scatter [tilespmem:s5], [sflag:$0x8], $0x80, v6, vm15, $0xb8;
	[tilespmem:$0x19D00] =	vst v63  }
0x20e: {  	s12 =	simm.s32 $0x8100  }
0x20f: {  	[hbm4b:s6+s4] =	stream.indirect_vreg.scatter [tilespmem:s12], [sflag:$0x8], $0x80, v6, vm15, $0xb8;
	[tilespmem:$0x19D00] =	vst v63  }
0x210: {  	s29 =	simm.s32 $0x8900  }
0x211: {  	[hbm4b:s7+s4] =	stream.indirect_vreg.scatter [tilespmem:s29], [sflag:$0x8], $0x80, v6, vm15, $0xb8;
	[tilespmem:$0x19D00] =	vst v63  }
0x212: {  	s1 =	simm.s32 $0xB;
	s5 =	simm.s32 $0x9100  }
0x213: {  	[hbm4b:s8+s4] =	stream.indirect_vreg.scatter [tilespmem:s5], [sflag:$0x8], $0x80, v6, vm15, $0xb8;
	[tilespmem:$0x19D00] =	vst v63  }
0x214: {  	_ =	swait.ge [sflag:s1], $0x4000  }
0x215: {  	[sflag:s1] =	ssyncset.done $0x0  }
0x216: {  	s12 =	rddreg [dreg:$0x10];
	[sflag:s1] =	ssyncadd.s32 $0xFFFFC000  }
0x217: {  	[tilespmem:s15], [sflag:$0x5] =	stream.linear.gather [hbm4b:s12+s4], $0x4000, $0x38;
	[tilespmem:$0x19D00] =	vst v63  }
0x218: {  	_ =	swait.ge [sflag:s25], $0x4000  }
0x219: {  	[sflag:s25] =	ssyncset.done $0x0  }
0x21a: {  	[sflag:s25] =	ssyncadd.s32 $0xFFFFC000  }
0x21b: {  	v6 =	vld [tilespmem:$0x1500];
	_ =	sdelay $0x4  }
0x21c: {  	v7 =	vshll.u32 v6, $0x3  }
0x21d: {  	v6 =	vand.u32 $0x7, v6;
	v7 =	vand.u32 $0xFFFFFFC0, v7  }
0x21e: {  	v6 =	vor.u32 v6, v7  }
0x21f: {  	v7 =	vperm.xlane v6, v3;
	_ =	sdelay $0x1  }
0x220: {  	v7 =	vadd.s32 v4, v7;
	_ =	sdelay $0x4  }
0x221: {  	[hbm4b:s11+s4] =	stream.indirect_vreg.scatter [tilespmem:s22], [sflag:$0x9], $0x80, v7, vm15, $0xb8;
	[tilespmem:$0x19D00] =	vst v63  }
0x222: {  	s29 =	simm.s32 $0xA100;
	v6 =	vperm.xlane v6, v5  }
0x223: {  	[hbm4b:s6+s4] =	stream.indirect_vreg.scatter [tilespmem:s29], [sflag:$0x9], $0x80, v7, vm15, $0xb8;
	[tilespmem:$0x19D00] =	vst v63  }
0x224: {  	s12 =	simm.s32 $0xA900;
	v6 =	vadd.s32 v4, v6  }
0x225: {  	[hbm4b:s7+s4] =	stream.indirect_vreg.scatter [tilespmem:s12], [sflag:$0x9], $0x80, v7, vm15, $0xb8;
	[tilespmem:$0x19D00] =	vst v63  }
0x226: {  	s29 =	simm.s32 $0xB100  }
0x227: {  	[hbm4b:s8+s4] =	stream.indirect_vreg.scatter [tilespmem:s29], [sflag:$0x9], $0x80, v7, vm15, $0xb8;
	[tilespmem:$0x19D00] =	vst v63  }
0x228: {  	s12 =	simm.s32 $0xB900  }
0x229: {  	[hbm4b:s11+s4] =	stream.indirect_vreg.scatter [tilespmem:s12], [sflag:$0x9], $0x80, v6, vm15, $0xb8;
	[tilespmem:$0x19D00] =	vst v63  }
0x22a: {  	s29 =	simm.s32 $0xC100  }
0x22b: {  	[hbm4b:s6+s4] =	stream.indirect_vreg.scatter [tilespmem:s29], [sflag:$0x9], $0x80, v6, vm15, $0xb8;
	[tilespmem:$0x19D00] =	vst v63  }
0x22c: {  	s12 =	simm.s32 $0xC900  }
0x22d: {  	[hbm4b:s7+s4] =	stream.indirect_vreg.scatter [tilespmem:s12], [sflag:$0x9], $0x80, v6, vm15, $0xb8;
	[tilespmem:$0x19D00] =	vst v63  }
0x22e: {  	s5 =	simm.s32 $0xC;
	s29 =	simm.s32 $0xD100  }
0x22f: {  	[hbm4b:s8+s4] =	stream.indirect_vreg.scatter [tilespmem:s29], [sflag:$0x9], $0x80, v6, vm15, $0xb8;
	[tilespmem:$0x19D00] =	vst v63  }
0x230: {  	_ =	swait.ge [sflag:s5], $0x4000  }
0x231: {  	[sflag:s5] =	ssyncset.done $0x0  }
0x232: {  	s12 =	rddreg [dreg:$0x11];
	[sflag:s5] =	ssyncadd.s32 $0xFFFFC000  }
0x233: {  	[tilespmem:s10], [sflag:$0x6] =	stream.linear.gather [hbm4b:s12+s4], $0x4000, $0x38;
	[tilespmem:$0x19D00] =	vst v63  }
0x234: {  	_ =	swait.ge [sflag:s9], $0x4000  }
0x235: {  	[sflag:s9] =	ssyncset.done $0x0  }
0x236: {  	[sflag:s9] =	ssyncadd.s32 $0xFFFFC000  }
0x237: {  	v6 =	vld [tilespmem:$0x1580];
	_ =	sdelay $0x4  }
0x238: {  	v7 =	vshll.u32 v6, $0x3  }
0x239: {  	v6 =	vand.u32 $0x7, v6;
	v7 =	vand.u32 $0xFFFFFFC0, v7  }
0x23a: {  	v6 =	vor.u32 v6, v7  }
0x23b: {  	v7 =	vperm.xlane v6, v3;
	_ =	sdelay $0x1  }
0x23c: {  	v7 =	vadd.s32 v4, v7;
	_ =	sdelay $0x4  }
0x23d: {  	[hbm4b:s11+s4] =	stream.indirect_vreg.scatter [tilespmem:s17], [sflag:$0xA], $0x80, v7, vm15, $0xb8;
	[tilespmem:$0x19D00] =	vst v63  }
0x23e: {  	s13 =	simm.s32 $0xE100;
	v6 =	vperm.xlane v6, v5  }
0x23f: {  	[hbm4b:s6+s4] =	stream.indirect_vreg.scatter [tilespmem:s13], [sflag:$0xA], $0x80, v7, vm15, $0xb8;
	[tilespmem:$0x19D00] =	vst v63  }
0x240: {  	s12 =	simm.s32 $0xE900;
	v6 =	vadd.s32 v4, v6  }
0x241: {  	[hbm4b:s7+s4] =	stream.indirect_vreg.scatter [tilespmem:s12], [sflag:$0xA], $0x80, v7, vm15, $0xb8;
	[tilespmem:$0x19D00] =	vst v63  }
0x242: {  	s13 =	simm.s32 $0xF100  }
0x243: {  	[hbm4b:s8+s4] =	stream.indirect_vreg.scatter [tilespmem:s13], [sflag:$0xA], $0x80, v7, vm15, $0xb8;
	[tilespmem:$0x19D00] =	vst v63  }
0x244: {  	_ = 	snop  }
0x245: {  	[hbm4b:s11+s4] =	stream.indirect_vreg.scatter [tilespmem:s16], [sflag:$0xA], $0x80, v6, vm15, $0xb8;
	[tilespmem:$0x19D00] =	vst v63  }
0x246: {  	_ = 	snop  }
0x247: {  	[hbm4b:s6+s4] =	stream.indirect_vreg.scatter [tilespmem:s20], [sflag:$0xA], $0x80, v6, vm15, $0xb8;
	[tilespmem:$0x19D00] =	vst v63  }
0x248: {  	_ = 	snop  }
0x249: {  	[hbm4b:s7+s4] =	stream.indirect_vreg.scatter [tilespmem:s21], [sflag:$0xA], $0x80, v6, vm15, $0xb8;
	[tilespmem:$0x19D00] =	vst v63  }
0x24a: {  	s29 =	simm.s32 $0x11100  }
0x24b: {  	[hbm4b:s8+s4] =	stream.indirect_vreg.scatter [tilespmem:s29], [sflag:$0xA], $0x80, v6, vm15, $0xb8;
	[tilespmem:$0x19D00] =	vst v63  }
0x24c: {  	_ =	swait.ge [sflag:s26], $0x4000  }
0x24d: {  	[sflag:s26] =	ssyncset.done $0x0  }
0x24e: {  	s30 =	simm.s32 $0x1900;
	s29 =	rddreg [dreg:$0x12];
	[sflag:s26] =	ssyncadd.s32 $0xFFFFC000  }
0x24f: {  	[tilespmem:s30], [sflag:$0x1] =	stream.linear.gather [hbm4b:s29+s4], $0x4000, $0x38;
	[tilespmem:$0x19D00] =	vst v63  }
0x250: {  	_ =	swait.ge [sflag:s28], $0x4000  }
0x251: {  	[sflag:s28] =	ssyncset.done $0x0  }
0x252: {  	[sflag:s28] =	ssyncadd.s32 $0xFFFFC000  }
0x253: {  	v6 =	vld [tilespmem:$0x1600];
	_ =	sdelay $0x4  }
0x254: {  	v7 =	vshll.u32 v6, $0x3  }
0x255: {  	v6 =	vand.u32 $0x7, v6;
	v7 =	vand.u32 $0xFFFFFFC0, v7  }
0x256: {  	v6 =	vor.u32 v6, v7  }
0x257: {  	v7 =	vperm.xlane v6, v3;
	_ =	sdelay $0x1  }
0x258: {  	v7 =	vadd.s32 v4, v7;
	_ =	sdelay $0x4  }
0x259: {  	[hbm4b:s11+s4] =	stream.indirect_vreg.scatter [tilespmem:s15], [sflag:$0xB], $0x80, v7, vm15, $0xb8;
	[tilespmem:$0x19D00] =	vst v63  }
0x25a: {  	s29 =	simm.s32 $0x12100;
	v6 =	vperm.xlane v6, v5  }
0x25b: {  	[hbm4b:s6+s4] =	stream.indirect_vreg.scatter [tilespmem:s29], [sflag:$0xB], $0x80, v7, vm15, $0xb8;
	[tilespmem:$0x19D00] =	vst v63  }
0x25c: {  	v6 =	vadd.s32 v4, v6;
	s29 =	simm.s32 $0x12900  }
0x25d: {  	[hbm4b:s7+s4] =	stream.indirect_vreg.scatter [tilespmem:s29], [sflag:$0xB], $0x80, v7, vm15, $0xb8;
	[tilespmem:$0x19D00] =	vst v63  }
0x25e: {  	s29 =	simm.s32 $0x13100  }
0x25f: {  	[hbm4b:s8+s4] =	stream.indirect_vreg.scatter [tilespmem:s29], [sflag:$0xB], $0x80, v7, vm15, $0xb8;
	[tilespmem:$0x19D00] =	vst v63  }
0x260: {  	s29 =	simm.s32 $0x13900  }
0x261: {  	[hbm4b:s11+s4] =	stream.indirect_vreg.scatter [tilespmem:s29], [sflag:$0xB], $0x80, v6, vm15, $0xb8;
	[tilespmem:$0x19D00] =	vst v63  }
0x262: {  	s29 =	simm.s32 $0x14100  }
0x263: {  	[hbm4b:s6+s4] =	stream.indirect_vreg.scatter [tilespmem:s29], [sflag:$0xB], $0x80, v6, vm15, $0xb8;
	[tilespmem:$0x19D00] =	vst v63  }
0x264: {  	s29 =	simm.s32 $0x14900  }
0x265: {  	[hbm4b:s7+s4] =	stream.indirect_vreg.scatter [tilespmem:s29], [sflag:$0xB], $0x80, v6, vm15, $0xb8;
	[tilespmem:$0x19D00] =	vst v63  }
0x266: {  	s29 =	simm.s32 $0x15100  }
0x267: {  	[hbm4b:s8+s4] =	stream.indirect_vreg.scatter [tilespmem:s29], [sflag:$0xB], $0x80, v6, vm15, $0xb8;
	[tilespmem:$0x19D00] =	vst v63  }
0x268: {  	_ =	swait.ge [sflag:s19], $0x4000  }
0x269: {  	[sflag:s19] =	ssyncset.done $0x0  }
0x26a: {  	s15 =	rddreg [dreg:$0x13];
	[sflag:s19] =	ssyncadd.s32 $0xFFFFC000  }
0x26b: {  	[tilespmem:s23], [sflag:$0x2] =	stream.linear.gather [hbm4b:s15+s4], $0x4000, $0x38;
	[tilespmem:$0x19D00] =	vst v63  }
0x26c: {  	_ =	swait.ge [sflag:s18], $0x4000  }
0x26d: {  	[sflag:s18] =	ssyncset.done $0x0  }
0x26e: {  	[sflag:s18] =	ssyncadd.s32 $0xFFFFC000  }
0x26f: {  	v6 =	vld [tilespmem:$0x1680];
	_ =	sdelay $0x4  }
0x270: {  	v7 =	vshll.u32 v6, $0x3  }
0x271: {  	v6 =	vand.u32 $0x7, v6;
	v7 =	vand.u32 $0xFFFFFFC0, v7  }
0x272: {  	v6 =	vor.u32 v6, v7  }
0x273: {  	v7 =	vperm.xlane v6, v3;
	_ =	sdelay $0x1  }
0x274: {  	v7 =	vadd.s32 v4, v7;
	_ =	sdelay $0x4  }
0x275: {  	[hbm4b:s11+s4] =	stream.indirect_vreg.scatter [tilespmem:s10], [sflag:$0xC], $0x80, v7, vm15, $0xb8;
	[tilespmem:$0x19D00] =	vst v63  }
0x276: {  	s15 =	simm.s32 $0x16100;
	v6 =	vperm.xlane v6, v5  }
0x277: {  	[hbm4b:s6+s4] =	stream.indirect_vreg.scatter [tilespmem:s15], [sflag:$0xC], $0x80, v7, vm15, $0xb8;
	[tilespmem:$0x19D00] =	vst v63  }
0x278: {  	s29 =	simm.s32 $0x16900;
	v6 =	vadd.s32 v4, v6  }
0x279: {  	[hbm4b:s7+s4] =	stream.indirect_vreg.scatter [tilespmem:s29], [sflag:$0xC], $0x80, v7, vm15, $0xb8;
	[tilespmem:$0x19D00] =	vst v63  }
0x27a: {  	s15 =	simm.s32 $0x17100  }
0x27b: {  	[hbm4b:s8+s4] =	stream.indirect_vreg.scatter [tilespmem:s15], [sflag:$0xC], $0x80, v7, vm15, $0xb8;
	[tilespmem:$0x19D00] =	vst v63  }
0x27c: {  	s29 =	simm.s32 $0x17900  }
0x27d: {  	[hbm4b:s11+s4] =	stream.indirect_vreg.scatter [tilespmem:s29], [sflag:$0xC], $0x80, v6, vm15, $0xb8;
	[tilespmem:$0x19D00] =	vst v63  }
0x27e: {  	s15 =	simm.s32 $0x18100  }
0x27f: {  	[hbm4b:s6+s4] =	stream.indirect_vreg.scatter [tilespmem:s15], [sflag:$0xC], $0x80, v6, vm15, $0xb8;
	[tilespmem:$0x19D00] =	vst v63  }
0x280: {  	_ = 	snop  }
0x281: {  	[hbm4b:s7+s4] =	stream.indirect_vreg.scatter [tilespmem:s31], [sflag:$0xC], $0x80, v6, vm15, $0xb8;
	[tilespmem:$0x19D00] =	vst v63  }
0x282: {  	s29 =	simm.s32 $0x19100  }
0x283: {  	[hbm4b:s8+s4] =	stream.indirect_vreg.scatter [tilespmem:s29], [sflag:$0xC], $0x80, v6, vm15, $0xb8;
	[tilespmem:$0x19D00] =	vst v63  }
0x284: {  	_ =	swait.ge [sflag:s0], $0x4000  }
0x285: {  	[sflag:s0] =	ssyncset.done $0x0  }
0x286: {  	s15 =	rddreg [dreg:$0x14];
	[sflag:s0] =	ssyncadd.s32 $0xFFFFC000  }
0x287: {  	[tilespmem:s22], [sflag:$0x3] =	stream.linear.gather [hbm4b:s15+s4], $0x4000, $0x38;
	[tilespmem:$0x19D00] =	vst v63  }
0x288: {  	_ =	swait.ge [sflag:s24], $0x4000  }
0x289: {  	[sflag:s24] =	ssyncset.done $0x0  }
0x28a: {  	[sflag:s24] =	ssyncadd.s32 $0xFFFFC000  }
0x28b: {  	v6 =	vld [tilespmem:$0x1700];
	_ =	sdelay $0x4  }
0x28c: {  	v7 =	vshll.u32 v6, $0x3  }
0x28d: {  	v6 =	vand.u32 $0x7, v6;
	v7 =	vand.u32 $0xFFFFFFC0, v7  }
0x28e: {  	v6 =	vor.u32 v6, v7  }
0x28f: {  	v7 =	vperm.xlane v6, v3;
	_ =	sdelay $0x1  }
0x290: {  	v7 =	vadd.s32 v4, v7;
	_ =	sdelay $0x4  }
0x291: {  	[hbm4b:s11+s4] =	stream.indirect_vreg.scatter [tilespmem:s30], [sflag:$0x7], $0x80, v7, vm15, $0xb8;
	[tilespmem:$0x19D00] =	vst v63  }
0x292: {  	v6 =	vperm.xlane v6, v5;
	s30 =	simm.s32 $0x2100  }
0x293: {  	[hbm4b:s6+s4] =	stream.indirect_vreg.scatter [tilespmem:s30], [sflag:$0x7], $0x80, v7, vm15, $0xb8;
	[tilespmem:$0x19D00] =	vst v63  }
0x294: {  	s15 =	simm.s32 $0x2900;
	v6 =	vadd.s32 v4, v6  }
0x295: {  	[hbm4b:s7+s4] =	stream.indirect_vreg.scatter [tilespmem:s15], [sflag:$0x7], $0x80, v7, vm15, $0xb8;
	[tilespmem:$0x19D00] =	vst v63  }
0x296: {  	s29 =	simm.s32 $0x3100  }
0x297: {  	[hbm4b:s8+s4] =	stream.indirect_vreg.scatter [tilespmem:s29], [sflag:$0x7], $0x80, v7, vm15, $0xb8;
	[tilespmem:$0x19D00] =	vst v63  }
0x298: {  	s30 =	simm.s32 $0x3900  }
0x299: {  	[hbm4b:s11+s4] =	stream.indirect_vreg.scatter [tilespmem:s30], [sflag:$0x7], $0x80, v6, vm15, $0xb8;
	[tilespmem:$0x19D00] =	vst v63  }
0x29a: {  	s15 =	simm.s32 $0x4100  }
0x29b: {  	[hbm4b:s6+s4] =	stream.indirect_vreg.scatter [tilespmem:s15], [sflag:$0x7], $0x80, v6, vm15, $0xb8;
	[tilespmem:$0x19D00] =	vst v63  }
0x29c: {  	s29 =	simm.s32 $0x4900  }
0x29d: {  	[hbm4b:s7+s4] =	stream.indirect_vreg.scatter [tilespmem:s29], [sflag:$0x7], $0x80, v6, vm15, $0xb8;
	[tilespmem:$0x19D00] =	vst v63  }
0x29e: {  	s30 =	simm.s32 $0x5100  }
0x29f: {  	[hbm4b:s8+s4] =	stream.indirect_vreg.scatter [tilespmem:s30], [sflag:$0x7], $0x80, v6, vm15, $0xb8;
	[tilespmem:$0x19D00] =	vst v63  }
0x2a0: {  	_ =	swait.ge [sflag:s3], $0x4000  }
0x2a1: {  	[sflag:s3] =	ssyncset.done $0x0  }
0x2a2: {  	s15 =	rddreg [dreg:$0x15];
	[sflag:s3] =	ssyncadd.s32 $0xFFFFC000  }
0x2a3: {  	[tilespmem:s17], [sflag:$0x4] =	stream.linear.gather [hbm4b:s15+s4], $0x4000, $0x38;
	[tilespmem:$0x19D00] =	vst v63  }
0x2a4: {  	_ =	swait.ge [sflag:s2], $0x4000  }
0x2a5: {  	[sflag:s2] =	ssyncset.done $0x0  }
0x2a6: {  	[sflag:s2] =	ssyncadd.s32 $0xFFFFC000  }
0x2a7: {  	v6 =	vld [tilespmem:$0x1780];
	_ =	sdelay $0x4  }
0x2a8: {  	v7 =	vshll.u32 v6, $0x3  }
0x2a9: {  	v6 =	vand.u32 $0x7, v6;
	v7 =	vand.u32 $0xFFFFFFC0, v7  }
0x2aa: {  	v6 =	vor.u32 v6, v7  }
0x2ab: {  	v7 =	vperm.xlane v6, v3;
	_ =	sdelay $0x1  }
0x2ac: {  	v7 =	vadd.s32 v4, v7;
	_ =	sdelay $0x4  }
0x2ad: {  	[hbm4b:s11+s4] =	stream.indirect_vreg.scatter [tilespmem:s23], [sflag:$0x8], $0x80, v7, vm15, $0xb8;
	[tilespmem:$0x19D00] =	vst v63  }
0x2ae: {  	s30 =	simm.s32 $0x6100;
	v6 =	vperm.xlane v6, v5  }
0x2af: {  	[hbm4b:s6+s4] =	stream.indirect_vreg.scatter [tilespmem:s30], [sflag:$0x8], $0x80, v7, vm15, $0xb8;
	[tilespmem:$0x19D00] =	vst v63  }
0x2b0: {  	s15 =	simm.s32 $0x6900;
	v6 =	vadd.s32 v4, v6  }
0x2b1: {  	[hbm4b:s7+s4] =	stream.indirect_vreg.scatter [tilespmem:s15], [sflag:$0x8], $0x80, v7, vm15, $0xb8;
	[tilespmem:$0x19D00] =	vst v63  }
0x2b2: {  	s29 =	simm.s32 $0x7100  }
0x2b3: {  	[hbm4b:s8+s4] =	stream.indirect_vreg.scatter [tilespmem:s29], [sflag:$0x8], $0x80, v7, vm15, $0xb8;
	[tilespmem:$0x19D00] =	vst v63  }
0x2b4: {  	s30 =	simm.s32 $0x7900  }
0x2b5: {  	[hbm4b:s11+s4] =	stream.indirect_vreg.scatter [tilespmem:s30], [sflag:$0x8], $0x80, v6, vm15, $0xb8;
	[tilespmem:$0x19D00] =	vst v63  }
0x2b6: {  	s15 =	simm.s32 $0x8100  }
0x2b7: {  	[hbm4b:s6+s4] =	stream.indirect_vreg.scatter [tilespmem:s15], [sflag:$0x8], $0x80, v6, vm15, $0xb8;
	[tilespmem:$0x19D00] =	vst v63  }
0x2b8: {  	s29 =	simm.s32 $0x8900  }
0x2b9: {  	[hbm4b:s7+s4] =	stream.indirect_vreg.scatter [tilespmem:s29], [sflag:$0x8], $0x80, v6, vm15, $0xb8;
	[tilespmem:$0x19D00] =	vst v63  }
0x2ba: {  	s30 =	simm.s32 $0x9100  }
0x2bb: {  	[hbm4b:s8+s4] =	stream.indirect_vreg.scatter [tilespmem:s30], [sflag:$0x8], $0x80, v6, vm15, $0xb8;
	[tilespmem:$0x19D00] =	vst v63  }
0x2bc: {  	s2 =	rddreg [dreg:$0x19];
	_ =	swait.ge [sflag:s25], $0x4000  }
0x2bd: {  	[sflag:s25] =	ssyncset.done $0x0  }
0x2be: {  	[sflag:s25] =	ssyncadd.s32 $0xFFFFC000  }
0x2bf: {  	v6 =	vld [tilespmem:$0x1800];
	_ =	sdelay $0x4  }
0x2c0: {  	v7 =	vshll.u32 v6, $0x3  }
0x2c1: {  	v6 =	vand.u32 $0x7, v6;
	v7 =	vand.u32 $0xFFFFFFC0, v7  }
0x2c2: {  	v6 =	vor.u32 v6, v7  }
0x2c3: {  	v7 =	vperm.xlane v6, v3;
	_ =	sdelay $0x1  }
0x2c4: {  	v7 =	vadd.s32 v4, v7;
	_ =	sdelay $0x4  }
0x2c5: {  	[hbm4b:s11+s4] =	stream.indirect_vreg.scatter [tilespmem:s22], [sflag:$0x9], $0x80, v7, vm15, $0xb8;
	[tilespmem:$0x19D00] =	vst v63  }
0x2c6: {  	s15 =	simm.s32 $0xA100;
	v6 =	vperm.xlane v6, v5  }
0x2c7: {  	[hbm4b:s6+s4] =	stream.indirect_vreg.scatter [tilespmem:s15], [sflag:$0x9], $0x80, v7, vm15, $0xb8;
	[tilespmem:$0x19D00] =	vst v63  }
0x2c8: {  	s29 =	simm.s32 $0xA900;
	v6 =	vadd.s32 v4, v6  }
0x2c9: {  	[hbm4b:s7+s4] =	stream.indirect_vreg.scatter [tilespmem:s29], [sflag:$0x9], $0x80, v7, vm15, $0xb8;
	[tilespmem:$0x19D00] =	vst v63  }
0x2ca: {  	s30 =	simm.s32 $0xB100  }
0x2cb: {  	[hbm4b:s8+s4] =	stream.indirect_vreg.scatter [tilespmem:s30], [sflag:$0x9], $0x80, v7, vm15, $0xb8;
	[tilespmem:$0x19D00] =	vst v63  }
0x2cc: {  	s15 =	simm.s32 $0xB900  }
0x2cd: {  	[hbm4b:s11+s4] =	stream.indirect_vreg.scatter [tilespmem:s15], [sflag:$0x9], $0x80, v6, vm15, $0xb8;
	[tilespmem:$0x19D00] =	vst v63  }
0x2ce: {  	s29 =	simm.s32 $0xC100  }
0x2cf: {  	[hbm4b:s6+s4] =	stream.indirect_vreg.scatter [tilespmem:s29], [sflag:$0x9], $0x80, v6, vm15, $0xb8;
	[tilespmem:$0x19D00] =	vst v63  }
0x2d0: {  	s30 =	simm.s32 $0xC900  }
0x2d1: {  	[hbm4b:s7+s4] =	stream.indirect_vreg.scatter [tilespmem:s30], [sflag:$0x9], $0x80, v6, vm15, $0xb8;
	[tilespmem:$0x19D00] =	vst v63  }
0x2d2: {  	s15 =	simm.s32 $0xD100  }
0x2d3: {  	[hbm4b:s8+s4] =	stream.indirect_vreg.scatter [tilespmem:s15], [sflag:$0x9], $0x80, v6, vm15, $0xb8;
	[tilespmem:$0x19D00] =	vst v63  }
0x2d4: {  	_ =	swait.ge [sflag:s9], $0x4000  }
0x2d5: {  	[sflag:s9] =	ssyncset.done $0x0  }
0x2d6: {  	[sflag:s9] =	ssyncadd.s32 $0xFFFFC000  }
0x2d7: {  	v6 =	vld [tilespmem:$0x1880];
	_ =	sdelay $0x4  }
0x2d8: {  	v7 =	vshll.u32 v6, $0x3  }
0x2d9: {  	v6 =	vand.u32 $0x7, v6;
	v7 =	vand.u32 $0xFFFFFFC0, v7  }
0x2da: {  	v6 =	vor.u32 v6, v7  }
0x2db: {  	v7 =	vperm.xlane v6, v3;
	_ =	sdelay $0x1  }
0x2dc: {  	v7 =	vadd.s32 v4, v7;
	_ =	sdelay $0x4  }
0x2dd: {  	[hbm4b:s11+s4] =	stream.indirect_vreg.scatter [tilespmem:s17], [sflag:$0xA], $0x80, v7, vm15, $0xb8;
	[tilespmem:$0x19D00] =	vst v63  }
0x2de: {  	s29 =	simm.s32 $0xE100;
	v6 =	vperm.xlane v6, v5  }
0x2df: {  	[hbm4b:s6+s4] =	stream.indirect_vreg.scatter [tilespmem:s29], [sflag:$0xA], $0x80, v7, vm15, $0xb8;
	[tilespmem:$0x19D00] =	vst v63  }
0x2e0: {  	v6 =	vadd.s32 v4, v6  }
0x2e1: {  	[hbm4b:s7+s4] =	stream.indirect_vreg.scatter [tilespmem:s12], [sflag:$0xA], $0x80, v7, vm15, $0xb8;
	[tilespmem:$0x19D00] =	vst v63  }
0x2e2: {  	_ = 	snop  }
0x2e3: {  	[hbm4b:s8+s4] =	stream.indirect_vreg.scatter [tilespmem:s13], [sflag:$0xA], $0x80, v7, vm15, $0xb8;
	[tilespmem:$0x19D00] =	vst v63  }
0x2e4: {  	_ = 	snop  }
0x2e5: {  	[hbm4b:s11+s4] =	stream.indirect_vreg.scatter [tilespmem:s16], [sflag:$0xA], $0x80, v6, vm15, $0xb8;
	[tilespmem:$0x19D00] =	vst v63  }
0x2e6: {  	_ = 	snop  }
0x2e7: {  	[hbm4b:s6+s4] =	stream.indirect_vreg.scatter [tilespmem:s20], [sflag:$0xA], $0x80, v6, vm15, $0xb8;
	[tilespmem:$0x19D00] =	vst v63  }
0x2e8: {  	_ = 	snop  }
0x2e9: {  	[hbm4b:s7+s4] =	stream.indirect_vreg.scatter [tilespmem:s21], [sflag:$0xA], $0x80, v6, vm15, $0xb8;
	[tilespmem:$0x19D00] =	vst v63  }
0x2ea: {  	s30 =	simm.s32 $0x11100  }
0x2eb: {  	[hbm4b:s8+s4] =	stream.indirect_vreg.scatter [tilespmem:s30], [sflag:$0xA], $0x80, v6, vm15, $0xb8;
	[tilespmem:$0x19D00] =	vst v63  }
0x2ec: {  	_ =	swait.ge [sflag:s1], $0x4000  }
0x2ed: {  	[sflag:s1] =	ssyncset.done $0x0  }
0x2ee: {  	[sflag:s1] =	ssyncadd.s32 $0xFFFFC000  }
0x2ef: {  	_ =	swait.ge [sflag:s5], $0x4000  }
0x2f0: {  	[sflag:s5] =	ssyncset.done $0x0  }
0x2f1: {  	[sflag:s5] =	ssyncadd.s32 $0xFFFFC000  }
0x2f2: {  	_ =	swait.ge [sflag:s26], $0x4000  }
0x2f3: {  	[sflag:s26] =	ssyncset.done $0x0  }
0x2f4: {  	[sflag:s26] =	ssyncadd.s32 $0xFFFFC000  }
0x2f5: {  	_ =	swait.ge [sflag:s19], $0x4000  }
0x2f6: {  	[sflag:s19] =	ssyncset.done $0x0  }
0x2f7: {  	[sflag:s19] =	ssyncadd.s32 $0xFFFFC000  }
0x2f8: {  	p0 =	sne.s32 s2, $0x1;
	_ =	swait.ge [sflag:s0], $0x4000  }
.Ltmp0:
0x2f9: {  	[sflag:s0] =	ssyncset.done $0x0;
	(pc) =	sbr.rel @p0 .LBB2_1-.Ltmp0, $4  }
0x2fa: {  	[sflag:s0] =	ssyncadd.s32 $0xFFFFC000  }
0x2fb: {  	_ =	swait.ge [sflag:s3], $0x4000  }
0x2fc: {  	[sflag:s3] =	ssyncset.done $0x0  }
0x2fd: {  	s2 =	sadd.s32 $0xFFFFFFFF, s2;
	[sflag:s3] =	ssyncadd.s32 $0xFFFFC000  }
0x2fe: {  	_ =	sfence.sel $0x180000  }
0x2ff: {  	[bflag:$0x0] =	sbarrier.arrive $0xFFFF  }
0x300: {  	_ =	strace $0x9000004A  }
0x301: {  	s0 =	stileid.u32;
	[bflag:$0x2] =	sbarrier.arrive $0xFFFF  }
0x302: {  	p0 =	sne.s32 s0, $0x0;
	s0 =	rddreg [dreg:$0x4]  }
0x303: {  	s0 =	sadd.s32 @!p0 $0x100000, s0  }
0x304: {  	[sflag:s0] =	ssyncadd.tile.s32 @!p0 $0x1;
	_ =	shalt  }
.Lfunc_end2:
_tile_overlayer_lowered:
.L_overlay_start_2:
0x305: {  	(tag) =	ssettag $0x2  }
0x306: {  	s0 =	rddreg [dreg:$0x0];
	s2 =	stileid.u32  }
0x307: {  	s1 =	rddreg [dreg:$0x1];
	p0 =	sne.s32 s2, $0x0  }
0x308: {  	s3 =	rddreg [dreg:$0x2];
	[bflag:$0x3] =	sbarrier.arrive $0xFFFF;
	s2 =	simm.s32 @!p0 $0x1C0D  }
0x309: {  	[timem:s3], [sflag:s2] =	dma.local @!p0 [hbm:s0], s1  }
0x30a: {  	s0 =	simm.s32 @!p0 $0xD  }
0x30b: {  	_ =	swait.ge @!p0 [sflag:s0], s1  }
0x30c: {  	s1 =	ssub.s32 @!p0 $0x0, s1;
	[sflag:s0] =	ssyncset.done @!p0 $0x0  }
0x30d: {  	[sflag:s0] =	ssyncadd.s32 @!p0 s1  }
0x30e: {  	[bflag:$0x3] =	sbarrier.arrive $0xFFFF  }
0x30f: {  	_ =	shalt  }

</sc_bundles>
